<compile_context>
chip_gen: v7x
topology: tpu7x:2x2x1
jax: 0.10.2.dev20260603
libtpu: 0.0.44.dev20260713+nightly
codegen_flags: <defaults>
</compile_context>

<pallas_src>
import functools
import math

import jax
import jax.numpy as jnp
from jax import lax
from jax.experimental import pallas as pl
from jax.experimental.pallas import tpu as pltpu
from jax.experimental.pallas import tpu_sc as plsc

D_MODEL = 128
SCALE = math.sqrt(128.0)
LANES = 16

C = 256
IPR = 128
K = C // IPR
NBUF = 3


def _sc_gather_scale(flat_idx2d, table, *, num_workers, b_per_w):
    n_chunks = b_per_w // C
    rows_pw = b_per_w // IPR
    total = num_workers * b_per_w

    mesh = plsc.VectorSubcoreMesh(core_axis_name="c", subcore_axis_name="s")

    @functools.partial(
        pl.kernel,
        mesh=mesh,
        out_type=jax.ShapeDtypeStruct((total, D_MODEL), jnp.float32),
        scratch_types=[
            pltpu.VMEM((rows_pw, IPR), jnp.int32),
            pltpu.VMEM((C, D_MODEL), jnp.float32),
            pltpu.VMEM((C, D_MODEL), jnp.float32),
            pltpu.VMEM((C, D_MODEL), jnp.float32),
            pltpu.SemaphoreType.DMA,
            pltpu.SemaphoreType.DMA,
            pltpu.SemaphoreType.DMA,
            pltpu.SemaphoreType.DMA,
            pltpu.SemaphoreType.DMA,
            pltpu.SemaphoreType.DMA,
        ],
    )
    def body(idx_hbm, table_hbm, out_hbm, idx_all, rows0, rows1, rows2,
             g0, g1, g2, p0, p1, p2):
        nc = 2
        wid = lax.axis_index("s") * nc + lax.axis_index("c")
        out_row0 = wid * b_per_w

        rows_bufs = (rows0, rows1, rows2)
        g_sems = (g0, g1, g2)
        p_sems = (p0, p1, p2)

        pltpu.sync_copy(idx_hbm.at[pl.ds(wid * rows_pw, rows_pw)], idx_all)

        def gather_descs(i, buf):
            return [
                pltpu.make_async_copy(
                    table_hbm.at[idx_all.at[i * K + k]],
                    rows_bufs[buf].at[pl.ds(k * IPR, IPR)],
                    g_sems[buf],
                )
                for k in range(K)
            ]

        def put_desc(i, buf):
            return pltpu.make_async_copy(
                rows_bufs[buf],
                out_hbm.at[pl.ds(out_row0 + i * C, C)],
                p_sems[buf],
            )

        def scale_buf(buf):
            rows = rows_bufs[buf]

            def srow(r, carry):
                for l in range(D_MODEL // LANES):
                    sl = pl.ds(l * LANES, LANES)
                    rows[r, sl] = rows[r, sl] * SCALE
                return carry

            lax.fori_loop(0, C, srow, 0, unroll=2)

        def step(i, b, fire, wait_prev_put):
            for d in gather_descs(i, b):
                d.wait()
            scale_buf(b)
            put_desc(i, b).start()
            if fire:
                nb = (b + 2) % NBUF
                if wait_prev_put:
                    put_desc(i - 1, nb).wait()
                for d in gather_descs(i + 2, nb):
                    d.start()

        for d in gather_descs(0, 0):
            d.start()
        for d in gather_descs(1, 1):
            d.start()

        step(0, 0, True, False)
        step(1, 1, True, True)
        step(2, 2, True, True)

        def group(j, carry):
            base = 3 * j
            step(base, 0, True, True)
            step(base + 1, 1, True, True)
            step(base + 2, 2, True, True)
            return carry

        lax.fori_loop(1, (n_chunks - 4) // 3, group, 0)

        step(n_chunks - 4, 0, True, True)
        step(n_chunks - 3, 1, True, True)
        step(n_chunks - 2, 2, False, False)
        step(n_chunks - 1, 0, False, False)

        put_desc(n_chunks - 3, 1).wait()
        put_desc(n_chunks - 2, 2).wait()
        put_desc(n_chunks - 1, 0).wait()

    return body(flat_idx2d, table)


def kernel(x, table):
    b, s = x.shape
    total = b * s
    num_workers = 32
    b_per_w = total // num_workers
    flat2d = x.reshape(total // IPR, IPR).astype(jnp.int32)
    out = _sc_gather_scale(flat2d, table,
                           num_workers=num_workers, b_per_w=b_per_w)
    return out.reshape(b, s, D_MODEL)

# --- scband reference (transcript-rebuilt; emitter-appended) ---
"""Pipeline reference for scband-input-embeddings-83176336654511 (READ-ONLY COPY).

The authoritative reference and input builder live on the scoring server;
editing this copy changes nothing except your own understanding.
"""

import math
import jax, jax.numpy as jnp
import numpy as np

D_MODEL = 128
VOCAB_SIZE = 100000

def setup_inputs(seed: int = 0) -> dict:
    key = jax.random.key(seed)
    k1, k2 = jax.random.split(key)
    x = jax.random.randint(k1, (4096, 200), 0, VOCAB_SIZE, dtype=jnp.int64 if jax.config.jax_enable_x64 else jnp.int32)
    table = jax.random.normal(k2, (VOCAB_SIZE, D_MODEL), dtype=jnp.float32)
    return {"x": x, "table": table}

def reference(x, table):
    # embedding lookup (gather) followed by scale by sqrt(d_model)
    emb = jnp.take(table, x, axis=0)
    return emb * math.sqrt(D_MODEL)

if __name__ == "__main__":
    import jax
    _d = setup_inputs()
    print(jax.jit(kernel)(*tuple(_d.values())))

</pallas_src>

<mosaic_0001>
#map = affine_map<(d0, d1) -> (0, 0)>
module attributes {stable_mosaic.version = 14 : i64} {
  func.func @body(%arg0: i32, %arg1: i32, %arg2: memref<6400x128xi32, #tpu.memory_space<hbm>>, %arg3: memref<100000x128xf32, #tpu.memory_space<hbm>>, %arg4: memref<819200x128xf32, #tpu.memory_space<hbm>>, %arg5: memref<200x128xi32, #tpu.memory_space<vmem>>, %arg6: memref<256x128xf32, #tpu.memory_space<vmem>>, %arg7: memref<256x128xf32, #tpu.memory_space<vmem>>, %arg8: memref<256x128xf32, #tpu.memory_space<vmem>>, %arg9: memref<!tpu.dma_semaphore, #tpu.memory_space<semaphore_mem>>, %arg10: memref<!tpu.dma_semaphore, #tpu.memory_space<semaphore_mem>>, %arg11: memref<!tpu.dma_semaphore, #tpu.memory_space<semaphore_mem>>, %arg12: memref<!tpu.dma_semaphore, #tpu.memory_space<semaphore_mem>>, %arg13: memref<!tpu.dma_semaphore, #tpu.memory_space<semaphore_mem>>, %arg14: memref<!tpu.dma_semaphore, #tpu.memory_space<semaphore_mem>>) attributes {dimension_semantics = [#tpu.dimension_semantics<core_parallel>, #tpu.dimension_semantics<subcore_parallel>], iteration_bounds = array<i64: 2, 16>, scalar_prefetch = 0 : i64, scratch_operands = 10 : i64, tpu.core_type = #tpu.core_type<sc_vector_subcore>, window_params = [{transform_indices = #map}, {transform_indices = #map}, {transform_indices = #map}]} {
    %mul3A = arith.constant 2 : i32
    %mul3A_0 = arith.muli %arg1, %mul3A : i32
    %add3A = arith.addi %mul3A_0, %arg0 : i32
    %mul3A_1 = arith.constant 25600 : i32
    %mul3A_2 = arith.muli %add3A, %mul3A_1 : i32
    %mul3A_3 = arith.constant 200 : i32
    %mul3A_4 = arith.muli %add3A, %mul3A_3 : i32
    "tpu.region"() ({
      %run_scoped3A = tpu.sem_alloc : memref<!tpu.dma_semaphore, #tpu.memory_space<semaphore_mem>>
      %dma_start3A_414 = arith.constant 0 : i32
      %dma_start3A_415 = tpu.memref_slice %arg2[%mul3A_4, %dma_start3A_414] : memref<6400x128xi32, #tpu.memory_space<hbm>> -> memref<200x128xi32, #tpu.memory_space<hbm>>
      %dma_start3A_416 = arith.constant 0 : i32
      %dma_start3A_417 = tpu.memref_slice %arg2[%mul3A_4, %dma_start3A_416] : memref<6400x128xi32, #tpu.memory_space<hbm>> -> memref<200x128xi32, #tpu.memory_space<hbm>>
      tpu.enqueue_dma source(%dma_start3A_417 : memref<200x128xi32, #tpu.memory_space<hbm>>) target(%arg5 : memref<200x128xi32, #tpu.memory_space<vmem>>) target_semaphore(%run_scoped3A : memref<!tpu.dma_semaphore, #tpu.memory_space<semaphore_mem>>)
      %dma_wait3A_418 = arith.constant 0 : i32
      %dma_wait3A_419 = tpu.memref_slice %arg2[%mul3A_4, %dma_wait3A_418] : memref<6400x128xi32, #tpu.memory_space<hbm>> -> memref<200x128xi32, #tpu.memory_space<hbm>>
      %dma_wait3A_420 = arith.constant 0 : i32
      %dma_wait3A_421 = tpu.memref_slice %arg2[%mul3A_4, %dma_wait3A_420] : memref<6400x128xi32, #tpu.memory_space<hbm>> -> memref<200x128xi32, #tpu.memory_space<hbm>>
      tpu.wait_dma2 semaphore(%run_scoped3A : memref<!tpu.dma_semaphore, #tpu.memory_space<semaphore_mem>>) src(%dma_wait3A_421 : memref<200x128xi32, #tpu.memory_space<hbm>>) dst(%arg5 : memref<200x128xi32, #tpu.memory_space<vmem>>)
      tpu.yield
    }) : () -> ()
    %dma_start3A = arith.constant 0 : i32
    %dma_start3A_5 = arith.constant 0 : i32
    %dma_start3A_6 = arith.constant 0 : i32
    %dma_start3A_7 = tpu.memref_slice %arg6[%dma_start3A_5, %dma_start3A_6] : memref<256x128xf32, #tpu.memory_space<vmem>> -> memref<128x128xf32, #tpu.memory_space<vmem>>
    %dma_start3A_8 = arith.constant 0 : i32
    %dma_start3A_9 = tpu.memref_slice %arg5[%dma_start3A, %dma_start3A_8] : memref<200x128xi32, #tpu.memory_space<vmem>> -> memref<1x128xi32, #tpu.memory_space<vmem>>
    %dma_start3A_10 = tpu.memref_squeeze %dma_start3A_9 : memref<1x128xi32, #tpu.memory_space<vmem>> -> memref<128xi32, #tpu.memory_space<vmem>>
    %dma_start3A_11 = arith.constant 0 : i32
    %dma_start3A_12 = arith.constant 0 : i32
    %dma_start3A_13 = tpu.memref_slice %arg3[%dma_start3A_11, %dma_start3A_12] : memref<100000x128xf32, #tpu.memory_space<hbm>> -> memref<100000x128xf32, #tpu.memory_space<hbm>>
    tpu.enqueue_indirect_dma source(%dma_start3A_13 : memref<100000x128xf32, #tpu.memory_space<hbm>>) target(%dma_start3A_7 : memref<128x128xf32, #tpu.memory_space<vmem>>) offsets(%dma_start3A_10 : memref<128xi32, #tpu.memory_space<vmem>>) semaphore(%arg9 : memref<!tpu.dma_semaphore, #tpu.memory_space<semaphore_mem>>)
    %dma_start3A_14 = arith.constant 1 : i32
    %dma_start3A_15 = arith.constant 128 : i32
    %dma_start3A_16 = arith.constant 0 : i32
    %dma_start3A_17 = tpu.memref_slice %arg6[%dma_start3A_15, %dma_start3A_16] : memref<256x128xf32, #tpu.memory_space<vmem>> -> memref<128x128xf32, #tpu.memory_space<vmem>>
    %dma_start3A_18 = arith.constant 0 : i32
    %dma_start3A_19 = tpu.memref_slice %arg5[%dma_start3A_14, %dma_start3A_18] : memref<200x128xi32, #tpu.memory_space<vmem>> -> memref<1x128xi32, #tpu.memory_space<vmem>>
    %dma_start3A_20 = tpu.memref_squeeze %dma_start3A_19 : memref<1x128xi32, #tpu.memory_space<vmem>> -> memref<128xi32, #tpu.memory_space<vmem>>
    %dma_start3A_21 = arith.constant 0 : i32
    %dma_start3A_22 = arith.constant 0 : i32
    %dma_start3A_23 = tpu.memref_slice %arg3[%dma_start3A_21, %dma_start3A_22] : memref<100000x128xf32, #tpu.memory_space<hbm>> -> memref<100000x128xf32, #tpu.memory_space<hbm>>
    tpu.enqueue_indirect_dma source(%dma_start3A_23 : memref<100000x128xf32, #tpu.memory_space<hbm>>) target(%dma_start3A_17 : memref<128x128xf32, #tpu.memory_space<vmem>>) offsets(%dma_start3A_20 : memref<128xi32, #tpu.memory_space<vmem>>) semaphore(%arg9 : memref<!tpu.dma_semaphore, #tpu.memory_space<semaphore_mem>>)
    %dma_start3A_24 = arith.constant 2 : i32
    %dma_start3A_25 = arith.constant 0 : i32
    %dma_start3A_26 = arith.constant 0 : i32
    %dma_start3A_27 = tpu.memref_slice %arg7[%dma_start3A_25, %dma_start3A_26] : memref<256x128xf32, #tpu.memory_space<vmem>> -> memref<128x128xf32, #tpu.memory_space<vmem>>
    %dma_start3A_28 = arith.constant 0 : i32
    %dma_start3A_29 = tpu.memref_slice %arg5[%dma_start3A_24, %dma_start3A_28] : memref<200x128xi32, #tpu.memory_space<vmem>> -> memref<1x128xi32, #tpu.memory_space<vmem>>
    %dma_start3A_30 = tpu.memref_squeeze %dma_start3A_29 : memref<1x128xi32, #tpu.memory_space<vmem>> -> memref<128xi32, #tpu.memory_space<vmem>>
    %dma_start3A_31 = arith.constant 0 : i32
    %dma_start3A_32 = arith.constant 0 : i32
    %dma_start3A_33 = tpu.memref_slice %arg3[%dma_start3A_31, %dma_start3A_32] : memref<100000x128xf32, #tpu.memory_space<hbm>> -> memref<100000x128xf32, #tpu.memory_space<hbm>>
    tpu.enqueue_indirect_dma source(%dma_start3A_33 : memref<100000x128xf32, #tpu.memory_space<hbm>>) target(%dma_start3A_27 : memref<128x128xf32, #tpu.memory_space<vmem>>) offsets(%dma_start3A_30 : memref<128xi32, #tpu.memory_space<vmem>>) semaphore(%arg10 : memref<!tpu.dma_semaphore, #tpu.memory_space<semaphore_mem>>)
    %dma_start3A_34 = arith.constant 3 : i32
    %dma_start3A_35 = arith.constant 128 : i32
    %dma_start3A_36 = arith.constant 0 : i32
    %dma_start3A_37 = tpu.memref_slice %arg7[%dma_start3A_35, %dma_start3A_36] : memref<256x128xf32, #tpu.memory_space<vmem>> -> memref<128x128xf32, #tpu.memory_space<vmem>>
    %dma_start3A_38 = arith.constant 0 : i32
    %dma_start3A_39 = tpu.memref_slice %arg5[%dma_start3A_34, %dma_start3A_38] : memref<200x128xi32, #tpu.memory_space<vmem>> -> memref<1x128xi32, #tpu.memory_space<vmem>>
    %dma_start3A_40 = tpu.memref_squeeze %dma_start3A_39 : memref<1x128xi32, #tpu.memory_space<vmem>> -> memref<128xi32, #tpu.memory_space<vmem>>
    %dma_start3A_41 = arith.constant 0 : i32
    %dma_start3A_42 = arith.constant 0 : i32
    %dma_start3A_43 = tpu.memref_slice %arg3[%dma_start3A_41, %dma_start3A_42] : memref<100000x128xf32, #tpu.memory_space<hbm>> -> memref<100000x128xf32, #tpu.memory_space<hbm>>
    tpu.enqueue_indirect_dma source(%dma_start3A_43 : memref<100000x128xf32, #tpu.memory_space<hbm>>) target(%dma_start3A_37 : memref<128x128xf32, #tpu.memory_space<vmem>>) offsets(%dma_start3A_40 : memref<128xi32, #tpu.memory_space<vmem>>) semaphore(%arg10 : memref<!tpu.dma_semaphore, #tpu.memory_space<semaphore_mem>>)
    %dma_wait3A = arith.constant 0 : i32
    %dma_wait3A_44 = arith.constant 0 : i32
    %dma_wait3A_45 = arith.constant 0 : i32
    %dma_wait3A_46 = tpu.memref_slice %arg6[%dma_wait3A_44, %dma_wait3A_45] : memref<256x128xf32, #tpu.memory_space<vmem>> -> memref<128x128xf32, #tpu.memory_space<vmem>>
    %dma_wait3A_47 = arith.constant 0 : i32
    %dma_wait3A_48 = tpu.memref_slice %arg5[%dma_wait3A, %dma_wait3A_47] : memref<200x128xi32, #tpu.memory_space<vmem>> -> memref<1x128xi32, #tpu.memory_space<vmem>>
    %dma_wait3A_49 = tpu.memref_squeeze %dma_wait3A_48 : memref<1x128xi32, #tpu.memory_space<vmem>> -> memref<128xi32, #tpu.memory_space<vmem>>
    %dma_wait3A_50 = arith.constant 0 : i32
    %dma_wait3A_51 = arith.constant 0 : i32
    %dma_wait3A_52 = tpu.memref_slice %arg3[%dma_wait3A_50, %dma_wait3A_51] : memref<100000x128xf32, #tpu.memory_space<hbm>> -> memref<100000x128xf32, #tpu.memory_space<hbm>>
    tpu.wait_indirect_dma semaphore(%arg9 : memref<!tpu.dma_semaphore, #tpu.memory_space<semaphore_mem>>) src(%dma_wait3A_52 : memref<100000x128xf32, #tpu.memory_space<hbm>>) dst(%dma_wait3A_46 : memref<128x128xf32, #tpu.memory_space<vmem>>)
    %dma_wait3A_53 = arith.constant 1 : i32
    %dma_wait3A_54 = arith.constant 128 : i32
    %dma_wait3A_55 = arith.constant 0 : i32
    %dma_wait3A_56 = tpu.memref_slice %arg6[%dma_wait3A_54, %dma_wait3A_55] : memref<256x128xf32, #tpu.memory_space<vmem>> -> memref<128x128xf32, #tpu.memory_space<vmem>>
    %dma_wait3A_57 = arith.constant 0 : i32
    %dma_wait3A_58 = tpu.memref_slice %arg5[%dma_wait3A_53, %dma_wait3A_57] : memref<200x128xi32, #tpu.memory_space<vmem>> -> memref<1x128xi32, #tpu.memory_space<vmem>>
    %dma_wait3A_59 = tpu.memref_squeeze %dma_wait3A_58 : memref<1x128xi32, #tpu.memory_space<vmem>> -> memref<128xi32, #tpu.memory_space<vmem>>
    %dma_wait3A_60 = arith.constant 0 : i32
    %dma_wait3A_61 = arith.constant 0 : i32
    %dma_wait3A_62 = tpu.memref_slice %arg3[%dma_wait3A_60, %dma_wait3A_61] : memref<100000x128xf32, #tpu.memory_space<hbm>> -> memref<100000x128xf32, #tpu.memory_space<hbm>>
    tpu.wait_indirect_dma semaphore(%arg9 : memref<!tpu.dma_semaphore, #tpu.memory_space<semaphore_mem>>) src(%dma_wait3A_62 : memref<100000x128xf32, #tpu.memory_space<hbm>>) dst(%dma_wait3A_56 : memref<128x128xf32, #tpu.memory_space<vmem>>)
    %scan3A = arith.constant 0 : i32
    %scan3A_63 = arith.constant 0 : i32
    %scan3A_64 = arith.constant 256 : i32
    %scan3A_65 = arith.addi %scan3A_63, %scan3A_64 : i32
    %scan3A_66 = arith.constant 2 : i32
    scf.for %scan3A_414 = %scan3A_63 to %scan3A_65 step %scan3A_66  : i32 {
      %get3A = arith.index_cast %scan3A_414 : i32 to index
      %get3A_415 = arith.constant 0 : index
      %get3A_416 = tpu.vector_load %arg6[%get3A, %get3A_415] {strides = array<i32>} : memref<256x128xf32, #tpu.memory_space<vmem>>, vector<1x16xf32>,
      %get3A_417 = vector.shape_cast %get3A_416 : vector<1x16xf32> to vector<16xf32>
      %mul3A_418 = arith.constant 11.3137083 : f32
      %mul3A_419 = vector.broadcast %mul3A_418 : f32 to vector<16xf32>
      %mul3A_420 = arith.mulf %get3A_417, %mul3A_419 : vector<16xf32>
      %swap3A = arith.index_cast %scan3A_414 : i32 to index
      %swap3A_421 = arith.constant 0 : index
      %swap3A_422 = tpu.vector_load %arg6[%swap3A, %swap3A_421] {strides = array<i32>} : memref<256x128xf32, #tpu.memory_space<vmem>>, vector<1x16xf32>,
      %swap3A_423 = vector.shape_cast %swap3A_422 : vector<1x16xf32> to vector<16xf32>
      %swap3A_424 = vector.shape_cast %mul3A_420 : vector<16xf32> to vector<1x16xf32>
      tpu.vector_store %arg6[%swap3A, %swap3A_421], %swap3A_424 {strides = array<i32>} : memref<256x128xf32, #tpu.memory_space<vmem>>, vector<1x16xf32>,
      %get3A_425 = arith.index_cast %scan3A_414 : i32 to index
      %get3A_426 = arith.constant 16 : index
      %get3A_427 = tpu.vector_load %arg6[%get3A_425, %get3A_426] {strides = array<i32>} : memref<256x128xf32, #tpu.memory_space<vmem>>, vector<1x16xf32>,
      %get3A_428 = vector.shape_cast %get3A_427 : vector<1x16xf32> to vector<16xf32>
      %mul3A_429 = arith.constant 11.3137083 : f32
      %mul3A_430 = vector.broadcast %mul3A_429 : f32 to vector<16xf32>
      %mul3A_431 = arith.mulf %get3A_428, %mul3A_430 : vector<16xf32>
      %swap3A_432 = arith.index_cast %scan3A_414 : i32 to index
      %swap3A_433 = arith.constant 16 : index
      %swap3A_434 = tpu.vector_load %arg6[%swap3A_432, %swap3A_433] {strides = array<i32>} : memref<256x128xf32, #tpu.memory_space<vmem>>, vector<1x16xf32>,
      %swap3A_435 = vector.shape_cast %swap3A_434 : vector<1x16xf32> to vector<16xf32>
      %swap3A_436 = vector.shape_cast %mul3A_431 : vector<16xf32> to vector<1x16xf32>
      tpu.vector_store %arg6[%swap3A_432, %swap3A_433], %swap3A_436 {strides = array<i32>} : memref<256x128xf32, #tpu.memory_space<vmem>>, vector<1x16xf32>,
      %get3A_437 = arith.index_cast %scan3A_414 : i32 to index
      %get3A_438 = arith.constant 32 : index
      %get3A_439 = tpu.vector_load %arg6[%get3A_437, %get3A_438] {strides = array<i32>} : memref<256x128xf32, #tpu.memory_space<vmem>>, vector<1x16xf32>,
      %get3A_440 = vector.shape_cast %get3A_439 : vector<1x16xf32> to vector<16xf32>
      %mul3A_441 = arith.constant 11.3137083 : f32
      %mul3A_442 = vector.broadcast %mul3A_441 : f32 to vector<16xf32>
      %mul3A_443 = arith.mulf %get3A_440, %mul3A_442 : vector<16xf32>
      %swap3A_444 = arith.index_cast %scan3A_414 : i32 to index
      %swap3A_445 = arith.constant 32 : index
      %swap3A_446 = tpu.vector_load %arg6[%swap3A_444, %swap3A_445] {strides = array<i32>} : memref<256x128xf32, #tpu.memory_space<vmem>>, vector<1x16xf32>,
      %swap3A_447 = vector.shape_cast %swap3A_446 : vector<1x16xf32> to vector<16xf32>
      %swap3A_448 = vector.shape_cast %mul3A_443 : vector<16xf32> to vector<1x16xf32>
      tpu.vector_store %arg6[%swap3A_444, %swap3A_445], %swap3A_448 {strides = array<i32>} : memref<256x128xf32, #tpu.memory_space<vmem>>, vector<1x16xf32>,
      %get3A_449 = arith.index_cast %scan3A_414 : i32 to index
      %get3A_450 = arith.constant 48 : index
      %get3A_451 = tpu.vector_load %arg6[%get3A_449, %get3A_450] {strides = array<i32>} : memref<256x128xf32, #tpu.memory_space<vmem>>, vector<1x16xf32>,
      %get3A_452 = vector.shape_cast %get3A_451 : vector<1x16xf32> to vector<16xf32>
      %mul3A_453 = arith.constant 11.3137083 : f32
      %mul3A_454 = vector.broadcast %mul3A_453 : f32 to vector<16xf32>
      %mul3A_455 = arith.mulf %get3A_452, %mul3A_454 : vector<16xf32>
      %swap3A_456 = arith.index_cast %scan3A_414 : i32 to index
      %swap3A_457 = arith.constant 48 : index
      %swap3A_458 = tpu.vector_load %arg6[%swap3A_456, %swap3A_457] {strides = array<i32>} : memref<256x128xf32, #tpu.memory_space<vmem>>, vector<1x16xf32>,
      %swap3A_459 = vector.shape_cast %swap3A_458 : vector<1x16xf32> to vector<16xf32>
      %swap3A_460 = vector.shape_cast %mul3A_455 : vector<16xf32> to vector<1x16xf32>
      tpu.vector_store %arg6[%swap3A_456, %swap3A_457], %swap3A_460 {strides = array<i32>} : memref<256x128xf32, #tpu.memory_space<vmem>>, vector<1x16xf32>,
      %get3A_461 = arith.index_cast %scan3A_414 : i32 to index
      %get3A_462 = arith.constant 64 : index
      %get3A_463 = tpu.vector_load %arg6[%get3A_461, %get3A_462] {strides = array<i32>} : memref<256x128xf32, #tpu.memory_space<vmem>>, vector<1x16xf32>,
      %get3A_464 = vector.shape_cast %get3A_463 : vector<1x16xf32> to vector<16xf32>
      %mul3A_465 = arith.constant 11.3137083 : f32
      %mul3A_466 = vector.broadcast %mul3A_465 : f32 to vector<16xf32>
      %mul3A_467 = arith.mulf %get3A_464, %mul3A_466 : vector<16xf32>
      %swap3A_468 = arith.index_cast %scan3A_414 : i32 to index
      %swap3A_469 = arith.constant 64 : index
      %swap3A_470 = tpu.vector_load %arg6[%swap3A_468, %swap3A_469] {strides = array<i32>} : memref<256x128xf32, #tpu.memory_space<vmem>>, vector<1x16xf32>,
      %swap3A_471 = vector.shape_cast %swap3A_470 : vector<1x16xf32> to vector<16xf32>
      %swap3A_472 = vector.shape_cast %mul3A_467 : vector<16xf32> to vector<1x16xf32>
      tpu.vector_store %arg6[%swap3A_468, %swap3A_469], %swap3A_472 {strides = array<i32>} : memref<256x128xf32, #tpu.memory_space<vmem>>, vector<1x16xf32>,
      %get3A_473 = arith.index_cast %scan3A_414 : i32 to index
      %get3A_474 = arith.constant 80 : index
      %get3A_475 = tpu.vector_load %arg6[%get3A_473, %get3A_474] {strides = array<i32>} : memref<256x128xf32, #tpu.memory_space<vmem>>, vector<1x16xf32>,
      %get3A_476 = vector.shape_cast %get3A_475 : vector<1x16xf32> to vector<16xf32>
      %mul3A_477 = arith.constant 11.3137083 : f32
      %mul3A_478 = vector.broadcast %mul3A_477 : f32 to vector<16xf32>
      %mul3A_479 = arith.mulf %get3A_476, %mul3A_478 : vector<16xf32>
      %swap3A_480 = arith.index_cast %scan3A_414 : i32 to index
      %swap3A_481 = arith.constant 80 : index
      %swap3A_482 = tpu.vector_load %arg6[%swap3A_480, %swap3A_481] {strides = array<i32>} : memref<256x128xf32, #tpu.memory_space<vmem>>, vector<1x16xf32>,
      %swap3A_483 = vector.shape_cast %swap3A_482 : vector<1x16xf32> to vector<16xf32>
      %swap3A_484 = vector.shape_cast %mul3A_479 : vector<16xf32> to vector<1x16xf32>
      tpu.vector_store %arg6[%swap3A_480, %swap3A_481], %swap3A_484 {strides = array<i32>} : memref<256x128xf32, #tpu.memory_space<vmem>>, vector<1x16xf32>,
      %get3A_485 = arith.index_cast %scan3A_414 : i32 to index
      %get3A_486 = arith.constant 96 : index
      %get3A_487 = tpu.vector_load %arg6[%get3A_485, %get3A_486] {strides = array<i32>} : memref<256x128xf32, #tpu.memory_space<vmem>>, vector<1x16xf32>,
      %get3A_488 = vector.shape_cast %get3A_487 : vector<1x16xf32> to vector<16xf32>
      %mul3A_489 = arith.constant 11.3137083 : f32
      %mul3A_490 = vector.broadcast %mul3A_489 : f32 to vector<16xf32>
      %mul3A_491 = arith.mulf %get3A_488, %mul3A_490 : vector<16xf32>
      %swap3A_492 = arith.index_cast %scan3A_414 : i32 to index
      %swap3A_493 = arith.constant 96 : index
      %swap3A_494 = tpu.vector_load %arg6[%swap3A_492, %swap3A_493] {strides = array<i32>} : memref<256x128xf32, #tpu.memory_space<vmem>>, vector<1x16xf32>,
      %swap3A_495 = vector.shape_cast %swap3A_494 : vector<1x16xf32> to vector<16xf32>
      %swap3A_496 = vector.shape_cast %mul3A_491 : vector<16xf32> to vector<1x16xf32>
      tpu.vector_store %arg6[%swap3A_492, %swap3A_493], %swap3A_496 {strides = array<i32>} : memref<256x128xf32, #tpu.memory_space<vmem>>, vector<1x16xf32>,
      %get3A_497 = arith.index_cast %scan3A_414 : i32 to index
      %get3A_498 = arith.constant 112 : index
      %get3A_499 = tpu.vector_load %arg6[%get3A_497, %get3A_498] {strides = array<i32>} : memref<256x128xf32, #tpu.memory_space<vmem>>, vector<1x16xf32>,
      %get3A_500 = vector.shape_cast %get3A_499 : vector<1x16xf32> to vector<16xf32>
      %mul3A_501 = arith.constant 11.3137083 : f32
      %mul3A_502 = vector.broadcast %mul3A_501 : f32 to vector<16xf32>
      %mul3A_503 = arith.mulf %get3A_500, %mul3A_502 : vector<16xf32>
      %swap3A_504 = arith.index_cast %scan3A_414 : i32 to index
      %swap3A_505 = arith.constant 112 : index
      %swap3A_506 = tpu.vector_load %arg6[%swap3A_504, %swap3A_505] {strides = array<i32>} : memref<256x128xf32, #tpu.memory_space<vmem>>, vector<1x16xf32>,
      %swap3A_507 = vector.shape_cast %swap3A_506 : vector<1x16xf32> to vector<16xf32>
      %swap3A_508 = vector.shape_cast %mul3A_503 : vector<16xf32> to vector<1x16xf32>
      tpu.vector_store %arg6[%swap3A_504, %swap3A_505], %swap3A_508 {strides = array<i32>} : memref<256x128xf32, #tpu.memory_space<vmem>>, vector<1x16xf32>,
      %scan3A_509 = arith.constant 1 : i32
      %scan3A_510 = arith.addi %scan3A_414, %scan3A_509 : i32
      %get3A_511 = arith.index_cast %scan3A_510 : i32 to index
      %get3A_512 = arith.constant 0 : index
      %get3A_513 = tpu.vector_load %arg6[%get3A_511, %get3A_512] {strides = array<i32>} : memref<256x128xf32, #tpu.memory_space<vmem>>, vector<1x16xf32>,
      %get3A_514 = vector.shape_cast %get3A_513 : vector<1x16xf32> to vector<16xf32>
      %mul3A_515 = arith.constant 11.3137083 : f32
      %mul3A_516 = vector.broadcast %mul3A_515 : f32 to vector<16xf32>
      %mul3A_517 = arith.mulf %get3A_514, %mul3A_516 : vector<16xf32>
      %swap3A_518 = arith.index_cast %scan3A_510 : i32 to index
      %swap3A_519 = arith.constant 0 : index
      %swap3A_520 = tpu.vector_load %arg6[%swap3A_518, %swap3A_519] {strides = array<i32>} : memref<256x128xf32, #tpu.memory_space<vmem>>, vector<1x16xf32>,
      %swap3A_521 = vector.shape_cast %swap3A_520 : vector<1x16xf32> to vector<16xf32>
      %swap3A_522 = vector.shape_cast %mul3A_517 : vector<16xf32> to vector<1x16xf32>
      tpu.vector_store %arg6[%swap3A_518, %swap3A_519], %swap3A_522 {strides = array<i32>} : memref<256x128xf32, #tpu.memory_space<vmem>>, vector<1x16xf32>,
      %get3A_523 = arith.index_cast %scan3A_510 : i32 to index
      %get3A_524 = arith.constant 16 : index
      %get3A_525 = tpu.vector_load %arg6[%get3A_523, %get3A_524] {strides = array<i32>} : memref<256x128xf32, #tpu.memory_space<vmem>>, vector<1x16xf32>,
      %get3A_526 = vector.shape_cast %get3A_525 : vector<1x16xf32> to vector<16xf32>
      %mul3A_527 = arith.constant 11.3137083 : f32
      %mul3A_528 = vector.broadcast %mul3A_527 : f32 to vector<16xf32>
      %mul3A_529 = arith.mulf %get3A_526, %mul3A_528 : vector<16xf32>
      %swap3A_530 = arith.index_cast %scan3A_510 : i32 to index
      %swap3A_531 = arith.constant 16 : index
      %swap3A_532 = tpu.vector_load %arg6[%swap3A_530, %swap3A_531] {strides = array<i32>} : memref<256x128xf32, #tpu.memory_space<vmem>>, vector<1x16xf32>,
      %swap3A_533 = vector.shape_cast %swap3A_532 : vector<1x16xf32> to vector<16xf32>
      %swap3A_534 = vector.shape_cast %mul3A_529 : vector<16xf32> to vector<1x16xf32>
      tpu.vector_store %arg6[%swap3A_530, %swap3A_531], %swap3A_534 {strides = array<i32>} : memref<256x128xf32, #tpu.memory_space<vmem>>, vector<1x16xf32>,
      %get3A_535 = arith.index_cast %scan3A_510 : i32 to index
      %get3A_536 = arith.constant 32 : index
      %get3A_537 = tpu.vector_load %arg6[%get3A_535, %get3A_536] {strides = array<i32>} : memref<256x128xf32, #tpu.memory_space<vmem>>, vector<1x16xf32>,
      %get3A_538 = vector.shape_cast %get3A_537 : vector<1x16xf32> to vector<16xf32>
      %mul3A_539 = arith.constant 11.3137083 : f32
      %mul3A_540 = vector.broadcast %mul3A_539 : f32 to vector<16xf32>
      %mul3A_541 = arith.mulf %get3A_538, %mul3A_540 : vector<16xf32>
      %swap3A_542 = arith.index_cast %scan3A_510 : i32 to index
      %swap3A_543 = arith.constant 32 : index
      %swap3A_544 = tpu.vector_load %arg6[%swap3A_542, %swap3A_543] {strides = array<i32>} : memref<256x128xf32, #tpu.memory_space<vmem>>, vector<1x16xf32>,
      %swap3A_545 = vector.shape_cast %swap3A_544 : vector<1x16xf32> to vector<16xf32>
      %swap3A_546 = vector.shape_cast %mul3A_541 : vector<16xf32> to vector<1x16xf32>
      tpu.vector_store %arg6[%swap3A_542, %swap3A_543], %swap3A_546 {strides = array<i32>} : memref<256x128xf32, #tpu.memory_space<vmem>>, vector<1x16xf32>,
      %get3A_547 = arith.index_cast %scan3A_510 : i32 to index
      %get3A_548 = arith.constant 48 : index
      %get3A_549 = tpu.vector_load %arg6[%get3A_547, %get3A_548] {strides = array<i32>} : memref<256x128xf32, #tpu.memory_space<vmem>>, vector<1x16xf32>,
      %get3A_550 = vector.shape_cast %get3A_549 : vector<1x16xf32> to vector<16xf32>
      %mul3A_551 = arith.constant 11.3137083 : f32
      %mul3A_552 = vector.broadcast %mul3A_551 : f32 to vector<16xf32>
      %mul3A_553 = arith.mulf %get3A_550, %mul3A_552 : vector<16xf32>
      %swap3A_554 = arith.index_cast %scan3A_510 : i32 to index
      %swap3A_555 = arith.constant 48 : index
      %swap3A_556 = tpu.vector_load %arg6[%swap3A_554, %swap3A_555] {strides = array<i32>} : memref<256x128xf32, #tpu.memory_space<vmem>>, vector<1x16xf32>,
      %swap3A_557 = vector.shape_cast %swap3A_556 : vector<1x16xf32> to vector<16xf32>
      %swap3A_558 = vector.shape_cast %mul3A_553 : vector<16xf32> to vector<1x16xf32>
      tpu.vector_store %arg6[%swap3A_554, %swap3A_555], %swap3A_558 {strides = array<i32>} : memref<256x128xf32, #tpu.memory_space<vmem>>, vector<1x16xf32>,
      %get3A_559 = arith.index_cast %scan3A_510 : i32 to index
      %get3A_560 = arith.constant 64 : index
      %get3A_561 = tpu.vector_load %arg6[%get3A_559, %get3A_560] {strides = array<i32>} : memref<256x128xf32, #tpu.memory_space<vmem>>, vector<1x16xf32>,
      %get3A_562 = vector.shape_cast %get3A_561 : vector<1x16xf32> to vector<16xf32>
      %mul3A_563 = arith.constant 11.3137083 : f32
      %mul3A_564 = vector.broadcast %mul3A_563 : f32 to vector<16xf32>
      %mul3A_565 = arith.mulf %get3A_562, %mul3A_564 : vector<16xf32>
      %swap3A_566 = arith.index_cast %scan3A_510 : i32 to index
      %swap3A_567 = arith.constant 64 : index
      %swap3A_568 = tpu.vector_load %arg6[%swap3A_566, %swap3A_567] {strides = array<i32>} : memref<256x128xf32, #tpu.memory_space<vmem>>, vector<1x16xf32>,
      %swap3A_569 = vector.shape_cast %swap3A_568 : vector<1x16xf32> to vector<16xf32>
      %swap3A_570 = vector.shape_cast %mul3A_565 : vector<16xf32> to vector<1x16xf32>
      tpu.vector_store %arg6[%swap3A_566, %swap3A_567], %swap3A_570 {strides = array<i32>} : memref<256x128xf32, #tpu.memory_space<vmem>>, vector<1x16xf32>,
      %get3A_571 = arith.index_cast %scan3A_510 : i32 to index
      %get3A_572 = arith.constant 80 : index
      %get3A_573 = tpu.vector_load %arg6[%get3A_571, %get3A_572] {strides = array<i32>} : memref<256x128xf32, #tpu.memory_space<vmem>>, vector<1x16xf32>,
      %get3A_574 = vector.shape_cast %get3A_573 : vector<1x16xf32> to vector<16xf32>
      %mul3A_575 = arith.constant 11.3137083 : f32
      %mul3A_576 = vector.broadcast %mul3A_575 : f32 to vector<16xf32>
      %mul3A_577 = arith.mulf %get3A_574, %mul3A_576 : vector<16xf32>
      %swap3A_578 = arith.index_cast %scan3A_510 : i32 to index
      %swap3A_579 = arith.constant 80 : index
      %swap3A_580 = tpu.vector_load %arg6[%swap3A_578, %swap3A_579] {strides = array<i32>} : memref<256x128xf32, #tpu.memory_space<vmem>>, vector<1x16xf32>,
      %swap3A_581 = vector.shape_cast %swap3A_580 : vector<1x16xf32> to vector<16xf32>
      %swap3A_582 = vector.shape_cast %mul3A_577 : vector<16xf32> to vector<1x16xf32>
      tpu.vector_store %arg6[%swap3A_578, %swap3A_579], %swap3A_582 {strides = array<i32>} : memref<256x128xf32, #tpu.memory_space<vmem>>, vector<1x16xf32>,
      %get3A_583 = arith.index_cast %scan3A_510 : i32 to index
      %get3A_584 = arith.constant 96 : index
      %get3A_585 = tpu.vector_load %arg6[%get3A_583, %get3A_584] {strides = array<i32>} : memref<256x128xf32, #tpu.memory_space<vmem>>, vector<1x16xf32>,
      %get3A_586 = vector.shape_cast %get3A_585 : vector<1x16xf32> to vector<16xf32>
      %mul3A_587 = arith.constant 11.3137083 : f32
      %mul3A_588 = vector.broadcast %mul3A_587 : f32 to vector<16xf32>
      %mul3A_589 = arith.mulf %get3A_586, %mul3A_588 : vector<16xf32>
      %swap3A_590 = arith.index_cast %scan3A_510 : i32 to index
      %swap3A_591 = arith.constant 96 : index
      %swap3A_592 = tpu.vector_load %arg6[%swap3A_590, %swap3A_591] {strides = array<i32>} : memref<256x128xf32, #tpu.memory_space<vmem>>, vector<1x16xf32>,
      %swap3A_593 = vector.shape_cast %swap3A_592 : vector<1x16xf32> to vector<16xf32>
      %swap3A_594 = vector.shape_cast %mul3A_589 : vector<16xf32> to vector<1x16xf32>
      tpu.vector_store %arg6[%swap3A_590, %swap3A_591], %swap3A_594 {strides = array<i32>} : memref<256x128xf32, #tpu.memory_space<vmem>>, vector<1x16xf32>,
      %get3A_595 = arith.index_cast %scan3A_510 : i32 to index
      %get3A_596 = arith.constant 112 : index
      %get3A_597 = tpu.vector_load %arg6[%get3A_595, %get3A_596] {strides = array<i32>} : memref<256x128xf32, #tpu.memory_space<vmem>>, vector<1x16xf32>,
      %get3A_598 = vector.shape_cast %get3A_597 : vector<1x16xf32> to vector<16xf32>
      %mul3A_599 = arith.constant 11.3137083 : f32
      %mul3A_600 = vector.broadcast %mul3A_599 : f32 to vector<16xf32>
      %mul3A_601 = arith.mulf %get3A_598, %mul3A_600 : vector<16xf32>
      %swap3A_602 = arith.index_cast %scan3A_510 : i32 to index
      %swap3A_603 = arith.constant 112 : index
      %swap3A_604 = tpu.vector_load %arg6[%swap3A_602, %swap3A_603] {strides = array<i32>} : memref<256x128xf32, #tpu.memory_space<vmem>>, vector<1x16xf32>,
      %swap3A_605 = vector.shape_cast %swap3A_604 : vector<1x16xf32> to vector<16xf32>
      %swap3A_606 = vector.shape_cast %mul3A_601 : vector<16xf32> to vector<1x16xf32>
      tpu.vector_store %arg6[%swap3A_602, %swap3A_603], %swap3A_606 {strides = array<i32>} : memref<256x128xf32, #tpu.memory_space<vmem>>, vector<1x16xf32>,
    }
    %scan3A_67 = arith.constant 256 : i32
    %add3A_68 = arith.constant 0 : i32
    %add3A_69 = arith.addi %mul3A_2, %add3A_68 : i32
    %dma_start3A_70 = arith.constant 0 : i32
    %dma_start3A_71 = tpu.memref_slice %arg4[%add3A_69, %dma_start3A_70] : memref<819200x128xf32, #tpu.memory_space<hbm>> -> memref<256x128xf32, #tpu.memory_space<hbm>>
    %dma_start3A_72 = arith.constant 0 : i32
    %dma_start3A_73 = tpu.memref_slice %arg4[%add3A_69, %dma_start3A_72] : memref<819200x128xf32, #tpu.memory_space<hbm>> -> memref<256x128xf32, #tpu.memory_space<hbm>>
    tpu.enqueue_dma source(%arg6 : memref<256x128xf32, #tpu.memory_space<vmem>>) target(%dma_start3A_73 : memref<256x128xf32, #tpu.memory_space<hbm>>) target_semaphore(%arg12 : memref<!tpu.dma_semaphore, #tpu.memory_space<semaphore_mem>>)
    %dma_start3A_74 = arith.constant 4 : i32
    %dma_start3A_75 = arith.constant 0 : i32
    %dma_start3A_76 = arith.constant 0 : i32
    %dma_start3A_77 = tpu.memref_slice %arg8[%dma_start3A_75, %dma_start3A_76] : memref<256x128xf32, #tpu.memory_space<vmem>> -> memref<128x128xf32, #tpu.memory_space<vmem>>
    %dma_start3A_78 = arith.constant 0 : i32
    %dma_start3A_79 = tpu.memref_slice %arg5[%dma_start3A_74, %dma_start3A_78] : memref<200x128xi32, #tpu.memory_space<vmem>> -> memref<1x128xi32, #tpu.memory_space<vmem>>
    %dma_start3A_80 = tpu.memref_squeeze %dma_start3A_79 : memref<1x128xi32, #tpu.memory_space<vmem>> -> memref<128xi32, #tpu.memory_space<vmem>>
    %dma_start3A_81 = arith.constant 0 : i32
    %dma_start3A_82 = arith.constant 0 : i32
    %dma_start3A_83 = tpu.memref_slice %arg3[%dma_start3A_81, %dma_start3A_82] : memref<100000x128xf32, #tpu.memory_space<hbm>> -> memref<100000x128xf32, #tpu.memory_space<hbm>>
    tpu.enqueue_indirect_dma source(%dma_start3A_83 : memref<100000x128xf32, #tpu.memory_space<hbm>>) target(%dma_start3A_77 : memref<128x128xf32, #tpu.memory_space<vmem>>) offsets(%dma_start3A_80 : memref<128xi32, #tpu.memory_space<vmem>>) semaphore(%arg11 : memref<!tpu.dma_semaphore, #tpu.memory_space<semaphore_mem>>)
    %dma_start3A_84 = arith.constant 5 : i32
    %dma_start3A_85 = arith.constant 128 : i32
    %dma_start3A_86 = arith.constant 0 : i32
    %dma_start3A_87 = tpu.memref_slice %arg8[%dma_start3A_85, %dma_start3A_86] : memref<256x128xf32, #tpu.memory_space<vmem>> -> memref<128x128xf32, #tpu.memory_space<vmem>>
    %dma_start3A_88 = arith.constant 0 : i32
    %dma_start3A_89 = tpu.memref_slice %arg5[%dma_start3A_84, %dma_start3A_88] : memref<200x128xi32, #tpu.memory_space<vmem>> -> memref<1x128xi32, #tpu.memory_space<vmem>>
    %dma_start3A_90 = tpu.memref_squeeze %dma_start3A_89 : memref<1x128xi32, #tpu.memory_space<vmem>> -> memref<128xi32, #tpu.memory_space<vmem>>
    %dma_start3A_91 = arith.constant 0 : i32
    %dma_start3A_92 = arith.constant 0 : i32
    %dma_start3A_93 = tpu.memref_slice %arg3[%dma_start3A_91, %dma_start3A_92] : memref<100000x128xf32, #tpu.memory_space<hbm>> -> memref<100000x128xf32, #tpu.memory_space<hbm>>
    tpu.enqueue_indirect_dma source(%dma_start3A_93 : memref<100000x128xf32, #tpu.memory_space<hbm>>) target(%dma_start3A_87 : memref<128x128xf32, #tpu.memory_space<vmem>>) offsets(%dma_start3A_90 : memref<128xi32, #tpu.memory_space<vmem>>) semaphore(%arg11 : memref<!tpu.dma_semaphore, #tpu.memory_space<semaphore_mem>>)
    %dma_wait3A_94 = arith.constant 2 : i32
    %dma_wait3A_95 = arith.constant 0 : i32
    %dma_wait3A_96 = arith.constant 0 : i32
    %dma_wait3A_97 = tpu.memref_slice %arg7[%dma_wait3A_95, %dma_wait3A_96] : memref<256x128xf32, #tpu.memory_space<vmem>> -> memref<128x128xf32, #tpu.memory_space<vmem>>
    %dma_wait3A_98 = arith.constant 0 : i32
    %dma_wait3A_99 = tpu.memref_slice %arg5[%dma_wait3A_94, %dma_wait3A_98] : memref<200x128xi32, #tpu.memory_space<vmem>> -> memref<1x128xi32, #tpu.memory_space<vmem>>
    %dma_wait3A_100 = tpu.memref_squeeze %dma_wait3A_99 : memref<1x128xi32, #tpu.memory_space<vmem>> -> memref<128xi32, #tpu.memory_space<vmem>>
    %dma_wait3A_101 = arith.constant 0 : i32
    %dma_wait3A_102 = arith.constant 0 : i32
    %dma_wait3A_103 = tpu.memref_slice %arg3[%dma_wait3A_101, %dma_wait3A_102] : memref<100000x128xf32, #tpu.memory_space<hbm>> -> memref<100000x128xf32, #tpu.memory_space<hbm>>
    tpu.wait_indirect_dma semaphore(%arg10 : memref<!tpu.dma_semaphore, #tpu.memory_space<semaphore_mem>>) src(%dma_wait3A_103 : memref<100000x128xf32, #tpu.memory_space<hbm>>) dst(%dma_wait3A_97 : memref<128x128xf32, #tpu.memory_space<vmem>>)
    %dma_wait3A_104 = arith.constant 3 : i32
    %dma_wait3A_105 = arith.constant 128 : i32
    %dma_wait3A_106 = arith.constant 0 : i32
    %dma_wait3A_107 = tpu.memref_slice %arg7[%dma_wait3A_105, %dma_wait3A_106] : memref<256x128xf32, #tpu.memory_space<vmem>> -> memref<128x128xf32, #tpu.memory_space<vmem>>
    %dma_wait3A_108 = arith.constant 0 : i32
    %dma_wait3A_109 = tpu.memref_slice %arg5[%dma_wait3A_104, %dma_wait3A_108] : memref<200x128xi32, #tpu.memory_space<vmem>> -> memref<1x128xi32, #tpu.memory_space<vmem>>
    %dma_wait3A_110 = tpu.memref_squeeze %dma_wait3A_109 : memref<1x128xi32, #tpu.memory_space<vmem>> -> memref<128xi32, #tpu.memory_space<vmem>>
    %dma_wait3A_111 = arith.constant 0 : i32
    %dma_wait3A_112 = arith.constant 0 : i32
    %dma_wait3A_113 = tpu.memref_slice %arg3[%dma_wait3A_111, %dma_wait3A_112] : memref<100000x128xf32, #tpu.memory_space<hbm>> -> memref<100000x128xf32, #tpu.memory_space<hbm>>
    tpu.wait_indirect_dma semaphore(%arg10 : memref<!tpu.dma_semaphore, #tpu.memory_space<semaphore_mem>>) src(%dma_wait3A_113 : memref<100000x128xf32, #tpu.memory_space<hbm>>) dst(%dma_wait3A_107 : memref<128x128xf32, #tpu.memory_space<vmem>>)
    %scan3A_114 = arith.constant 0 : i32
    %scan3A_115 = arith.constant 0 : i32
    %scan3A_116 = arith.constant 256 : i32
    %scan3A_117 = arith.addi %scan3A_115, %scan3A_116 : i32
    %scan3A_118 = arith.constant 2 : i32
    scf.for %scan3A_414 = %scan3A_115 to %scan3A_117 step %scan3A_118  : i32 {
      %get3A = arith.index_cast %scan3A_414 : i32 to index
      %get3A_415 = arith.constant 0 : index
      %get3A_416 = tpu.vector_load %arg7[%get3A, %get3A_415] {strides = array<i32>} : memref<256x128xf32, #tpu.memory_space<vmem>>, vector<1x16xf32>,
      %get3A_417 = vector.shape_cast %get3A_416 : vector<1x16xf32> to vector<16xf32>
      %mul3A_418 = arith.constant 11.3137083 : f32
      %mul3A_419 = vector.broadcast %mul3A_418 : f32 to vector<16xf32>
      %mul3A_420 = arith.mulf %get3A_417, %mul3A_419 : vector<16xf32>
      %swap3A = arith.index_cast %scan3A_414 : i32 to index
      %swap3A_421 = arith.constant 0 : index
      %swap3A_422 = tpu.vector_load %arg7[%swap3A, %swap3A_421] {strides = array<i32>} : memref<256x128xf32, #tpu.memory_space<vmem>>, vector<1x16xf32>,
      %swap3A_423 = vector.shape_cast %swap3A_422 : vector<1x16xf32> to vector<16xf32>
      %swap3A_424 = vector.shape_cast %mul3A_420 : vector<16xf32> to vector<1x16xf32>
      tpu.vector_store %arg7[%swap3A, %swap3A_421], %swap3A_424 {strides = array<i32>} : memref<256x128xf32, #tpu.memory_space<vmem>>, vector<1x16xf32>,
      %get3A_425 = arith.index_cast %scan3A_414 : i32 to index
      %get3A_426 = arith.constant 16 : index
      %get3A_427 = tpu.vector_load %arg7[%get3A_425, %get3A_426] {strides = array<i32>} : memref<256x128xf32, #tpu.memory_space<vmem>>, vector<1x16xf32>,
      %get3A_428 = vector.shape_cast %get3A_427 : vector<1x16xf32> to vector<16xf32>
      %mul3A_429 = arith.constant 11.3137083 : f32
      %mul3A_430 = vector.broadcast %mul3A_429 : f32 to vector<16xf32>
      %mul3A_431 = arith.mulf %get3A_428, %mul3A_430 : vector<16xf32>
      %swap3A_432 = arith.index_cast %scan3A_414 : i32 to index
      %swap3A_433 = arith.constant 16 : index
      %swap3A_434 = tpu.vector_load %arg7[%swap3A_432, %swap3A_433] {strides = array<i32>} : memref<256x128xf32, #tpu.memory_space<vmem>>, vector<1x16xf32>,
      %swap3A_435 = vector.shape_cast %swap3A_434 : vector<1x16xf32> to vector<16xf32>
      %swap3A_436 = vector.shape_cast %mul3A_431 : vector<16xf32> to vector<1x16xf32>
      tpu.vector_store %arg7[%swap3A_432, %swap3A_433], %swap3A_436 {strides = array<i32>} : memref<256x128xf32, #tpu.memory_space<vmem>>, vector<1x16xf32>,
      %get3A_437 = arith.index_cast %scan3A_414 : i32 to index
      %get3A_438 = arith.constant 32 : index
      %get3A_439 = tpu.vector_load %arg7[%get3A_437, %get3A_438] {strides = array<i32>} : memref<256x128xf32, #tpu.memory_space<vmem>>, vector<1x16xf32>,
      %get3A_440 = vector.shape_cast %get3A_439 : vector<1x16xf32> to vector<16xf32>
      %mul3A_441 = arith.constant 11.3137083 : f32
      %mul3A_442 = vector.broadcast %mul3A_441 : f32 to vector<16xf32>
      %mul3A_443 = arith.mulf %get3A_440, %mul3A_442 : vector<16xf32>
      %swap3A_444 = arith.index_cast %scan3A_414 : i32 to index
      %swap3A_445 = arith.constant 32 : index
      %swap3A_446 = tpu.vector_load %arg7[%swap3A_444, %swap3A_445] {strides = array<i32>} : memref<256x128xf32, #tpu.memory_space<vmem>>, vector<1x16xf32>,
      %swap3A_447 = vector.shape_cast %swap3A_446 : vector<1x16xf32> to vector<16xf32>
      %swap3A_448 = vector.shape_cast %mul3A_443 : vector<16xf32> to vector<1x16xf32>
      tpu.vector_store %arg7[%swap3A_444, %swap3A_445], %swap3A_448 {strides = array<i32>} : memref<256x128xf32, #tpu.memory_space<vmem>>, vector<1x16xf32>,
      %get3A_449 = arith.index_cast %scan3A_414 : i32 to index
      %get3A_450 = arith.constant 48 : index
      %get3A_451 = tpu.vector_load %arg7[%get3A_449, %get3A_450] {strides = array<i32>} : memref<256x128xf32, #tpu.memory_space<vmem>>, vector<1x16xf32>,
      %get3A_452 = vector.shape_cast %get3A_451 : vector<1x16xf32> to vector<16xf32>
      %mul3A_453 = arith.constant 11.3137083 : f32
      %mul3A_454 = vector.broadcast %mul3A_453 : f32 to vector<16xf32>
      %mul3A_455 = arith.mulf %get3A_452, %mul3A_454 : vector<16xf32>
      %swap3A_456 = arith.index_cast %scan3A_414 : i32 to index
      %swap3A_457 = arith.constant 48 : index
      %swap3A_458 = tpu.vector_load %arg7[%swap3A_456, %swap3A_457] {strides = array<i32>} : memref<256x128xf32, #tpu.memory_space<vmem>>, vector<1x16xf32>,
      %swap3A_459 = vector.shape_cast %swap3A_458 : vector<1x16xf32> to vector<16xf32>
      %swap3A_460 = vector.shape_cast %mul3A_455 : vector<16xf32> to vector<1x16xf32>
      tpu.vector_store %arg7[%swap3A_456, %swap3A_457], %swap3A_460 {strides = array<i32>} : memref<256x128xf32, #tpu.memory_space<vmem>>, vector<1x16xf32>,
      %get3A_461 = arith.index_cast %scan3A_414 : i32 to index
      %get3A_462 = arith.constant 64 : index
      %get3A_463 = tpu.vector_load %arg7[%get3A_461, %get3A_462] {strides = array<i32>} : memref<256x128xf32, #tpu.memory_space<vmem>>, vector<1x16xf32>,
      %get3A_464 = vector.shape_cast %get3A_463 : vector<1x16xf32> to vector<16xf32>
      %mul3A_465 = arith.constant 11.3137083 : f32
      %mul3A_466 = vector.broadcast %mul3A_465 : f32 to vector<16xf32>
      %mul3A_467 = arith.mulf %get3A_464, %mul3A_466 : vector<16xf32>
      %swap3A_468 = arith.index_cast %scan3A_414 : i32 to index
      %swap3A_469 = arith.constant 64 : index
      %swap3A_470 = tpu.vector_load %arg7[%swap3A_468, %swap3A_469] {strides = array<i32>} : memref<256x128xf32, #tpu.memory_space<vmem>>, vector<1x16xf32>,
      %swap3A_471 = vector.shape_cast %swap3A_470 : vector<1x16xf32> to vector<16xf32>
      %swap3A_472 = vector.shape_cast %mul3A_467 : vector<16xf32> to vector<1x16xf32>
      tpu.vector_store %arg7[%swap3A_468, %swap3A_469], %swap3A_472 {strides = array<i32>} : memref<256x128xf32, #tpu.memory_space<vmem>>, vector<1x16xf32>,
      %get3A_473 = arith.index_cast %scan3A_414 : i32 to index
      %get3A_474 = arith.constant 80 : index
      %get3A_475 = tpu.vector_load %arg7[%get3A_473, %get3A_474] {strides = array<i32>} : memref<256x128xf32, #tpu.memory_space<vmem>>, vector<1x16xf32>,
      %get3A_476 = vector.shape_cast %get3A_475 : vector<1x16xf32> to vector<16xf32>
      %mul3A_477 = arith.constant 11.3137083 : f32
      %mul3A_478 = vector.broadcast %mul3A_477 : f32 to vector<16xf32>
      %mul3A_479 = arith.mulf %get3A_476, %mul3A_478 : vector<16xf32>
      %swap3A_480 = arith.index_cast %scan3A_414 : i32 to index
      %swap3A_481 = arith.constant 80 : index
      %swap3A_482 = tpu.vector_load %arg7[%swap3A_480, %swap3A_481] {strides = array<i32>} : memref<256x128xf32, #tpu.memory_space<vmem>>, vector<1x16xf32>,
      %swap3A_483 = vector.shape_cast %swap3A_482 : vector<1x16xf32> to vector<16xf32>
      %swap3A_484 = vector.shape_cast %mul3A_479 : vector<16xf32> to vector<1x16xf32>
      tpu.vector_store %arg7[%swap3A_480, %swap3A_481], %swap3A_484 {strides = array<i32>} : memref<256x128xf32, #tpu.memory_space<vmem>>, vector<1x16xf32>,
      %get3A_485 = arith.index_cast %scan3A_414 : i32 to index
      %get3A_486 = arith.constant 96 : index
      %get3A_487 = tpu.vector_load %arg7[%get3A_485, %get3A_486] {strides = array<i32>} : memref<256x128xf32, #tpu.memory_space<vmem>>, vector<1x16xf32>,
      %get3A_488 = vector.shape_cast %get3A_487 : vector<1x16xf32> to vector<16xf32>
      %mul3A_489 = arith.constant 11.3137083 : f32
      %mul3A_490 = vector.broadcast %mul3A_489 : f32 to vector<16xf32>
      %mul3A_491 = arith.mulf %get3A_488, %mul3A_490 : vector<16xf32>
      %swap3A_492 = arith.index_cast %scan3A_414 : i32 to index
      %swap3A_493 = arith.constant 96 : index
      %swap3A_494 = tpu.vector_load %arg7[%swap3A_492, %swap3A_493] {strides = array<i32>} : memref<256x128xf32, #tpu.memory_space<vmem>>, vector<1x16xf32>,
      %swap3A_495 = vector.shape_cast %swap3A_494 : vector<1x16xf32> to vector<16xf32>
      %swap3A_496 = vector.shape_cast %mul3A_491 : vector<16xf32> to vector<1x16xf32>
      tpu.vector_store %arg7[%swap3A_492, %swap3A_493], %swap3A_496 {strides = array<i32>} : memref<256x128xf32, #tpu.memory_space<vmem>>, vector<1x16xf32>,
      %get3A_497 = arith.index_cast %scan3A_414 : i32 to index
      %get3A_498 = arith.constant 112 : index
      %get3A_499 = tpu.vector_load %arg7[%get3A_497, %get3A_498] {strides = array<i32>} : memref<256x128xf32, #tpu.memory_space<vmem>>, vector<1x16xf32>,
      %get3A_500 = vector.shape_cast %get3A_499 : vector<1x16xf32> to vector<16xf32>
      %mul3A_501 = arith.constant 11.3137083 : f32
      %mul3A_502 = vector.broadcast %mul3A_501 : f32 to vector<16xf32>
      %mul3A_503 = arith.mulf %get3A_500, %mul3A_502 : vector<16xf32>
      %swap3A_504 = arith.index_cast %scan3A_414 : i32 to index
      %swap3A_505 = arith.constant 112 : index
      %swap3A_506 = tpu.vector_load %arg7[%swap3A_504, %swap3A_505] {strides = array<i32>} : memref<256x128xf32, #tpu.memory_space<vmem>>, vector<1x16xf32>,
      %swap3A_507 = vector.shape_cast %swap3A_506 : vector<1x16xf32> to vector<16xf32>
      %swap3A_508 = vector.shape_cast %mul3A_503 : vector<16xf32> to vector<1x16xf32>
      tpu.vector_store %arg7[%swap3A_504, %swap3A_505], %swap3A_508 {strides = array<i32>} : memref<256x128xf32, #tpu.memory_space<vmem>>, vector<1x16xf32>,
      %scan3A_509 = arith.constant 1 : i32
      %scan3A_510 = arith.addi %scan3A_414, %scan3A_509 : i32
      %get3A_511 = arith.index_cast %scan3A_510 : i32 to index
      %get3A_512 = arith.constant 0 : index
      %get3A_513 = tpu.vector_load %arg7[%get3A_511, %get3A_512] {strides = array<i32>} : memref<256x128xf32, #tpu.memory_space<vmem>>, vector<1x16xf32>,
      %get3A_514 = vector.shape_cast %get3A_513 : vector<1x16xf32> to vector<16xf32>
      %mul3A_515 = arith.constant 11.3137083 : f32
      %mul3A_516 = vector.broadcast %mul3A_515 : f32 to vector<16xf32>
      %mul3A_517 = arith.mulf %get3A_514, %mul3A_516 : vector<16xf32>
      %swap3A_518 = arith.index_cast %scan3A_510 : i32 to index
      %swap3A_519 = arith.constant 0 : index
      %swap3A_520 = tpu.vector_load %arg7[%swap3A_518, %swap3A_519] {strides = array<i32>} : memref<256x128xf32, #tpu.memory_space<vmem>>, vector<1x16xf32>,
      %swap3A_521 = vector.shape_cast %swap3A_520 : vector<1x16xf32> to vector<16xf32>
      %swap3A_522 = vector.shape_cast %mul3A_517 : vector<16xf32> to vector<1x16xf32>
      tpu.vector_store %arg7[%swap3A_518, %swap3A_519], %swap3A_522 {strides = array<i32>} : memref<256x128xf32, #tpu.memory_space<vmem>>, vector<1x16xf32>,
      %get3A_523 = arith.index_cast %scan3A_510 : i32 to index
      %get3A_524 = arith.constant 16 : index
      %get3A_525 = tpu.vector_load %arg7[%get3A_523, %get3A_524] {strides = array<i32>} : memref<256x128xf32, #tpu.memory_space<vmem>>, vector<1x16xf32>,
      %get3A_526 = vector.shape_cast %get3A_525 : vector<1x16xf32> to vector<16xf32>
      %mul3A_527 = arith.constant 11.3137083 : f32
      %mul3A_528 = vector.broadcast %mul3A_527 : f32 to vector<16xf32>
      %mul3A_529 = arith.mulf %get3A_526, %mul3A_528 : vector<16xf32>
      %swap3A_530 = arith.index_cast %scan3A_510 : i32 to index
      %swap3A_531 = arith.constant 16 : index
      %swap3A_532 = tpu.vector_load %arg7[%swap3A_530, %swap3A_531] {strides = array<i32>} : memref<256x128xf32, #tpu.memory_space<vmem>>, vector<1x16xf32>,
      %swap3A_533 = vector.shape_cast %swap3A_532 : vector<1x16xf32> to vector<16xf32>
      %swap3A_534 = vector.shape_cast %mul3A_529 : vector<16xf32> to vector<1x16xf32>
      tpu.vector_store %arg7[%swap3A_530, %swap3A_531], %swap3A_534 {strides = array<i32>} : memref<256x128xf32, #tpu.memory_space<vmem>>, vector<1x16xf32>,
      %get3A_535 = arith.index_cast %scan3A_510 : i32 to index
      %get3A_536 = arith.constant 32 : index
      %get3A_537 = tpu.vector_load %arg7[%get3A_535, %get3A_536] {strides = array<i32>} : memref<256x128xf32, #tpu.memory_space<vmem>>, vector<1x16xf32>,
      %get3A_538 = vector.shape_cast %get3A_537 : vector<1x16xf32> to vector<16xf32>
      %mul3A_539 = arith.constant 11.3137083 : f32
      %mul3A_540 = vector.broadcast %mul3A_539 : f32 to vector<16xf32>
      %mul3A_541 = arith.mulf %get3A_538, %mul3A_540 : vector<16xf32>
      %swap3A_542 = arith.index_cast %scan3A_510 : i32 to index
      %swap3A_543 = arith.constant 32 : index
      %swap3A_544 = tpu.vector_load %arg7[%swap3A_542, %swap3A_543] {strides = array<i32>} : memref<256x128xf32, #tpu.memory_space<vmem>>, vector<1x16xf32>,
      %swap3A_545 = vector.shape_cast %swap3A_544 : vector<1x16xf32> to vector<16xf32>
      %swap3A_546 = vector.shape_cast %mul3A_541 : vector<16xf32> to vector<1x16xf32>
      tpu.vector_store %arg7[%swap3A_542, %swap3A_543], %swap3A_546 {strides = array<i32>} : memref<256x128xf32, #tpu.memory_space<vmem>>, vector<1x16xf32>,
      %get3A_547 = arith.index_cast %scan3A_510 : i32 to index
      %get3A_548 = arith.constant 48 : index
      %get3A_549 = tpu.vector_load %arg7[%get3A_547, %get3A_548] {strides = array<i32>} : memref<256x128xf32, #tpu.memory_space<vmem>>, vector<1x16xf32>,
      %get3A_550 = vector.shape_cast %get3A_549 : vector<1x16xf32> to vector<16xf32>
      %mul3A_551 = arith.constant 11.3137083 : f32
      %mul3A_552 = vector.broadcast %mul3A_551 : f32 to vector<16xf32>
      %mul3A_553 = arith.mulf %get3A_550, %mul3A_552 : vector<16xf32>
      %swap3A_554 = arith.index_cast %scan3A_510 : i32 to index
      %swap3A_555 = arith.constant 48 : index
      %swap3A_556 = tpu.vector_load %arg7[%swap3A_554, %swap3A_555] {strides = array<i32>} : memref<256x128xf32, #tpu.memory_space<vmem>>, vector<1x16xf32>,
      %swap3A_557 = vector.shape_cast %swap3A_556 : vector<1x16xf32> to vector<16xf32>
      %swap3A_558 = vector.shape_cast %mul3A_553 : vector<16xf32> to vector<1x16xf32>
      tpu.vector_store %arg7[%swap3A_554, %swap3A_555], %swap3A_558 {strides = array<i32>} : memref<256x128xf32, #tpu.memory_space<vmem>>, vector<1x16xf32>,
      %get3A_559 = arith.index_cast %scan3A_510 : i32 to index
      %get3A_560 = arith.constant 64 : index
      %get3A_561 = tpu.vector_load %arg7[%get3A_559, %get3A_560] {strides = array<i32>} : memref<256x128xf32, #tpu.memory_space<vmem>>, vector<1x16xf32>,
      %get3A_562 = vector.shape_cast %get3A_561 : vector<1x16xf32> to vector<16xf32>
      %mul3A_563 = arith.constant 11.3137083 : f32
      %mul3A_564 = vector.broadcast %mul3A_563 : f32 to vector<16xf32>
      %mul3A_565 = arith.mulf %get3A_562, %mul3A_564 : vector<16xf32>
      %swap3A_566 = arith.index_cast %scan3A_510 : i32 to index
      %swap3A_567 = arith.constant 64 : index
      %swap3A_568 = tpu.vector_load %arg7[%swap3A_566, %swap3A_567] {strides = array<i32>} : memref<256x128xf32, #tpu.memory_space<vmem>>, vector<1x16xf32>,
      %swap3A_569 = vector.shape_cast %swap3A_568 : vector<1x16xf32> to vector<16xf32>
      %swap3A_570 = vector.shape_cast %mul3A_565 : vector<16xf32> to vector<1x16xf32>
      tpu.vector_store %arg7[%swap3A_566, %swap3A_567], %swap3A_570 {strides = array<i32>} : memref<256x128xf32, #tpu.memory_space<vmem>>, vector<1x16xf32>,
      %get3A_571 = arith.index_cast %scan3A_510 : i32 to index
      %get3A_572 = arith.constant 80 : index
      %get3A_573 = tpu.vector_load %arg7[%get3A_571, %get3A_572] {strides = array<i32>} : memref<256x128xf32, #tpu.memory_space<vmem>>, vector<1x16xf32>,
      %get3A_574 = vector.shape_cast %get3A_573 : vector<1x16xf32> to vector<16xf32>
      %mul3A_575 = arith.constant 11.3137083 : f32
      %mul3A_576 = vector.broadcast %mul3A_575 : f32 to vector<16xf32>
      %mul3A_577 = arith.mulf %get3A_574, %mul3A_576 : vector<16xf32>
      %swap3A_578 = arith.index_cast %scan3A_510 : i32 to index
      %swap3A_579 = arith.constant 80 : index
      %swap3A_580 = tpu.vector_load %arg7[%swap3A_578, %swap3A_579] {strides = array<i32>} : memref<256x128xf32, #tpu.memory_space<vmem>>, vector<1x16xf32>,
      %swap3A_581 = vector.shape_cast %swap3A_580 : vector<1x16xf32> to vector<16xf32>
      %swap3A_582 = vector.shape_cast %mul3A_577 : vector<16xf32> to vector<1x16xf32>
      tpu.vector_store %arg7[%swap3A_578, %swap3A_579], %swap3A_582 {strides = array<i32>} : memref<256x128xf32, #tpu.memory_space<vmem>>, vector<1x16xf32>,
      %get3A_583 = arith.index_cast %scan3A_510 : i32 to index
      %get3A_584 = arith.constant 96 : index
      %get3A_585 = tpu.vector_load %arg7[%get3A_583, %get3A_584] {strides = array<i32>} : memref<256x128xf32, #tpu.memory_space<vmem>>, vector<1x16xf32>,
      %get3A_586 = vector.shape_cast %get3A_585 : vector<1x16xf32> to vector<16xf32>
      %mul3A_587 = arith.constant 11.3137083 : f32
      %mul3A_588 = vector.broadcast %mul3A_587 : f32 to vector<16xf32>
      %mul3A_589 = arith.mulf %get3A_586, %mul3A_588 : vector<16xf32>
      %swap3A_590 = arith.index_cast %scan3A_510 : i32 to index
      %swap3A_591 = arith.constant 96 : index
      %swap3A_592 = tpu.vector_load %arg7[%swap3A_590, %swap3A_591] {strides = array<i32>} : memref<256x128xf32, #tpu.memory_space<vmem>>, vector<1x16xf32>,
      %swap3A_593 = vector.shape_cast %swap3A_592 : vector<1x16xf32> to vector<16xf32>
      %swap3A_594 = vector.shape_cast %mul3A_589 : vector<16xf32> to vector<1x16xf32>
      tpu.vector_store %arg7[%swap3A_590, %swap3A_591], %swap3A_594 {strides = array<i32>} : memref<256x128xf32, #tpu.memory_space<vmem>>, vector<1x16xf32>,
      %get3A_595 = arith.index_cast %scan3A_510 : i32 to index
      %get3A_596 = arith.constant 112 : index
      %get3A_597 = tpu.vector_load %arg7[%get3A_595, %get3A_596] {strides = array<i32>} : memref<256x128xf32, #tpu.memory_space<vmem>>, vector<1x16xf32>,
      %get3A_598 = vector.shape_cast %get3A_597 : vector<1x16xf32> to vector<16xf32>
      %mul3A_599 = arith.constant 11.3137083 : f32
      %mul3A_600 = vector.broadcast %mul3A_599 : f32 to vector<16xf32>
      %mul3A_601 = arith.mulf %get3A_598, %mul3A_600 : vector<16xf32>
      %swap3A_602 = arith.index_cast %scan3A_510 : i32 to index
      %swap3A_603 = arith.constant 112 : index
      %swap3A_604 = tpu.vector_load %arg7[%swap3A_602, %swap3A_603] {strides = array<i32>} : memref<256x128xf32, #tpu.memory_space<vmem>>, vector<1x16xf32>,
      %swap3A_605 = vector.shape_cast %swap3A_604 : vector<1x16xf32> to vector<16xf32>
      %swap3A_606 = vector.shape_cast %mul3A_601 : vector<16xf32> to vector<1x16xf32>
      tpu.vector_store %arg7[%swap3A_602, %swap3A_603], %swap3A_606 {strides = array<i32>} : memref<256x128xf32, #tpu.memory_space<vmem>>, vector<1x16xf32>,
    }
    %scan3A_119 = arith.constant 256 : i32
    %add3A_120 = arith.constant 256 : i32
    %add3A_121 = arith.addi %mul3A_2, %add3A_120 : i32
    %dma_start3A_122 = arith.constant 0 : i32
    %dma_start3A_123 = tpu.memref_slice %arg4[%add3A_121, %dma_start3A_122] : memref<819200x128xf32, #tpu.memory_space<hbm>> -> memref<256x128xf32, #tpu.memory_space<hbm>>
    %dma_start3A_124 = arith.constant 0 : i32
    %dma_start3A_125 = tpu.memref_slice %arg4[%add3A_121, %dma_start3A_124] : memref<819200x128xf32, #tpu.memory_space<hbm>> -> memref<256x128xf32, #tpu.memory_space<hbm>>
    tpu.enqueue_dma source(%arg7 : memref<256x128xf32, #tpu.memory_space<vmem>>) target(%dma_start3A_125 : memref<256x128xf32, #tpu.memory_space<hbm>>) target_semaphore(%arg13 : memref<!tpu.dma_semaphore, #tpu.memory_space<semaphore_mem>>)
    %add3A_126 = arith.constant 0 : i32
    %add3A_127 = arith.addi %mul3A_2, %add3A_126 : i32
    %dma_wait3A_128 = arith.constant 0 : i32
    %dma_wait3A_129 = tpu.memref_slice %arg4[%add3A_127, %dma_wait3A_128] : memref<819200x128xf32, #tpu.memory_space<hbm>> -> memref<256x128xf32, #tpu.memory_space<hbm>>
    %dma_wait3A_130 = arith.constant 0 : i32
    %dma_wait3A_131 = tpu.memref_slice %arg4[%add3A_127, %dma_wait3A_130] : memref<819200x128xf32, #tpu.memory_space<hbm>> -> memref<256x128xf32, #tpu.memory_space<hbm>>
    tpu.wait_dma2 semaphore(%arg12 : memref<!tpu.dma_semaphore, #tpu.memory_space<semaphore_mem>>) src(%arg6 : memref<256x128xf32, #tpu.memory_space<vmem>>) dst(%dma_wait3A_131 : memref<256x128xf32, #tpu.memory_space<hbm>>)
    %dma_start3A_132 = arith.constant 6 : i32
    %dma_start3A_133 = arith.constant 0 : i32
    %dma_start3A_134 = arith.constant 0 : i32
    %dma_start3A_135 = tpu.memref_slice %arg6[%dma_start3A_133, %dma_start3A_134] : memref<256x128xf32, #tpu.memory_space<vmem>> -> memref<128x128xf32, #tpu.memory_space<vmem>>
    %dma_start3A_136 = arith.constant 0 : i32
    %dma_start3A_137 = tpu.memref_slice %arg5[%dma_start3A_132, %dma_start3A_136] : memref<200x128xi32, #tpu.memory_space<vmem>> -> memref<1x128xi32, #tpu.memory_space<vmem>>
    %dma_start3A_138 = tpu.memref_squeeze %dma_start3A_137 : memref<1x128xi32, #tpu.memory_space<vmem>> -> memref<128xi32, #tpu.memory_space<vmem>>
    %dma_start3A_139 = arith.constant 0 : i32
    %dma_start3A_140 = arith.constant 0 : i32
    %dma_start3A_141 = tpu.memref_slice %arg3[%dma_start3A_139, %dma_start3A_140] : memref<100000x128xf32, #tpu.memory_space<hbm>> -> memref<100000x128xf32, #tpu.memory_space<hbm>>
    tpu.enqueue_indirect_dma source(%dma_start3A_141 : memref<100000x128xf32, #tpu.memory_space<hbm>>) target(%dma_start3A_135 : memref<128x128xf32, #tpu.memory_space<vmem>>) offsets(%dma_start3A_138 : memref<128xi32, #tpu.memory_space<vmem>>) semaphore(%arg9 : memref<!tpu.dma_semaphore, #tpu.memory_space<semaphore_mem>>)
    %dma_start3A_142 = arith.constant 7 : i32
    %dma_start3A_143 = arith.constant 128 : i32
    %dma_start3A_144 = arith.constant 0 : i32
    %dma_start3A_145 = tpu.memref_slice %arg6[%dma_start3A_143, %dma_start3A_144] : memref<256x128xf32, #tpu.memory_space<vmem>> -> memref<128x128xf32, #tpu.memory_space<vmem>>
    %dma_start3A_146 = arith.constant 0 : i32
    %dma_start3A_147 = tpu.memref_slice %arg5[%dma_start3A_142, %dma_start3A_146] : memref<200x128xi32, #tpu.memory_space<vmem>> -> memref<1x128xi32, #tpu.memory_space<vmem>>
    %dma_start3A_148 = tpu.memref_squeeze %dma_start3A_147 : memref<1x128xi32, #tpu.memory_space<vmem>> -> memref<128xi32, #tpu.memory_space<vmem>>
    %dma_start3A_149 = arith.constant 0 : i32
    %dma_start3A_150 = arith.constant 0 : i32
    %dma_start3A_151 = tpu.memref_slice %arg3[%dma_start3A_149, %dma_start3A_150] : memref<100000x128xf32, #tpu.memory_space<hbm>> -> memref<100000x128xf32, #tpu.memory_space<hbm>>
    tpu.enqueue_indirect_dma source(%dma_start3A_151 : memref<100000x128xf32, #tpu.memory_space<hbm>>) target(%dma_start3A_145 : memref<128x128xf32, #tpu.memory_space<vmem>>) offsets(%dma_start3A_148 : memref<128xi32, #tpu.memory_space<vmem>>) semaphore(%arg9 : memref<!tpu.dma_semaphore, #tpu.memory_space<semaphore_mem>>)
    %dma_wait3A_152 = arith.constant 4 : i32
    %dma_wait3A_153 = arith.constant 0 : i32
    %dma_wait3A_154 = arith.constant 0 : i32
    %dma_wait3A_155 = tpu.memref_slice %arg8[%dma_wait3A_153, %dma_wait3A_154] : memref<256x128xf32, #tpu.memory_space<vmem>> -> memref<128x128xf32, #tpu.memory_space<vmem>>
    %dma_wait3A_156 = arith.constant 0 : i32
    %dma_wait3A_157 = tpu.memref_slice %arg5[%dma_wait3A_152, %dma_wait3A_156] : memref<200x128xi32, #tpu.memory_space<vmem>> -> memref<1x128xi32, #tpu.memory_space<vmem>>
    %dma_wait3A_158 = tpu.memref_squeeze %dma_wait3A_157 : memref<1x128xi32, #tpu.memory_space<vmem>> -> memref<128xi32, #tpu.memory_space<vmem>>
    %dma_wait3A_159 = arith.constant 0 : i32
    %dma_wait3A_160 = arith.constant 0 : i32
    %dma_wait3A_161 = tpu.memref_slice %arg3[%dma_wait3A_159, %dma_wait3A_160] : memref<100000x128xf32, #tpu.memory_space<hbm>> -> memref<100000x128xf32, #tpu.memory_space<hbm>>
    tpu.wait_indirect_dma semaphore(%arg11 : memref<!tpu.dma_semaphore, #tpu.memory_space<semaphore_mem>>) src(%dma_wait3A_161 : memref<100000x128xf32, #tpu.memory_space<hbm>>) dst(%dma_wait3A_155 : memref<128x128xf32, #tpu.memory_space<vmem>>)
    %dma_wait3A_162 = arith.constant 5 : i32
    %dma_wait3A_163 = arith.constant 128 : i32
    %dma_wait3A_164 = arith.constant 0 : i32
    %dma_wait3A_165 = tpu.memref_slice %arg8[%dma_wait3A_163, %dma_wait3A_164] : memref<256x128xf32, #tpu.memory_space<vmem>> -> memref<128x128xf32, #tpu.memory_space<vmem>>
    %dma_wait3A_166 = arith.constant 0 : i32
    %dma_wait3A_167 = tpu.memref_slice %arg5[%dma_wait3A_162, %dma_wait3A_166] : memref<200x128xi32, #tpu.memory_space<vmem>> -> memref<1x128xi32, #tpu.memory_space<vmem>>
    %dma_wait3A_168 = tpu.memref_squeeze %dma_wait3A_167 : memref<1x128xi32, #tpu.memory_space<vmem>> -> memref<128xi32, #tpu.memory_space<vmem>>
    %dma_wait3A_169 = arith.constant 0 : i32
    %dma_wait3A_170 = arith.constant 0 : i32
    %dma_wait3A_171 = tpu.memref_slice %arg3[%dma_wait3A_169, %dma_wait3A_170] : memref<100000x128xf32, #tpu.memory_space<hbm>> -> memref<100000x128xf32, #tpu.memory_space<hbm>>
    tpu.wait_indirect_dma semaphore(%arg11 : memref<!tpu.dma_semaphore, #tpu.memory_space<semaphore_mem>>) src(%dma_wait3A_171 : memref<100000x128xf32, #tpu.memory_space<hbm>>) dst(%dma_wait3A_165 : memref<128x128xf32, #tpu.memory_space<vmem>>)
    %scan3A_172 = arith.constant 0 : i32
    %scan3A_173 = arith.constant 0 : i32
    %scan3A_174 = arith.constant 256 : i32
    %scan3A_175 = arith.addi %scan3A_173, %scan3A_174 : i32
    %scan3A_176 = arith.constant 2 : i32
    scf.for %scan3A_414 = %scan3A_173 to %scan3A_175 step %scan3A_176  : i32 {
      %get3A = arith.index_cast %scan3A_414 : i32 to index
      %get3A_415 = arith.constant 0 : index
      %get3A_416 = tpu.vector_load %arg8[%get3A, %get3A_415] {strides = array<i32>} : memref<256x128xf32, #tpu.memory_space<vmem>>, vector<1x16xf32>,
      %get3A_417 = vector.shape_cast %get3A_416 : vector<1x16xf32> to vector<16xf32>
      %mul3A_418 = arith.constant 11.3137083 : f32
      %mul3A_419 = vector.broadcast %mul3A_418 : f32 to vector<16xf32>
      %mul3A_420 = arith.mulf %get3A_417, %mul3A_419 : vector<16xf32>
      %swap3A = arith.index_cast %scan3A_414 : i32 to index
      %swap3A_421 = arith.constant 0 : index
      %swap3A_422 = tpu.vector_load %arg8[%swap3A, %swap3A_421] {strides = array<i32>} : memref<256x128xf32, #tpu.memory_space<vmem>>, vector<1x16xf32>,
      %swap3A_423 = vector.shape_cast %swap3A_422 : vector<1x16xf32> to vector<16xf32>
      %swap3A_424 = vector.shape_cast %mul3A_420 : vector<16xf32> to vector<1x16xf32>
      tpu.vector_store %arg8[%swap3A, %swap3A_421], %swap3A_424 {strides = array<i32>} : memref<256x128xf32, #tpu.memory_space<vmem>>, vector<1x16xf32>,
      %get3A_425 = arith.index_cast %scan3A_414 : i32 to index
      %get3A_426 = arith.constant 16 : index
      %get3A_427 = tpu.vector_load %arg8[%get3A_425, %get3A_426] {strides = array<i32>} : memref<256x128xf32, #tpu.memory_space<vmem>>, vector<1x16xf32>,
      %get3A_428 = vector.shape_cast %get3A_427 : vector<1x16xf32> to vector<16xf32>
      %mul3A_429 = arith.constant 11.3137083 : f32
      %mul3A_430 = vector.broadcast %mul3A_429 : f32 to vector<16xf32>
      %mul3A_431 = arith.mulf %get3A_428, %mul3A_430 : vector<16xf32>
      %swap3A_432 = arith.index_cast %scan3A_414 : i32 to index
      %swap3A_433 = arith.constant 16 : index
      %swap3A_434 = tpu.vector_load %arg8[%swap3A_432, %swap3A_433] {strides = array<i32>} : memref<256x128xf32, #tpu.memory_space<vmem>>, vector<1x16xf32>,
      %swap3A_435 = vector.shape_cast %swap3A_434 : vector<1x16xf32> to vector<16xf32>
      %swap3A_436 = vector.shape_cast %mul3A_431 : vector<16xf32> to vector<1x16xf32>
      tpu.vector_store %arg8[%swap3A_432, %swap3A_433], %swap3A_436 {strides = array<i32>} : memref<256x128xf32, #tpu.memory_space<vmem>>, vector<1x16xf32>,
      %get3A_437 = arith.index_cast %scan3A_414 : i32 to index
      %get3A_438 = arith.constant 32 : index
      %get3A_439 = tpu.vector_load %arg8[%get3A_437, %get3A_438] {strides = array<i32>} : memref<256x128xf32, #tpu.memory_space<vmem>>, vector<1x16xf32>,
      %get3A_440 = vector.shape_cast %get3A_439 : vector<1x16xf32> to vector<16xf32>
      %mul3A_441 = arith.constant 11.3137083 : f32
      %mul3A_442 = vector.broadcast %mul3A_441 : f32 to vector<16xf32>
      %mul3A_443 = arith.mulf %get3A_440, %mul3A_442 : vector<16xf32>
      %swap3A_444 = arith.index_cast %scan3A_414 : i32 to index
      %swap3A_445 = arith.constant 32 : index
      %swap3A_446 = tpu.vector_load %arg8[%swap3A_444, %swap3A_445] {strides = array<i32>} : memref<256x128xf32, #tpu.memory_space<vmem>>, vector<1x16xf32>,
      %swap3A_447 = vector.shape_cast %swap3A_446 : vector<1x16xf32> to vector<16xf32>
      %swap3A_448 = vector.shape_cast %mul3A_443 : vector<16xf32> to vector<1x16xf32>
      tpu.vector_store %arg8[%swap3A_444, %swap3A_445], %swap3A_448 {strides = array<i32>} : memref<256x128xf32, #tpu.memory_space<vmem>>, vector<1x16xf32>,
      %get3A_449 = arith.index_cast %scan3A_414 : i32 to index
      %get3A_450 = arith.constant 48 : index
      %get3A_451 = tpu.vector_load %arg8[%get3A_449, %get3A_450] {strides = array<i32>} : memref<256x128xf32, #tpu.memory_space<vmem>>, vector<1x16xf32>,
      %get3A_452 = vector.shape_cast %get3A_451 : vector<1x16xf32> to vector<16xf32>
      %mul3A_453 = arith.constant 11.3137083 : f32
      %mul3A_454 = vector.broadcast %mul3A_453 : f32 to vector<16xf32>
      %mul3A_455 = arith.mulf %get3A_452, %mul3A_454 : vector<16xf32>
      %swap3A_456 = arith.index_cast %scan3A_414 : i32 to index
      %swap3A_457 = arith.constant 48 : index
      %swap3A_458 = tpu.vector_load %arg8[%swap3A_456, %swap3A_457] {strides = array<i32>} : memref<256x128xf32, #tpu.memory_space<vmem>>, vector<1x16xf32>,
      %swap3A_459 = vector.shape_cast %swap3A_458 : vector<1x16xf32> to vector<16xf32>
      %swap3A_460 = vector.shape_cast %mul3A_455 : vector<16xf32> to vector<1x16xf32>
      tpu.vector_store %arg8[%swap3A_456, %swap3A_457], %swap3A_460 {strides = array<i32>} : memref<256x128xf32, #tpu.memory_space<vmem>>, vector<1x16xf32>,
      %get3A_461 = arith.index_cast %scan3A_414 : i32 to index
      %get3A_462 = arith.constant 64 : index
      %get3A_463 = tpu.vector_load %arg8[%get3A_461, %get3A_462] {strides = array<i32>} : memref<256x128xf32, #tpu.memory_space<vmem>>, vector<1x16xf32>,
      %get3A_464 = vector.shape_cast %get3A_463 : vector<1x16xf32> to vector<16xf32>
      %mul3A_465 = arith.constant 11.3137083 : f32
      %mul3A_466 = vector.broadcast %mul3A_465 : f32 to vector<16xf32>
      %mul3A_467 = arith.mulf %get3A_464, %mul3A_466 : vector<16xf32>
      %swap3A_468 = arith.index_cast %scan3A_414 : i32 to index
      %swap3A_469 = arith.constant 64 : index
      %swap3A_470 = tpu.vector_load %arg8[%swap3A_468, %swap3A_469] {strides = array<i32>} : memref<256x128xf32, #tpu.memory_space<vmem>>, vector<1x16xf32>,
      %swap3A_471 = vector.shape_cast %swap3A_470 : vector<1x16xf32> to vector<16xf32>
      %swap3A_472 = vector.shape_cast %mul3A_467 : vector<16xf32> to vector<1x16xf32>
      tpu.vector_store %arg8[%swap3A_468, %swap3A_469], %swap3A_472 {strides = array<i32>} : memref<256x128xf32, #tpu.memory_space<vmem>>, vector<1x16xf32>,
      %get3A_473 = arith.index_cast %scan3A_414 : i32 to index
      %get3A_474 = arith.constant 80 : index
      %get3A_475 = tpu.vector_load %arg8[%get3A_473, %get3A_474] {strides = array<i32>} : memref<256x128xf32, #tpu.memory_space<vmem>>, vector<1x16xf32>,
      %get3A_476 = vector.shape_cast %get3A_475 : vector<1x16xf32> to vector<16xf32>
      %mul3A_477 = arith.constant 11.3137083 : f32
      %mul3A_478 = vector.broadcast %mul3A_477 : f32 to vector<16xf32>
      %mul3A_479 = arith.mulf %get3A_476, %mul3A_478 : vector<16xf32>
      %swap3A_480 = arith.index_cast %scan3A_414 : i32 to index
      %swap3A_481 = arith.constant 80 : index
      %swap3A_482 = tpu.vector_load %arg8[%swap3A_480, %swap3A_481] {strides = array<i32>} : memref<256x128xf32, #tpu.memory_space<vmem>>, vector<1x16xf32>,
      %swap3A_483 = vector.shape_cast %swap3A_482 : vector<1x16xf32> to vector<16xf32>
      %swap3A_484 = vector.shape_cast %mul3A_479 : vector<16xf32> to vector<1x16xf32>
      tpu.vector_store %arg8[%swap3A_480, %swap3A_481], %swap3A_484 {strides = array<i32>} : memref<256x128xf32, #tpu.memory_space<vmem>>, vector<1x16xf32>,
      %get3A_485 = arith.index_cast %scan3A_414 : i32 to index
      %get3A_486 = arith.constant 96 : index
      %get3A_487 = tpu.vector_load %arg8[%get3A_485, %get3A_486] {strides = array<i32>} : memref<256x128xf32, #tpu.memory_space<vmem>>, vector<1x16xf32>,
      %get3A_488 = vector.shape_cast %get3A_487 : vector<1x16xf32> to vector<16xf32>
      %mul3A_489 = arith.constant 11.3137083 : f32
      %mul3A_490 = vector.broadcast %mul3A_489 : f32 to vector<16xf32>
      %mul3A_491 = arith.mulf %get3A_488, %mul3A_490 : vector<16xf32>
      %swap3A_492 = arith.index_cast %scan3A_414 : i32 to index
      %swap3A_493 = arith.constant 96 : index
      %swap3A_494 = tpu.vector_load %arg8[%swap3A_492, %swap3A_493] {strides = array<i32>} : memref<256x128xf32, #tpu.memory_space<vmem>>, vector<1x16xf32>,
      %swap3A_495 = vector.shape_cast %swap3A_494 : vector<1x16xf32> to vector<16xf32>
      %swap3A_496 = vector.shape_cast %mul3A_491 : vector<16xf32> to vector<1x16xf32>
      tpu.vector_store %arg8[%swap3A_492, %swap3A_493], %swap3A_496 {strides = array<i32>} : memref<256x128xf32, #tpu.memory_space<vmem>>, vector<1x16xf32>,
      %get3A_497 = arith.index_cast %scan3A_414 : i32 to index
      %get3A_498 = arith.constant 112 : index
      %get3A_499 = tpu.vector_load %arg8[%get3A_497, %get3A_498] {strides = array<i32>} : memref<256x128xf32, #tpu.memory_space<vmem>>, vector<1x16xf32>,
      %get3A_500 = vector.shape_cast %get3A_499 : vector<1x16xf32> to vector<16xf32>
      %mul3A_501 = arith.constant 11.3137083 : f32
      %mul3A_502 = vector.broadcast %mul3A_501 : f32 to vector<16xf32>
      %mul3A_503 = arith.mulf %get3A_500, %mul3A_502 : vector<16xf32>
      %swap3A_504 = arith.index_cast %scan3A_414 : i32 to index
      %swap3A_505 = arith.constant 112 : index
      %swap3A_506 = tpu.vector_load %arg8[%swap3A_504, %swap3A_505] {strides = array<i32>} : memref<256x128xf32, #tpu.memory_space<vmem>>, vector<1x16xf32>,
      %swap3A_507 = vector.shape_cast %swap3A_506 : vector<1x16xf32> to vector<16xf32>
      %swap3A_508 = vector.shape_cast %mul3A_503 : vector<16xf32> to vector<1x16xf32>
      tpu.vector_store %arg8[%swap3A_504, %swap3A_505], %swap3A_508 {strides = array<i32>} : memref<256x128xf32, #tpu.memory_space<vmem>>, vector<1x16xf32>,
      %scan3A_509 = arith.constant 1 : i32
      %scan3A_510 = arith.addi %scan3A_414, %scan3A_509 : i32
      %get3A_511 = arith.index_cast %scan3A_510 : i32 to index
      %get3A_512 = arith.constant 0 : index
      %get3A_513 = tpu.vector_load %arg8[%get3A_511, %get3A_512] {strides = array<i32>} : memref<256x128xf32, #tpu.memory_space<vmem>>, vector<1x16xf32>,
      %get3A_514 = vector.shape_cast %get3A_513 : vector<1x16xf32> to vector<16xf32>
      %mul3A_515 = arith.constant 11.3137083 : f32
      %mul3A_516 = vector.broadcast %mul3A_515 : f32 to vector<16xf32>
      %mul3A_517 = arith.mulf %get3A_514, %mul3A_516 : vector<16xf32>
      %swap3A_518 = arith.index_cast %scan3A_510 : i32 to index
      %swap3A_519 = arith.constant 0 : index
      %swap3A_520 = tpu.vector_load %arg8[%swap3A_518, %swap3A_519] {strides = array<i32>} : memref<256x128xf32, #tpu.memory_space<vmem>>, vector<1x16xf32>,
      %swap3A_521 = vector.shape_cast %swap3A_520 : vector<1x16xf32> to vector<16xf32>
      %swap3A_522 = vector.shape_cast %mul3A_517 : vector<16xf32> to vector<1x16xf32>
      tpu.vector_store %arg8[%swap3A_518, %swap3A_519], %swap3A_522 {strides = array<i32>} : memref<256x128xf32, #tpu.memory_space<vmem>>, vector<1x16xf32>,
      %get3A_523 = arith.index_cast %scan3A_510 : i32 to index
      %get3A_524 = arith.constant 16 : index
      %get3A_525 = tpu.vector_load %arg8[%get3A_523, %get3A_524] {strides = array<i32>} : memref<256x128xf32, #tpu.memory_space<vmem>>, vector<1x16xf32>,
      %get3A_526 = vector.shape_cast %get3A_525 : vector<1x16xf32> to vector<16xf32>
      %mul3A_527 = arith.constant 11.3137083 : f32
      %mul3A_528 = vector.broadcast %mul3A_527 : f32 to vector<16xf32>
      %mul3A_529 = arith.mulf %get3A_526, %mul3A_528 : vector<16xf32>
      %swap3A_530 = arith.index_cast %scan3A_510 : i32 to index
      %swap3A_531 = arith.constant 16 : index
      %swap3A_532 = tpu.vector_load %arg8[%swap3A_530, %swap3A_531] {strides = array<i32>} : memref<256x128xf32, #tpu.memory_space<vmem>>, vector<1x16xf32>,
      %swap3A_533 = vector.shape_cast %swap3A_532 : vector<1x16xf32> to vector<16xf32>
      %swap3A_534 = vector.shape_cast %mul3A_529 : vector<16xf32> to vector<1x16xf32>
      tpu.vector_store %arg8[%swap3A_530, %swap3A_531], %swap3A_534 {strides = array<i32>} : memref<256x128xf32, #tpu.memory_space<vmem>>, vector<1x16xf32>,
      %get3A_535 = arith.index_cast %scan3A_510 : i32 to index
      %get3A_536 = arith.constant 32 : index
      %get3A_537 = tpu.vector_load %arg8[%get3A_535, %get3A_536] {strides = array<i32>} : memref<256x128xf32, #tpu.memory_space<vmem>>, vector<1x16xf32>,
      %get3A_538 = vector.shape_cast %get3A_537 : vector<1x16xf32> to vector<16xf32>
      %mul3A_539 = arith.constant 11.3137083 : f32
      %mul3A_540 = vector.broadcast %mul3A_539 : f32 to vector<16xf32>
      %mul3A_541 = arith.mulf %get3A_538, %mul3A_540 : vector<16xf32>
      %swap3A_542 = arith.index_cast %scan3A_510 : i32 to index
      %swap3A_543 = arith.constant 32 : index
      %swap3A_544 = tpu.vector_load %arg8[%swap3A_542, %swap3A_543] {strides = array<i32>} : memref<256x128xf32, #tpu.memory_space<vmem>>, vector<1x16xf32>,
      %swap3A_545 = vector.shape_cast %swap3A_544 : vector<1x16xf32> to vector<16xf32>
      %swap3A_546 = vector.shape_cast %mul3A_541 : vector<16xf32> to vector<1x16xf32>
      tpu.vector_store %arg8[%swap3A_542, %swap3A_543], %swap3A_546 {strides = array<i32>} : memref<256x128xf32, #tpu.memory_space<vmem>>, vector<1x16xf32>,
      %get3A_547 = arith.index_cast %scan3A_510 : i32 to index
      %get3A_548 = arith.constant 48 : index
      %get3A_549 = tpu.vector_load %arg8[%get3A_547, %get3A_548] {strides = array<i32>} : memref<256x128xf32, #tpu.memory_space<vmem>>, vector<1x16xf32>,
      %get3A_550 = vector.shape_cast %get3A_549 : vector<1x16xf32> to vector<16xf32>
      %mul3A_551 = arith.constant 11.3137083 : f32
      %mul3A_552 = vector.broadcast %mul3A_551 : f32 to vector<16xf32>
      %mul3A_553 = arith.mulf %get3A_550, %mul3A_552 : vector<16xf32>
      %swap3A_554 = arith.index_cast %scan3A_510 : i32 to index
      %swap3A_555 = arith.constant 48 : index
      %swap3A_556 = tpu.vector_load %arg8[%swap3A_554, %swap3A_555] {strides = array<i32>} : memref<256x128xf32, #tpu.memory_space<vmem>>, vector<1x16xf32>,
      %swap3A_557 = vector.shape_cast %swap3A_556 : vector<1x16xf32> to vector<16xf32>
      %swap3A_558 = vector.shape_cast %mul3A_553 : vector<16xf32> to vector<1x16xf32>
      tpu.vector_store %arg8[%swap3A_554, %swap3A_555], %swap3A_558 {strides = array<i32>} : memref<256x128xf32, #tpu.memory_space<vmem>>, vector<1x16xf32>,
      %get3A_559 = arith.index_cast %scan3A_510 : i32 to index
      %get3A_560 = arith.constant 64 : index
      %get3A_561 = tpu.vector_load %arg8[%get3A_559, %get3A_560] {strides = array<i32>} : memref<256x128xf32, #tpu.memory_space<vmem>>, vector<1x16xf32>,
      %get3A_562 = vector.shape_cast %get3A_561 : vector<1x16xf32> to vector<16xf32>
      %mul3A_563 = arith.constant 11.3137083 : f32
      %mul3A_564 = vector.broadcast %mul3A_563 : f32 to vector<16xf32>
      %mul3A_565 = arith.mulf %get3A_562, %mul3A_564 : vector<16xf32>
      %swap3A_566 = arith.index_cast %scan3A_510 : i32 to index
      %swap3A_567 = arith.constant 64 : index
      %swap3A_568 = tpu.vector_load %arg8[%swap3A_566, %swap3A_567] {strides = array<i32>} : memref<256x128xf32, #tpu.memory_space<vmem>>, vector<1x16xf32>,
      %swap3A_569 = vector.shape_cast %swap3A_568 : vector<1x16xf32> to vector<16xf32>
      %swap3A_570 = vector.shape_cast %mul3A_565 : vector<16xf32> to vector<1x16xf32>
      tpu.vector_store %arg8[%swap3A_566, %swap3A_567], %swap3A_570 {strides = array<i32>} : memref<256x128xf32, #tpu.memory_space<vmem>>, vector<1x16xf32>,
      %get3A_571 = arith.index_cast %scan3A_510 : i32 to index
      %get3A_572 = arith.constant 80 : index
      %get3A_573 = tpu.vector_load %arg8[%get3A_571, %get3A_572] {strides = array<i32>} : memref<256x128xf32, #tpu.memory_space<vmem>>, vector<1x16xf32>,
      %get3A_574 = vector.shape_cast %get3A_573 : vector<1x16xf32> to vector<16xf32>
      %mul3A_575 = arith.constant 11.3137083 : f32
      %mul3A_576 = vector.broadcast %mul3A_575 : f32 to vector<16xf32>
      %mul3A_577 = arith.mulf %get3A_574, %mul3A_576 : vector<16xf32>
      %swap3A_578 = arith.index_cast %scan3A_510 : i32 to index
      %swap3A_579 = arith.constant 80 : index
      %swap3A_580 = tpu.vector_load %arg8[%swap3A_578, %swap3A_579] {strides = array<i32>} : memref<256x128xf32, #tpu.memory_space<vmem>>, vector<1x16xf32>,
      %swap3A_581 = vector.shape_cast %swap3A_580 : vector<1x16xf32> to vector<16xf32>
      %swap3A_582 = vector.shape_cast %mul3A_577 : vector<16xf32> to vector<1x16xf32>
      tpu.vector_store %arg8[%swap3A_578, %swap3A_579], %swap3A_582 {strides = array<i32>} : memref<256x128xf32, #tpu.memory_space<vmem>>, vector<1x16xf32>,
      %get3A_583 = arith.index_cast %scan3A_510 : i32 to index
      %get3A_584 = arith.constant 96 : index
      %get3A_585 = tpu.vector_load %arg8[%get3A_583, %get3A_584] {strides = array<i32>} : memref<256x128xf32, #tpu.memory_space<vmem>>, vector<1x16xf32>,
      %get3A_586 = vector.shape_cast %get3A_585 : vector<1x16xf32> to vector<16xf32>
      %mul3A_587 = arith.constant 11.3137083 : f32
      %mul3A_588 = vector.broadcast %mul3A_587 : f32 to vector<16xf32>
      %mul3A_589 = arith.mulf %get3A_586, %mul3A_588 : vector<16xf32>
      %swap3A_590 = arith.index_cast %scan3A_510 : i32 to index
      %swap3A_591 = arith.constant 96 : index
      %swap3A_592 = tpu.vector_load %arg8[%swap3A_590, %swap3A_591] {strides = array<i32>} : memref<256x128xf32, #tpu.memory_space<vmem>>, vector<1x16xf32>,
      %swap3A_593 = vector.shape_cast %swap3A_592 : vector<1x16xf32> to vector<16xf32>
      %swap3A_594 = vector.shape_cast %mul3A_589 : vector<16xf32> to vector<1x16xf32>
      tpu.vector_store %arg8[%swap3A_590, %swap3A_591], %swap3A_594 {strides = array<i32>} : memref<256x128xf32, #tpu.memory_space<vmem>>, vector<1x16xf32>,
      %get3A_595 = arith.index_cast %scan3A_510 : i32 to index
      %get3A_596 = arith.constant 112 : index
      %get3A_597 = tpu.vector_load %arg8[%get3A_595, %get3A_596] {strides = array<i32>} : memref<256x128xf32, #tpu.memory_space<vmem>>, vector<1x16xf32>,
      %get3A_598 = vector.shape_cast %get3A_597 : vector<1x16xf32> to vector<16xf32>
      %mul3A_599 = arith.constant 11.3137083 : f32
      %mul3A_600 = vector.broadcast %mul3A_599 : f32 to vector<16xf32>
      %mul3A_601 = arith.mulf %get3A_598, %mul3A_600 : vector<16xf32>
      %swap3A_602 = arith.index_cast %scan3A_510 : i32 to index
      %swap3A_603 = arith.constant 112 : index
      %swap3A_604 = tpu.vector_load %arg8[%swap3A_602, %swap3A_603] {strides = array<i32>} : memref<256x128xf32, #tpu.memory_space<vmem>>, vector<1x16xf32>,
      %swap3A_605 = vector.shape_cast %swap3A_604 : vector<1x16xf32> to vector<16xf32>
      %swap3A_606 = vector.shape_cast %mul3A_601 : vector<16xf32> to vector<1x16xf32>
      tpu.vector_store %arg8[%swap3A_602, %swap3A_603], %swap3A_606 {strides = array<i32>} : memref<256x128xf32, #tpu.memory_space<vmem>>, vector<1x16xf32>,
    }
    %scan3A_177 = arith.constant 256 : i32
    %add3A_178 = arith.constant 512 : i32
    %add3A_179 = arith.addi %mul3A_2, %add3A_178 : i32
    %dma_start3A_180 = arith.constant 0 : i32
    %dma_start3A_181 = tpu.memref_slice %arg4[%add3A_179, %dma_start3A_180] : memref<819200x128xf32, #tpu.memory_space<hbm>> -> memref<256x128xf32, #tpu.memory_space<hbm>>
    %dma_start3A_182 = arith.constant 0 : i32
    %dma_start3A_183 = tpu.memref_slice %arg4[%add3A_179, %dma_start3A_182] : memref<819200x128xf32, #tpu.memory_space<hbm>> -> memref<256x128xf32, #tpu.memory_space<hbm>>
    tpu.enqueue_dma source(%arg8 : memref<256x128xf32, #tpu.memory_space<vmem>>) target(%dma_start3A_183 : memref<256x128xf32, #tpu.memory_space<hbm>>) target_semaphore(%arg14 : memref<!tpu.dma_semaphore, #tpu.memory_space<semaphore_mem>>)
    %add3A_184 = arith.constant 256 : i32
    %add3A_185 = arith.addi %mul3A_2, %add3A_184 : i32
    %dma_wait3A_186 = arith.constant 0 : i32
    %dma_wait3A_187 = tpu.memref_slice %arg4[%add3A_185, %dma_wait3A_186] : memref<819200x128xf32, #tpu.memory_space<hbm>> -> memref<256x128xf32, #tpu.memory_space<hbm>>
    %dma_wait3A_188 = arith.constant 0 : i32
    %dma_wait3A_189 = tpu.memref_slice %arg4[%add3A_185, %dma_wait3A_188] : memref<819200x128xf32, #tpu.memory_space<hbm>> -> memref<256x128xf32, #tpu.memory_space<hbm>>
    tpu.wait_dma2 semaphore(%arg13 : memref<!tpu.dma_semaphore, #tpu.memory_space<semaphore_mem>>) src(%arg7 : memref<256x128xf32, #tpu.memory_space<vmem>>) dst(%dma_wait3A_189 : memref<256x128xf32, #tpu.memory_space<hbm>>)
    %dma_start3A_190 = arith.constant 8 : i32
    %dma_start3A_191 = arith.constant 0 : i32
    %dma_start3A_192 = arith.constant 0 : i32
    %dma_start3A_193 = tpu.memref_slice %arg7[%dma_start3A_191, %dma_start3A_192] : memref<256x128xf32, #tpu.memory_space<vmem>> -> memref<128x128xf32, #tpu.memory_space<vmem>>
    %dma_start3A_194 = arith.constant 0 : i32
    %dma_start3A_195 = tpu.memref_slice %arg5[%dma_start3A_190, %dma_start3A_194] : memref<200x128xi32, #tpu.memory_space<vmem>> -> memref<1x128xi32, #tpu.memory_space<vmem>>
    %dma_start3A_196 = tpu.memref_squeeze %dma_start3A_195 : memref<1x128xi32, #tpu.memory_space<vmem>> -> memref<128xi32, #tpu.memory_space<vmem>>
    %dma_start3A_197 = arith.constant 0 : i32
    %dma_start3A_198 = arith.constant 0 : i32
    %dma_start3A_199 = tpu.memref_slice %arg3[%dma_start3A_197, %dma_start3A_198] : memref<100000x128xf32, #tpu.memory_space<hbm>> -> memref<100000x128xf32, #tpu.memory_space<hbm>>
    tpu.enqueue_indirect_dma source(%dma_start3A_199 : memref<100000x128xf32, #tpu.memory_space<hbm>>) target(%dma_start3A_193 : memref<128x128xf32, #tpu.memory_space<vmem>>) offsets(%dma_start3A_196 : memref<128xi32, #tpu.memory_space<vmem>>) semaphore(%arg10 : memref<!tpu.dma_semaphore, #tpu.memory_space<semaphore_mem>>)
    %dma_start3A_200 = arith.constant 9 : i32
    %dma_start3A_201 = arith.constant 128 : i32
    %dma_start3A_202 = arith.constant 0 : i32
    %dma_start3A_203 = tpu.memref_slice %arg7[%dma_start3A_201, %dma_start3A_202] : memref<256x128xf32, #tpu.memory_space<vmem>> -> memref<128x128xf32, #tpu.memory_space<vmem>>
    %dma_start3A_204 = arith.constant 0 : i32
    %dma_start3A_205 = tpu.memref_slice %arg5[%dma_start3A_200, %dma_start3A_204] : memref<200x128xi32, #tpu.memory_space<vmem>> -> memref<1x128xi32, #tpu.memory_space<vmem>>
    %dma_start3A_206 = tpu.memref_squeeze %dma_start3A_205 : memref<1x128xi32, #tpu.memory_space<vmem>> -> memref<128xi32, #tpu.memory_space<vmem>>
    %dma_start3A_207 = arith.constant 0 : i32
    %dma_start3A_208 = arith.constant 0 : i32
    %dma_start3A_209 = tpu.memref_slice %arg3[%dma_start3A_207, %dma_start3A_208] : memref<100000x128xf32, #tpu.memory_space<hbm>> -> memref<100000x128xf32, #tpu.memory_space<hbm>>
    tpu.enqueue_indirect_dma source(%dma_start3A_209 : memref<100000x128xf32, #tpu.memory_space<hbm>>) target(%dma_start3A_203 : memref<128x128xf32, #tpu.memory_space<vmem>>) offsets(%dma_start3A_206 : memref<128xi32, #tpu.memory_space<vmem>>) semaphore(%arg10 : memref<!tpu.dma_semaphore, #tpu.memory_space<semaphore_mem>>)
    %scan3A_210 = arith.constant 0 : i32
    %scan3A_211 = arith.constant 1 : i32
    %scan3A_212 = arith.constant 31 : i32
    %scan3A_213 = arith.addi %scan3A_211, %scan3A_212 : i32
    %scan3A_214 = arith.constant 1 : i32
    scf.for %scan3A_414 = %scan3A_211 to %scan3A_213 step %scan3A_214  : i32 {
      %mul3A_415 = arith.constant 3 : i32
      %mul3A_416 = arith.muli %mul3A_415, %scan3A_414 : i32
      %mul3A_417 = arith.constant 2 : i32
      %mul3A_418 = arith.muli %mul3A_416, %mul3A_417 : i32
      %add3A_419 = arith.constant 0 : i32
      %add3A_420 = arith.addi %mul3A_418, %add3A_419 : i32
      %mul3A_421 = arith.constant 2 : i32
      %mul3A_422 = arith.muli %mul3A_416, %mul3A_421 : i32
      %add3A_423 = arith.constant 1 : i32
      %add3A_424 = arith.addi %mul3A_422, %add3A_423 : i32
      %dma_wait3A_425 = arith.constant 0 : i32
      %dma_wait3A_426 = arith.constant 0 : i32
      %dma_wait3A_427 = tpu.memref_slice %arg6[%dma_wait3A_425, %dma_wait3A_426] : memref<256x128xf32, #tpu.memory_space<vmem>> -> memref<128x128xf32, #tpu.memory_space<vmem>>
      %dma_wait3A_428 = arith.constant 0 : i32
      %dma_wait3A_429 = tpu.memref_slice %arg5[%add3A_420, %dma_wait3A_428] : memref<200x128xi32, #tpu.memory_space<vmem>> -> memref<1x128xi32, #tpu.memory_space<vmem>>
      %dma_wait3A_430 = tpu.memref_squeeze %dma_wait3A_429 : memref<1x128xi32, #tpu.memory_space<vmem>> -> memref<128xi32, #tpu.memory_space<vmem>>
      %dma_wait3A_431 = arith.constant 0 : i32
      %dma_wait3A_432 = arith.constant 0 : i32
      %dma_wait3A_433 = tpu.memref_slice %arg3[%dma_wait3A_431, %dma_wait3A_432] : memref<100000x128xf32, #tpu.memory_space<hbm>> -> memref<100000x128xf32, #tpu.memory_space<hbm>>
      tpu.wait_indirect_dma semaphore(%arg9 : memref<!tpu.dma_semaphore, #tpu.memory_space<semaphore_mem>>) src(%dma_wait3A_433 : memref<100000x128xf32, #tpu.memory_space<hbm>>) dst(%dma_wait3A_427 : memref<128x128xf32, #tpu.memory_space<vmem>>)
      %dma_wait3A_434 = arith.constant 128 : i32
      %dma_wait3A_435 = arith.constant 0 : i32
      %dma_wait3A_436 = tpu.memref_slice %arg6[%dma_wait3A_434, %dma_wait3A_435] : memref<256x128xf32, #tpu.memory_space<vmem>> -> memref<128x128xf32, #tpu.memory_space<vmem>>
      %dma_wait3A_437 = arith.constant 0 : i32
      %dma_wait3A_438 = tpu.memref_slice %arg5[%add3A_424, %dma_wait3A_437] : memref<200x128xi32, #tpu.memory_space<vmem>> -> memref<1x128xi32, #tpu.memory_space<vmem>>
      %dma_wait3A_439 = tpu.memref_squeeze %dma_wait3A_438 : memref<1x128xi32, #tpu.memory_space<vmem>> -> memref<128xi32, #tpu.memory_space<vmem>>
      %dma_wait3A_440 = arith.constant 0 : i32
      %dma_wait3A_441 = arith.constant 0 : i32
      %dma_wait3A_442 = tpu.memref_slice %arg3[%dma_wait3A_440, %dma_wait3A_441] : memref<100000x128xf32, #tpu.memory_space<hbm>> -> memref<100000x128xf32, #tpu.memory_space<hbm>>
      tpu.wait_indirect_dma semaphore(%arg9 : memref<!tpu.dma_semaphore, #tpu.memory_space<semaphore_mem>>) src(%dma_wait3A_442 : memref<100000x128xf32, #tpu.memory_space<hbm>>) dst(%dma_wait3A_436 : memref<128x128xf32, #tpu.memory_space<vmem>>)
      %scan3A_443 = arith.constant 0 : i32
      %scan3A_444 = arith.constant 0 : i32
      %scan3A_445 = arith.constant 256 : i32
      %scan3A_446 = arith.addi %scan3A_444, %scan3A_445 : i32
      %scan3A_447 = arith.constant 2 : i32
      scf.for %scan3A_648 = %scan3A_444 to %scan3A_446 step %scan3A_447  : i32 {
        %get3A = arith.index_cast %scan3A_648 : i32 to index
        %get3A_649 = arith.constant 0 : index
        %get3A_650 = tpu.vector_load %arg6[%get3A, %get3A_649] {strides = array<i32>} : memref<256x128xf32, #tpu.memory_space<vmem>>, vector<1x16xf32>,
        %get3A_651 = vector.shape_cast %get3A_650 : vector<1x16xf32> to vector<16xf32>
        %mul3A_652 = arith.constant 11.3137083 : f32
        %mul3A_653 = vector.broadcast %mul3A_652 : f32 to vector<16xf32>
        %mul3A_654 = arith.mulf %get3A_651, %mul3A_653 : vector<16xf32>
        %swap3A = arith.index_cast %scan3A_648 : i32 to index
        %swap3A_655 = arith.constant 0 : index
        %swap3A_656 = tpu.vector_load %arg6[%swap3A, %swap3A_655] {strides = array<i32>} : memref<256x128xf32, #tpu.memory_space<vmem>>, vector<1x16xf32>,
        %swap3A_657 = vector.shape_cast %swap3A_656 : vector<1x16xf32> to vector<16xf32>
        %swap3A_658 = vector.shape_cast %mul3A_654 : vector<16xf32> to vector<1x16xf32>
        tpu.vector_store %arg6[%swap3A, %swap3A_655], %swap3A_658 {strides = array<i32>} : memref<256x128xf32, #tpu.memory_space<vmem>>, vector<1x16xf32>,
        %get3A_659 = arith.index_cast %scan3A_648 : i32 to index
        %get3A_660 = arith.constant 16 : index
        %get3A_661 = tpu.vector_load %arg6[%get3A_659, %get3A_660] {strides = array<i32>} : memref<256x128xf32, #tpu.memory_space<vmem>>, vector<1x16xf32>,
        %get3A_662 = vector.shape_cast %get3A_661 : vector<1x16xf32> to vector<16xf32>
        %mul3A_663 = arith.constant 11.3137083 : f32
        %mul3A_664 = vector.broadcast %mul3A_663 : f32 to vector<16xf32>
        %mul3A_665 = arith.mulf %get3A_662, %mul3A_664 : vector<16xf32>
        %swap3A_666 = arith.index_cast %scan3A_648 : i32 to index
        %swap3A_667 = arith.constant 16 : index
        %swap3A_668 = tpu.vector_load %arg6[%swap3A_666, %swap3A_667] {strides = array<i32>} : memref<256x128xf32, #tpu.memory_space<vmem>>, vector<1x16xf32>,
        %swap3A_669 = vector.shape_cast %swap3A_668 : vector<1x16xf32> to vector<16xf32>
        %swap3A_670 = vector.shape_cast %mul3A_665 : vector<16xf32> to vector<1x16xf32>
        tpu.vector_store %arg6[%swap3A_666, %swap3A_667], %swap3A_670 {strides = array<i32>} : memref<256x128xf32, #tpu.memory_space<vmem>>, vector<1x16xf32>,
        %get3A_671 = arith.index_cast %scan3A_648 : i32 to index
        %get3A_672 = arith.constant 32 : index
        %get3A_673 = tpu.vector_load %arg6[%get3A_671, %get3A_672] {strides = array<i32>} : memref<256x128xf32, #tpu.memory_space<vmem>>, vector<1x16xf32>,
        %get3A_674 = vector.shape_cast %get3A_673 : vector<1x16xf32> to vector<16xf32>
        %mul3A_675 = arith.constant 11.3137083 : f32
        %mul3A_676 = vector.broadcast %mul3A_675 : f32 to vector<16xf32>
        %mul3A_677 = arith.mulf %get3A_674, %mul3A_676 : vector<16xf32>
        %swap3A_678 = arith.index_cast %scan3A_648 : i32 to index
        %swap3A_679 = arith.constant 32 : index
        %swap3A_680 = tpu.vector_load %arg6[%swap3A_678, %swap3A_679] {strides = array<i32>} : memref<256x128xf32, #tpu.memory_space<vmem>>, vector<1x16xf32>,
        %swap3A_681 = vector.shape_cast %swap3A_680 : vector<1x16xf32> to vector<16xf32>
        %swap3A_682 = vector.shape_cast %mul3A_677 : vector<16xf32> to vector<1x16xf32>
        tpu.vector_store %arg6[%swap3A_678, %swap3A_679], %swap3A_682 {strides = array<i32>} : memref<256x128xf32, #tpu.memory_space<vmem>>, vector<1x16xf32>,
        %get3A_683 = arith.index_cast %scan3A_648 : i32 to index
        %get3A_684 = arith.constant 48 : index
        %get3A_685 = tpu.vector_load %arg6[%get3A_683, %get3A_684] {strides = array<i32>} : memref<256x128xf32, #tpu.memory_space<vmem>>, vector<1x16xf32>,
        %get3A_686 = vector.shape_cast %get3A_685 : vector<1x16xf32> to vector<16xf32>
        %mul3A_687 = arith.constant 11.3137083 : f32
        %mul3A_688 = vector.broadcast %mul3A_687 : f32 to vector<16xf32>
        %mul3A_689 = arith.mulf %get3A_686, %mul3A_688 : vector<16xf32>
        %swap3A_690 = arith.index_cast %scan3A_648 : i32 to index
        %swap3A_691 = arith.constant 48 : index
        %swap3A_692 = tpu.vector_load %arg6[%swap3A_690, %swap3A_691] {strides = array<i32>} : memref<256x128xf32, #tpu.memory_space<vmem>>, vector<1x16xf32>,
        %swap3A_693 = vector.shape_cast %swap3A_692 : vector<1x16xf32> to vector<16xf32>
        %swap3A_694 = vector.shape_cast %mul3A_689 : vector<16xf32> to vector<1x16xf32>
        tpu.vector_store %arg6[%swap3A_690, %swap3A_691], %swap3A_694 {strides = array<i32>} : memref<256x128xf32, #tpu.memory_space<vmem>>, vector<1x16xf32>,
        %get3A_695 = arith.index_cast %scan3A_648 : i32 to index
        %get3A_696 = arith.constant 64 : index
        %get3A_697 = tpu.vector_load %arg6[%get3A_695, %get3A_696] {strides = array<i32>} : memref<256x128xf32, #tpu.memory_space<vmem>>, vector<1x16xf32>,
        %get3A_698 = vector.shape_cast %get3A_697 : vector<1x16xf32> to vector<16xf32>
        %mul3A_699 = arith.constant 11.3137083 : f32
        %mul3A_700 = vector.broadcast %mul3A_699 : f32 to vector<16xf32>
        %mul3A_701 = arith.mulf %get3A_698, %mul3A_700 : vector<16xf32>
        %swap3A_702 = arith.index_cast %scan3A_648 : i32 to index
        %swap3A_703 = arith.constant 64 : index
        %swap3A_704 = tpu.vector_load %arg6[%swap3A_702, %swap3A_703] {strides = array<i32>} : memref<256x128xf32, #tpu.memory_space<vmem>>, vector<1x16xf32>,
        %swap3A_705 = vector.shape_cast %swap3A_704 : vector<1x16xf32> to vector<16xf32>
        %swap3A_706 = vector.shape_cast %mul3A_701 : vector<16xf32> to vector<1x16xf32>
        tpu.vector_store %arg6[%swap3A_702, %swap3A_703], %swap3A_706 {strides = array<i32>} : memref<256x128xf32, #tpu.memory_space<vmem>>, vector<1x16xf32>,
        %get3A_707 = arith.index_cast %scan3A_648 : i32 to index
        %get3A_708 = arith.constant 80 : index
        %get3A_709 = tpu.vector_load %arg6[%get3A_707, %get3A_708] {strides = array<i32>} : memref<256x128xf32, #tpu.memory_space<vmem>>, vector<1x16xf32>,
        %get3A_710 = vector.shape_cast %get3A_709 : vector<1x16xf32> to vector<16xf32>
        %mul3A_711 = arith.constant 11.3137083 : f32
        %mul3A_712 = vector.broadcast %mul3A_711 : f32 to vector<16xf32>
        %mul3A_713 = arith.mulf %get3A_710, %mul3A_712 : vector<16xf32>
        %swap3A_714 = arith.index_cast %scan3A_648 : i32 to index
        %swap3A_715 = arith.constant 80 : index
        %swap3A_716 = tpu.vector_load %arg6[%swap3A_714, %swap3A_715] {strides = array<i32>} : memref<256x128xf32, #tpu.memory_space<vmem>>, vector<1x16xf32>,
        %swap3A_717 = vector.shape_cast %swap3A_716 : vector<1x16xf32> to vector<16xf32>
        %swap3A_718 = vector.shape_cast %mul3A_713 : vector<16xf32> to vector<1x16xf32>
        tpu.vector_store %arg6[%swap3A_714, %swap3A_715], %swap3A_718 {strides = array<i32>} : memref<256x128xf32, #tpu.memory_space<vmem>>, vector<1x16xf32>,
        %get3A_719 = arith.index_cast %scan3A_648 : i32 to index
        %get3A_720 = arith.constant 96 : index
        %get3A_721 = tpu.vector_load %arg6[%get3A_719, %get3A_720] {strides = array<i32>} : memref<256x128xf32, #tpu.memory_space<vmem>>, vector<1x16xf32>,
        %get3A_722 = vector.shape_cast %get3A_721 : vector<1x16xf32> to vector<16xf32>
        %mul3A_723 = arith.constant 11.3137083 : f32
        %mul3A_724 = vector.broadcast %mul3A_723 : f32 to vector<16xf32>
        %mul3A_725 = arith.mulf %get3A_722, %mul3A_724 : vector<16xf32>
        %swap3A_726 = arith.index_cast %scan3A_648 : i32 to index
        %swap3A_727 = arith.constant 96 : index
        %swap3A_728 = tpu.vector_load %arg6[%swap3A_726, %swap3A_727] {strides = array<i32>} : memref<256x128xf32, #tpu.memory_space<vmem>>, vector<1x16xf32>,
        %swap3A_729 = vector.shape_cast %swap3A_728 : vector<1x16xf32> to vector<16xf32>
        %swap3A_730 = vector.shape_cast %mul3A_725 : vector<16xf32> to vector<1x16xf32>
        tpu.vector_store %arg6[%swap3A_726, %swap3A_727], %swap3A_730 {strides = array<i32>} : memref<256x128xf32, #tpu.memory_space<vmem>>, vector<1x16xf32>,
        %get3A_731 = arith.index_cast %scan3A_648 : i32 to index
        %get3A_732 = arith.constant 112 : index
        %get3A_733 = tpu.vector_load %arg6[%get3A_731, %get3A_732] {strides = array<i32>} : memref<256x128xf32, #tpu.memory_space<vmem>>, vector<1x16xf32>,
        %get3A_734 = vector.shape_cast %get3A_733 : vector<1x16xf32> to vector<16xf32>
        %mul3A_735 = arith.constant 11.3137083 : f32
        %mul3A_736 = vector.broadcast %mul3A_735 : f32 to vector<16xf32>
        %mul3A_737 = arith.mulf %get3A_734, %mul3A_736 : vector<16xf32>
        %swap3A_738 = arith.index_cast %scan3A_648 : i32 to index
        %swap3A_739 = arith.constant 112 : index
        %swap3A_740 = tpu.vector_load %arg6[%swap3A_738, %swap3A_739] {strides = array<i32>} : memref<256x128xf32, #tpu.memory_space<vmem>>, vector<1x16xf32>,
        %swap3A_741 = vector.shape_cast %swap3A_740 : vector<1x16xf32> to vector<16xf32>
        %swap3A_742 = vector.shape_cast %mul3A_737 : vector<16xf32> to vector<1x16xf32>
        tpu.vector_store %arg6[%swap3A_738, %swap3A_739], %swap3A_742 {strides = array<i32>} : memref<256x128xf32, #tpu.memory_space<vmem>>, vector<1x16xf32>,
        %scan3A_743 = arith.constant 1 : i32
        %scan3A_744 = arith.addi %scan3A_648, %scan3A_743 : i32
        %get3A_745 = arith.index_cast %scan3A_744 : i32 to index
        %get3A_746 = arith.constant 0 : index
        %get3A_747 = tpu.vector_load %arg6[%get3A_745, %get3A_746] {strides = array<i32>} : memref<256x128xf32, #tpu.memory_space<vmem>>, vector<1x16xf32>,
        %get3A_748 = vector.shape_cast %get3A_747 : vector<1x16xf32> to vector<16xf32>
        %mul3A_749 = arith.constant 11.3137083 : f32
        %mul3A_750 = vector.broadcast %mul3A_749 : f32 to vector<16xf32>
        %mul3A_751 = arith.mulf %get3A_748, %mul3A_750 : vector<16xf32>
        %swap3A_752 = arith.index_cast %scan3A_744 : i32 to index
        %swap3A_753 = arith.constant 0 : index
        %swap3A_754 = tpu.vector_load %arg6[%swap3A_752, %swap3A_753] {strides = array<i32>} : memref<256x128xf32, #tpu.memory_space<vmem>>, vector<1x16xf32>,
        %swap3A_755 = vector.shape_cast %swap3A_754 : vector<1x16xf32> to vector<16xf32>
        %swap3A_756 = vector.shape_cast %mul3A_751 : vector<16xf32> to vector<1x16xf32>
        tpu.vector_store %arg6[%swap3A_752, %swap3A_753], %swap3A_756 {strides = array<i32>} : memref<256x128xf32, #tpu.memory_space<vmem>>, vector<1x16xf32>,
        %get3A_757 = arith.index_cast %scan3A_744 : i32 to index
        %get3A_758 = arith.constant 16 : index
        %get3A_759 = tpu.vector_load %arg6[%get3A_757, %get3A_758] {strides = array<i32>} : memref<256x128xf32, #tpu.memory_space<vmem>>, vector<1x16xf32>,
        %get3A_760 = vector.shape_cast %get3A_759 : vector<1x16xf32> to vector<16xf32>
        %mul3A_761 = arith.constant 11.3137083 : f32
        %mul3A_762 = vector.broadcast %mul3A_761 : f32 to vector<16xf32>
        %mul3A_763 = arith.mulf %get3A_760, %mul3A_762 : vector<16xf32>
        %swap3A_764 = arith.index_cast %scan3A_744 : i32 to index
        %swap3A_765 = arith.constant 16 : index
        %swap3A_766 = tpu.vector_load %arg6[%swap3A_764, %swap3A_765] {strides = array<i32>} : memref<256x128xf32, #tpu.memory_space<vmem>>, vector<1x16xf32>,
        %swap3A_767 = vector.shape_cast %swap3A_766 : vector<1x16xf32> to vector<16xf32>
        %swap3A_768 = vector.shape_cast %mul3A_763 : vector<16xf32> to vector<1x16xf32>
        tpu.vector_store %arg6[%swap3A_764, %swap3A_765], %swap3A_768 {strides = array<i32>} : memref<256x128xf32, #tpu.memory_space<vmem>>, vector<1x16xf32>,
        %get3A_769 = arith.index_cast %scan3A_744 : i32 to index
        %get3A_770 = arith.constant 32 : index
        %get3A_771 = tpu.vector_load %arg6[%get3A_769, %get3A_770] {strides = array<i32>} : memref<256x128xf32, #tpu.memory_space<vmem>>, vector<1x16xf32>,
        %get3A_772 = vector.shape_cast %get3A_771 : vector<1x16xf32> to vector<16xf32>
        %mul3A_773 = arith.constant 11.3137083 : f32
        %mul3A_774 = vector.broadcast %mul3A_773 : f32 to vector<16xf32>
        %mul3A_775 = arith.mulf %get3A_772, %mul3A_774 : vector<16xf32>
        %swap3A_776 = arith.index_cast %scan3A_744 : i32 to index
        %swap3A_777 = arith.constant 32 : index
        %swap3A_778 = tpu.vector_load %arg6[%swap3A_776, %swap3A_777] {strides = array<i32>} : memref<256x128xf32, #tpu.memory_space<vmem>>, vector<1x16xf32>,
        %swap3A_779 = vector.shape_cast %swap3A_778 : vector<1x16xf32> to vector<16xf32>
        %swap3A_780 = vector.shape_cast %mul3A_775 : vector<16xf32> to vector<1x16xf32>
        tpu.vector_store %arg6[%swap3A_776, %swap3A_777], %swap3A_780 {strides = array<i32>} : memref<256x128xf32, #tpu.memory_space<vmem>>, vector<1x16xf32>,
        %get3A_781 = arith.index_cast %scan3A_744 : i32 to index
        %get3A_782 = arith.constant 48 : index
        %get3A_783 = tpu.vector_load %arg6[%get3A_781, %get3A_782] {strides = array<i32>} : memref<256x128xf32, #tpu.memory_space<vmem>>, vector<1x16xf32>,
        %get3A_784 = vector.shape_cast %get3A_783 : vector<1x16xf32> to vector<16xf32>
        %mul3A_785 = arith.constant 11.3137083 : f32
        %mul3A_786 = vector.broadcast %mul3A_785 : f32 to vector<16xf32>
        %mul3A_787 = arith.mulf %get3A_784, %mul3A_786 : vector<16xf32>
        %swap3A_788 = arith.index_cast %scan3A_744 : i32 to index
        %swap3A_789 = arith.constant 48 : index
        %swap3A_790 = tpu.vector_load %arg6[%swap3A_788, %swap3A_789] {strides = array<i32>} : memref<256x128xf32, #tpu.memory_space<vmem>>, vector<1x16xf32>,
        %swap3A_791 = vector.shape_cast %swap3A_790 : vector<1x16xf32> to vector<16xf32>
        %swap3A_792 = vector.shape_cast %mul3A_787 : vector<16xf32> to vector<1x16xf32>
        tpu.vector_store %arg6[%swap3A_788, %swap3A_789], %swap3A_792 {strides = array<i32>} : memref<256x128xf32, #tpu.memory_space<vmem>>, vector<1x16xf32>,
        %get3A_793 = arith.index_cast %scan3A_744 : i32 to index
        %get3A_794 = arith.constant 64 : index
        %get3A_795 = tpu.vector_load %arg6[%get3A_793, %get3A_794] {strides = array<i32>} : memref<256x128xf32, #tpu.memory_space<vmem>>, vector<1x16xf32>,
        %get3A_796 = vector.shape_cast %get3A_795 : vector<1x16xf32> to vector<16xf32>
        %mul3A_797 = arith.constant 11.3137083 : f32
        %mul3A_798 = vector.broadcast %mul3A_797 : f32 to vector<16xf32>
        %mul3A_799 = arith.mulf %get3A_796, %mul3A_798 : vector<16xf32>
        %swap3A_800 = arith.index_cast %scan3A_744 : i32 to index
        %swap3A_801 = arith.constant 64 : index
        %swap3A_802 = tpu.vector_load %arg6[%swap3A_800, %swap3A_801] {strides = array<i32>} : memref<256x128xf32, #tpu.memory_space<vmem>>, vector<1x16xf32>,
        %swap3A_803 = vector.shape_cast %swap3A_802 : vector<1x16xf32> to vector<16xf32>
        %swap3A_804 = vector.shape_cast %mul3A_799 : vector<16xf32> to vector<1x16xf32>
        tpu.vector_store %arg6[%swap3A_800, %swap3A_801], %swap3A_804 {strides = array<i32>} : memref<256x128xf32, #tpu.memory_space<vmem>>, vector<1x16xf32>,
        %get3A_805 = arith.index_cast %scan3A_744 : i32 to index
        %get3A_806 = arith.constant 80 : index
        %get3A_807 = tpu.vector_load %arg6[%get3A_805, %get3A_806] {strides = array<i32>} : memref<256x128xf32, #tpu.memory_space<vmem>>, vector<1x16xf32>,
        %get3A_808 = vector.shape_cast %get3A_807 : vector<1x16xf32> to vector<16xf32>
        %mul3A_809 = arith.constant 11.3137083 : f32
        %mul3A_810 = vector.broadcast %mul3A_809 : f32 to vector<16xf32>
        %mul3A_811 = arith.mulf %get3A_808, %mul3A_810 : vector<16xf32>
        %swap3A_812 = arith.index_cast %scan3A_744 : i32 to index
        %swap3A_813 = arith.constant 80 : index
        %swap3A_814 = tpu.vector_load %arg6[%swap3A_812, %swap3A_813] {strides = array<i32>} : memref<256x128xf32, #tpu.memory_space<vmem>>, vector<1x16xf32>,
        %swap3A_815 = vector.shape_cast %swap3A_814 : vector<1x16xf32> to vector<16xf32>
        %swap3A_816 = vector.shape_cast %mul3A_811 : vector<16xf32> to vector<1x16xf32>
        tpu.vector_store %arg6[%swap3A_812, %swap3A_813], %swap3A_816 {strides = array<i32>} : memref<256x128xf32, #tpu.memory_space<vmem>>, vector<1x16xf32>,
        %get3A_817 = arith.index_cast %scan3A_744 : i32 to index
        %get3A_818 = arith.constant 96 : index
        %get3A_819 = tpu.vector_load %arg6[%get3A_817, %get3A_818] {strides = array<i32>} : memref<256x128xf32, #tpu.memory_space<vmem>>, vector<1x16xf32>,
        %get3A_820 = vector.shape_cast %get3A_819 : vector<1x16xf32> to vector<16xf32>
        %mul3A_821 = arith.constant 11.3137083 : f32
        %mul3A_822 = vector.broadcast %mul3A_821 : f32 to vector<16xf32>
        %mul3A_823 = arith.mulf %get3A_820, %mul3A_822 : vector<16xf32>
        %swap3A_824 = arith.index_cast %scan3A_744 : i32 to index
        %swap3A_825 = arith.constant 96 : index
        %swap3A_826 = tpu.vector_load %arg6[%swap3A_824, %swap3A_825] {strides = array<i32>} : memref<256x128xf32, #tpu.memory_space<vmem>>, vector<1x16xf32>,
        %swap3A_827 = vector.shape_cast %swap3A_826 : vector<1x16xf32> to vector<16xf32>
        %swap3A_828 = vector.shape_cast %mul3A_823 : vector<16xf32> to vector<1x16xf32>
        tpu.vector_store %arg6[%swap3A_824, %swap3A_825], %swap3A_828 {strides = array<i32>} : memref<256x128xf32, #tpu.memory_space<vmem>>, vector<1x16xf32>,
        %get3A_829 = arith.index_cast %scan3A_744 : i32 to index
        %get3A_830 = arith.constant 112 : index
        %get3A_831 = tpu.vector_load %arg6[%get3A_829, %get3A_830] {strides = array<i32>} : memref<256x128xf32, #tpu.memory_space<vmem>>, vector<1x16xf32>,
        %get3A_832 = vector.shape_cast %get3A_831 : vector<1x16xf32> to vector<16xf32>
        %mul3A_833 = arith.constant 11.3137083 : f32
        %mul3A_834 = vector.broadcast %mul3A_833 : f32 to vector<16xf32>
        %mul3A_835 = arith.mulf %get3A_832, %mul3A_834 : vector<16xf32>
        %swap3A_836 = arith.index_cast %scan3A_744 : i32 to index
        %swap3A_837 = arith.constant 112 : index
        %swap3A_838 = tpu.vector_load %arg6[%swap3A_836, %swap3A_837] {strides = array<i32>} : memref<256x128xf32, #tpu.memory_space<vmem>>, vector<1x16xf32>,
        %swap3A_839 = vector.shape_cast %swap3A_838 : vector<1x16xf32> to vector<16xf32>
        %swap3A_840 = vector.shape_cast %mul3A_835 : vector<16xf32> to vector<1x16xf32>
        tpu.vector_store %arg6[%swap3A_836, %swap3A_837], %swap3A_840 {strides = array<i32>} : memref<256x128xf32, #tpu.memory_space<vmem>>, vector<1x16xf32>,
      }
      %scan3A_448 = arith.constant 256 : i32
      %mul3A_449 = arith.constant 256 : i32
      %mul3A_450 = arith.muli %mul3A_416, %mul3A_449 : i32
      %add3A_451 = arith.addi %mul3A_2, %mul3A_450 : i32
      %dma_start3A_452 = arith.constant 0 : i32
      %dma_start3A_453 = tpu.memref_slice %arg4[%add3A_451, %dma_start3A_452] : memref<819200x128xf32, #tpu.memory_space<hbm>> -> memref<256x128xf32, #tpu.memory_space<hbm>>
      %dma_start3A_454 = arith.constant 0 : i32
      %dma_start3A_455 = tpu.memref_slice %arg4[%add3A_451, %dma_start3A_454] : memref<819200x128xf32, #tpu.memory_space<hbm>> -> memref<256x128xf32, #tpu.memory_space<hbm>>
      tpu.enqueue_dma source(%arg6 : memref<256x128xf32, #tpu.memory_space<vmem>>) target(%dma_start3A_455 : memref<256x128xf32, #tpu.memory_space<hbm>>) target_semaphore(%arg12 : memref<!tpu.dma_semaphore, #tpu.memory_space<semaphore_mem>>)
      %sub3A = arith.constant 1 : i32
      %sub3A_456 = arith.subi %mul3A_416, %sub3A : i32
      %mul3A_457 = arith.constant 256 : i32
      %mul3A_458 = arith.muli %sub3A_456, %mul3A_457 : i32
      %add3A_459 = arith.addi %mul3A_2, %mul3A_458 : i32
      %dma_wait3A_460 = arith.constant 0 : i32
      %dma_wait3A_461 = tpu.memref_slice %arg4[%add3A_459, %dma_wait3A_460] : memref<819200x128xf32, #tpu.memory_space<hbm>> -> memref<256x128xf32, #tpu.memory_space<hbm>>
      %dma_wait3A_462 = arith.constant 0 : i32
      %dma_wait3A_463 = tpu.memref_slice %arg4[%add3A_459, %dma_wait3A_462] : memref<819200x128xf32, #tpu.memory_space<hbm>> -> memref<256x128xf32, #tpu.memory_space<hbm>>
      tpu.wait_dma2 semaphore(%arg14 : memref<!tpu.dma_semaphore, #tpu.memory_space<semaphore_mem>>) src(%arg8 : memref<256x128xf32, #tpu.memory_space<vmem>>) dst(%dma_wait3A_463 : memref<256x128xf32, #tpu.memory_space<hbm>>)
      %add3A_464 = arith.constant 2 : i32
      %add3A_465 = arith.addi %mul3A_416, %add3A_464 : i32
      %mul3A_466 = arith.constant 2 : i32
      %mul3A_467 = arith.muli %add3A_465, %mul3A_466 : i32
      %add3A_468 = arith.constant 0 : i32
      %add3A_469 = arith.addi %mul3A_467, %add3A_468 : i32
      %mul3A_470 = arith.constant 2 : i32
      %mul3A_471 = arith.muli %add3A_465, %mul3A_470 : i32
      %add3A_472 = arith.constant 1 : i32
      %add3A_473 = arith.addi %mul3A_471, %add3A_472 : i32
      %dma_start3A_474 = arith.constant 0 : i32
      %dma_start3A_475 = arith.constant 0 : i32
      %dma_start3A_476 = tpu.memref_slice %arg8[%dma_start3A_474, %dma_start3A_475] : memref<256x128xf32, #tpu.memory_space<vmem>> -> memref<128x128xf32, #tpu.memory_space<vmem>>
      %dma_start3A_477 = arith.constant 0 : i32
      %dma_start3A_478 = tpu.memref_slice %arg5[%add3A_469, %dma_start3A_477] : memref<200x128xi32, #tpu.memory_space<vmem>> -> memref<1x128xi32, #tpu.memory_space<vmem>>
      %dma_start3A_479 = tpu.memref_squeeze %dma_start3A_478 : memref<1x128xi32, #tpu.memory_space<vmem>> -> memref<128xi32, #tpu.memory_space<vmem>>
      %dma_start3A_480 = arith.constant 0 : i32
      %dma_start3A_481 = arith.constant 0 : i32
      %dma_start3A_482 = tpu.memref_slice %arg3[%dma_start3A_480, %dma_start3A_481] : memref<100000x128xf32, #tpu.memory_space<hbm>> -> memref<100000x128xf32, #tpu.memory_space<hbm>>
      tpu.enqueue_indirect_dma source(%dma_start3A_482 : memref<100000x128xf32, #tpu.memory_space<hbm>>) target(%dma_start3A_476 : memref<128x128xf32, #tpu.memory_space<vmem>>) offsets(%dma_start3A_479 : memref<128xi32, #tpu.memory_space<vmem>>) semaphore(%arg11 : memref<!tpu.dma_semaphore, #tpu.memory_space<semaphore_mem>>)
      %dma_start3A_483 = arith.constant 128 : i32
      %dma_start3A_484 = arith.constant 0 : i32
      %dma_start3A_485 = tpu.memref_slice %arg8[%dma_start3A_483, %dma_start3A_484] : memref<256x128xf32, #tpu.memory_space<vmem>> -> memref<128x128xf32, #tpu.memory_space<vmem>>
      %dma_start3A_486 = arith.constant 0 : i32
      %dma_start3A_487 = tpu.memref_slice %arg5[%add3A_473, %dma_start3A_486] : memref<200x128xi32, #tpu.memory_space<vmem>> -> memref<1x128xi32, #tpu.memory_space<vmem>>
      %dma_start3A_488 = tpu.memref_squeeze %dma_start3A_487 : memref<1x128xi32, #tpu.memory_space<vmem>> -> memref<128xi32, #tpu.memory_space<vmem>>
      %dma_start3A_489 = arith.constant 0 : i32
      %dma_start3A_490 = arith.constant 0 : i32
      %dma_start3A_491 = tpu.memref_slice %arg3[%dma_start3A_489, %dma_start3A_490] : memref<100000x128xf32, #tpu.memory_space<hbm>> -> memref<100000x128xf32, #tpu.memory_space<hbm>>
      tpu.enqueue_indirect_dma source(%dma_start3A_491 : memref<100000x128xf32, #tpu.memory_space<hbm>>) target(%dma_start3A_485 : memref<128x128xf32, #tpu.memory_space<vmem>>) offsets(%dma_start3A_488 : memref<128xi32, #tpu.memory_space<vmem>>) semaphore(%arg11 : memref<!tpu.dma_semaphore, #tpu.memory_space<semaphore_mem>>)
      %add3A_492 = arith.constant 1 : i32
      %add3A_493 = arith.addi %mul3A_416, %add3A_492 : i32
      %mul3A_494 = arith.constant 2 : i32
      %mul3A_495 = arith.muli %add3A_493, %mul3A_494 : i32
      %add3A_496 = arith.constant 0 : i32
      %add3A_497 = arith.addi %mul3A_495, %add3A_496 : i32
      %mul3A_498 = arith.constant 2 : i32
      %mul3A_499 = arith.muli %add3A_493, %mul3A_498 : i32
      %add3A_500 = arith.constant 1 : i32
      %add3A_501 = arith.addi %mul3A_499, %add3A_500 : i32
      %dma_wait3A_502 = arith.constant 0 : i32
      %dma_wait3A_503 = arith.constant 0 : i32
      %dma_wait3A_504 = tpu.memref_slice %arg7[%dma_wait3A_502, %dma_wait3A_503] : memref<256x128xf32, #tpu.memory_space<vmem>> -> memref<128x128xf32, #tpu.memory_space<vmem>>
      %dma_wait3A_505 = arith.constant 0 : i32
      %dma_wait3A_506 = tpu.memref_slice %arg5[%add3A_497, %dma_wait3A_505] : memref<200x128xi32, #tpu.memory_space<vmem>> -> memref<1x128xi32, #tpu.memory_space<vmem>>
      %dma_wait3A_507 = tpu.memref_squeeze %dma_wait3A_506 : memref<1x128xi32, #tpu.memory_space<vmem>> -> memref<128xi32, #tpu.memory_space<vmem>>
      %dma_wait3A_508 = arith.constant 0 : i32
      %dma_wait3A_509 = arith.constant 0 : i32
      %dma_wait3A_510 = tpu.memref_slice %arg3[%dma_wait3A_508, %dma_wait3A_509] : memref<100000x128xf32, #tpu.memory_space<hbm>> -> memref<100000x128xf32, #tpu.memory_space<hbm>>
      tpu.wait_indirect_dma semaphore(%arg10 : memref<!tpu.dma_semaphore, #tpu.memory_space<semaphore_mem>>) src(%dma_wait3A_510 : memref<100000x128xf32, #tpu.memory_space<hbm>>) dst(%dma_wait3A_504 : memref<128x128xf32, #tpu.memory_space<vmem>>)
      %dma_wait3A_511 = arith.constant 128 : i32
      %dma_wait3A_512 = arith.constant 0 : i32
      %dma_wait3A_513 = tpu.memref_slice %arg7[%dma_wait3A_511, %dma_wait3A_512] : memref<256x128xf32, #tpu.memory_space<vmem>> -> memref<128x128xf32, #tpu.memory_space<vmem>>
      %dma_wait3A_514 = arith.constant 0 : i32
      %dma_wait3A_515 = tpu.memref_slice %arg5[%add3A_501, %dma_wait3A_514] : memref<200x128xi32, #tpu.memory_space<vmem>> -> memref<1x128xi32, #tpu.memory_space<vmem>>
      %dma_wait3A_516 = tpu.memref_squeeze %dma_wait3A_515 : memref<1x128xi32, #tpu.memory_space<vmem>> -> memref<128xi32, #tpu.memory_space<vmem>>
      %dma_wait3A_517 = arith.constant 0 : i32
      %dma_wait3A_518 = arith.constant 0 : i32
      %dma_wait3A_519 = tpu.memref_slice %arg3[%dma_wait3A_517, %dma_wait3A_518] : memref<100000x128xf32, #tpu.memory_space<hbm>> -> memref<100000x128xf32, #tpu.memory_space<hbm>>
      tpu.wait_indirect_dma semaphore(%arg10 : memref<!tpu.dma_semaphore, #tpu.memory_space<semaphore_mem>>) src(%dma_wait3A_519 : memref<100000x128xf32, #tpu.memory_space<hbm>>) dst(%dma_wait3A_513 : memref<128x128xf32, #tpu.memory_space<vmem>>)
      %scan3A_520 = arith.constant 0 : i32
      %scan3A_521 = arith.constant 0 : i32
      %scan3A_522 = arith.constant 256 : i32
      %scan3A_523 = arith.addi %scan3A_521, %scan3A_522 : i32
      %scan3A_524 = arith.constant 2 : i32
      scf.for %scan3A_648 = %scan3A_521 to %scan3A_523 step %scan3A_524  : i32 {
        %get3A = arith.index_cast %scan3A_648 : i32 to index
        %get3A_649 = arith.constant 0 : index
        %get3A_650 = tpu.vector_load %arg7[%get3A, %get3A_649] {strides = array<i32>} : memref<256x128xf32, #tpu.memory_space<vmem>>, vector<1x16xf32>,
        %get3A_651 = vector.shape_cast %get3A_650 : vector<1x16xf32> to vector<16xf32>
        %mul3A_652 = arith.constant 11.3137083 : f32
        %mul3A_653 = vector.broadcast %mul3A_652 : f32 to vector<16xf32>
        %mul3A_654 = arith.mulf %get3A_651, %mul3A_653 : vector<16xf32>
        %swap3A = arith.index_cast %scan3A_648 : i32 to index
        %swap3A_655 = arith.constant 0 : index
        %swap3A_656 = tpu.vector_load %arg7[%swap3A, %swap3A_655] {strides = array<i32>} : memref<256x128xf32, #tpu.memory_space<vmem>>, vector<1x16xf32>,
        %swap3A_657 = vector.shape_cast %swap3A_656 : vector<1x16xf32> to vector<16xf32>
        %swap3A_658 = vector.shape_cast %mul3A_654 : vector<16xf32> to vector<1x16xf32>
        tpu.vector_store %arg7[%swap3A, %swap3A_655], %swap3A_658 {strides = array<i32>} : memref<256x128xf32, #tpu.memory_space<vmem>>, vector<1x16xf32>,
        %get3A_659 = arith.index_cast %scan3A_648 : i32 to index
        %get3A_660 = arith.constant 16 : index
        %get3A_661 = tpu.vector_load %arg7[%get3A_659, %get3A_660] {strides = array<i32>} : memref<256x128xf32, #tpu.memory_space<vmem>>, vector<1x16xf32>,
        %get3A_662 = vector.shape_cast %get3A_661 : vector<1x16xf32> to vector<16xf32>
        %mul3A_663 = arith.constant 11.3137083 : f32
        %mul3A_664 = vector.broadcast %mul3A_663 : f32 to vector<16xf32>
        %mul3A_665 = arith.mulf %get3A_662, %mul3A_664 : vector<16xf32>
        %swap3A_666 = arith.index_cast %scan3A_648 : i32 to index
        %swap3A_667 = arith.constant 16 : index
        %swap3A_668 = tpu.vector_load %arg7[%swap3A_666, %swap3A_667] {strides = array<i32>} : memref<256x128xf32, #tpu.memory_space<vmem>>, vector<1x16xf32>,
        %swap3A_669 = vector.shape_cast %swap3A_668 : vector<1x16xf32> to vector<16xf32>
        %swap3A_670 = vector.shape_cast %mul3A_665 : vector<16xf32> to vector<1x16xf32>
        tpu.vector_store %arg7[%swap3A_666, %swap3A_667], %swap3A_670 {strides = array<i32>} : memref<256x128xf32, #tpu.memory_space<vmem>>, vector<1x16xf32>,
        %get3A_671 = arith.index_cast %scan3A_648 : i32 to index
        %get3A_672 = arith.constant 32 : index
        %get3A_673 = tpu.vector_load %arg7[%get3A_671, %get3A_672] {strides = array<i32>} : memref<256x128xf32, #tpu.memory_space<vmem>>, vector<1x16xf32>,
        %get3A_674 = vector.shape_cast %get3A_673 : vector<1x16xf32> to vector<16xf32>
        %mul3A_675 = arith.constant 11.3137083 : f32
        %mul3A_676 = vector.broadcast %mul3A_675 : f32 to vector<16xf32>
        %mul3A_677 = arith.mulf %get3A_674, %mul3A_676 : vector<16xf32>
        %swap3A_678 = arith.index_cast %scan3A_648 : i32 to index
        %swap3A_679 = arith.constant 32 : index
        %swap3A_680 = tpu.vector_load %arg7[%swap3A_678, %swap3A_679] {strides = array<i32>} : memref<256x128xf32, #tpu.memory_space<vmem>>, vector<1x16xf32>,
        %swap3A_681 = vector.shape_cast %swap3A_680 : vector<1x16xf32> to vector<16xf32>
        %swap3A_682 = vector.shape_cast %mul3A_677 : vector<16xf32> to vector<1x16xf32>
        tpu.vector_store %arg7[%swap3A_678, %swap3A_679], %swap3A_682 {strides = array<i32>} : memref<256x128xf32, #tpu.memory_space<vmem>>, vector<1x16xf32>,
        %get3A_683 = arith.index_cast %scan3A_648 : i32 to index
        %get3A_684 = arith.constant 48 : index
        %get3A_685 = tpu.vector_load %arg7[%get3A_683, %get3A_684] {strides = array<i32>} : memref<256x128xf32, #tpu.memory_space<vmem>>, vector<1x16xf32>,
        %get3A_686 = vector.shape_cast %get3A_685 : vector<1x16xf32> to vector<16xf32>
        %mul3A_687 = arith.constant 11.3137083 : f32
        %mul3A_688 = vector.broadcast %mul3A_687 : f32 to vector<16xf32>
        %mul3A_689 = arith.mulf %get3A_686, %mul3A_688 : vector<16xf32>
        %swap3A_690 = arith.index_cast %scan3A_648 : i32 to index
        %swap3A_691 = arith.constant 48 : index
        %swap3A_692 = tpu.vector_load %arg7[%swap3A_690, %swap3A_691] {strides = array<i32>} : memref<256x128xf32, #tpu.memory_space<vmem>>, vector<1x16xf32>,
        %swap3A_693 = vector.shape_cast %swap3A_692 : vector<1x16xf32> to vector<16xf32>
        %swap3A_694 = vector.shape_cast %mul3A_689 : vector<16xf32> to vector<1x16xf32>
        tpu.vector_store %arg7[%swap3A_690, %swap3A_691], %swap3A_694 {strides = array<i32>} : memref<256x128xf32, #tpu.memory_space<vmem>>, vector<1x16xf32>,
        %get3A_695 = arith.index_cast %scan3A_648 : i32 to index
        %get3A_696 = arith.constant 64 : index
        %get3A_697 = tpu.vector_load %arg7[%get3A_695, %get3A_696] {strides = array<i32>} : memref<256x128xf32, #tpu.memory_space<vmem>>, vector<1x16xf32>,
        %get3A_698 = vector.shape_cast %get3A_697 : vector<1x16xf32> to vector<16xf32>
        %mul3A_699 = arith.constant 11.3137083 : f32
        %mul3A_700 = vector.broadcast %mul3A_699 : f32 to vector<16xf32>
        %mul3A_701 = arith.mulf %get3A_698, %mul3A_700 : vector<16xf32>
        %swap3A_702 = arith.index_cast %scan3A_648 : i32 to index
        %swap3A_703 = arith.constant 64 : index
        %swap3A_704 = tpu.vector_load %arg7[%swap3A_702, %swap3A_703] {strides = array<i32>} : memref<256x128xf32, #tpu.memory_space<vmem>>, vector<1x16xf32>,
        %swap3A_705 = vector.shape_cast %swap3A_704 : vector<1x16xf32> to vector<16xf32>
        %swap3A_706 = vector.shape_cast %mul3A_701 : vector<16xf32> to vector<1x16xf32>
        tpu.vector_store %arg7[%swap3A_702, %swap3A_703], %swap3A_706 {strides = array<i32>} : memref<256x128xf32, #tpu.memory_space<vmem>>, vector<1x16xf32>,
        %get3A_707 = arith.index_cast %scan3A_648 : i32 to index
        %get3A_708 = arith.constant 80 : index
        %get3A_709 = tpu.vector_load %arg7[%get3A_707, %get3A_708] {strides = array<i32>} : memref<256x128xf32, #tpu.memory_space<vmem>>, vector<1x16xf32>,
        %get3A_710 = vector.shape_cast %get3A_709 : vector<1x16xf32> to vector<16xf32>
        %mul3A_711 = arith.constant 11.3137083 : f32
        %mul3A_712 = vector.broadcast %mul3A_711 : f32 to vector<16xf32>
        %mul3A_713 = arith.mulf %get3A_710, %mul3A_712 : vector<16xf32>
        %swap3A_714 = arith.index_cast %scan3A_648 : i32 to index
        %swap3A_715 = arith.constant 80 : index
        %swap3A_716 = tpu.vector_load %arg7[%swap3A_714, %swap3A_715] {strides = array<i32>} : memref<256x128xf32, #tpu.memory_space<vmem>>, vector<1x16xf32>,
        %swap3A_717 = vector.shape_cast %swap3A_716 : vector<1x16xf32> to vector<16xf32>
        %swap3A_718 = vector.shape_cast %mul3A_713 : vector<16xf32> to vector<1x16xf32>
        tpu.vector_store %arg7[%swap3A_714, %swap3A_715], %swap3A_718 {strides = array<i32>} : memref<256x128xf32, #tpu.memory_space<vmem>>, vector<1x16xf32>,
        %get3A_719 = arith.index_cast %scan3A_648 : i32 to index
        %get3A_720 = arith.constant 96 : index
        %get3A_721 = tpu.vector_load %arg7[%get3A_719, %get3A_720] {strides = array<i32>} : memref<256x128xf32, #tpu.memory_space<vmem>>, vector<1x16xf32>,
        %get3A_722 = vector.shape_cast %get3A_721 : vector<1x16xf32> to vector<16xf32>
        %mul3A_723 = arith.constant 11.3137083 : f32
        %mul3A_724 = vector.broadcast %mul3A_723 : f32 to vector<16xf32>
        %mul3A_725 = arith.mulf %get3A_722, %mul3A_724 : vector<16xf32>
        %swap3A_726 = arith.index_cast %scan3A_648 : i32 to index
        %swap3A_727 = arith.constant 96 : index
        %swap3A_728 = tpu.vector_load %arg7[%swap3A_726, %swap3A_727] {strides = array<i32>} : memref<256x128xf32, #tpu.memory_space<vmem>>, vector<1x16xf32>,
        %swap3A_729 = vector.shape_cast %swap3A_728 : vector<1x16xf32> to vector<16xf32>
        %swap3A_730 = vector.shape_cast %mul3A_725 : vector<16xf32> to vector<1x16xf32>
        tpu.vector_store %arg7[%swap3A_726, %swap3A_727], %swap3A_730 {strides = array<i32>} : memref<256x128xf32, #tpu.memory_space<vmem>>, vector<1x16xf32>,
        %get3A_731 = arith.index_cast %scan3A_648 : i32 to index
        %get3A_732 = arith.constant 112 : index
        %get3A_733 = tpu.vector_load %arg7[%get3A_731, %get3A_732] {strides = array<i32>} : memref<256x128xf32, #tpu.memory_space<vmem>>, vector<1x16xf32>,
        %get3A_734 = vector.shape_cast %get3A_733 : vector<1x16xf32> to vector<16xf32>
        %mul3A_735 = arith.constant 11.3137083 : f32
        %mul3A_736 = vector.broadcast %mul3A_735 : f32 to vector<16xf32>
        %mul3A_737 = arith.mulf %get3A_734, %mul3A_736 : vector<16xf32>
        %swap3A_738 = arith.index_cast %scan3A_648 : i32 to index
        %swap3A_739 = arith.constant 112 : index
        %swap3A_740 = tpu.vector_load %arg7[%swap3A_738, %swap3A_739] {strides = array<i32>} : memref<256x128xf32, #tpu.memory_space<vmem>>, vector<1x16xf32>,
        %swap3A_741 = vector.shape_cast %swap3A_740 : vector<1x16xf32> to vector<16xf32>
        %swap3A_742 = vector.shape_cast %mul3A_737 : vector<16xf32> to vector<1x16xf32>
        tpu.vector_store %arg7[%swap3A_738, %swap3A_739], %swap3A_742 {strides = array<i32>} : memref<256x128xf32, #tpu.memory_space<vmem>>, vector<1x16xf32>,
        %scan3A_743 = arith.constant 1 : i32
        %scan3A_744 = arith.addi %scan3A_648, %scan3A_743 : i32
        %get3A_745 = arith.index_cast %scan3A_744 : i32 to index
        %get3A_746 = arith.constant 0 : index
        %get3A_747 = tpu.vector_load %arg7[%get3A_745, %get3A_746] {strides = array<i32>} : memref<256x128xf32, #tpu.memory_space<vmem>>, vector<1x16xf32>,
        %get3A_748 = vector.shape_cast %get3A_747 : vector<1x16xf32> to vector<16xf32>
        %mul3A_749 = arith.constant 11.3137083 : f32
        %mul3A_750 = vector.broadcast %mul3A_749 : f32 to vector<16xf32>
        %mul3A_751 = arith.mulf %get3A_748, %mul3A_750 : vector<16xf32>
        %swap3A_752 = arith.index_cast %scan3A_744 : i32 to index
        %swap3A_753 = arith.constant 0 : index
        %swap3A_754 = tpu.vector_load %arg7[%swap3A_752, %swap3A_753] {strides = array<i32>} : memref<256x128xf32, #tpu.memory_space<vmem>>, vector<1x16xf32>,
        %swap3A_755 = vector.shape_cast %swap3A_754 : vector<1x16xf32> to vector<16xf32>
        %swap3A_756 = vector.shape_cast %mul3A_751 : vector<16xf32> to vector<1x16xf32>
        tpu.vector_store %arg7[%swap3A_752, %swap3A_753], %swap3A_756 {strides = array<i32>} : memref<256x128xf32, #tpu.memory_space<vmem>>, vector<1x16xf32>,
        %get3A_757 = arith.index_cast %scan3A_744 : i32 to index
        %get3A_758 = arith.constant 16 : index
        %get3A_759 = tpu.vector_load %arg7[%get3A_757, %get3A_758] {strides = array<i32>} : memref<256x128xf32, #tpu.memory_space<vmem>>, vector<1x16xf32>,
        %get3A_760 = vector.shape_cast %get3A_759 : vector<1x16xf32> to vector<16xf32>
        %mul3A_761 = arith.constant 11.3137083 : f32
        %mul3A_762 = vector.broadcast %mul3A_761 : f32 to vector<16xf32>
        %mul3A_763 = arith.mulf %get3A_760, %mul3A_762 : vector<16xf32>
        %swap3A_764 = arith.index_cast %scan3A_744 : i32 to index
        %swap3A_765 = arith.constant 16 : index
        %swap3A_766 = tpu.vector_load %arg7[%swap3A_764, %swap3A_765] {strides = array<i32>} : memref<256x128xf32, #tpu.memory_space<vmem>>, vector<1x16xf32>,
        %swap3A_767 = vector.shape_cast %swap3A_766 : vector<1x16xf32> to vector<16xf32>
        %swap3A_768 = vector.shape_cast %mul3A_763 : vector<16xf32> to vector<1x16xf32>
        tpu.vector_store %arg7[%swap3A_764, %swap3A_765], %swap3A_768 {strides = array<i32>} : memref<256x128xf32, #tpu.memory_space<vmem>>, vector<1x16xf32>,
        %get3A_769 = arith.index_cast %scan3A_744 : i32 to index
        %get3A_770 = arith.constant 32 : index
        %get3A_771 = tpu.vector_load %arg7[%get3A_769, %get3A_770] {strides = array<i32>} : memref<256x128xf32, #tpu.memory_space<vmem>>, vector<1x16xf32>,
        %get3A_772 = vector.shape_cast %get3A_771 : vector<1x16xf32> to vector<16xf32>
        %mul3A_773 = arith.constant 11.3137083 : f32
        %mul3A_774 = vector.broadcast %mul3A_773 : f32 to vector<16xf32>
        %mul3A_775 = arith.mulf %get3A_772, %mul3A_774 : vector<16xf32>
        %swap3A_776 = arith.index_cast %scan3A_744 : i32 to index
        %swap3A_777 = arith.constant 32 : index
        %swap3A_778 = tpu.vector_load %arg7[%swap3A_776, %swap3A_777] {strides = array<i32>} : memref<256x128xf32, #tpu.memory_space<vmem>>, vector<1x16xf32>,
        %swap3A_779 = vector.shape_cast %swap3A_778 : vector<1x16xf32> to vector<16xf32>
        %swap3A_780 = vector.shape_cast %mul3A_775 : vector<16xf32> to vector<1x16xf32>
        tpu.vector_store %arg7[%swap3A_776, %swap3A_777], %swap3A_780 {strides = array<i32>} : memref<256x128xf32, #tpu.memory_space<vmem>>, vector<1x16xf32>,
        %get3A_781 = arith.index_cast %scan3A_744 : i32 to index
        %get3A_782 = arith.constant 48 : index
        %get3A_783 = tpu.vector_load %arg7[%get3A_781, %get3A_782] {strides = array<i32>} : memref<256x128xf32, #tpu.memory_space<vmem>>, vector<1x16xf32>,
        %get3A_784 = vector.shape_cast %get3A_783 : vector<1x16xf32> to vector<16xf32>
        %mul3A_785 = arith.constant 11.3137083 : f32
        %mul3A_786 = vector.broadcast %mul3A_785 : f32 to vector<16xf32>
        %mul3A_787 = arith.mulf %get3A_784, %mul3A_786 : vector<16xf32>
        %swap3A_788 = arith.index_cast %scan3A_744 : i32 to index
        %swap3A_789 = arith.constant 48 : index
        %swap3A_790 = tpu.vector_load %arg7[%swap3A_788, %swap3A_789] {strides = array<i32>} : memref<256x128xf32, #tpu.memory_space<vmem>>, vector<1x16xf32>,
        %swap3A_791 = vector.shape_cast %swap3A_790 : vector<1x16xf32> to vector<16xf32>
        %swap3A_792 = vector.shape_cast %mul3A_787 : vector<16xf32> to vector<1x16xf32>
        tpu.vector_store %arg7[%swap3A_788, %swap3A_789], %swap3A_792 {strides = array<i32>} : memref<256x128xf32, #tpu.memory_space<vmem>>, vector<1x16xf32>,
        %get3A_793 = arith.index_cast %scan3A_744 : i32 to index
        %get3A_794 = arith.constant 64 : index
        %get3A_795 = tpu.vector_load %arg7[%get3A_793, %get3A_794] {strides = array<i32>} : memref<256x128xf32, #tpu.memory_space<vmem>>, vector<1x16xf32>,
        %get3A_796 = vector.shape_cast %get3A_795 : vector<1x16xf32> to vector<16xf32>
        %mul3A_797 = arith.constant 11.3137083 : f32
        %mul3A_798 = vector.broadcast %mul3A_797 : f32 to vector<16xf32>
        %mul3A_799 = arith.mulf %get3A_796, %mul3A_798 : vector<16xf32>
        %swap3A_800 = arith.index_cast %scan3A_744 : i32 to index
        %swap3A_801 = arith.constant 64 : index
        %swap3A_802 = tpu.vector_load %arg7[%swap3A_800, %swap3A_801] {strides = array<i32>} : memref<256x128xf32, #tpu.memory_space<vmem>>, vector<1x16xf32>,
        %swap3A_803 = vector.shape_cast %swap3A_802 : vector<1x16xf32> to vector<16xf32>
        %swap3A_804 = vector.shape_cast %mul3A_799 : vector<16xf32> to vector<1x16xf32>
        tpu.vector_store %arg7[%swap3A_800, %swap3A_801], %swap3A_804 {strides = array<i32>} : memref<256x128xf32, #tpu.memory_space<vmem>>, vector<1x16xf32>,
        %get3A_805 = arith.index_cast %scan3A_744 : i32 to index
        %get3A_806 = arith.constant 80 : index
        %get3A_807 = tpu.vector_load %arg7[%get3A_805, %get3A_806] {strides = array<i32>} : memref<256x128xf32, #tpu.memory_space<vmem>>, vector<1x16xf32>,
        %get3A_808 = vector.shape_cast %get3A_807 : vector<1x16xf32> to vector<16xf32>
        %mul3A_809 = arith.constant 11.3137083 : f32
        %mul3A_810 = vector.broadcast %mul3A_809 : f32 to vector<16xf32>
        %mul3A_811 = arith.mulf %get3A_808, %mul3A_810 : vector<16xf32>
        %swap3A_812 = arith.index_cast %scan3A_744 : i32 to index
        %swap3A_813 = arith.constant 80 : index
        %swap3A_814 = tpu.vector_load %arg7[%swap3A_812, %swap3A_813] {strides = array<i32>} : memref<256x128xf32, #tpu.memory_space<vmem>>, vector<1x16xf32>,
        %swap3A_815 = vector.shape_cast %swap3A_814 : vector<1x16xf32> to vector<16xf32>
        %swap3A_816 = vector.shape_cast %mul3A_811 : vector<16xf32> to vector<1x16xf32>
        tpu.vector_store %arg7[%swap3A_812, %swap3A_813], %swap3A_816 {strides = array<i32>} : memref<256x128xf32, #tpu.memory_space<vmem>>, vector<1x16xf32>,
        %get3A_817 = arith.index_cast %scan3A_744 : i32 to index
        %get3A_818 = arith.constant 96 : index
        %get3A_819 = tpu.vector_load %arg7[%get3A_817, %get3A_818] {strides = array<i32>} : memref<256x128xf32, #tpu.memory_space<vmem>>, vector<1x16xf32>,
        %get3A_820 = vector.shape_cast %get3A_819 : vector<1x16xf32> to vector<16xf32>
        %mul3A_821 = arith.constant 11.3137083 : f32
        %mul3A_822 = vector.broadcast %mul3A_821 : f32 to vector<16xf32>
        %mul3A_823 = arith.mulf %get3A_820, %mul3A_822 : vector<16xf32>
        %swap3A_824 = arith.index_cast %scan3A_744 : i32 to index
        %swap3A_825 = arith.constant 96 : index
        %swap3A_826 = tpu.vector_load %arg7[%swap3A_824, %swap3A_825] {strides = array<i32>} : memref<256x128xf32, #tpu.memory_space<vmem>>, vector<1x16xf32>,
        %swap3A_827 = vector.shape_cast %swap3A_826 : vector<1x16xf32> to vector<16xf32>
        %swap3A_828 = vector.shape_cast %mul3A_823 : vector<16xf32> to vector<1x16xf32>
        tpu.vector_store %arg7[%swap3A_824, %swap3A_825], %swap3A_828 {strides = array<i32>} : memref<256x128xf32, #tpu.memory_space<vmem>>, vector<1x16xf32>,
        %get3A_829 = arith.index_cast %scan3A_744 : i32 to index
        %get3A_830 = arith.constant 112 : index
        %get3A_831 = tpu.vector_load %arg7[%get3A_829, %get3A_830] {strides = array<i32>} : memref<256x128xf32, #tpu.memory_space<vmem>>, vector<1x16xf32>,
        %get3A_832 = vector.shape_cast %get3A_831 : vector<1x16xf32> to vector<16xf32>
        %mul3A_833 = arith.constant 11.3137083 : f32
        %mul3A_834 = vector.broadcast %mul3A_833 : f32 to vector<16xf32>
        %mul3A_835 = arith.mulf %get3A_832, %mul3A_834 : vector<16xf32>
        %swap3A_836 = arith.index_cast %scan3A_744 : i32 to index
        %swap3A_837 = arith.constant 112 : index
        %swap3A_838 = tpu.vector_load %arg7[%swap3A_836, %swap3A_837] {strides = array<i32>} : memref<256x128xf32, #tpu.memory_space<vmem>>, vector<1x16xf32>,
        %swap3A_839 = vector.shape_cast %swap3A_838 : vector<1x16xf32> to vector<16xf32>
        %swap3A_840 = vector.shape_cast %mul3A_835 : vector<16xf32> to vector<1x16xf32>
        tpu.vector_store %arg7[%swap3A_836, %swap3A_837], %swap3A_840 {strides = array<i32>} : memref<256x128xf32, #tpu.memory_space<vmem>>, vector<1x16xf32>,
      }
      %scan3A_525 = arith.constant 256 : i32
      %mul3A_526 = arith.constant 256 : i32
      %mul3A_527 = arith.muli %add3A_493, %mul3A_526 : i32
      %add3A_528 = arith.addi %mul3A_2, %mul3A_527 : i32
      %dma_start3A_529 = arith.constant 0 : i32
      %dma_start3A_530 = tpu.memref_slice %arg4[%add3A_528, %dma_start3A_529] : memref<819200x128xf32, #tpu.memory_space<hbm>> -> memref<256x128xf32, #tpu.memory_space<hbm>>
      %dma_start3A_531 = arith.constant 0 : i32
      %dma_start3A_532 = tpu.memref_slice %arg4[%add3A_528, %dma_start3A_531] : memref<819200x128xf32, #tpu.memory_space<hbm>> -> memref<256x128xf32, #tpu.memory_space<hbm>>
      tpu.enqueue_dma source(%arg7 : memref<256x128xf32, #tpu.memory_space<vmem>>) target(%dma_start3A_532 : memref<256x128xf32, #tpu.memory_space<hbm>>) target_semaphore(%arg13 : memref<!tpu.dma_semaphore, #tpu.memory_space<semaphore_mem>>)
      %sub3A_533 = arith.constant 1 : i32
      %sub3A_534 = arith.subi %add3A_493, %sub3A_533 : i32
      %mul3A_535 = arith.constant 256 : i32
      %mul3A_536 = arith.muli %sub3A_534, %mul3A_535 : i32
      %add3A_537 = arith.addi %mul3A_2, %mul3A_536 : i32
      %dma_wait3A_538 = arith.constant 0 : i32
      %dma_wait3A_539 = tpu.memref_slice %arg4[%add3A_537, %dma_wait3A_538] : memref<819200x128xf32, #tpu.memory_space<hbm>> -> memref<256x128xf32, #tpu.memory_space<hbm>>
      %dma_wait3A_540 = arith.constant 0 : i32
      %dma_wait3A_541 = tpu.memref_slice %arg4[%add3A_537, %dma_wait3A_540] : memref<819200x128xf32, #tpu.memory_space<hbm>> -> memref<256x128xf32, #tpu.memory_space<hbm>>
      tpu.wait_dma2 semaphore(%arg12 : memref<!tpu.dma_semaphore, #tpu.memory_space<semaphore_mem>>) src(%arg6 : memref<256x128xf32, #tpu.memory_space<vmem>>) dst(%dma_wait3A_541 : memref<256x128xf32, #tpu.memory_space<hbm>>)
      %add3A_542 = arith.constant 2 : i32
      %add3A_543 = arith.addi %add3A_493, %add3A_542 : i32
      %mul3A_544 = arith.constant 2 : i32
      %mul3A_545 = arith.muli %add3A_543, %mul3A_544 : i32
      %add3A_546 = arith.constant 0 : i32
      %add3A_547 = arith.addi %mul3A_545, %add3A_546 : i32
      %mul3A_548 = arith.constant 2 : i32
      %mul3A_549 = arith.muli %add3A_543, %mul3A_548 : i32
      %add3A_550 = arith.constant 1 : i32
      %add3A_551 = arith.addi %mul3A_549, %add3A_550 : i32
      %dma_start3A_552 = arith.constant 0 : i32
      %dma_start3A_553 = arith.constant 0 : i32
      %dma_start3A_554 = tpu.memref_slice %arg6[%dma_start3A_552, %dma_start3A_553] : memref<256x128xf32, #tpu.memory_space<vmem>> -> memref<128x128xf32, #tpu.memory_space<vmem>>
      %dma_start3A_555 = arith.constant 0 : i32
      %dma_start3A_556 = tpu.memref_slice %arg5[%add3A_547, %dma_start3A_555] : memref<200x128xi32, #tpu.memory_space<vmem>> -> memref<1x128xi32, #tpu.memory_space<vmem>>
      %dma_start3A_557 = tpu.memref_squeeze %dma_start3A_556 : memref<1x128xi32, #tpu.memory_space<vmem>> -> memref<128xi32, #tpu.memory_space<vmem>>
      %dma_start3A_558 = arith.constant 0 : i32
      %dma_start3A_559 = arith.constant 0 : i32
      %dma_start3A_560 = tpu.memref_slice %arg3[%dma_start3A_558, %dma_start3A_559] : memref<100000x128xf32, #tpu.memory_space<hbm>> -> memref<100000x128xf32, #tpu.memory_space<hbm>>
      tpu.enqueue_indirect_dma source(%dma_start3A_560 : memref<100000x128xf32, #tpu.memory_space<hbm>>) target(%dma_start3A_554 : memref<128x128xf32, #tpu.memory_space<vmem>>) offsets(%dma_start3A_557 : memref<128xi32, #tpu.memory_space<vmem>>) semaphore(%arg9 : memref<!tpu.dma_semaphore, #tpu.memory_space<semaphore_mem>>)
      %dma_start3A_561 = arith.constant 128 : i32
      %dma_start3A_562 = arith.constant 0 : i32
      %dma_start3A_563 = tpu.memref_slice %arg6[%dma_start3A_561, %dma_start3A_562] : memref<256x128xf32, #tpu.memory_space<vmem>> -> memref<128x128xf32, #tpu.memory_space<vmem>>
      %dma_start3A_564 = arith.constant 0 : i32
      %dma_start3A_565 = tpu.memref_slice %arg5[%add3A_551, %dma_start3A_564] : memref<200x128xi32, #tpu.memory_space<vmem>> -> memref<1x128xi32, #tpu.memory_space<vmem>>
      %dma_start3A_566 = tpu.memref_squeeze %dma_start3A_565 : memref<1x128xi32, #tpu.memory_space<vmem>> -> memref<128xi32, #tpu.memory_space<vmem>>
      %dma_start3A_567 = arith.constant 0 : i32
      %dma_start3A_568 = arith.constant 0 : i32
      %dma_start3A_569 = tpu.memref_slice %arg3[%dma_start3A_567, %dma_start3A_568] : memref<100000x128xf32, #tpu.memory_space<hbm>> -> memref<100000x128xf32, #tpu.memory_space<hbm>>
      tpu.enqueue_indirect_dma source(%dma_start3A_569 : memref<100000x128xf32, #tpu.memory_space<hbm>>) target(%dma_start3A_563 : memref<128x128xf32, #tpu.memory_space<vmem>>) offsets(%dma_start3A_566 : memref<128xi32, #tpu.memory_space<vmem>>) semaphore(%arg9 : memref<!tpu.dma_semaphore, #tpu.memory_space<semaphore_mem>>)
      %add3A_570 = arith.constant 2 : i32
      %add3A_571 = arith.addi %mul3A_416, %add3A_570 : i32
      %mul3A_572 = arith.constant 2 : i32
      %mul3A_573 = arith.muli %add3A_571, %mul3A_572 : i32
      %add3A_574 = arith.constant 0 : i32
      %add3A_575 = arith.addi %mul3A_573, %add3A_574 : i32
      %mul3A_576 = arith.constant 2 : i32
      %mul3A_577 = arith.muli %add3A_571, %mul3A_576 : i32
      %add3A_578 = arith.constant 1 : i32
      %add3A_579 = arith.addi %mul3A_577, %add3A_578 : i32
      %dma_wait3A_580 = arith.constant 0 : i32
      %dma_wait3A_581 = arith.constant 0 : i32
      %dma_wait3A_582 = tpu.memref_slice %arg8[%dma_wait3A_580, %dma_wait3A_581] : memref<256x128xf32, #tpu.memory_space<vmem>> -> memref<128x128xf32, #tpu.memory_space<vmem>>
      %dma_wait3A_583 = arith.constant 0 : i32
      %dma_wait3A_584 = tpu.memref_slice %arg5[%add3A_575, %dma_wait3A_583] : memref<200x128xi32, #tpu.memory_space<vmem>> -> memref<1x128xi32, #tpu.memory_space<vmem>>
      %dma_wait3A_585 = tpu.memref_squeeze %dma_wait3A_584 : memref<1x128xi32, #tpu.memory_space<vmem>> -> memref<128xi32, #tpu.memory_space<vmem>>
      %dma_wait3A_586 = arith.constant 0 : i32
      %dma_wait3A_587 = arith.constant 0 : i32
      %dma_wait3A_588 = tpu.memref_slice %arg3[%dma_wait3A_586, %dma_wait3A_587] : memref<100000x128xf32, #tpu.memory_space<hbm>> -> memref<100000x128xf32, #tpu.memory_space<hbm>>
      tpu.wait_indirect_dma semaphore(%arg11 : memref<!tpu.dma_semaphore, #tpu.memory_space<semaphore_mem>>) src(%dma_wait3A_588 : memref<100000x128xf32, #tpu.memory_space<hbm>>) dst(%dma_wait3A_582 : memref<128x128xf32, #tpu.memory_space<vmem>>)
      %dma_wait3A_589 = arith.constant 128 : i32
      %dma_wait3A_590 = arith.constant 0 : i32
      %dma_wait3A_591 = tpu.memref_slice %arg8[%dma_wait3A_589, %dma_wait3A_590] : memref<256x128xf32, #tpu.memory_space<vmem>> -> memref<128x128xf32, #tpu.memory_space<vmem>>
      %dma_wait3A_592 = arith.constant 0 : i32
      %dma_wait3A_593 = tpu.memref_slice %arg5[%add3A_579, %dma_wait3A_592] : memref<200x128xi32, #tpu.memory_space<vmem>> -> memref<1x128xi32, #tpu.memory_space<vmem>>
      %dma_wait3A_594 = tpu.memref_squeeze %dma_wait3A_593 : memref<1x128xi32, #tpu.memory_space<vmem>> -> memref<128xi32, #tpu.memory_space<vmem>>
      %dma_wait3A_595 = arith.constant 0 : i32
      %dma_wait3A_596 = arith.constant 0 : i32
      %dma_wait3A_597 = tpu.memref_slice %arg3[%dma_wait3A_595, %dma_wait3A_596] : memref<100000x128xf32, #tpu.memory_space<hbm>> -> memref<100000x128xf32, #tpu.memory_space<hbm>>
      tpu.wait_indirect_dma semaphore(%arg11 : memref<!tpu.dma_semaphore, #tpu.memory_space<semaphore_mem>>) src(%dma_wait3A_597 : memref<100000x128xf32, #tpu.memory_space<hbm>>) dst(%dma_wait3A_591 : memref<128x128xf32, #tpu.memory_space<vmem>>)
      %scan3A_598 = arith.constant 0 : i32
      %scan3A_599 = arith.constant 0 : i32
      %scan3A_600 = arith.constant 256 : i32
      %scan3A_601 = arith.addi %scan3A_599, %scan3A_600 : i32
      %scan3A_602 = arith.constant 2 : i32
      scf.for %scan3A_648 = %scan3A_599 to %scan3A_601 step %scan3A_602  : i32 {
        %get3A = arith.index_cast %scan3A_648 : i32 to index
        %get3A_649 = arith.constant 0 : index
        %get3A_650 = tpu.vector_load %arg8[%get3A, %get3A_649] {strides = array<i32>} : memref<256x128xf32, #tpu.memory_space<vmem>>, vector<1x16xf32>,
        %get3A_651 = vector.shape_cast %get3A_650 : vector<1x16xf32> to vector<16xf32>
        %mul3A_652 = arith.constant 11.3137083 : f32
        %mul3A_653 = vector.broadcast %mul3A_652 : f32 to vector<16xf32>
        %mul3A_654 = arith.mulf %get3A_651, %mul3A_653 : vector<16xf32>
        %swap3A = arith.index_cast %scan3A_648 : i32 to index
        %swap3A_655 = arith.constant 0 : index
        %swap3A_656 = tpu.vector_load %arg8[%swap3A, %swap3A_655] {strides = array<i32>} : memref<256x128xf32, #tpu.memory_space<vmem>>, vector<1x16xf32>,
        %swap3A_657 = vector.shape_cast %swap3A_656 : vector<1x16xf32> to vector<16xf32>
        %swap3A_658 = vector.shape_cast %mul3A_654 : vector<16xf32> to vector<1x16xf32>
        tpu.vector_store %arg8[%swap3A, %swap3A_655], %swap3A_658 {strides = array<i32>} : memref<256x128xf32, #tpu.memory_space<vmem>>, vector<1x16xf32>,
        %get3A_659 = arith.index_cast %scan3A_648 : i32 to index
        %get3A_660 = arith.constant 16 : index
        %get3A_661 = tpu.vector_load %arg8[%get3A_659, %get3A_660] {strides = array<i32>} : memref<256x128xf32, #tpu.memory_space<vmem>>, vector<1x16xf32>,
        %get3A_662 = vector.shape_cast %get3A_661 : vector<1x16xf32> to vector<16xf32>
        %mul3A_663 = arith.constant 11.3137083 : f32
        %mul3A_664 = vector.broadcast %mul3A_663 : f32 to vector<16xf32>
        %mul3A_665 = arith.mulf %get3A_662, %mul3A_664 : vector<16xf32>
        %swap3A_666 = arith.index_cast %scan3A_648 : i32 to index
        %swap3A_667 = arith.constant 16 : index
        %swap3A_668 = tpu.vector_load %arg8[%swap3A_666, %swap3A_667] {strides = array<i32>} : memref<256x128xf32, #tpu.memory_space<vmem>>, vector<1x16xf32>,
        %swap3A_669 = vector.shape_cast %swap3A_668 : vector<1x16xf32> to vector<16xf32>
        %swap3A_670 = vector.shape_cast %mul3A_665 : vector<16xf32> to vector<1x16xf32>
        tpu.vector_store %arg8[%swap3A_666, %swap3A_667], %swap3A_670 {strides = array<i32>} : memref<256x128xf32, #tpu.memory_space<vmem>>, vector<1x16xf32>,
        %get3A_671 = arith.index_cast %scan3A_648 : i32 to index
        %get3A_672 = arith.constant 32 : index
        %get3A_673 = tpu.vector_load %arg8[%get3A_671, %get3A_672] {strides = array<i32>} : memref<256x128xf32, #tpu.memory_space<vmem>>, vector<1x16xf32>,
        %get3A_674 = vector.shape_cast %get3A_673 : vector<1x16xf32> to vector<16xf32>
        %mul3A_675 = arith.constant 11.3137083 : f32
        %mul3A_676 = vector.broadcast %mul3A_675 : f32 to vector<16xf32>
        %mul3A_677 = arith.mulf %get3A_674, %mul3A_676 : vector<16xf32>
        %swap3A_678 = arith.index_cast %scan3A_648 : i32 to index
        %swap3A_679 = arith.constant 32 : index
        %swap3A_680 = tpu.vector_load %arg8[%swap3A_678, %swap3A_679] {strides = array<i32>} : memref<256x128xf32, #tpu.memory_space<vmem>>, vector<1x16xf32>,
        %swap3A_681 = vector.shape_cast %swap3A_680 : vector<1x16xf32> to vector<16xf32>
        %swap3A_682 = vector.shape_cast %mul3A_677 : vector<16xf32> to vector<1x16xf32>
        tpu.vector_store %arg8[%swap3A_678, %swap3A_679], %swap3A_682 {strides = array<i32>} : memref<256x128xf32, #tpu.memory_space<vmem>>, vector<1x16xf32>,
        %get3A_683 = arith.index_cast %scan3A_648 : i32 to index
        %get3A_684 = arith.constant 48 : index
        %get3A_685 = tpu.vector_load %arg8[%get3A_683, %get3A_684] {strides = array<i32>} : memref<256x128xf32, #tpu.memory_space<vmem>>, vector<1x16xf32>,
        %get3A_686 = vector.shape_cast %get3A_685 : vector<1x16xf32> to vector<16xf32>
        %mul3A_687 = arith.constant 11.3137083 : f32
        %mul3A_688 = vector.broadcast %mul3A_687 : f32 to vector<16xf32>
        %mul3A_689 = arith.mulf %get3A_686, %mul3A_688 : vector<16xf32>
        %swap3A_690 = arith.index_cast %scan3A_648 : i32 to index
        %swap3A_691 = arith.constant 48 : index
        %swap3A_692 = tpu.vector_load %arg8[%swap3A_690, %swap3A_691] {strides = array<i32>} : memref<256x128xf32, #tpu.memory_space<vmem>>, vector<1x16xf32>,
        %swap3A_693 = vector.shape_cast %swap3A_692 : vector<1x16xf32> to vector<16xf32>
        %swap3A_694 = vector.shape_cast %mul3A_689 : vector<16xf32> to vector<1x16xf32>
        tpu.vector_store %arg8[%swap3A_690, %swap3A_691], %swap3A_694 {strides = array<i32>} : memref<256x128xf32, #tpu.memory_space<vmem>>, vector<1x16xf32>,
        %get3A_695 = arith.index_cast %scan3A_648 : i32 to index
        %get3A_696 = arith.constant 64 : index
        %get3A_697 = tpu.vector_load %arg8[%get3A_695, %get3A_696] {strides = array<i32>} : memref<256x128xf32, #tpu.memory_space<vmem>>, vector<1x16xf32>,
        %get3A_698 = vector.shape_cast %get3A_697 : vector<1x16xf32> to vector<16xf32>
        %mul3A_699 = arith.constant 11.3137083 : f32
        %mul3A_700 = vector.broadcast %mul3A_699 : f32 to vector<16xf32>
        %mul3A_701 = arith.mulf %get3A_698, %mul3A_700 : vector<16xf32>
        %swap3A_702 = arith.index_cast %scan3A_648 : i32 to index
        %swap3A_703 = arith.constant 64 : index
        %swap3A_704 = tpu.vector_load %arg8[%swap3A_702, %swap3A_703] {strides = array<i32>} : memref<256x128xf32, #tpu.memory_space<vmem>>, vector<1x16xf32>,
        %swap3A_705 = vector.shape_cast %swap3A_704 : vector<1x16xf32> to vector<16xf32>
        %swap3A_706 = vector.shape_cast %mul3A_701 : vector<16xf32> to vector<1x16xf32>
        tpu.vector_store %arg8[%swap3A_702, %swap3A_703], %swap3A_706 {strides = array<i32>} : memref<256x128xf32, #tpu.memory_space<vmem>>, vector<1x16xf32>,
        %get3A_707 = arith.index_cast %scan3A_648 : i32 to index
        %get3A_708 = arith.constant 80 : index
        %get3A_709 = tpu.vector_load %arg8[%get3A_707, %get3A_708] {strides = array<i32>} : memref<256x128xf32, #tpu.memory_space<vmem>>, vector<1x16xf32>,
        %get3A_710 = vector.shape_cast %get3A_709 : vector<1x16xf32> to vector<16xf32>
        %mul3A_711 = arith.constant 11.3137083 : f32
        %mul3A_712 = vector.broadcast %mul3A_711 : f32 to vector<16xf32>
        %mul3A_713 = arith.mulf %get3A_710, %mul3A_712 : vector<16xf32>
        %swap3A_714 = arith.index_cast %scan3A_648 : i32 to index
        %swap3A_715 = arith.constant 80 : index
        %swap3A_716 = tpu.vector_load %arg8[%swap3A_714, %swap3A_715] {strides = array<i32>} : memref<256x128xf32, #tpu.memory_space<vmem>>, vector<1x16xf32>,
        %swap3A_717 = vector.shape_cast %swap3A_716 : vector<1x16xf32> to vector<16xf32>
        %swap3A_718 = vector.shape_cast %mul3A_713 : vector<16xf32> to vector<1x16xf32>
        tpu.vector_store %arg8[%swap3A_714, %swap3A_715], %swap3A_718 {strides = array<i32>} : memref<256x128xf32, #tpu.memory_space<vmem>>, vector<1x16xf32>,
        %get3A_719 = arith.index_cast %scan3A_648 : i32 to index
        %get3A_720 = arith.constant 96 : index
        %get3A_721 = tpu.vector_load %arg8[%get3A_719, %get3A_720] {strides = array<i32>} : memref<256x128xf32, #tpu.memory_space<vmem>>, vector<1x16xf32>,
        %get3A_722 = vector.shape_cast %get3A_721 : vector<1x16xf32> to vector<16xf32>
        %mul3A_723 = arith.constant 11.3137083 : f32
        %mul3A_724 = vector.broadcast %mul3A_723 : f32 to vector<16xf32>
        %mul3A_725 = arith.mulf %get3A_722, %mul3A_724 : vector<16xf32>
        %swap3A_726 = arith.index_cast %scan3A_648 : i32 to index
        %swap3A_727 = arith.constant 96 : index
        %swap3A_728 = tpu.vector_load %arg8[%swap3A_726, %swap3A_727] {strides = array<i32>} : memref<256x128xf32, #tpu.memory_space<vmem>>, vector<1x16xf32>,
        %swap3A_729 = vector.shape_cast %swap3A_728 : vector<1x16xf32> to vector<16xf32>
        %swap3A_730 = vector.shape_cast %mul3A_725 : vector<16xf32> to vector<1x16xf32>
        tpu.vector_store %arg8[%swap3A_726, %swap3A_727], %swap3A_730 {strides = array<i32>} : memref<256x128xf32, #tpu.memory_space<vmem>>, vector<1x16xf32>,
        %get3A_731 = arith.index_cast %scan3A_648 : i32 to index
        %get3A_732 = arith.constant 112 : index
        %get3A_733 = tpu.vector_load %arg8[%get3A_731, %get3A_732] {strides = array<i32>} : memref<256x128xf32, #tpu.memory_space<vmem>>, vector<1x16xf32>,
        %get3A_734 = vector.shape_cast %get3A_733 : vector<1x16xf32> to vector<16xf32>
        %mul3A_735 = arith.constant 11.3137083 : f32
        %mul3A_736 = vector.broadcast %mul3A_735 : f32 to vector<16xf32>
        %mul3A_737 = arith.mulf %get3A_734, %mul3A_736 : vector<16xf32>
        %swap3A_738 = arith.index_cast %scan3A_648 : i32 to index
        %swap3A_739 = arith.constant 112 : index
        %swap3A_740 = tpu.vector_load %arg8[%swap3A_738, %swap3A_739] {strides = array<i32>} : memref<256x128xf32, #tpu.memory_space<vmem>>, vector<1x16xf32>,
        %swap3A_741 = vector.shape_cast %swap3A_740 : vector<1x16xf32> to vector<16xf32>
        %swap3A_742 = vector.shape_cast %mul3A_737 : vector<16xf32> to vector<1x16xf32>
        tpu.vector_store %arg8[%swap3A_738, %swap3A_739], %swap3A_742 {strides = array<i32>} : memref<256x128xf32, #tpu.memory_space<vmem>>, vector<1x16xf32>,
        %scan3A_743 = arith.constant 1 : i32
        %scan3A_744 = arith.addi %scan3A_648, %scan3A_743 : i32
        %get3A_745 = arith.index_cast %scan3A_744 : i32 to index
        %get3A_746 = arith.constant 0 : index
        %get3A_747 = tpu.vector_load %arg8[%get3A_745, %get3A_746] {strides = array<i32>} : memref<256x128xf32, #tpu.memory_space<vmem>>, vector<1x16xf32>,
        %get3A_748 = vector.shape_cast %get3A_747 : vector<1x16xf32> to vector<16xf32>
        %mul3A_749 = arith.constant 11.3137083 : f32
        %mul3A_750 = vector.broadcast %mul3A_749 : f32 to vector<16xf32>
        %mul3A_751 = arith.mulf %get3A_748, %mul3A_750 : vector<16xf32>
        %swap3A_752 = arith.index_cast %scan3A_744 : i32 to index
        %swap3A_753 = arith.constant 0 : index
        %swap3A_754 = tpu.vector_load %arg8[%swap3A_752, %swap3A_753] {strides = array<i32>} : memref<256x128xf32, #tpu.memory_space<vmem>>, vector<1x16xf32>,
        %swap3A_755 = vector.shape_cast %swap3A_754 : vector<1x16xf32> to vector<16xf32>
        %swap3A_756 = vector.shape_cast %mul3A_751 : vector<16xf32> to vector<1x16xf32>
        tpu.vector_store %arg8[%swap3A_752, %swap3A_753], %swap3A_756 {strides = array<i32>} : memref<256x128xf32, #tpu.memory_space<vmem>>, vector<1x16xf32>,
        %get3A_757 = arith.index_cast %scan3A_744 : i32 to index
        %get3A_758 = arith.constant 16 : index
        %get3A_759 = tpu.vector_load %arg8[%get3A_757, %get3A_758] {strides = array<i32>} : memref<256x128xf32, #tpu.memory_space<vmem>>, vector<1x16xf32>,
        %get3A_760 = vector.shape_cast %get3A_759 : vector<1x16xf32> to vector<16xf32>
        %mul3A_761 = arith.constant 11.3137083 : f32
        %mul3A_762 = vector.broadcast %mul3A_761 : f32 to vector<16xf32>
        %mul3A_763 = arith.mulf %get3A_760, %mul3A_762 : vector<16xf32>
        %swap3A_764 = arith.index_cast %scan3A_744 : i32 to index
        %swap3A_765 = arith.constant 16 : index
        %swap3A_766 = tpu.vector_load %arg8[%swap3A_764, %swap3A_765] {strides = array<i32>} : memref<256x128xf32, #tpu.memory_space<vmem>>, vector<1x16xf32>,
        %swap3A_767 = vector.shape_cast %swap3A_766 : vector<1x16xf32> to vector<16xf32>
        %swap3A_768 = vector.shape_cast %mul3A_763 : vector<16xf32> to vector<1x16xf32>
        tpu.vector_store %arg8[%swap3A_764, %swap3A_765], %swap3A_768 {strides = array<i32>} : memref<256x128xf32, #tpu.memory_space<vmem>>, vector<1x16xf32>,
        %get3A_769 = arith.index_cast %scan3A_744 : i32 to index
        %get3A_770 = arith.constant 32 : index
        %get3A_771 = tpu.vector_load %arg8[%get3A_769, %get3A_770] {strides = array<i32>} : memref<256x128xf32, #tpu.memory_space<vmem>>, vector<1x16xf32>,
        %get3A_772 = vector.shape_cast %get3A_771 : vector<1x16xf32> to vector<16xf32>
        %mul3A_773 = arith.constant 11.3137083 : f32
        %mul3A_774 = vector.broadcast %mul3A_773 : f32 to vector<16xf32>
        %mul3A_775 = arith.mulf %get3A_772, %mul3A_774 : vector<16xf32>
        %swap3A_776 = arith.index_cast %scan3A_744 : i32 to index
        %swap3A_777 = arith.constant 32 : index
        %swap3A_778 = tpu.vector_load %arg8[%swap3A_776, %swap3A_777] {strides = array<i32>} : memref<256x128xf32, #tpu.memory_space<vmem>>, vector<1x16xf32>,
        %swap3A_779 = vector.shape_cast %swap3A_778 : vector<1x16xf32> to vector<16xf32>
        %swap3A_780 = vector.shape_cast %mul3A_775 : vector<16xf32> to vector<1x16xf32>
        tpu.vector_store %arg8[%swap3A_776, %swap3A_777], %swap3A_780 {strides = array<i32>} : memref<256x128xf32, #tpu.memory_space<vmem>>, vector<1x16xf32>,
        %get3A_781 = arith.index_cast %scan3A_744 : i32 to index
        %get3A_782 = arith.constant 48 : index
        %get3A_783 = tpu.vector_load %arg8[%get3A_781, %get3A_782] {strides = array<i32>} : memref<256x128xf32, #tpu.memory_space<vmem>>, vector<1x16xf32>,
        %get3A_784 = vector.shape_cast %get3A_783 : vector<1x16xf32> to vector<16xf32>
        %mul3A_785 = arith.constant 11.3137083 : f32
        %mul3A_786 = vector.broadcast %mul3A_785 : f32 to vector<16xf32>
        %mul3A_787 = arith.mulf %get3A_784, %mul3A_786 : vector<16xf32>
        %swap3A_788 = arith.index_cast %scan3A_744 : i32 to index
        %swap3A_789 = arith.constant 48 : index
        %swap3A_790 = tpu.vector_load %arg8[%swap3A_788, %swap3A_789] {strides = array<i32>} : memref<256x128xf32, #tpu.memory_space<vmem>>, vector<1x16xf32>,
        %swap3A_791 = vector.shape_cast %swap3A_790 : vector<1x16xf32> to vector<16xf32>
        %swap3A_792 = vector.shape_cast %mul3A_787 : vector<16xf32> to vector<1x16xf32>
        tpu.vector_store %arg8[%swap3A_788, %swap3A_789], %swap3A_792 {strides = array<i32>} : memref<256x128xf32, #tpu.memory_space<vmem>>, vector<1x16xf32>,
        %get3A_793 = arith.index_cast %scan3A_744 : i32 to index
        %get3A_794 = arith.constant 64 : index
        %get3A_795 = tpu.vector_load %arg8[%get3A_793, %get3A_794] {strides = array<i32>} : memref<256x128xf32, #tpu.memory_space<vmem>>, vector<1x16xf32>,
        %get3A_796 = vector.shape_cast %get3A_795 : vector<1x16xf32> to vector<16xf32>
        %mul3A_797 = arith.constant 11.3137083 : f32
        %mul3A_798 = vector.broadcast %mul3A_797 : f32 to vector<16xf32>
        %mul3A_799 = arith.mulf %get3A_796, %mul3A_798 : vector<16xf32>
        %swap3A_800 = arith.index_cast %scan3A_744 : i32 to index
        %swap3A_801 = arith.constant 64 : index
        %swap3A_802 = tpu.vector_load %arg8[%swap3A_800, %swap3A_801] {strides = array<i32>} : memref<256x128xf32, #tpu.memory_space<vmem>>, vector<1x16xf32>,
        %swap3A_803 = vector.shape_cast %swap3A_802 : vector<1x16xf32> to vector<16xf32>
        %swap3A_804 = vector.shape_cast %mul3A_799 : vector<16xf32> to vector<1x16xf32>
        tpu.vector_store %arg8[%swap3A_800, %swap3A_801], %swap3A_804 {strides = array<i32>} : memref<256x128xf32, #tpu.memory_space<vmem>>, vector<1x16xf32>,
        %get3A_805 = arith.index_cast %scan3A_744 : i32 to index
        %get3A_806 = arith.constant 80 : index
        %get3A_807 = tpu.vector_load %arg8[%get3A_805, %get3A_806] {strides = array<i32>} : memref<256x128xf32, #tpu.memory_space<vmem>>, vector<1x16xf32>,
        %get3A_808 = vector.shape_cast %get3A_807 : vector<1x16xf32> to vector<16xf32>
        %mul3A_809 = arith.constant 11.3137083 : f32
        %mul3A_810 = vector.broadcast %mul3A_809 : f32 to vector<16xf32>
        %mul3A_811 = arith.mulf %get3A_808, %mul3A_810 : vector<16xf32>
        %swap3A_812 = arith.index_cast %scan3A_744 : i32 to index
        %swap3A_813 = arith.constant 80 : index
        %swap3A_814 = tpu.vector_load %arg8[%swap3A_812, %swap3A_813] {strides = array<i32>} : memref<256x128xf32, #tpu.memory_space<vmem>>, vector<1x16xf32>,
        %swap3A_815 = vector.shape_cast %swap3A_814 : vector<1x16xf32> to vector<16xf32>
        %swap3A_816 = vector.shape_cast %mul3A_811 : vector<16xf32> to vector<1x16xf32>
        tpu.vector_store %arg8[%swap3A_812, %swap3A_813], %swap3A_816 {strides = array<i32>} : memref<256x128xf32, #tpu.memory_space<vmem>>, vector<1x16xf32>,
        %get3A_817 = arith.index_cast %scan3A_744 : i32 to index
        %get3A_818 = arith.constant 96 : index
        %get3A_819 = tpu.vector_load %arg8[%get3A_817, %get3A_818] {strides = array<i32>} : memref<256x128xf32, #tpu.memory_space<vmem>>, vector<1x16xf32>,
        %get3A_820 = vector.shape_cast %get3A_819 : vector<1x16xf32> to vector<16xf32>
        %mul3A_821 = arith.constant 11.3137083 : f32
        %mul3A_822 = vector.broadcast %mul3A_821 : f32 to vector<16xf32>
        %mul3A_823 = arith.mulf %get3A_820, %mul3A_822 : vector<16xf32>
        %swap3A_824 = arith.index_cast %scan3A_744 : i32 to index
        %swap3A_825 = arith.constant 96 : index
        %swap3A_826 = tpu.vector_load %arg8[%swap3A_824, %swap3A_825] {strides = array<i32>} : memref<256x128xf32, #tpu.memory_space<vmem>>, vector<1x16xf32>,
        %swap3A_827 = vector.shape_cast %swap3A_826 : vector<1x16xf32> to vector<16xf32>
        %swap3A_828 = vector.shape_cast %mul3A_823 : vector<16xf32> to vector<1x16xf32>
        tpu.vector_store %arg8[%swap3A_824, %swap3A_825], %swap3A_828 {strides = array<i32>} : memref<256x128xf32, #tpu.memory_space<vmem>>, vector<1x16xf32>,
        %get3A_829 = arith.index_cast %scan3A_744 : i32 to index
        %get3A_830 = arith.constant 112 : index
        %get3A_831 = tpu.vector_load %arg8[%get3A_829, %get3A_830] {strides = array<i32>} : memref<256x128xf32, #tpu.memory_space<vmem>>, vector<1x16xf32>,
        %get3A_832 = vector.shape_cast %get3A_831 : vector<1x16xf32> to vector<16xf32>
        %mul3A_833 = arith.constant 11.3137083 : f32
        %mul3A_834 = vector.broadcast %mul3A_833 : f32 to vector<16xf32>
        %mul3A_835 = arith.mulf %get3A_832, %mul3A_834 : vector<16xf32>
        %swap3A_836 = arith.index_cast %scan3A_744 : i32 to index
        %swap3A_837 = arith.constant 112 : index
        %swap3A_838 = tpu.vector_load %arg8[%swap3A_836, %swap3A_837] {strides = array<i32>} : memref<256x128xf32, #tpu.memory_space<vmem>>, vector<1x16xf32>,
        %swap3A_839 = vector.shape_cast %swap3A_838 : vector<1x16xf32> to vector<16xf32>
        %swap3A_840 = vector.shape_cast %mul3A_835 : vector<16xf32> to vector<1x16xf32>
        tpu.vector_store %arg8[%swap3A_836, %swap3A_837], %swap3A_840 {strides = array<i32>} : memref<256x128xf32, #tpu.memory_space<vmem>>, vector<1x16xf32>,
      }
      %scan3A_603 = arith.constant 256 : i32
      %mul3A_604 = arith.constant 256 : i32
      %mul3A_605 = arith.muli %add3A_571, %mul3A_604 : i32
      %add3A_606 = arith.addi %mul3A_2, %mul3A_605 : i32
      %dma_start3A_607 = arith.constant 0 : i32
      %dma_start3A_608 = tpu.memref_slice %arg4[%add3A_606, %dma_start3A_607] : memref<819200x128xf32, #tpu.memory_space<hbm>> -> memref<256x128xf32, #tpu.memory_space<hbm>>
      %dma_start3A_609 = arith.constant 0 : i32
      %dma_start3A_610 = tpu.memref_slice %arg4[%add3A_606, %dma_start3A_609] : memref<819200x128xf32, #tpu.memory_space<hbm>> -> memref<256x128xf32, #tpu.memory_space<hbm>>
      tpu.enqueue_dma source(%arg8 : memref<256x128xf32, #tpu.memory_space<vmem>>) target(%dma_start3A_610 : memref<256x128xf32, #tpu.memory_space<hbm>>) target_semaphore(%arg14 : memref<!tpu.dma_semaphore, #tpu.memory_space<semaphore_mem>>)
      %sub3A_611 = arith.constant 1 : i32
      %sub3A_612 = arith.subi %add3A_571, %sub3A_611 : i32
      %mul3A_613 = arith.constant 256 : i32
      %mul3A_614 = arith.muli %sub3A_612, %mul3A_613 : i32
      %add3A_615 = arith.addi %mul3A_2, %mul3A_614 : i32
      %dma_wait3A_616 = arith.constant 0 : i32
      %dma_wait3A_617 = tpu.memref_slice %arg4[%add3A_615, %dma_wait3A_616] : memref<819200x128xf32, #tpu.memory_space<hbm>> -> memref<256x128xf32, #tpu.memory_space<hbm>>
      %dma_wait3A_618 = arith.constant 0 : i32
      %dma_wait3A_619 = tpu.memref_slice %arg4[%add3A_615, %dma_wait3A_618] : memref<819200x128xf32, #tpu.memory_space<hbm>> -> memref<256x128xf32, #tpu.memory_space<hbm>>
      tpu.wait_dma2 semaphore(%arg13 : memref<!tpu.dma_semaphore, #tpu.memory_space<semaphore_mem>>) src(%arg7 : memref<256x128xf32, #tpu.memory_space<vmem>>) dst(%dma_wait3A_619 : memref<256x128xf32, #tpu.memory_space<hbm>>)
      %add3A_620 = arith.constant 2 : i32
      %add3A_621 = arith.addi %add3A_571, %add3A_620 : i32
      %mul3A_622 = arith.constant 2 : i32
      %mul3A_623 = arith.muli %add3A_621, %mul3A_622 : i32
      %add3A_624 = arith.constant 0 : i32
      %add3A_625 = arith.addi %mul3A_623, %add3A_624 : i32
      %mul3A_626 = arith.constant 2 : i32
      %mul3A_627 = arith.muli %add3A_621, %mul3A_626 : i32
      %add3A_628 = arith.constant 1 : i32
      %add3A_629 = arith.addi %mul3A_627, %add3A_628 : i32
      %dma_start3A_630 = arith.constant 0 : i32
      %dma_start3A_631 = arith.constant 0 : i32
      %dma_start3A_632 = tpu.memref_slice %arg7[%dma_start3A_630, %dma_start3A_631] : memref<256x128xf32, #tpu.memory_space<vmem>> -> memref<128x128xf32, #tpu.memory_space<vmem>>
      %dma_start3A_633 = arith.constant 0 : i32
      %dma_start3A_634 = tpu.memref_slice %arg5[%add3A_625, %dma_start3A_633] : memref<200x128xi32, #tpu.memory_space<vmem>> -> memref<1x128xi32, #tpu.memory_space<vmem>>
      %dma_start3A_635 = tpu.memref_squeeze %dma_start3A_634 : memref<1x128xi32, #tpu.memory_space<vmem>> -> memref<128xi32, #tpu.memory_space<vmem>>
      %dma_start3A_636 = arith.constant 0 : i32
      %dma_start3A_637 = arith.constant 0 : i32
      %dma_start3A_638 = tpu.memref_slice %arg3[%dma_start3A_636, %dma_start3A_637] : memref<100000x128xf32, #tpu.memory_space<hbm>> -> memref<100000x128xf32, #tpu.memory_space<hbm>>
      tpu.enqueue_indirect_dma source(%dma_start3A_638 : memref<100000x128xf32, #tpu.memory_space<hbm>>) target(%dma_start3A_632 : memref<128x128xf32, #tpu.memory_space<vmem>>) offsets(%dma_start3A_635 : memref<128xi32, #tpu.memory_space<vmem>>) semaphore(%arg10 : memref<!tpu.dma_semaphore, #tpu.memory_space<semaphore_mem>>)
      %dma_start3A_639 = arith.constant 128 : i32
      %dma_start3A_640 = arith.constant 0 : i32
      %dma_start3A_641 = tpu.memref_slice %arg7[%dma_start3A_639, %dma_start3A_640] : memref<256x128xf32, #tpu.memory_space<vmem>> -> memref<128x128xf32, #tpu.memory_space<vmem>>
      %dma_start3A_642 = arith.constant 0 : i32
      %dma_start3A_643 = tpu.memref_slice %arg5[%add3A_629, %dma_start3A_642] : memref<200x128xi32, #tpu.memory_space<vmem>> -> memref<1x128xi32, #tpu.memory_space<vmem>>
      %dma_start3A_644 = tpu.memref_squeeze %dma_start3A_643 : memref<1x128xi32, #tpu.memory_space<vmem>> -> memref<128xi32, #tpu.memory_space<vmem>>
      %dma_start3A_645 = arith.constant 0 : i32
      %dma_start3A_646 = arith.constant 0 : i32
      %dma_start3A_647 = tpu.memref_slice %arg3[%dma_start3A_645, %dma_start3A_646] : memref<100000x128xf32, #tpu.memory_space<hbm>> -> memref<100000x128xf32, #tpu.memory_space<hbm>>
      tpu.enqueue_indirect_dma source(%dma_start3A_647 : memref<100000x128xf32, #tpu.memory_space<hbm>>) target(%dma_start3A_641 : memref<128x128xf32, #tpu.memory_space<vmem>>) offsets(%dma_start3A_644 : memref<128xi32, #tpu.memory_space<vmem>>) semaphore(%arg10 : memref<!tpu.dma_semaphore, #tpu.memory_space<semaphore_mem>>)
    }
    %scan3A_215 = arith.constant 31 : i32
    %dma_wait3A_216 = arith.constant 192 : i32
    %dma_wait3A_217 = arith.constant 0 : i32
    %dma_wait3A_218 = arith.constant 0 : i32
    %dma_wait3A_219 = tpu.memref_slice %arg6[%dma_wait3A_217, %dma_wait3A_218] : memref<256x128xf32, #tpu.memory_space<vmem>> -> memref<128x128xf32, #tpu.memory_space<vmem>>
    %dma_wait3A_220 = arith.constant 0 : i32
    %dma_wait3A_221 = tpu.memref_slice %arg5[%dma_wait3A_216, %dma_wait3A_220] : memref<200x128xi32, #tpu.memory_space<vmem>> -> memref<1x128xi32, #tpu.memory_space<vmem>>
    %dma_wait3A_222 = tpu.memref_squeeze %dma_wait3A_221 : memref<1x128xi32, #tpu.memory_space<vmem>> -> memref<128xi32, #tpu.memory_space<vmem>>
    %dma_wait3A_223 = arith.constant 0 : i32
    %dma_wait3A_224 = arith.constant 0 : i32
    %dma_wait3A_225 = tpu.memref_slice %arg3[%dma_wait3A_223, %dma_wait3A_224] : memref<100000x128xf32, #tpu.memory_space<hbm>> -> memref<100000x128xf32, #tpu.memory_space<hbm>>
    tpu.wait_indirect_dma semaphore(%arg9 : memref<!tpu.dma_semaphore, #tpu.memory_space<semaphore_mem>>) src(%dma_wait3A_225 : memref<100000x128xf32, #tpu.memory_space<hbm>>) dst(%dma_wait3A_219 : memref<128x128xf32, #tpu.memory_space<vmem>>)
    %dma_wait3A_226 = arith.constant 193 : i32
    %dma_wait3A_227 = arith.constant 128 : i32
    %dma_wait3A_228 = arith.constant 0 : i32
    %dma_wait3A_229 = tpu.memref_slice %arg6[%dma_wait3A_227, %dma_wait3A_228] : memref<256x128xf32, #tpu.memory_space<vmem>> -> memref<128x128xf32, #tpu.memory_space<vmem>>
    %dma_wait3A_230 = arith.constant 0 : i32
    %dma_wait3A_231 = tpu.memref_slice %arg5[%dma_wait3A_226, %dma_wait3A_230] : memref<200x128xi32, #tpu.memory_space<vmem>> -> memref<1x128xi32, #tpu.memory_space<vmem>>
    %dma_wait3A_232 = tpu.memref_squeeze %dma_wait3A_231 : memref<1x128xi32, #tpu.memory_space<vmem>> -> memref<128xi32, #tpu.memory_space<vmem>>
    %dma_wait3A_233 = arith.constant 0 : i32
    %dma_wait3A_234 = arith.constant 0 : i32
    %dma_wait3A_235 = tpu.memref_slice %arg3[%dma_wait3A_233, %dma_wait3A_234] : memref<100000x128xf32, #tpu.memory_space<hbm>> -> memref<100000x128xf32, #tpu.memory_space<hbm>>
    tpu.wait_indirect_dma semaphore(%arg9 : memref<!tpu.dma_semaphore, #tpu.memory_space<semaphore_mem>>) src(%dma_wait3A_235 : memref<100000x128xf32, #tpu.memory_space<hbm>>) dst(%dma_wait3A_229 : memref<128x128xf32, #tpu.memory_space<vmem>>)
    %scan3A_236 = arith.constant 0 : i32
    %scan3A_237 = arith.constant 0 : i32
    %scan3A_238 = arith.constant 256 : i32
    %scan3A_239 = arith.addi %scan3A_237, %scan3A_238 : i32
    %scan3A_240 = arith.constant 2 : i32
    scf.for %scan3A_414 = %scan3A_237 to %scan3A_239 step %scan3A_240  : i32 {
      %get3A = arith.index_cast %scan3A_414 : i32 to index
      %get3A_415 = arith.constant 0 : index
      %get3A_416 = tpu.vector_load %arg6[%get3A, %get3A_415] {strides = array<i32>} : memref<256x128xf32, #tpu.memory_space<vmem>>, vector<1x16xf32>,
      %get3A_417 = vector.shape_cast %get3A_416 : vector<1x16xf32> to vector<16xf32>
      %mul3A_418 = arith.constant 11.3137083 : f32
      %mul3A_419 = vector.broadcast %mul3A_418 : f32 to vector<16xf32>
      %mul3A_420 = arith.mulf %get3A_417, %mul3A_419 : vector<16xf32>
      %swap3A = arith.index_cast %scan3A_414 : i32 to index
      %swap3A_421 = arith.constant 0 : index
      %swap3A_422 = tpu.vector_load %arg6[%swap3A, %swap3A_421] {strides = array<i32>} : memref<256x128xf32, #tpu.memory_space<vmem>>, vector<1x16xf32>,
      %swap3A_423 = vector.shape_cast %swap3A_422 : vector<1x16xf32> to vector<16xf32>
      %swap3A_424 = vector.shape_cast %mul3A_420 : vector<16xf32> to vector<1x16xf32>
      tpu.vector_store %arg6[%swap3A, %swap3A_421], %swap3A_424 {strides = array<i32>} : memref<256x128xf32, #tpu.memory_space<vmem>>, vector<1x16xf32>,
      %get3A_425 = arith.index_cast %scan3A_414 : i32 to index
      %get3A_426 = arith.constant 16 : index
      %get3A_427 = tpu.vector_load %arg6[%get3A_425, %get3A_426] {strides = array<i32>} : memref<256x128xf32, #tpu.memory_space<vmem>>, vector<1x16xf32>,
      %get3A_428 = vector.shape_cast %get3A_427 : vector<1x16xf32> to vector<16xf32>
      %mul3A_429 = arith.constant 11.3137083 : f32
      %mul3A_430 = vector.broadcast %mul3A_429 : f32 to vector<16xf32>
      %mul3A_431 = arith.mulf %get3A_428, %mul3A_430 : vector<16xf32>
      %swap3A_432 = arith.index_cast %scan3A_414 : i32 to index
      %swap3A_433 = arith.constant 16 : index
      %swap3A_434 = tpu.vector_load %arg6[%swap3A_432, %swap3A_433] {strides = array<i32>} : memref<256x128xf32, #tpu.memory_space<vmem>>, vector<1x16xf32>,
      %swap3A_435 = vector.shape_cast %swap3A_434 : vector<1x16xf32> to vector<16xf32>
      %swap3A_436 = vector.shape_cast %mul3A_431 : vector<16xf32> to vector<1x16xf32>
      tpu.vector_store %arg6[%swap3A_432, %swap3A_433], %swap3A_436 {strides = array<i32>} : memref<256x128xf32, #tpu.memory_space<vmem>>, vector<1x16xf32>,
      %get3A_437 = arith.index_cast %scan3A_414 : i32 to index
      %get3A_438 = arith.constant 32 : index
      %get3A_439 = tpu.vector_load %arg6[%get3A_437, %get3A_438] {strides = array<i32>} : memref<256x128xf32, #tpu.memory_space<vmem>>, vector<1x16xf32>,
      %get3A_440 = vector.shape_cast %get3A_439 : vector<1x16xf32> to vector<16xf32>
      %mul3A_441 = arith.constant 11.3137083 : f32
      %mul3A_442 = vector.broadcast %mul3A_441 : f32 to vector<16xf32>
      %mul3A_443 = arith.mulf %get3A_440, %mul3A_442 : vector<16xf32>
      %swap3A_444 = arith.index_cast %scan3A_414 : i32 to index
      %swap3A_445 = arith.constant 32 : index
      %swap3A_446 = tpu.vector_load %arg6[%swap3A_444, %swap3A_445] {strides = array<i32>} : memref<256x128xf32, #tpu.memory_space<vmem>>, vector<1x16xf32>,
      %swap3A_447 = vector.shape_cast %swap3A_446 : vector<1x16xf32> to vector<16xf32>
      %swap3A_448 = vector.shape_cast %mul3A_443 : vector<16xf32> to vector<1x16xf32>
      tpu.vector_store %arg6[%swap3A_444, %swap3A_445], %swap3A_448 {strides = array<i32>} : memref<256x128xf32, #tpu.memory_space<vmem>>, vector<1x16xf32>,
      %get3A_449 = arith.index_cast %scan3A_414 : i32 to index
      %get3A_450 = arith.constant 48 : index
      %get3A_451 = tpu.vector_load %arg6[%get3A_449, %get3A_450] {strides = array<i32>} : memref<256x128xf32, #tpu.memory_space<vmem>>, vector<1x16xf32>,
      %get3A_452 = vector.shape_cast %get3A_451 : vector<1x16xf32> to vector<16xf32>
      %mul3A_453 = arith.constant 11.3137083 : f32
      %mul3A_454 = vector.broadcast %mul3A_453 : f32 to vector<16xf32>
      %mul3A_455 = arith.mulf %get3A_452, %mul3A_454 : vector<16xf32>
      %swap3A_456 = arith.index_cast %scan3A_414 : i32 to index
      %swap3A_457 = arith.constant 48 : index
      %swap3A_458 = tpu.vector_load %arg6[%swap3A_456, %swap3A_457] {strides = array<i32>} : memref<256x128xf32, #tpu.memory_space<vmem>>, vector<1x16xf32>,
      %swap3A_459 = vector.shape_cast %swap3A_458 : vector<1x16xf32> to vector<16xf32>
      %swap3A_460 = vector.shape_cast %mul3A_455 : vector<16xf32> to vector<1x16xf32>
      tpu.vector_store %arg6[%swap3A_456, %swap3A_457], %swap3A_460 {strides = array<i32>} : memref<256x128xf32, #tpu.memory_space<vmem>>, vector<1x16xf32>,
      %get3A_461 = arith.index_cast %scan3A_414 : i32 to index
      %get3A_462 = arith.constant 64 : index
      %get3A_463 = tpu.vector_load %arg6[%get3A_461, %get3A_462] {strides = array<i32>} : memref<256x128xf32, #tpu.memory_space<vmem>>, vector<1x16xf32>,
      %get3A_464 = vector.shape_cast %get3A_463 : vector<1x16xf32> to vector<16xf32>
      %mul3A_465 = arith.constant 11.3137083 : f32
      %mul3A_466 = vector.broadcast %mul3A_465 : f32 to vector<16xf32>
      %mul3A_467 = arith.mulf %get3A_464, %mul3A_466 : vector<16xf32>
      %swap3A_468 = arith.index_cast %scan3A_414 : i32 to index
      %swap3A_469 = arith.constant 64 : index
      %swap3A_470 = tpu.vector_load %arg6[%swap3A_468, %swap3A_469] {strides = array<i32>} : memref<256x128xf32, #tpu.memory_space<vmem>>, vector<1x16xf32>,
      %swap3A_471 = vector.shape_cast %swap3A_470 : vector<1x16xf32> to vector<16xf32>
      %swap3A_472 = vector.shape_cast %mul3A_467 : vector<16xf32> to vector<1x16xf32>
      tpu.vector_store %arg6[%swap3A_468, %swap3A_469], %swap3A_472 {strides = array<i32>} : memref<256x128xf32, #tpu.memory_space<vmem>>, vector<1x16xf32>,
      %get3A_473 = arith.index_cast %scan3A_414 : i32 to index
      %get3A_474 = arith.constant 80 : index
      %get3A_475 = tpu.vector_load %arg6[%get3A_473, %get3A_474] {strides = array<i32>} : memref<256x128xf32, #tpu.memory_space<vmem>>, vector<1x16xf32>,
      %get3A_476 = vector.shape_cast %get3A_475 : vector<1x16xf32> to vector<16xf32>
      %mul3A_477 = arith.constant 11.3137083 : f32
      %mul3A_478 = vector.broadcast %mul3A_477 : f32 to vector<16xf32>
      %mul3A_479 = arith.mulf %get3A_476, %mul3A_478 : vector<16xf32>
      %swap3A_480 = arith.index_cast %scan3A_414 : i32 to index
      %swap3A_481 = arith.constant 80 : index
      %swap3A_482 = tpu.vector_load %arg6[%swap3A_480, %swap3A_481] {strides = array<i32>} : memref<256x128xf32, #tpu.memory_space<vmem>>, vector<1x16xf32>,
      %swap3A_483 = vector.shape_cast %swap3A_482 : vector<1x16xf32> to vector<16xf32>
      %swap3A_484 = vector.shape_cast %mul3A_479 : vector<16xf32> to vector<1x16xf32>
      tpu.vector_store %arg6[%swap3A_480, %swap3A_481], %swap3A_484 {strides = array<i32>} : memref<256x128xf32, #tpu.memory_space<vmem>>, vector<1x16xf32>,
      %get3A_485 = arith.index_cast %scan3A_414 : i32 to index
      %get3A_486 = arith.constant 96 : index
      %get3A_487 = tpu.vector_load %arg6[%get3A_485, %get3A_486] {strides = array<i32>} : memref<256x128xf32, #tpu.memory_space<vmem>>, vector<1x16xf32>,
      %get3A_488 = vector.shape_cast %get3A_487 : vector<1x16xf32> to vector<16xf32>
      %mul3A_489 = arith.constant 11.3137083 : f32
      %mul3A_490 = vector.broadcast %mul3A_489 : f32 to vector<16xf32>
      %mul3A_491 = arith.mulf %get3A_488, %mul3A_490 : vector<16xf32>
      %swap3A_492 = arith.index_cast %scan3A_414 : i32 to index
      %swap3A_493 = arith.constant 96 : index
      %swap3A_494 = tpu.vector_load %arg6[%swap3A_492, %swap3A_493] {strides = array<i32>} : memref<256x128xf32, #tpu.memory_space<vmem>>, vector<1x16xf32>,
      %swap3A_495 = vector.shape_cast %swap3A_494 : vector<1x16xf32> to vector<16xf32>
      %swap3A_496 = vector.shape_cast %mul3A_491 : vector<16xf32> to vector<1x16xf32>
      tpu.vector_store %arg6[%swap3A_492, %swap3A_493], %swap3A_496 {strides = array<i32>} : memref<256x128xf32, #tpu.memory_space<vmem>>, vector<1x16xf32>,
      %get3A_497 = arith.index_cast %scan3A_414 : i32 to index
      %get3A_498 = arith.constant 112 : index
      %get3A_499 = tpu.vector_load %arg6[%get3A_497, %get3A_498] {strides = array<i32>} : memref<256x128xf32, #tpu.memory_space<vmem>>, vector<1x16xf32>,
      %get3A_500 = vector.shape_cast %get3A_499 : vector<1x16xf32> to vector<16xf32>
      %mul3A_501 = arith.constant 11.3137083 : f32
      %mul3A_502 = vector.broadcast %mul3A_501 : f32 to vector<16xf32>
      %mul3A_503 = arith.mulf %get3A_500, %mul3A_502 : vector<16xf32>
      %swap3A_504 = arith.index_cast %scan3A_414 : i32 to index
      %swap3A_505 = arith.constant 112 : index
      %swap3A_506 = tpu.vector_load %arg6[%swap3A_504, %swap3A_505] {strides = array<i32>} : memref<256x128xf32, #tpu.memory_space<vmem>>, vector<1x16xf32>,
      %swap3A_507 = vector.shape_cast %swap3A_506 : vector<1x16xf32> to vector<16xf32>
      %swap3A_508 = vector.shape_cast %mul3A_503 : vector<16xf32> to vector<1x16xf32>
      tpu.vector_store %arg6[%swap3A_504, %swap3A_505], %swap3A_508 {strides = array<i32>} : memref<256x128xf32, #tpu.memory_space<vmem>>, vector<1x16xf32>,
      %scan3A_509 = arith.constant 1 : i32
      %scan3A_510 = arith.addi %scan3A_414, %scan3A_509 : i32
      %get3A_511 = arith.index_cast %scan3A_510 : i32 to index
      %get3A_512 = arith.constant 0 : index
      %get3A_513 = tpu.vector_load %arg6[%get3A_511, %get3A_512] {strides = array<i32>} : memref<256x128xf32, #tpu.memory_space<vmem>>, vector<1x16xf32>,
      %get3A_514 = vector.shape_cast %get3A_513 : vector<1x16xf32> to vector<16xf32>
      %mul3A_515 = arith.constant 11.3137083 : f32
      %mul3A_516 = vector.broadcast %mul3A_515 : f32 to vector<16xf32>
      %mul3A_517 = arith.mulf %get3A_514, %mul3A_516 : vector<16xf32>
      %swap3A_518 = arith.index_cast %scan3A_510 : i32 to index
      %swap3A_519 = arith.constant 0 : index
      %swap3A_520 = tpu.vector_load %arg6[%swap3A_518, %swap3A_519] {strides = array<i32>} : memref<256x128xf32, #tpu.memory_space<vmem>>, vector<1x16xf32>,
      %swap3A_521 = vector.shape_cast %swap3A_520 : vector<1x16xf32> to vector<16xf32>
      %swap3A_522 = vector.shape_cast %mul3A_517 : vector<16xf32> to vector<1x16xf32>
      tpu.vector_store %arg6[%swap3A_518, %swap3A_519], %swap3A_522 {strides = array<i32>} : memref<256x128xf32, #tpu.memory_space<vmem>>, vector<1x16xf32>,
      %get3A_523 = arith.index_cast %scan3A_510 : i32 to index
      %get3A_524 = arith.constant 16 : index
      %get3A_525 = tpu.vector_load %arg6[%get3A_523, %get3A_524] {strides = array<i32>} : memref<256x128xf32, #tpu.memory_space<vmem>>, vector<1x16xf32>,
      %get3A_526 = vector.shape_cast %get3A_525 : vector<1x16xf32> to vector<16xf32>
      %mul3A_527 = arith.constant 11.3137083 : f32
      %mul3A_528 = vector.broadcast %mul3A_527 : f32 to vector<16xf32>
      %mul3A_529 = arith.mulf %get3A_526, %mul3A_528 : vector<16xf32>
      %swap3A_530 = arith.index_cast %scan3A_510 : i32 to index
      %swap3A_531 = arith.constant 16 : index
      %swap3A_532 = tpu.vector_load %arg6[%swap3A_530, %swap3A_531] {strides = array<i32>} : memref<256x128xf32, #tpu.memory_space<vmem>>, vector<1x16xf32>,
      %swap3A_533 = vector.shape_cast %swap3A_532 : vector<1x16xf32> to vector<16xf32>
      %swap3A_534 = vector.shape_cast %mul3A_529 : vector<16xf32> to vector<1x16xf32>
      tpu.vector_store %arg6[%swap3A_530, %swap3A_531], %swap3A_534 {strides = array<i32>} : memref<256x128xf32, #tpu.memory_space<vmem>>, vector<1x16xf32>,
      %get3A_535 = arith.index_cast %scan3A_510 : i32 to index
      %get3A_536 = arith.constant 32 : index
      %get3A_537 = tpu.vector_load %arg6[%get3A_535, %get3A_536] {strides = array<i32>} : memref<256x128xf32, #tpu.memory_space<vmem>>, vector<1x16xf32>,
      %get3A_538 = vector.shape_cast %get3A_537 : vector<1x16xf32> to vector<16xf32>
      %mul3A_539 = arith.constant 11.3137083 : f32
      %mul3A_540 = vector.broadcast %mul3A_539 : f32 to vector<16xf32>
      %mul3A_541 = arith.mulf %get3A_538, %mul3A_540 : vector<16xf32>
      %swap3A_542 = arith.index_cast %scan3A_510 : i32 to index
      %swap3A_543 = arith.constant 32 : index
      %swap3A_544 = tpu.vector_load %arg6[%swap3A_542, %swap3A_543] {strides = array<i32>} : memref<256x128xf32, #tpu.memory_space<vmem>>, vector<1x16xf32>,
      %swap3A_545 = vector.shape_cast %swap3A_544 : vector<1x16xf32> to vector<16xf32>
      %swap3A_546 = vector.shape_cast %mul3A_541 : vector<16xf32> to vector<1x16xf32>
      tpu.vector_store %arg6[%swap3A_542, %swap3A_543], %swap3A_546 {strides = array<i32>} : memref<256x128xf32, #tpu.memory_space<vmem>>, vector<1x16xf32>,
      %get3A_547 = arith.index_cast %scan3A_510 : i32 to index
      %get3A_548 = arith.constant 48 : index
      %get3A_549 = tpu.vector_load %arg6[%get3A_547, %get3A_548] {strides = array<i32>} : memref<256x128xf32, #tpu.memory_space<vmem>>, vector<1x16xf32>,
      %get3A_550 = vector.shape_cast %get3A_549 : vector<1x16xf32> to vector<16xf32>
      %mul3A_551 = arith.constant 11.3137083 : f32
      %mul3A_552 = vector.broadcast %mul3A_551 : f32 to vector<16xf32>
      %mul3A_553 = arith.mulf %get3A_550, %mul3A_552 : vector<16xf32>
      %swap3A_554 = arith.index_cast %scan3A_510 : i32 to index
      %swap3A_555 = arith.constant 48 : index
      %swap3A_556 = tpu.vector_load %arg6[%swap3A_554, %swap3A_555] {strides = array<i32>} : memref<256x128xf32, #tpu.memory_space<vmem>>, vector<1x16xf32>,
      %swap3A_557 = vector.shape_cast %swap3A_556 : vector<1x16xf32> to vector<16xf32>
      %swap3A_558 = vector.shape_cast %mul3A_553 : vector<16xf32> to vector<1x16xf32>
      tpu.vector_store %arg6[%swap3A_554, %swap3A_555], %swap3A_558 {strides = array<i32>} : memref<256x128xf32, #tpu.memory_space<vmem>>, vector<1x16xf32>,
      %get3A_559 = arith.index_cast %scan3A_510 : i32 to index
      %get3A_560 = arith.constant 64 : index
      %get3A_561 = tpu.vector_load %arg6[%get3A_559, %get3A_560] {strides = array<i32>} : memref<256x128xf32, #tpu.memory_space<vmem>>, vector<1x16xf32>,
      %get3A_562 = vector.shape_cast %get3A_561 : vector<1x16xf32> to vector<16xf32>
      %mul3A_563 = arith.constant 11.3137083 : f32
      %mul3A_564 = vector.broadcast %mul3A_563 : f32 to vector<16xf32>
      %mul3A_565 = arith.mulf %get3A_562, %mul3A_564 : vector<16xf32>
      %swap3A_566 = arith.index_cast %scan3A_510 : i32 to index
      %swap3A_567 = arith.constant 64 : index
      %swap3A_568 = tpu.vector_load %arg6[%swap3A_566, %swap3A_567] {strides = array<i32>} : memref<256x128xf32, #tpu.memory_space<vmem>>, vector<1x16xf32>,
      %swap3A_569 = vector.shape_cast %swap3A_568 : vector<1x16xf32> to vector<16xf32>
      %swap3A_570 = vector.shape_cast %mul3A_565 : vector<16xf32> to vector<1x16xf32>
      tpu.vector_store %arg6[%swap3A_566, %swap3A_567], %swap3A_570 {strides = array<i32>} : memref<256x128xf32, #tpu.memory_space<vmem>>, vector<1x16xf32>,
      %get3A_571 = arith.index_cast %scan3A_510 : i32 to index
      %get3A_572 = arith.constant 80 : index
      %get3A_573 = tpu.vector_load %arg6[%get3A_571, %get3A_572] {strides = array<i32>} : memref<256x128xf32, #tpu.memory_space<vmem>>, vector<1x16xf32>,
      %get3A_574 = vector.shape_cast %get3A_573 : vector<1x16xf32> to vector<16xf32>
      %mul3A_575 = arith.constant 11.3137083 : f32
      %mul3A_576 = vector.broadcast %mul3A_575 : f32 to vector<16xf32>
      %mul3A_577 = arith.mulf %get3A_574, %mul3A_576 : vector<16xf32>
      %swap3A_578 = arith.index_cast %scan3A_510 : i32 to index
      %swap3A_579 = arith.constant 80 : index
      %swap3A_580 = tpu.vector_load %arg6[%swap3A_578, %swap3A_579] {strides = array<i32>} : memref<256x128xf32, #tpu.memory_space<vmem>>, vector<1x16xf32>,
      %swap3A_581 = vector.shape_cast %swap3A_580 : vector<1x16xf32> to vector<16xf32>
      %swap3A_582 = vector.shape_cast %mul3A_577 : vector<16xf32> to vector<1x16xf32>
      tpu.vector_store %arg6[%swap3A_578, %swap3A_579], %swap3A_582 {strides = array<i32>} : memref<256x128xf32, #tpu.memory_space<vmem>>, vector<1x16xf32>,
      %get3A_583 = arith.index_cast %scan3A_510 : i32 to index
      %get3A_584 = arith.constant 96 : index
      %get3A_585 = tpu.vector_load %arg6[%get3A_583, %get3A_584] {strides = array<i32>} : memref<256x128xf32, #tpu.memory_space<vmem>>, vector<1x16xf32>,
      %get3A_586 = vector.shape_cast %get3A_585 : vector<1x16xf32> to vector<16xf32>
      %mul3A_587 = arith.constant 11.3137083 : f32
      %mul3A_588 = vector.broadcast %mul3A_587 : f32 to vector<16xf32>
      %mul3A_589 = arith.mulf %get3A_586, %mul3A_588 : vector<16xf32>
      %swap3A_590 = arith.index_cast %scan3A_510 : i32 to index
      %swap3A_591 = arith.constant 96 : index
      %swap3A_592 = tpu.vector_load %arg6[%swap3A_590, %swap3A_591] {strides = array<i32>} : memref<256x128xf32, #tpu.memory_space<vmem>>, vector<1x16xf32>,
      %swap3A_593 = vector.shape_cast %swap3A_592 : vector<1x16xf32> to vector<16xf32>
      %swap3A_594 = vector.shape_cast %mul3A_589 : vector<16xf32> to vector<1x16xf32>
      tpu.vector_store %arg6[%swap3A_590, %swap3A_591], %swap3A_594 {strides = array<i32>} : memref<256x128xf32, #tpu.memory_space<vmem>>, vector<1x16xf32>,
      %get3A_595 = arith.index_cast %scan3A_510 : i32 to index
      %get3A_596 = arith.constant 112 : index
      %get3A_597 = tpu.vector_load %arg6[%get3A_595, %get3A_596] {strides = array<i32>} : memref<256x128xf32, #tpu.memory_space<vmem>>, vector<1x16xf32>,
      %get3A_598 = vector.shape_cast %get3A_597 : vector<1x16xf32> to vector<16xf32>
      %mul3A_599 = arith.constant 11.3137083 : f32
      %mul3A_600 = vector.broadcast %mul3A_599 : f32 to vector<16xf32>
      %mul3A_601 = arith.mulf %get3A_598, %mul3A_600 : vector<16xf32>
      %swap3A_602 = arith.index_cast %scan3A_510 : i32 to index
      %swap3A_603 = arith.constant 112 : index
      %swap3A_604 = tpu.vector_load %arg6[%swap3A_602, %swap3A_603] {strides = array<i32>} : memref<256x128xf32, #tpu.memory_space<vmem>>, vector<1x16xf32>,
      %swap3A_605 = vector.shape_cast %swap3A_604 : vector<1x16xf32> to vector<16xf32>
      %swap3A_606 = vector.shape_cast %mul3A_601 : vector<16xf32> to vector<1x16xf32>
      tpu.vector_store %arg6[%swap3A_602, %swap3A_603], %swap3A_606 {strides = array<i32>} : memref<256x128xf32, #tpu.memory_space<vmem>>, vector<1x16xf32>,
    }
    %scan3A_241 = arith.constant 256 : i32
    %add3A_242 = arith.constant 24576 : i32
    %add3A_243 = arith.addi %mul3A_2, %add3A_242 : i32
    %dma_start3A_244 = arith.constant 0 : i32
    %dma_start3A_245 = tpu.memref_slice %arg4[%add3A_243, %dma_start3A_244] : memref<819200x128xf32, #tpu.memory_space<hbm>> -> memref<256x128xf32, #tpu.memory_space<hbm>>
    %dma_start3A_246 = arith.constant 0 : i32
    %dma_start3A_247 = tpu.memref_slice %arg4[%add3A_243, %dma_start3A_246] : memref<819200x128xf32, #tpu.memory_space<hbm>> -> memref<256x128xf32, #tpu.memory_space<hbm>>
    tpu.enqueue_dma source(%arg6 : memref<256x128xf32, #tpu.memory_space<vmem>>) target(%dma_start3A_247 : memref<256x128xf32, #tpu.memory_space<hbm>>) target_semaphore(%arg12 : memref<!tpu.dma_semaphore, #tpu.memory_space<semaphore_mem>>)
    %add3A_248 = arith.constant 24320 : i32
    %add3A_249 = arith.addi %mul3A_2, %add3A_248 : i32
    %dma_wait3A_250 = arith.constant 0 : i32
    %dma_wait3A_251 = tpu.memref_slice %arg4[%add3A_249, %dma_wait3A_250] : memref<819200x128xf32, #tpu.memory_space<hbm>> -> memref<256x128xf32, #tpu.memory_space<hbm>>
    %dma_wait3A_252 = arith.constant 0 : i32
    %dma_wait3A_253 = tpu.memref_slice %arg4[%add3A_249, %dma_wait3A_252] : memref<819200x128xf32, #tpu.memory_space<hbm>> -> memref<256x128xf32, #tpu.memory_space<hbm>>
    tpu.wait_dma2 semaphore(%arg14 : memref<!tpu.dma_semaphore, #tpu.memory_space<semaphore_mem>>) src(%arg8 : memref<256x128xf32, #tpu.memory_space<vmem>>) dst(%dma_wait3A_253 : memref<256x128xf32, #tpu.memory_space<hbm>>)
    %dma_start3A_254 = arith.constant 196 : i32
    %dma_start3A_255 = arith.constant 0 : i32
    %dma_start3A_256 = arith.constant 0 : i32
    %dma_start3A_257 = tpu.memref_slice %arg8[%dma_start3A_255, %dma_start3A_256] : memref<256x128xf32, #tpu.memory_space<vmem>> -> memref<128x128xf32, #tpu.memory_space<vmem>>
    %dma_start3A_258 = arith.constant 0 : i32
    %dma_start3A_259 = tpu.memref_slice %arg5[%dma_start3A_254, %dma_start3A_258] : memref<200x128xi32, #tpu.memory_space<vmem>> -> memref<1x128xi32, #tpu.memory_space<vmem>>
    %dma_start3A_260 = tpu.memref_squeeze %dma_start3A_259 : memref<1x128xi32, #tpu.memory_space<vmem>> -> memref<128xi32, #tpu.memory_space<vmem>>
    %dma_start3A_261 = arith.constant 0 : i32
    %dma_start3A_262 = arith.constant 0 : i32
    %dma_start3A_263 = tpu.memref_slice %arg3[%dma_start3A_261, %dma_start3A_262] : memref<100000x128xf32, #tpu.memory_space<hbm>> -> memref<100000x128xf32, #tpu.memory_space<hbm>>
    tpu.enqueue_indirect_dma source(%dma_start3A_263 : memref<100000x128xf32, #tpu.memory_space<hbm>>) target(%dma_start3A_257 : memref<128x128xf32, #tpu.memory_space<vmem>>) offsets(%dma_start3A_260 : memref<128xi32, #tpu.memory_space<vmem>>) semaphore(%arg11 : memref<!tpu.dma_semaphore, #tpu.memory_space<semaphore_mem>>)
    %dma_start3A_264 = arith.constant 197 : i32
    %dma_start3A_265 = arith.constant 128 : i32
    %dma_start3A_266 = arith.constant 0 : i32
    %dma_start3A_267 = tpu.memref_slice %arg8[%dma_start3A_265, %dma_start3A_266] : memref<256x128xf32, #tpu.memory_space<vmem>> -> memref<128x128xf32, #tpu.memory_space<vmem>>
    %dma_start3A_268 = arith.constant 0 : i32
    %dma_start3A_269 = tpu.memref_slice %arg5[%dma_start3A_264, %dma_start3A_268] : memref<200x128xi32, #tpu.memory_space<vmem>> -> memref<1x128xi32, #tpu.memory_space<vmem>>
    %dma_start3A_270 = tpu.memref_squeeze %dma_start3A_269 : memref<1x128xi32, #tpu.memory_space<vmem>> -> memref<128xi32, #tpu.memory_space<vmem>>
    %dma_start3A_271 = arith.constant 0 : i32
    %dma_start3A_272 = arith.constant 0 : i32
    %dma_start3A_273 = tpu.memref_slice %arg3[%dma_start3A_271, %dma_start3A_272] : memref<100000x128xf32, #tpu.memory_space<hbm>> -> memref<100000x128xf32, #tpu.memory_space<hbm>>
    tpu.enqueue_indirect_dma source(%dma_start3A_273 : memref<100000x128xf32, #tpu.memory_space<hbm>>) target(%dma_start3A_267 : memref<128x128xf32, #tpu.memory_space<vmem>>) offsets(%dma_start3A_270 : memref<128xi32, #tpu.memory_space<vmem>>) semaphore(%arg11 : memref<!tpu.dma_semaphore, #tpu.memory_space<semaphore_mem>>)
    %dma_wait3A_274 = arith.constant 194 : i32
    %dma_wait3A_275 = arith.constant 0 : i32
    %dma_wait3A_276 = arith.constant 0 : i32
    %dma_wait3A_277 = tpu.memref_slice %arg7[%dma_wait3A_275, %dma_wait3A_276] : memref<256x128xf32, #tpu.memory_space<vmem>> -> memref<128x128xf32, #tpu.memory_space<vmem>>
    %dma_wait3A_278 = arith.constant 0 : i32
    %dma_wait3A_279 = tpu.memref_slice %arg5[%dma_wait3A_274, %dma_wait3A_278] : memref<200x128xi32, #tpu.memory_space<vmem>> -> memref<1x128xi32, #tpu.memory_space<vmem>>
    %dma_wait3A_280 = tpu.memref_squeeze %dma_wait3A_279 : memref<1x128xi32, #tpu.memory_space<vmem>> -> memref<128xi32, #tpu.memory_space<vmem>>
    %dma_wait3A_281 = arith.constant 0 : i32
    %dma_wait3A_282 = arith.constant 0 : i32
    %dma_wait3A_283 = tpu.memref_slice %arg3[%dma_wait3A_281, %dma_wait3A_282] : memref<100000x128xf32, #tpu.memory_space<hbm>> -> memref<100000x128xf32, #tpu.memory_space<hbm>>
    tpu.wait_indirect_dma semaphore(%arg10 : memref<!tpu.dma_semaphore, #tpu.memory_space<semaphore_mem>>) src(%dma_wait3A_283 : memref<100000x128xf32, #tpu.memory_space<hbm>>) dst(%dma_wait3A_277 : memref<128x128xf32, #tpu.memory_space<vmem>>)
    %dma_wait3A_284 = arith.constant 195 : i32
    %dma_wait3A_285 = arith.constant 128 : i32
    %dma_wait3A_286 = arith.constant 0 : i32
    %dma_wait3A_287 = tpu.memref_slice %arg7[%dma_wait3A_285, %dma_wait3A_286] : memref<256x128xf32, #tpu.memory_space<vmem>> -> memref<128x128xf32, #tpu.memory_space<vmem>>
    %dma_wait3A_288 = arith.constant 0 : i32
    %dma_wait3A_289 = tpu.memref_slice %arg5[%dma_wait3A_284, %dma_wait3A_288] : memref<200x128xi32, #tpu.memory_space<vmem>> -> memref<1x128xi32, #tpu.memory_space<vmem>>
    %dma_wait3A_290 = tpu.memref_squeeze %dma_wait3A_289 : memref<1x128xi32, #tpu.memory_space<vmem>> -> memref<128xi32, #tpu.memory_space<vmem>>
    %dma_wait3A_291 = arith.constant 0 : i32
    %dma_wait3A_292 = arith.constant 0 : i32
    %dma_wait3A_293 = tpu.memref_slice %arg3[%dma_wait3A_291, %dma_wait3A_292] : memref<100000x128xf32, #tpu.memory_space<hbm>> -> memref<100000x128xf32, #tpu.memory_space<hbm>>
    tpu.wait_indirect_dma semaphore(%arg10 : memref<!tpu.dma_semaphore, #tpu.memory_space<semaphore_mem>>) src(%dma_wait3A_293 : memref<100000x128xf32, #tpu.memory_space<hbm>>) dst(%dma_wait3A_287 : memref<128x128xf32, #tpu.memory_space<vmem>>)
    %scan3A_294 = arith.constant 0 : i32
    %scan3A_295 = arith.constant 0 : i32
    %scan3A_296 = arith.constant 256 : i32
    %scan3A_297 = arith.addi %scan3A_295, %scan3A_296 : i32
    %scan3A_298 = arith.constant 2 : i32
    scf.for %scan3A_414 = %scan3A_295 to %scan3A_297 step %scan3A_298  : i32 {
      %get3A = arith.index_cast %scan3A_414 : i32 to index
      %get3A_415 = arith.constant 0 : index
      %get3A_416 = tpu.vector_load %arg7[%get3A, %get3A_415] {strides = array<i32>} : memref<256x128xf32, #tpu.memory_space<vmem>>, vector<1x16xf32>,
      %get3A_417 = vector.shape_cast %get3A_416 : vector<1x16xf32> to vector<16xf32>
      %mul3A_418 = arith.constant 11.3137083 : f32
      %mul3A_419 = vector.broadcast %mul3A_418 : f32 to vector<16xf32>
      %mul3A_420 = arith.mulf %get3A_417, %mul3A_419 : vector<16xf32>
      %swap3A = arith.index_cast %scan3A_414 : i32 to index
      %swap3A_421 = arith.constant 0 : index
      %swap3A_422 = tpu.vector_load %arg7[%swap3A, %swap3A_421] {strides = array<i32>} : memref<256x128xf32, #tpu.memory_space<vmem>>, vector<1x16xf32>,
      %swap3A_423 = vector.shape_cast %swap3A_422 : vector<1x16xf32> to vector<16xf32>
      %swap3A_424 = vector.shape_cast %mul3A_420 : vector<16xf32> to vector<1x16xf32>
      tpu.vector_store %arg7[%swap3A, %swap3A_421], %swap3A_424 {strides = array<i32>} : memref<256x128xf32, #tpu.memory_space<vmem>>, vector<1x16xf32>,
      %get3A_425 = arith.index_cast %scan3A_414 : i32 to index
      %get3A_426 = arith.constant 16 : index
      %get3A_427 = tpu.vector_load %arg7[%get3A_425, %get3A_426] {strides = array<i32>} : memref<256x128xf32, #tpu.memory_space<vmem>>, vector<1x16xf32>,
      %get3A_428 = vector.shape_cast %get3A_427 : vector<1x16xf32> to vector<16xf32>
      %mul3A_429 = arith.constant 11.3137083 : f32
      %mul3A_430 = vector.broadcast %mul3A_429 : f32 to vector<16xf32>
      %mul3A_431 = arith.mulf %get3A_428, %mul3A_430 : vector<16xf32>
      %swap3A_432 = arith.index_cast %scan3A_414 : i32 to index
      %swap3A_433 = arith.constant 16 : index
      %swap3A_434 = tpu.vector_load %arg7[%swap3A_432, %swap3A_433] {strides = array<i32>} : memref<256x128xf32, #tpu.memory_space<vmem>>, vector<1x16xf32>,
      %swap3A_435 = vector.shape_cast %swap3A_434 : vector<1x16xf32> to vector<16xf32>
      %swap3A_436 = vector.shape_cast %mul3A_431 : vector<16xf32> to vector<1x16xf32>
      tpu.vector_store %arg7[%swap3A_432, %swap3A_433], %swap3A_436 {strides = array<i32>} : memref<256x128xf32, #tpu.memory_space<vmem>>, vector<1x16xf32>,
      %get3A_437 = arith.index_cast %scan3A_414 : i32 to index
      %get3A_438 = arith.constant 32 : index
      %get3A_439 = tpu.vector_load %arg7[%get3A_437, %get3A_438] {strides = array<i32>} : memref<256x128xf32, #tpu.memory_space<vmem>>, vector<1x16xf32>,
      %get3A_440 = vector.shape_cast %get3A_439 : vector<1x16xf32> to vector<16xf32>
      %mul3A_441 = arith.constant 11.3137083 : f32
      %mul3A_442 = vector.broadcast %mul3A_441 : f32 to vector<16xf32>
      %mul3A_443 = arith.mulf %get3A_440, %mul3A_442 : vector<16xf32>
      %swap3A_444 = arith.index_cast %scan3A_414 : i32 to index
      %swap3A_445 = arith.constant 32 : index
      %swap3A_446 = tpu.vector_load %arg7[%swap3A_444, %swap3A_445] {strides = array<i32>} : memref<256x128xf32, #tpu.memory_space<vmem>>, vector<1x16xf32>,
      %swap3A_447 = vector.shape_cast %swap3A_446 : vector<1x16xf32> to vector<16xf32>
      %swap3A_448 = vector.shape_cast %mul3A_443 : vector<16xf32> to vector<1x16xf32>
      tpu.vector_store %arg7[%swap3A_444, %swap3A_445], %swap3A_448 {strides = array<i32>} : memref<256x128xf32, #tpu.memory_space<vmem>>, vector<1x16xf32>,
      %get3A_449 = arith.index_cast %scan3A_414 : i32 to index
      %get3A_450 = arith.constant 48 : index
      %get3A_451 = tpu.vector_load %arg7[%get3A_449, %get3A_450] {strides = array<i32>} : memref<256x128xf32, #tpu.memory_space<vmem>>, vector<1x16xf32>,
      %get3A_452 = vector.shape_cast %get3A_451 : vector<1x16xf32> to vector<16xf32>
      %mul3A_453 = arith.constant 11.3137083 : f32
      %mul3A_454 = vector.broadcast %mul3A_453 : f32 to vector<16xf32>
      %mul3A_455 = arith.mulf %get3A_452, %mul3A_454 : vector<16xf32>
      %swap3A_456 = arith.index_cast %scan3A_414 : i32 to index
      %swap3A_457 = arith.constant 48 : index
      %swap3A_458 = tpu.vector_load %arg7[%swap3A_456, %swap3A_457] {strides = array<i32>} : memref<256x128xf32, #tpu.memory_space<vmem>>, vector<1x16xf32>,
      %swap3A_459 = vector.shape_cast %swap3A_458 : vector<1x16xf32> to vector<16xf32>
      %swap3A_460 = vector.shape_cast %mul3A_455 : vector<16xf32> to vector<1x16xf32>
      tpu.vector_store %arg7[%swap3A_456, %swap3A_457], %swap3A_460 {strides = array<i32>} : memref<256x128xf32, #tpu.memory_space<vmem>>, vector<1x16xf32>,
      %get3A_461 = arith.index_cast %scan3A_414 : i32 to index
      %get3A_462 = arith.constant 64 : index
      %get3A_463 = tpu.vector_load %arg7[%get3A_461, %get3A_462] {strides = array<i32>} : memref<256x128xf32, #tpu.memory_space<vmem>>, vector<1x16xf32>,
      %get3A_464 = vector.shape_cast %get3A_463 : vector<1x16xf32> to vector<16xf32>
      %mul3A_465 = arith.constant 11.3137083 : f32
      %mul3A_466 = vector.broadcast %mul3A_465 : f32 to vector<16xf32>
      %mul3A_467 = arith.mulf %get3A_464, %mul3A_466 : vector<16xf32>
      %swap3A_468 = arith.index_cast %scan3A_414 : i32 to index
      %swap3A_469 = arith.constant 64 : index
      %swap3A_470 = tpu.vector_load %arg7[%swap3A_468, %swap3A_469] {strides = array<i32>} : memref<256x128xf32, #tpu.memory_space<vmem>>, vector<1x16xf32>,
      %swap3A_471 = vector.shape_cast %swap3A_470 : vector<1x16xf32> to vector<16xf32>
      %swap3A_472 = vector.shape_cast %mul3A_467 : vector<16xf32> to vector<1x16xf32>
      tpu.vector_store %arg7[%swap3A_468, %swap3A_469], %swap3A_472 {strides = array<i32>} : memref<256x128xf32, #tpu.memory_space<vmem>>, vector<1x16xf32>,
      %get3A_473 = arith.index_cast %scan3A_414 : i32 to index
      %get3A_474 = arith.constant 80 : index
      %get3A_475 = tpu.vector_load %arg7[%get3A_473, %get3A_474] {strides = array<i32>} : memref<256x128xf32, #tpu.memory_space<vmem>>, vector<1x16xf32>,
      %get3A_476 = vector.shape_cast %get3A_475 : vector<1x16xf32> to vector<16xf32>
      %mul3A_477 = arith.constant 11.3137083 : f32
      %mul3A_478 = vector.broadcast %mul3A_477 : f32 to vector<16xf32>
      %mul3A_479 = arith.mulf %get3A_476, %mul3A_478 : vector<16xf32>
      %swap3A_480 = arith.index_cast %scan3A_414 : i32 to index
      %swap3A_481 = arith.constant 80 : index
      %swap3A_482 = tpu.vector_load %arg7[%swap3A_480, %swap3A_481] {strides = array<i32>} : memref<256x128xf32, #tpu.memory_space<vmem>>, vector<1x16xf32>,
      %swap3A_483 = vector.shape_cast %swap3A_482 : vector<1x16xf32> to vector<16xf32>
      %swap3A_484 = vector.shape_cast %mul3A_479 : vector<16xf32> to vector<1x16xf32>
      tpu.vector_store %arg7[%swap3A_480, %swap3A_481], %swap3A_484 {strides = array<i32>} : memref<256x128xf32, #tpu.memory_space<vmem>>, vector<1x16xf32>,
      %get3A_485 = arith.index_cast %scan3A_414 : i32 to index
      %get3A_486 = arith.constant 96 : index
      %get3A_487 = tpu.vector_load %arg7[%get3A_485, %get3A_486] {strides = array<i32>} : memref<256x128xf32, #tpu.memory_space<vmem>>, vector<1x16xf32>,
      %get3A_488 = vector.shape_cast %get3A_487 : vector<1x16xf32> to vector<16xf32>
      %mul3A_489 = arith.constant 11.3137083 : f32
      %mul3A_490 = vector.broadcast %mul3A_489 : f32 to vector<16xf32>
      %mul3A_491 = arith.mulf %get3A_488, %mul3A_490 : vector<16xf32>
      %swap3A_492 = arith.index_cast %scan3A_414 : i32 to index
      %swap3A_493 = arith.constant 96 : index
      %swap3A_494 = tpu.vector_load %arg7[%swap3A_492, %swap3A_493] {strides = array<i32>} : memref<256x128xf32, #tpu.memory_space<vmem>>, vector<1x16xf32>,
      %swap3A_495 = vector.shape_cast %swap3A_494 : vector<1x16xf32> to vector<16xf32>
      %swap3A_496 = vector.shape_cast %mul3A_491 : vector<16xf32> to vector<1x16xf32>
      tpu.vector_store %arg7[%swap3A_492, %swap3A_493], %swap3A_496 {strides = array<i32>} : memref<256x128xf32, #tpu.memory_space<vmem>>, vector<1x16xf32>,
      %get3A_497 = arith.index_cast %scan3A_414 : i32 to index
      %get3A_498 = arith.constant 112 : index
      %get3A_499 = tpu.vector_load %arg7[%get3A_497, %get3A_498] {strides = array<i32>} : memref<256x128xf32, #tpu.memory_space<vmem>>, vector<1x16xf32>,
      %get3A_500 = vector.shape_cast %get3A_499 : vector<1x16xf32> to vector<16xf32>
      %mul3A_501 = arith.constant 11.3137083 : f32
      %mul3A_502 = vector.broadcast %mul3A_501 : f32 to vector<16xf32>
      %mul3A_503 = arith.mulf %get3A_500, %mul3A_502 : vector<16xf32>
      %swap3A_504 = arith.index_cast %scan3A_414 : i32 to index
      %swap3A_505 = arith.constant 112 : index
      %swap3A_506 = tpu.vector_load %arg7[%swap3A_504, %swap3A_505] {strides = array<i32>} : memref<256x128xf32, #tpu.memory_space<vmem>>, vector<1x16xf32>,
      %swap3A_507 = vector.shape_cast %swap3A_506 : vector<1x16xf32> to vector<16xf32>
      %swap3A_508 = vector.shape_cast %mul3A_503 : vector<16xf32> to vector<1x16xf32>
      tpu.vector_store %arg7[%swap3A_504, %swap3A_505], %swap3A_508 {strides = array<i32>} : memref<256x128xf32, #tpu.memory_space<vmem>>, vector<1x16xf32>,
      %scan3A_509 = arith.constant 1 : i32
      %scan3A_510 = arith.addi %scan3A_414, %scan3A_509 : i32
      %get3A_511 = arith.index_cast %scan3A_510 : i32 to index
      %get3A_512 = arith.constant 0 : index
      %get3A_513 = tpu.vector_load %arg7[%get3A_511, %get3A_512] {strides = array<i32>} : memref<256x128xf32, #tpu.memory_space<vmem>>, vector<1x16xf32>,
      %get3A_514 = vector.shape_cast %get3A_513 : vector<1x16xf32> to vector<16xf32>
      %mul3A_515 = arith.constant 11.3137083 : f32
      %mul3A_516 = vector.broadcast %mul3A_515 : f32 to vector<16xf32>
      %mul3A_517 = arith.mulf %get3A_514, %mul3A_516 : vector<16xf32>
      %swap3A_518 = arith.index_cast %scan3A_510 : i32 to index
      %swap3A_519 = arith.constant 0 : index
      %swap3A_520 = tpu.vector_load %arg7[%swap3A_518, %swap3A_519] {strides = array<i32>} : memref<256x128xf32, #tpu.memory_space<vmem>>, vector<1x16xf32>,
      %swap3A_521 = vector.shape_cast %swap3A_520 : vector<1x16xf32> to vector<16xf32>
      %swap3A_522 = vector.shape_cast %mul3A_517 : vector<16xf32> to vector<1x16xf32>
      tpu.vector_store %arg7[%swap3A_518, %swap3A_519], %swap3A_522 {strides = array<i32>} : memref<256x128xf32, #tpu.memory_space<vmem>>, vector<1x16xf32>,
      %get3A_523 = arith.index_cast %scan3A_510 : i32 to index
      %get3A_524 = arith.constant 16 : index
      %get3A_525 = tpu.vector_load %arg7[%get3A_523, %get3A_524] {strides = array<i32>} : memref<256x128xf32, #tpu.memory_space<vmem>>, vector<1x16xf32>,
      %get3A_526 = vector.shape_cast %get3A_525 : vector<1x16xf32> to vector<16xf32>
      %mul3A_527 = arith.constant 11.3137083 : f32
      %mul3A_528 = vector.broadcast %mul3A_527 : f32 to vector<16xf32>
      %mul3A_529 = arith.mulf %get3A_526, %mul3A_528 : vector<16xf32>
      %swap3A_530 = arith.index_cast %scan3A_510 : i32 to index
      %swap3A_531 = arith.constant 16 : index
      %swap3A_532 = tpu.vector_load %arg7[%swap3A_530, %swap3A_531] {strides = array<i32>} : memref<256x128xf32, #tpu.memory_space<vmem>>, vector<1x16xf32>,
      %swap3A_533 = vector.shape_cast %swap3A_532 : vector<1x16xf32> to vector<16xf32>
      %swap3A_534 = vector.shape_cast %mul3A_529 : vector<16xf32> to vector<1x16xf32>
      tpu.vector_store %arg7[%swap3A_530, %swap3A_531], %swap3A_534 {strides = array<i32>} : memref<256x128xf32, #tpu.memory_space<vmem>>, vector<1x16xf32>,
      %get3A_535 = arith.index_cast %scan3A_510 : i32 to index
      %get3A_536 = arith.constant 32 : index
      %get3A_537 = tpu.vector_load %arg7[%get3A_535, %get3A_536] {strides = array<i32>} : memref<256x128xf32, #tpu.memory_space<vmem>>, vector<1x16xf32>,
      %get3A_538 = vector.shape_cast %get3A_537 : vector<1x16xf32> to vector<16xf32>
      %mul3A_539 = arith.constant 11.3137083 : f32
      %mul3A_540 = vector.broadcast %mul3A_539 : f32 to vector<16xf32>
      %mul3A_541 = arith.mulf %get3A_538, %mul3A_540 : vector<16xf32>
      %swap3A_542 = arith.index_cast %scan3A_510 : i32 to index
      %swap3A_543 = arith.constant 32 : index
      %swap3A_544 = tpu.vector_load %arg7[%swap3A_542, %swap3A_543] {strides = array<i32>} : memref<256x128xf32, #tpu.memory_space<vmem>>, vector<1x16xf32>,
      %swap3A_545 = vector.shape_cast %swap3A_544 : vector<1x16xf32> to vector<16xf32>
      %swap3A_546 = vector.shape_cast %mul3A_541 : vector<16xf32> to vector<1x16xf32>
      tpu.vector_store %arg7[%swap3A_542, %swap3A_543], %swap3A_546 {strides = array<i32>} : memref<256x128xf32, #tpu.memory_space<vmem>>, vector<1x16xf32>,
      %get3A_547 = arith.index_cast %scan3A_510 : i32 to index
      %get3A_548 = arith.constant 48 : index
      %get3A_549 = tpu.vector_load %arg7[%get3A_547, %get3A_548] {strides = array<i32>} : memref<256x128xf32, #tpu.memory_space<vmem>>, vector<1x16xf32>,
      %get3A_550 = vector.shape_cast %get3A_549 : vector<1x16xf32> to vector<16xf32>
      %mul3A_551 = arith.constant 11.3137083 : f32
      %mul3A_552 = vector.broadcast %mul3A_551 : f32 to vector<16xf32>
      %mul3A_553 = arith.mulf %get3A_550, %mul3A_552 : vector<16xf32>
      %swap3A_554 = arith.index_cast %scan3A_510 : i32 to index
      %swap3A_555 = arith.constant 48 : index
      %swap3A_556 = tpu.vector_load %arg7[%swap3A_554, %swap3A_555] {strides = array<i32>} : memref<256x128xf32, #tpu.memory_space<vmem>>, vector<1x16xf32>,
      %swap3A_557 = vector.shape_cast %swap3A_556 : vector<1x16xf32> to vector<16xf32>
      %swap3A_558 = vector.shape_cast %mul3A_553 : vector<16xf32> to vector<1x16xf32>
      tpu.vector_store %arg7[%swap3A_554, %swap3A_555], %swap3A_558 {strides = array<i32>} : memref<256x128xf32, #tpu.memory_space<vmem>>, vector<1x16xf32>,
      %get3A_559 = arith.index_cast %scan3A_510 : i32 to index
      %get3A_560 = arith.constant 64 : index
      %get3A_561 = tpu.vector_load %arg7[%get3A_559, %get3A_560] {strides = array<i32>} : memref<256x128xf32, #tpu.memory_space<vmem>>, vector<1x16xf32>,
      %get3A_562 = vector.shape_cast %get3A_561 : vector<1x16xf32> to vector<16xf32>
      %mul3A_563 = arith.constant 11.3137083 : f32
      %mul3A_564 = vector.broadcast %mul3A_563 : f32 to vector<16xf32>
      %mul3A_565 = arith.mulf %get3A_562, %mul3A_564 : vector<16xf32>
      %swap3A_566 = arith.index_cast %scan3A_510 : i32 to index
      %swap3A_567 = arith.constant 64 : index
      %swap3A_568 = tpu.vector_load %arg7[%swap3A_566, %swap3A_567] {strides = array<i32>} : memref<256x128xf32, #tpu.memory_space<vmem>>, vector<1x16xf32>,
      %swap3A_569 = vector.shape_cast %swap3A_568 : vector<1x16xf32> to vector<16xf32>
      %swap3A_570 = vector.shape_cast %mul3A_565 : vector<16xf32> to vector<1x16xf32>
      tpu.vector_store %arg7[%swap3A_566, %swap3A_567], %swap3A_570 {strides = array<i32>} : memref<256x128xf32, #tpu.memory_space<vmem>>, vector<1x16xf32>,
      %get3A_571 = arith.index_cast %scan3A_510 : i32 to index
      %get3A_572 = arith.constant 80 : index
      %get3A_573 = tpu.vector_load %arg7[%get3A_571, %get3A_572] {strides = array<i32>} : memref<256x128xf32, #tpu.memory_space<vmem>>, vector<1x16xf32>,
      %get3A_574 = vector.shape_cast %get3A_573 : vector<1x16xf32> to vector<16xf32>
      %mul3A_575 = arith.constant 11.3137083 : f32
      %mul3A_576 = vector.broadcast %mul3A_575 : f32 to vector<16xf32>
      %mul3A_577 = arith.mulf %get3A_574, %mul3A_576 : vector<16xf32>
      %swap3A_578 = arith.index_cast %scan3A_510 : i32 to index
      %swap3A_579 = arith.constant 80 : index
      %swap3A_580 = tpu.vector_load %arg7[%swap3A_578, %swap3A_579] {strides = array<i32>} : memref<256x128xf32, #tpu.memory_space<vmem>>, vector<1x16xf32>,
      %swap3A_581 = vector.shape_cast %swap3A_580 : vector<1x16xf32> to vector<16xf32>
      %swap3A_582 = vector.shape_cast %mul3A_577 : vector<16xf32> to vector<1x16xf32>
      tpu.vector_store %arg7[%swap3A_578, %swap3A_579], %swap3A_582 {strides = array<i32>} : memref<256x128xf32, #tpu.memory_space<vmem>>, vector<1x16xf32>,
      %get3A_583 = arith.index_cast %scan3A_510 : i32 to index
      %get3A_584 = arith.constant 96 : index
      %get3A_585 = tpu.vector_load %arg7[%get3A_583, %get3A_584] {strides = array<i32>} : memref<256x128xf32, #tpu.memory_space<vmem>>, vector<1x16xf32>,
      %get3A_586 = vector.shape_cast %get3A_585 : vector<1x16xf32> to vector<16xf32>
      %mul3A_587 = arith.constant 11.3137083 : f32
      %mul3A_588 = vector.broadcast %mul3A_587 : f32 to vector<16xf32>
      %mul3A_589 = arith.mulf %get3A_586, %mul3A_588 : vector<16xf32>
      %swap3A_590 = arith.index_cast %scan3A_510 : i32 to index
      %swap3A_591 = arith.constant 96 : index
      %swap3A_592 = tpu.vector_load %arg7[%swap3A_590, %swap3A_591] {strides = array<i32>} : memref<256x128xf32, #tpu.memory_space<vmem>>, vector<1x16xf32>,
      %swap3A_593 = vector.shape_cast %swap3A_592 : vector<1x16xf32> to vector<16xf32>
      %swap3A_594 = vector.shape_cast %mul3A_589 : vector<16xf32> to vector<1x16xf32>
      tpu.vector_store %arg7[%swap3A_590, %swap3A_591], %swap3A_594 {strides = array<i32>} : memref<256x128xf32, #tpu.memory_space<vmem>>, vector<1x16xf32>,
      %get3A_595 = arith.index_cast %scan3A_510 : i32 to index
      %get3A_596 = arith.constant 112 : index
      %get3A_597 = tpu.vector_load %arg7[%get3A_595, %get3A_596] {strides = array<i32>} : memref<256x128xf32, #tpu.memory_space<vmem>>, vector<1x16xf32>,
      %get3A_598 = vector.shape_cast %get3A_597 : vector<1x16xf32> to vector<16xf32>
      %mul3A_599 = arith.constant 11.3137083 : f32
      %mul3A_600 = vector.broadcast %mul3A_599 : f32 to vector<16xf32>
      %mul3A_601 = arith.mulf %get3A_598, %mul3A_600 : vector<16xf32>
      %swap3A_602 = arith.index_cast %scan3A_510 : i32 to index
      %swap3A_603 = arith.constant 112 : index
      %swap3A_604 = tpu.vector_load %arg7[%swap3A_602, %swap3A_603] {strides = array<i32>} : memref<256x128xf32, #tpu.memory_space<vmem>>, vector<1x16xf32>,
      %swap3A_605 = vector.shape_cast %swap3A_604 : vector<1x16xf32> to vector<16xf32>
      %swap3A_606 = vector.shape_cast %mul3A_601 : vector<16xf32> to vector<1x16xf32>
      tpu.vector_store %arg7[%swap3A_602, %swap3A_603], %swap3A_606 {strides = array<i32>} : memref<256x128xf32, #tpu.memory_space<vmem>>, vector<1x16xf32>,
    }
    %scan3A_299 = arith.constant 256 : i32
    %add3A_300 = arith.constant 24832 : i32
    %add3A_301 = arith.addi %mul3A_2, %add3A_300 : i32
    %dma_start3A_302 = arith.constant 0 : i32
    %dma_start3A_303 = tpu.memref_slice %arg4[%add3A_301, %dma_start3A_302] : memref<819200x128xf32, #tpu.memory_space<hbm>> -> memref<256x128xf32, #tpu.memory_space<hbm>>
    %dma_start3A_304 = arith.constant 0 : i32
    %dma_start3A_305 = tpu.memref_slice %arg4[%add3A_301, %dma_start3A_304] : memref<819200x128xf32, #tpu.memory_space<hbm>> -> memref<256x128xf32, #tpu.memory_space<hbm>>
    tpu.enqueue_dma source(%arg7 : memref<256x128xf32, #tpu.memory_space<vmem>>) target(%dma_start3A_305 : memref<256x128xf32, #tpu.memory_space<hbm>>) target_semaphore(%arg13 : memref<!tpu.dma_semaphore, #tpu.memory_space<semaphore_mem>>)
    %add3A_306 = arith.constant 24576 : i32
    %add3A_307 = arith.addi %mul3A_2, %add3A_306 : i32
    %dma_wait3A_308 = arith.constant 0 : i32
    %dma_wait3A_309 = tpu.memref_slice %arg4[%add3A_307, %dma_wait3A_308] : memref<819200x128xf32, #tpu.memory_space<hbm>> -> memref<256x128xf32, #tpu.memory_space<hbm>>
    %dma_wait3A_310 = arith.constant 0 : i32
    %dma_wait3A_311 = tpu.memref_slice %arg4[%add3A_307, %dma_wait3A_310] : memref<819200x128xf32, #tpu.memory_space<hbm>> -> memref<256x128xf32, #tpu.memory_space<hbm>>
    tpu.wait_dma2 semaphore(%arg12 : memref<!tpu.dma_semaphore, #tpu.memory_space<semaphore_mem>>) src(%arg6 : memref<256x128xf32, #tpu.memory_space<vmem>>) dst(%dma_wait3A_311 : memref<256x128xf32, #tpu.memory_space<hbm>>)
    %dma_start3A_312 = arith.constant 198 : i32
    %dma_start3A_313 = arith.constant 0 : i32
    %dma_start3A_314 = arith.constant 0 : i32
    %dma_start3A_315 = tpu.memref_slice %arg6[%dma_start3A_313, %dma_start3A_314] : memref<256x128xf32, #tpu.memory_space<vmem>> -> memref<128x128xf32, #tpu.memory_space<vmem>>
    %dma_start3A_316 = arith.constant 0 : i32
    %dma_start3A_317 = tpu.memref_slice %arg5[%dma_start3A_312, %dma_start3A_316] : memref<200x128xi32, #tpu.memory_space<vmem>> -> memref<1x128xi32, #tpu.memory_space<vmem>>
    %dma_start3A_318 = tpu.memref_squeeze %dma_start3A_317 : memref<1x128xi32, #tpu.memory_space<vmem>> -> memref<128xi32, #tpu.memory_space<vmem>>
    %dma_start3A_319 = arith.constant 0 : i32
    %dma_start3A_320 = arith.constant 0 : i32
    %dma_start3A_321 = tpu.memref_slice %arg3[%dma_start3A_319, %dma_start3A_320] : memref<100000x128xf32, #tpu.memory_space<hbm>> -> memref<100000x128xf32, #tpu.memory_space<hbm>>
    tpu.enqueue_indirect_dma source(%dma_start3A_321 : memref<100000x128xf32, #tpu.memory_space<hbm>>) target(%dma_start3A_315 : memref<128x128xf32, #tpu.memory_space<vmem>>) offsets(%dma_start3A_318 : memref<128xi32, #tpu.memory_space<vmem>>) semaphore(%arg9 : memref<!tpu.dma_semaphore, #tpu.memory_space<semaphore_mem>>)
    %dma_start3A_322 = arith.constant 199 : i32
    %dma_start3A_323 = arith.constant 128 : i32
    %dma_start3A_324 = arith.constant 0 : i32
    %dma_start3A_325 = tpu.memref_slice %arg6[%dma_start3A_323, %dma_start3A_324] : memref<256x128xf32, #tpu.memory_space<vmem>> -> memref<128x128xf32, #tpu.memory_space<vmem>>
    %dma_start3A_326 = arith.constant 0 : i32
    %dma_start3A_327 = tpu.memref_slice %arg5[%dma_start3A_322, %dma_start3A_326] : memref<200x128xi32, #tpu.memory_space<vmem>> -> memref<1x128xi32, #tpu.memory_space<vmem>>
    %dma_start3A_328 = tpu.memref_squeeze %dma_start3A_327 : memref<1x128xi32, #tpu.memory_space<vmem>> -> memref<128xi32, #tpu.memory_space<vmem>>
    %dma_start3A_329 = arith.constant 0 : i32
    %dma_start3A_330 = arith.constant 0 : i32
    %dma_start3A_331 = tpu.memref_slice %arg3[%dma_start3A_329, %dma_start3A_330] : memref<100000x128xf32, #tpu.memory_space<hbm>> -> memref<100000x128xf32, #tpu.memory_space<hbm>>
    tpu.enqueue_indirect_dma source(%dma_start3A_331 : memref<100000x128xf32, #tpu.memory_space<hbm>>) target(%dma_start3A_325 : memref<128x128xf32, #tpu.memory_space<vmem>>) offsets(%dma_start3A_328 : memref<128xi32, #tpu.memory_space<vmem>>) semaphore(%arg9 : memref<!tpu.dma_semaphore, #tpu.memory_space<semaphore_mem>>)
    %dma_wait3A_332 = arith.constant 196 : i32
    %dma_wait3A_333 = arith.constant 0 : i32
    %dma_wait3A_334 = arith.constant 0 : i32
    %dma_wait3A_335 = tpu.memref_slice %arg8[%dma_wait3A_333, %dma_wait3A_334] : memref<256x128xf32, #tpu.memory_space<vmem>> -> memref<128x128xf32, #tpu.memory_space<vmem>>
    %dma_wait3A_336 = arith.constant 0 : i32
    %dma_wait3A_337 = tpu.memref_slice %arg5[%dma_wait3A_332, %dma_wait3A_336] : memref<200x128xi32, #tpu.memory_space<vmem>> -> memref<1x128xi32, #tpu.memory_space<vmem>>
    %dma_wait3A_338 = tpu.memref_squeeze %dma_wait3A_337 : memref<1x128xi32, #tpu.memory_space<vmem>> -> memref<128xi32, #tpu.memory_space<vmem>>
    %dma_wait3A_339 = arith.constant 0 : i32
    %dma_wait3A_340 = arith.constant 0 : i32
    %dma_wait3A_341 = tpu.memref_slice %arg3[%dma_wait3A_339, %dma_wait3A_340] : memref<100000x128xf32, #tpu.memory_space<hbm>> -> memref<100000x128xf32, #tpu.memory_space<hbm>>
    tpu.wait_indirect_dma semaphore(%arg11 : memref<!tpu.dma_semaphore, #tpu.memory_space<semaphore_mem>>) src(%dma_wait3A_341 : memref<100000x128xf32, #tpu.memory_space<hbm>>) dst(%dma_wait3A_335 : memref<128x128xf32, #tpu.memory_space<vmem>>)
    %dma_wait3A_342 = arith.constant 197 : i32
    %dma_wait3A_343 = arith.constant 128 : i32
    %dma_wait3A_344 = arith.constant 0 : i32
    %dma_wait3A_345 = tpu.memref_slice %arg8[%dma_wait3A_343, %dma_wait3A_344] : memref<256x128xf32, #tpu.memory_space<vmem>> -> memref<128x128xf32, #tpu.memory_space<vmem>>
    %dma_wait3A_346 = arith.constant 0 : i32
    %dma_wait3A_347 = tpu.memref_slice %arg5[%dma_wait3A_342, %dma_wait3A_346] : memref<200x128xi32, #tpu.memory_space<vmem>> -> memref<1x128xi32, #tpu.memory_space<vmem>>
    %dma_wait3A_348 = tpu.memref_squeeze %dma_wait3A_347 : memref<1x128xi32, #tpu.memory_space<vmem>> -> memref<128xi32, #tpu.memory_space<vmem>>
    %dma_wait3A_349 = arith.constant 0 : i32
    %dma_wait3A_350 = arith.constant 0 : i32
    %dma_wait3A_351 = tpu.memref_slice %arg3[%dma_wait3A_349, %dma_wait3A_350] : memref<100000x128xf32, #tpu.memory_space<hbm>> -> memref<100000x128xf32, #tpu.memory_space<hbm>>
    tpu.wait_indirect_dma semaphore(%arg11 : memref<!tpu.dma_semaphore, #tpu.memory_space<semaphore_mem>>) src(%dma_wait3A_351 : memref<100000x128xf32, #tpu.memory_space<hbm>>) dst(%dma_wait3A_345 : memref<128x128xf32, #tpu.memory_space<vmem>>)
    %scan3A_352 = arith.constant 0 : i32
    %scan3A_353 = arith.constant 0 : i32
    %scan3A_354 = arith.constant 256 : i32
    %scan3A_355 = arith.addi %scan3A_353, %scan3A_354 : i32
    %scan3A_356 = arith.constant 2 : i32
    scf.for %scan3A_414 = %scan3A_353 to %scan3A_355 step %scan3A_356  : i32 {
      %get3A = arith.index_cast %scan3A_414 : i32 to index
      %get3A_415 = arith.constant 0 : index
      %get3A_416 = tpu.vector_load %arg8[%get3A, %get3A_415] {strides = array<i32>} : memref<256x128xf32, #tpu.memory_space<vmem>>, vector<1x16xf32>,
      %get3A_417 = vector.shape_cast %get3A_416 : vector<1x16xf32> to vector<16xf32>
      %mul3A_418 = arith.constant 11.3137083 : f32
      %mul3A_419 = vector.broadcast %mul3A_418 : f32 to vector<16xf32>
      %mul3A_420 = arith.mulf %get3A_417, %mul3A_419 : vector<16xf32>
      %swap3A = arith.index_cast %scan3A_414 : i32 to index
      %swap3A_421 = arith.constant 0 : index
      %swap3A_422 = tpu.vector_load %arg8[%swap3A, %swap3A_421] {strides = array<i32>} : memref<256x128xf32, #tpu.memory_space<vmem>>, vector<1x16xf32>,
      %swap3A_423 = vector.shape_cast %swap3A_422 : vector<1x16xf32> to vector<16xf32>
      %swap3A_424 = vector.shape_cast %mul3A_420 : vector<16xf32> to vector<1x16xf32>
      tpu.vector_store %arg8[%swap3A, %swap3A_421], %swap3A_424 {strides = array<i32>} : memref<256x128xf32, #tpu.memory_space<vmem>>, vector<1x16xf32>,
      %get3A_425 = arith.index_cast %scan3A_414 : i32 to index
      %get3A_426 = arith.constant 16 : index
      %get3A_427 = tpu.vector_load %arg8[%get3A_425, %get3A_426] {strides = array<i32>} : memref<256x128xf32, #tpu.memory_space<vmem>>, vector<1x16xf32>,
      %get3A_428 = vector.shape_cast %get3A_427 : vector<1x16xf32> to vector<16xf32>
      %mul3A_429 = arith.constant 11.3137083 : f32
      %mul3A_430 = vector.broadcast %mul3A_429 : f32 to vector<16xf32>
      %mul3A_431 = arith.mulf %get3A_428, %mul3A_430 : vector<16xf32>
      %swap3A_432 = arith.index_cast %scan3A_414 : i32 to index
      %swap3A_433 = arith.constant 16 : index
      %swap3A_434 = tpu.vector_load %arg8[%swap3A_432, %swap3A_433] {strides = array<i32>} : memref<256x128xf32, #tpu.memory_space<vmem>>, vector<1x16xf32>,
      %swap3A_435 = vector.shape_cast %swap3A_434 : vector<1x16xf32> to vector<16xf32>
      %swap3A_436 = vector.shape_cast %mul3A_431 : vector<16xf32> to vector<1x16xf32>
      tpu.vector_store %arg8[%swap3A_432, %swap3A_433], %swap3A_436 {strides = array<i32>} : memref<256x128xf32, #tpu.memory_space<vmem>>, vector<1x16xf32>,
      %get3A_437 = arith.index_cast %scan3A_414 : i32 to index
      %get3A_438 = arith.constant 32 : index
      %get3A_439 = tpu.vector_load %arg8[%get3A_437, %get3A_438] {strides = array<i32>} : memref<256x128xf32, #tpu.memory_space<vmem>>, vector<1x16xf32>,
      %get3A_440 = vector.shape_cast %get3A_439 : vector<1x16xf32> to vector<16xf32>
      %mul3A_441 = arith.constant 11.3137083 : f32
      %mul3A_442 = vector.broadcast %mul3A_441 : f32 to vector<16xf32>
      %mul3A_443 = arith.mulf %get3A_440, %mul3A_442 : vector<16xf32>
      %swap3A_444 = arith.index_cast %scan3A_414 : i32 to index
      %swap3A_445 = arith.constant 32 : index
      %swap3A_446 = tpu.vector_load %arg8[%swap3A_444, %swap3A_445] {strides = array<i32>} : memref<256x128xf32, #tpu.memory_space<vmem>>, vector<1x16xf32>,
      %swap3A_447 = vector.shape_cast %swap3A_446 : vector<1x16xf32> to vector<16xf32>
      %swap3A_448 = vector.shape_cast %mul3A_443 : vector<16xf32> to vector<1x16xf32>
      tpu.vector_store %arg8[%swap3A_444, %swap3A_445], %swap3A_448 {strides = array<i32>} : memref<256x128xf32, #tpu.memory_space<vmem>>, vector<1x16xf32>,
      %get3A_449 = arith.index_cast %scan3A_414 : i32 to index
      %get3A_450 = arith.constant 48 : index
      %get3A_451 = tpu.vector_load %arg8[%get3A_449, %get3A_450] {strides = array<i32>} : memref<256x128xf32, #tpu.memory_space<vmem>>, vector<1x16xf32>,
      %get3A_452 = vector.shape_cast %get3A_451 : vector<1x16xf32> to vector<16xf32>
      %mul3A_453 = arith.constant 11.3137083 : f32
      %mul3A_454 = vector.broadcast %mul3A_453 : f32 to vector<16xf32>
      %mul3A_455 = arith.mulf %get3A_452, %mul3A_454 : vector<16xf32>
      %swap3A_456 = arith.index_cast %scan3A_414 : i32 to index
      %swap3A_457 = arith.constant 48 : index
      %swap3A_458 = tpu.vector_load %arg8[%swap3A_456, %swap3A_457] {strides = array<i32>} : memref<256x128xf32, #tpu.memory_space<vmem>>, vector<1x16xf32>,
      %swap3A_459 = vector.shape_cast %swap3A_458 : vector<1x16xf32> to vector<16xf32>
      %swap3A_460 = vector.shape_cast %mul3A_455 : vector<16xf32> to vector<1x16xf32>
      tpu.vector_store %arg8[%swap3A_456, %swap3A_457], %swap3A_460 {strides = array<i32>} : memref<256x128xf32, #tpu.memory_space<vmem>>, vector<1x16xf32>,
      %get3A_461 = arith.index_cast %scan3A_414 : i32 to index
      %get3A_462 = arith.constant 64 : index
      %get3A_463 = tpu.vector_load %arg8[%get3A_461, %get3A_462] {strides = array<i32>} : memref<256x128xf32, #tpu.memory_space<vmem>>, vector<1x16xf32>,
      %get3A_464 = vector.shape_cast %get3A_463 : vector<1x16xf32> to vector<16xf32>
      %mul3A_465 = arith.constant 11.3137083 : f32
      %mul3A_466 = vector.broadcast %mul3A_465 : f32 to vector<16xf32>
      %mul3A_467 = arith.mulf %get3A_464, %mul3A_466 : vector<16xf32>
      %swap3A_468 = arith.index_cast %scan3A_414 : i32 to index
      %swap3A_469 = arith.constant 64 : index
      %swap3A_470 = tpu.vector_load %arg8[%swap3A_468, %swap3A_469] {strides = array<i32>} : memref<256x128xf32, #tpu.memory_space<vmem>>, vector<1x16xf32>,
      %swap3A_471 = vector.shape_cast %swap3A_470 : vector<1x16xf32> to vector<16xf32>
      %swap3A_472 = vector.shape_cast %mul3A_467 : vector<16xf32> to vector<1x16xf32>
      tpu.vector_store %arg8[%swap3A_468, %swap3A_469], %swap3A_472 {strides = array<i32>} : memref<256x128xf32, #tpu.memory_space<vmem>>, vector<1x16xf32>,
      %get3A_473 = arith.index_cast %scan3A_414 : i32 to index
      %get3A_474 = arith.constant 80 : index
      %get3A_475 = tpu.vector_load %arg8[%get3A_473, %get3A_474] {strides = array<i32>} : memref<256x128xf32, #tpu.memory_space<vmem>>, vector<1x16xf32>,
      %get3A_476 = vector.shape_cast %get3A_475 : vector<1x16xf32> to vector<16xf32>
      %mul3A_477 = arith.constant 11.3137083 : f32
      %mul3A_478 = vector.broadcast %mul3A_477 : f32 to vector<16xf32>
      %mul3A_479 = arith.mulf %get3A_476, %mul3A_478 : vector<16xf32>
      %swap3A_480 = arith.index_cast %scan3A_414 : i32 to index
      %swap3A_481 = arith.constant 80 : index
      %swap3A_482 = tpu.vector_load %arg8[%swap3A_480, %swap3A_481] {strides = array<i32>} : memref<256x128xf32, #tpu.memory_space<vmem>>, vector<1x16xf32>,
      %swap3A_483 = vector.shape_cast %swap3A_482 : vector<1x16xf32> to vector<16xf32>
      %swap3A_484 = vector.shape_cast %mul3A_479 : vector<16xf32> to vector<1x16xf32>
      tpu.vector_store %arg8[%swap3A_480, %swap3A_481], %swap3A_484 {strides = array<i32>} : memref<256x128xf32, #tpu.memory_space<vmem>>, vector<1x16xf32>,
      %get3A_485 = arith.index_cast %scan3A_414 : i32 to index
      %get3A_486 = arith.constant 96 : index
      %get3A_487 = tpu.vector_load %arg8[%get3A_485, %get3A_486] {strides = array<i32>} : memref<256x128xf32, #tpu.memory_space<vmem>>, vector<1x16xf32>,
      %get3A_488 = vector.shape_cast %get3A_487 : vector<1x16xf32> to vector<16xf32>
      %mul3A_489 = arith.constant 11.3137083 : f32
      %mul3A_490 = vector.broadcast %mul3A_489 : f32 to vector<16xf32>
      %mul3A_491 = arith.mulf %get3A_488, %mul3A_490 : vector<16xf32>
      %swap3A_492 = arith.index_cast %scan3A_414 : i32 to index
      %swap3A_493 = arith.constant 96 : index
      %swap3A_494 = tpu.vector_load %arg8[%swap3A_492, %swap3A_493] {strides = array<i32>} : memref<256x128xf32, #tpu.memory_space<vmem>>, vector<1x16xf32>,
      %swap3A_495 = vector.shape_cast %swap3A_494 : vector<1x16xf32> to vector<16xf32>
      %swap3A_496 = vector.shape_cast %mul3A_491 : vector<16xf32> to vector<1x16xf32>
      tpu.vector_store %arg8[%swap3A_492, %swap3A_493], %swap3A_496 {strides = array<i32>} : memref<256x128xf32, #tpu.memory_space<vmem>>, vector<1x16xf32>,
      %get3A_497 = arith.index_cast %scan3A_414 : i32 to index
      %get3A_498 = arith.constant 112 : index
      %get3A_499 = tpu.vector_load %arg8[%get3A_497, %get3A_498] {strides = array<i32>} : memref<256x128xf32, #tpu.memory_space<vmem>>, vector<1x16xf32>,
      %get3A_500 = vector.shape_cast %get3A_499 : vector<1x16xf32> to vector<16xf32>
      %mul3A_501 = arith.constant 11.3137083 : f32
      %mul3A_502 = vector.broadcast %mul3A_501 : f32 to vector<16xf32>
      %mul3A_503 = arith.mulf %get3A_500, %mul3A_502 : vector<16xf32>
      %swap3A_504 = arith.index_cast %scan3A_414 : i32 to index
      %swap3A_505 = arith.constant 112 : index
      %swap3A_506 = tpu.vector_load %arg8[%swap3A_504, %swap3A_505] {strides = array<i32>} : memref<256x128xf32, #tpu.memory_space<vmem>>, vector<1x16xf32>,
      %swap3A_507 = vector.shape_cast %swap3A_506 : vector<1x16xf32> to vector<16xf32>
      %swap3A_508 = vector.shape_cast %mul3A_503 : vector<16xf32> to vector<1x16xf32>
      tpu.vector_store %arg8[%swap3A_504, %swap3A_505], %swap3A_508 {strides = array<i32>} : memref<256x128xf32, #tpu.memory_space<vmem>>, vector<1x16xf32>,
      %scan3A_509 = arith.constant 1 : i32
      %scan3A_510 = arith.addi %scan3A_414, %scan3A_509 : i32
      %get3A_511 = arith.index_cast %scan3A_510 : i32 to index
      %get3A_512 = arith.constant 0 : index
      %get3A_513 = tpu.vector_load %arg8[%get3A_511, %get3A_512] {strides = array<i32>} : memref<256x128xf32, #tpu.memory_space<vmem>>, vector<1x16xf32>,
      %get3A_514 = vector.shape_cast %get3A_513 : vector<1x16xf32> to vector<16xf32>
      %mul3A_515 = arith.constant 11.3137083 : f32
      %mul3A_516 = vector.broadcast %mul3A_515 : f32 to vector<16xf32>
      %mul3A_517 = arith.mulf %get3A_514, %mul3A_516 : vector<16xf32>
      %swap3A_518 = arith.index_cast %scan3A_510 : i32 to index
      %swap3A_519 = arith.constant 0 : index
      %swap3A_520 = tpu.vector_load %arg8[%swap3A_518, %swap3A_519] {strides = array<i32>} : memref<256x128xf32, #tpu.memory_space<vmem>>, vector<1x16xf32>,
      %swap3A_521 = vector.shape_cast %swap3A_520 : vector<1x16xf32> to vector<16xf32>
      %swap3A_522 = vector.shape_cast %mul3A_517 : vector<16xf32> to vector<1x16xf32>
      tpu.vector_store %arg8[%swap3A_518, %swap3A_519], %swap3A_522 {strides = array<i32>} : memref<256x128xf32, #tpu.memory_space<vmem>>, vector<1x16xf32>,
      %get3A_523 = arith.index_cast %scan3A_510 : i32 to index
      %get3A_524 = arith.constant 16 : index
      %get3A_525 = tpu.vector_load %arg8[%get3A_523, %get3A_524] {strides = array<i32>} : memref<256x128xf32, #tpu.memory_space<vmem>>, vector<1x16xf32>,
      %get3A_526 = vector.shape_cast %get3A_525 : vector<1x16xf32> to vector<16xf32>
      %mul3A_527 = arith.constant 11.3137083 : f32
      %mul3A_528 = vector.broadcast %mul3A_527 : f32 to vector<16xf32>
      %mul3A_529 = arith.mulf %get3A_526, %mul3A_528 : vector<16xf32>
      %swap3A_530 = arith.index_cast %scan3A_510 : i32 to index
      %swap3A_531 = arith.constant 16 : index
      %swap3A_532 = tpu.vector_load %arg8[%swap3A_530, %swap3A_531] {strides = array<i32>} : memref<256x128xf32, #tpu.memory_space<vmem>>, vector<1x16xf32>,
      %swap3A_533 = vector.shape_cast %swap3A_532 : vector<1x16xf32> to vector<16xf32>
      %swap3A_534 = vector.shape_cast %mul3A_529 : vector<16xf32> to vector<1x16xf32>
      tpu.vector_store %arg8[%swap3A_530, %swap3A_531], %swap3A_534 {strides = array<i32>} : memref<256x128xf32, #tpu.memory_space<vmem>>, vector<1x16xf32>,
      %get3A_535 = arith.index_cast %scan3A_510 : i32 to index
      %get3A_536 = arith.constant 32 : index
      %get3A_537 = tpu.vector_load %arg8[%get3A_535, %get3A_536] {strides = array<i32>} : memref<256x128xf32, #tpu.memory_space<vmem>>, vector<1x16xf32>,
      %get3A_538 = vector.shape_cast %get3A_537 : vector<1x16xf32> to vector<16xf32>
      %mul3A_539 = arith.constant 11.3137083 : f32
      %mul3A_540 = vector.broadcast %mul3A_539 : f32 to vector<16xf32>
      %mul3A_541 = arith.mulf %get3A_538, %mul3A_540 : vector<16xf32>
      %swap3A_542 = arith.index_cast %scan3A_510 : i32 to index
      %swap3A_543 = arith.constant 32 : index
      %swap3A_544 = tpu.vector_load %arg8[%swap3A_542, %swap3A_543] {strides = array<i32>} : memref<256x128xf32, #tpu.memory_space<vmem>>, vector<1x16xf32>,
      %swap3A_545 = vector.shape_cast %swap3A_544 : vector<1x16xf32> to vector<16xf32>
      %swap3A_546 = vector.shape_cast %mul3A_541 : vector<16xf32> to vector<1x16xf32>
      tpu.vector_store %arg8[%swap3A_542, %swap3A_543], %swap3A_546 {strides = array<i32>} : memref<256x128xf32, #tpu.memory_space<vmem>>, vector<1x16xf32>,
      %get3A_547 = arith.index_cast %scan3A_510 : i32 to index
      %get3A_548 = arith.constant 48 : index
      %get3A_549 = tpu.vector_load %arg8[%get3A_547, %get3A_548] {strides = array<i32>} : memref<256x128xf32, #tpu.memory_space<vmem>>, vector<1x16xf32>,
      %get3A_550 = vector.shape_cast %get3A_549 : vector<1x16xf32> to vector<16xf32>
      %mul3A_551 = arith.constant 11.3137083 : f32
      %mul3A_552 = vector.broadcast %mul3A_551 : f32 to vector<16xf32>
      %mul3A_553 = arith.mulf %get3A_550, %mul3A_552 : vector<16xf32>
      %swap3A_554 = arith.index_cast %scan3A_510 : i32 to index
      %swap3A_555 = arith.constant 48 : index
      %swap3A_556 = tpu.vector_load %arg8[%swap3A_554, %swap3A_555] {strides = array<i32>} : memref<256x128xf32, #tpu.memory_space<vmem>>, vector<1x16xf32>,
      %swap3A_557 = vector.shape_cast %swap3A_556 : vector<1x16xf32> to vector<16xf32>
      %swap3A_558 = vector.shape_cast %mul3A_553 : vector<16xf32> to vector<1x16xf32>
      tpu.vector_store %arg8[%swap3A_554, %swap3A_555], %swap3A_558 {strides = array<i32>} : memref<256x128xf32, #tpu.memory_space<vmem>>, vector<1x16xf32>,
      %get3A_559 = arith.index_cast %scan3A_510 : i32 to index
      %get3A_560 = arith.constant 64 : index
      %get3A_561 = tpu.vector_load %arg8[%get3A_559, %get3A_560] {strides = array<i32>} : memref<256x128xf32, #tpu.memory_space<vmem>>, vector<1x16xf32>,
      %get3A_562 = vector.shape_cast %get3A_561 : vector<1x16xf32> to vector<16xf32>
      %mul3A_563 = arith.constant 11.3137083 : f32
      %mul3A_564 = vector.broadcast %mul3A_563 : f32 to vector<16xf32>
      %mul3A_565 = arith.mulf %get3A_562, %mul3A_564 : vector<16xf32>
      %swap3A_566 = arith.index_cast %scan3A_510 : i32 to index
      %swap3A_567 = arith.constant 64 : index
      %swap3A_568 = tpu.vector_load %arg8[%swap3A_566, %swap3A_567] {strides = array<i32>} : memref<256x128xf32, #tpu.memory_space<vmem>>, vector<1x16xf32>,
      %swap3A_569 = vector.shape_cast %swap3A_568 : vector<1x16xf32> to vector<16xf32>
      %swap3A_570 = vector.shape_cast %mul3A_565 : vector<16xf32> to vector<1x16xf32>
      tpu.vector_store %arg8[%swap3A_566, %swap3A_567], %swap3A_570 {strides = array<i32>} : memref<256x128xf32, #tpu.memory_space<vmem>>, vector<1x16xf32>,
      %get3A_571 = arith.index_cast %scan3A_510 : i32 to index
      %get3A_572 = arith.constant 80 : index
      %get3A_573 = tpu.vector_load %arg8[%get3A_571, %get3A_572] {strides = array<i32>} : memref<256x128xf32, #tpu.memory_space<vmem>>, vector<1x16xf32>,
      %get3A_574 = vector.shape_cast %get3A_573 : vector<1x16xf32> to vector<16xf32>
      %mul3A_575 = arith.constant 11.3137083 : f32
      %mul3A_576 = vector.broadcast %mul3A_575 : f32 to vector<16xf32>
      %mul3A_577 = arith.mulf %get3A_574, %mul3A_576 : vector<16xf32>
      %swap3A_578 = arith.index_cast %scan3A_510 : i32 to index
      %swap3A_579 = arith.constant 80 : index
      %swap3A_580 = tpu.vector_load %arg8[%swap3A_578, %swap3A_579] {strides = array<i32>} : memref<256x128xf32, #tpu.memory_space<vmem>>, vector<1x16xf32>,
      %swap3A_581 = vector.shape_cast %swap3A_580 : vector<1x16xf32> to vector<16xf32>
      %swap3A_582 = vector.shape_cast %mul3A_577 : vector<16xf32> to vector<1x16xf32>
      tpu.vector_store %arg8[%swap3A_578, %swap3A_579], %swap3A_582 {strides = array<i32>} : memref<256x128xf32, #tpu.memory_space<vmem>>, vector<1x16xf32>,
      %get3A_583 = arith.index_cast %scan3A_510 : i32 to index
      %get3A_584 = arith.constant 96 : index
      %get3A_585 = tpu.vector_load %arg8[%get3A_583, %get3A_584] {strides = array<i32>} : memref<256x128xf32, #tpu.memory_space<vmem>>, vector<1x16xf32>,
      %get3A_586 = vector.shape_cast %get3A_585 : vector<1x16xf32> to vector<16xf32>
      %mul3A_587 = arith.constant 11.3137083 : f32
      %mul3A_588 = vector.broadcast %mul3A_587 : f32 to vector<16xf32>
      %mul3A_589 = arith.mulf %get3A_586, %mul3A_588 : vector<16xf32>
      %swap3A_590 = arith.index_cast %scan3A_510 : i32 to index
      %swap3A_591 = arith.constant 96 : index
      %swap3A_592 = tpu.vector_load %arg8[%swap3A_590, %swap3A_591] {strides = array<i32>} : memref<256x128xf32, #tpu.memory_space<vmem>>, vector<1x16xf32>,
      %swap3A_593 = vector.shape_cast %swap3A_592 : vector<1x16xf32> to vector<16xf32>
      %swap3A_594 = vector.shape_cast %mul3A_589 : vector<16xf32> to vector<1x16xf32>
      tpu.vector_store %arg8[%swap3A_590, %swap3A_591], %swap3A_594 {strides = array<i32>} : memref<256x128xf32, #tpu.memory_space<vmem>>, vector<1x16xf32>,
      %get3A_595 = arith.index_cast %scan3A_510 : i32 to index
      %get3A_596 = arith.constant 112 : index
      %get3A_597 = tpu.vector_load %arg8[%get3A_595, %get3A_596] {strides = array<i32>} : memref<256x128xf32, #tpu.memory_space<vmem>>, vector<1x16xf32>,
      %get3A_598 = vector.shape_cast %get3A_597 : vector<1x16xf32> to vector<16xf32>
      %mul3A_599 = arith.constant 11.3137083 : f32
      %mul3A_600 = vector.broadcast %mul3A_599 : f32 to vector<16xf32>
      %mul3A_601 = arith.mulf %get3A_598, %mul3A_600 : vector<16xf32>
      %swap3A_602 = arith.index_cast %scan3A_510 : i32 to index
      %swap3A_603 = arith.constant 112 : index
      %swap3A_604 = tpu.vector_load %arg8[%swap3A_602, %swap3A_603] {strides = array<i32>} : memref<256x128xf32, #tpu.memory_space<vmem>>, vector<1x16xf32>,
      %swap3A_605 = vector.shape_cast %swap3A_604 : vector<1x16xf32> to vector<16xf32>
      %swap3A_606 = vector.shape_cast %mul3A_601 : vector<16xf32> to vector<1x16xf32>
      tpu.vector_store %arg8[%swap3A_602, %swap3A_603], %swap3A_606 {strides = array<i32>} : memref<256x128xf32, #tpu.memory_space<vmem>>, vector<1x16xf32>,
    }
    %scan3A_357 = arith.constant 256 : i32
    %add3A_358 = arith.constant 25088 : i32
    %add3A_359 = arith.addi %mul3A_2, %add3A_358 : i32
    %dma_start3A_360 = arith.constant 0 : i32
    %dma_start3A_361 = tpu.memref_slice %arg4[%add3A_359, %dma_start3A_360] : memref<819200x128xf32, #tpu.memory_space<hbm>> -> memref<256x128xf32, #tpu.memory_space<hbm>>
    %dma_start3A_362 = arith.constant 0 : i32
    %dma_start3A_363 = tpu.memref_slice %arg4[%add3A_359, %dma_start3A_362] : memref<819200x128xf32, #tpu.memory_space<hbm>> -> memref<256x128xf32, #tpu.memory_space<hbm>>
    tpu.enqueue_dma source(%arg8 : memref<256x128xf32, #tpu.memory_space<vmem>>) target(%dma_start3A_363 : memref<256x128xf32, #tpu.memory_space<hbm>>) target_semaphore(%arg14 : memref<!tpu.dma_semaphore, #tpu.memory_space<semaphore_mem>>)
    %dma_wait3A_364 = arith.constant 198 : i32
    %dma_wait3A_365 = arith.constant 0 : i32
    %dma_wait3A_366 = arith.constant 0 : i32
    %dma_wait3A_367 = tpu.memref_slice %arg6[%dma_wait3A_365, %dma_wait3A_366] : memref<256x128xf32, #tpu.memory_space<vmem>> -> memref<128x128xf32, #tpu.memory_space<vmem>>
    %dma_wait3A_368 = arith.constant 0 : i32
    %dma_wait3A_369 = tpu.memref_slice %arg5[%dma_wait3A_364, %dma_wait3A_368] : memref<200x128xi32, #tpu.memory_space<vmem>> -> memref<1x128xi32, #tpu.memory_space<vmem>>
    %dma_wait3A_370 = tpu.memref_squeeze %dma_wait3A_369 : memref<1x128xi32, #tpu.memory_space<vmem>> -> memref<128xi32, #tpu.memory_space<vmem>>
    %dma_wait3A_371 = arith.constant 0 : i32
    %dma_wait3A_372 = arith.constant 0 : i32
    %dma_wait3A_373 = tpu.memref_slice %arg3[%dma_wait3A_371, %dma_wait3A_372] : memref<100000x128xf32, #tpu.memory_space<hbm>> -> memref<100000x128xf32, #tpu.memory_space<hbm>>
    tpu.wait_indirect_dma semaphore(%arg9 : memref<!tpu.dma_semaphore, #tpu.memory_space<semaphore_mem>>) src(%dma_wait3A_373 : memref<100000x128xf32, #tpu.memory_space<hbm>>) dst(%dma_wait3A_367 : memref<128x128xf32, #tpu.memory_space<vmem>>)
    %dma_wait3A_374 = arith.constant 199 : i32
    %dma_wait3A_375 = arith.constant 128 : i32
    %dma_wait3A_376 = arith.constant 0 : i32
    %dma_wait3A_377 = tpu.memref_slice %arg6[%dma_wait3A_375, %dma_wait3A_376] : memref<256x128xf32, #tpu.memory_space<vmem>> -> memref<128x128xf32, #tpu.memory_space<vmem>>
    %dma_wait3A_378 = arith.constant 0 : i32
    %dma_wait3A_379 = tpu.memref_slice %arg5[%dma_wait3A_374, %dma_wait3A_378] : memref<200x128xi32, #tpu.memory_space<vmem>> -> memref<1x128xi32, #tpu.memory_space<vmem>>
    %dma_wait3A_380 = tpu.memref_squeeze %dma_wait3A_379 : memref<1x128xi32, #tpu.memory_space<vmem>> -> memref<128xi32, #tpu.memory_space<vmem>>
    %dma_wait3A_381 = arith.constant 0 : i32
    %dma_wait3A_382 = arith.constant 0 : i32
    %dma_wait3A_383 = tpu.memref_slice %arg3[%dma_wait3A_381, %dma_wait3A_382] : memref<100000x128xf32, #tpu.memory_space<hbm>> -> memref<100000x128xf32, #tpu.memory_space<hbm>>
    tpu.wait_indirect_dma semaphore(%arg9 : memref<!tpu.dma_semaphore, #tpu.memory_space<semaphore_mem>>) src(%dma_wait3A_383 : memref<100000x128xf32, #tpu.memory_space<hbm>>) dst(%dma_wait3A_377 : memref<128x128xf32, #tpu.memory_space<vmem>>)
    %scan3A_384 = arith.constant 0 : i32
    %scan3A_385 = arith.constant 0 : i32
    %scan3A_386 = arith.constant 256 : i32
    %scan3A_387 = arith.addi %scan3A_385, %scan3A_386 : i32
    %scan3A_388 = arith.constant 2 : i32
    scf.for %scan3A_414 = %scan3A_385 to %scan3A_387 step %scan3A_388  : i32 {
      %get3A = arith.index_cast %scan3A_414 : i32 to index
      %get3A_415 = arith.constant 0 : index
      %get3A_416 = tpu.vector_load %arg6[%get3A, %get3A_415] {strides = array<i32>} : memref<256x128xf32, #tpu.memory_space<vmem>>, vector<1x16xf32>,
      %get3A_417 = vector.shape_cast %get3A_416 : vector<1x16xf32> to vector<16xf32>
      %mul3A_418 = arith.constant 11.3137083 : f32
      %mul3A_419 = vector.broadcast %mul3A_418 : f32 to vector<16xf32>
      %mul3A_420 = arith.mulf %get3A_417, %mul3A_419 : vector<16xf32>
      %swap3A = arith.index_cast %scan3A_414 : i32 to index
      %swap3A_421 = arith.constant 0 : index
      %swap3A_422 = tpu.vector_load %arg6[%swap3A, %swap3A_421] {strides = array<i32>} : memref<256x128xf32, #tpu.memory_space<vmem>>, vector<1x16xf32>,
      %swap3A_423 = vector.shape_cast %swap3A_422 : vector<1x16xf32> to vector<16xf32>
      %swap3A_424 = vector.shape_cast %mul3A_420 : vector<16xf32> to vector<1x16xf32>
      tpu.vector_store %arg6[%swap3A, %swap3A_421], %swap3A_424 {strides = array<i32>} : memref<256x128xf32, #tpu.memory_space<vmem>>, vector<1x16xf32>,
      %get3A_425 = arith.index_cast %scan3A_414 : i32 to index
      %get3A_426 = arith.constant 16 : index
      %get3A_427 = tpu.vector_load %arg6[%get3A_425, %get3A_426] {strides = array<i32>} : memref<256x128xf32, #tpu.memory_space<vmem>>, vector<1x16xf32>,
      %get3A_428 = vector.shape_cast %get3A_427 : vector<1x16xf32> to vector<16xf32>
      %mul3A_429 = arith.constant 11.3137083 : f32
      %mul3A_430 = vector.broadcast %mul3A_429 : f32 to vector<16xf32>
      %mul3A_431 = arith.mulf %get3A_428, %mul3A_430 : vector<16xf32>
      %swap3A_432 = arith.index_cast %scan3A_414 : i32 to index
      %swap3A_433 = arith.constant 16 : index
      %swap3A_434 = tpu.vector_load %arg6[%swap3A_432, %swap3A_433] {strides = array<i32>} : memref<256x128xf32, #tpu.memory_space<vmem>>, vector<1x16xf32>,
      %swap3A_435 = vector.shape_cast %swap3A_434 : vector<1x16xf32> to vector<16xf32>
      %swap3A_436 = vector.shape_cast %mul3A_431 : vector<16xf32> to vector<1x16xf32>
      tpu.vector_store %arg6[%swap3A_432, %swap3A_433], %swap3A_436 {strides = array<i32>} : memref<256x128xf32, #tpu.memory_space<vmem>>, vector<1x16xf32>,
      %get3A_437 = arith.index_cast %scan3A_414 : i32 to index
      %get3A_438 = arith.constant 32 : index
      %get3A_439 = tpu.vector_load %arg6[%get3A_437, %get3A_438] {strides = array<i32>} : memref<256x128xf32, #tpu.memory_space<vmem>>, vector<1x16xf32>,
      %get3A_440 = vector.shape_cast %get3A_439 : vector<1x16xf32> to vector<16xf32>
      %mul3A_441 = arith.constant 11.3137083 : f32
      %mul3A_442 = vector.broadcast %mul3A_441 : f32 to vector<16xf32>
      %mul3A_443 = arith.mulf %get3A_440, %mul3A_442 : vector<16xf32>
      %swap3A_444 = arith.index_cast %scan3A_414 : i32 to index
      %swap3A_445 = arith.constant 32 : index
      %swap3A_446 = tpu.vector_load %arg6[%swap3A_444, %swap3A_445] {strides = array<i32>} : memref<256x128xf32, #tpu.memory_space<vmem>>, vector<1x16xf32>,
      %swap3A_447 = vector.shape_cast %swap3A_446 : vector<1x16xf32> to vector<16xf32>
      %swap3A_448 = vector.shape_cast %mul3A_443 : vector<16xf32> to vector<1x16xf32>
      tpu.vector_store %arg6[%swap3A_444, %swap3A_445], %swap3A_448 {strides = array<i32>} : memref<256x128xf32, #tpu.memory_space<vmem>>, vector<1x16xf32>,
      %get3A_449 = arith.index_cast %scan3A_414 : i32 to index
      %get3A_450 = arith.constant 48 : index
      %get3A_451 = tpu.vector_load %arg6[%get3A_449, %get3A_450] {strides = array<i32>} : memref<256x128xf32, #tpu.memory_space<vmem>>, vector<1x16xf32>,
      %get3A_452 = vector.shape_cast %get3A_451 : vector<1x16xf32> to vector<16xf32>
      %mul3A_453 = arith.constant 11.3137083 : f32
      %mul3A_454 = vector.broadcast %mul3A_453 : f32 to vector<16xf32>
      %mul3A_455 = arith.mulf %get3A_452, %mul3A_454 : vector<16xf32>
      %swap3A_456 = arith.index_cast %scan3A_414 : i32 to index
      %swap3A_457 = arith.constant 48 : index
      %swap3A_458 = tpu.vector_load %arg6[%swap3A_456, %swap3A_457] {strides = array<i32>} : memref<256x128xf32, #tpu.memory_space<vmem>>, vector<1x16xf32>,
      %swap3A_459 = vector.shape_cast %swap3A_458 : vector<1x16xf32> to vector<16xf32>
      %swap3A_460 = vector.shape_cast %mul3A_455 : vector<16xf32> to vector<1x16xf32>
      tpu.vector_store %arg6[%swap3A_456, %swap3A_457], %swap3A_460 {strides = array<i32>} : memref<256x128xf32, #tpu.memory_space<vmem>>, vector<1x16xf32>,
      %get3A_461 = arith.index_cast %scan3A_414 : i32 to index
      %get3A_462 = arith.constant 64 : index
      %get3A_463 = tpu.vector_load %arg6[%get3A_461, %get3A_462] {strides = array<i32>} : memref<256x128xf32, #tpu.memory_space<vmem>>, vector<1x16xf32>,
      %get3A_464 = vector.shape_cast %get3A_463 : vector<1x16xf32> to vector<16xf32>
      %mul3A_465 = arith.constant 11.3137083 : f32
      %mul3A_466 = vector.broadcast %mul3A_465 : f32 to vector<16xf32>
      %mul3A_467 = arith.mulf %get3A_464, %mul3A_466 : vector<16xf32>
      %swap3A_468 = arith.index_cast %scan3A_414 : i32 to index
      %swap3A_469 = arith.constant 64 : index
      %swap3A_470 = tpu.vector_load %arg6[%swap3A_468, %swap3A_469] {strides = array<i32>} : memref<256x128xf32, #tpu.memory_space<vmem>>, vector<1x16xf32>,
      %swap3A_471 = vector.shape_cast %swap3A_470 : vector<1x16xf32> to vector<16xf32>
      %swap3A_472 = vector.shape_cast %mul3A_467 : vector<16xf32> to vector<1x16xf32>
      tpu.vector_store %arg6[%swap3A_468, %swap3A_469], %swap3A_472 {strides = array<i32>} : memref<256x128xf32, #tpu.memory_space<vmem>>, vector<1x16xf32>,
      %get3A_473 = arith.index_cast %scan3A_414 : i32 to index
      %get3A_474 = arith.constant 80 : index
      %get3A_475 = tpu.vector_load %arg6[%get3A_473, %get3A_474] {strides = array<i32>} : memref<256x128xf32, #tpu.memory_space<vmem>>, vector<1x16xf32>,
      %get3A_476 = vector.shape_cast %get3A_475 : vector<1x16xf32> to vector<16xf32>
      %mul3A_477 = arith.constant 11.3137083 : f32
      %mul3A_478 = vector.broadcast %mul3A_477 : f32 to vector<16xf32>
      %mul3A_479 = arith.mulf %get3A_476, %mul3A_478 : vector<16xf32>
      %swap3A_480 = arith.index_cast %scan3A_414 : i32 to index
      %swap3A_481 = arith.constant 80 : index
      %swap3A_482 = tpu.vector_load %arg6[%swap3A_480, %swap3A_481] {strides = array<i32>} : memref<256x128xf32, #tpu.memory_space<vmem>>, vector<1x16xf32>,
      %swap3A_483 = vector.shape_cast %swap3A_482 : vector<1x16xf32> to vector<16xf32>
      %swap3A_484 = vector.shape_cast %mul3A_479 : vector<16xf32> to vector<1x16xf32>
      tpu.vector_store %arg6[%swap3A_480, %swap3A_481], %swap3A_484 {strides = array<i32>} : memref<256x128xf32, #tpu.memory_space<vmem>>, vector<1x16xf32>,
      %get3A_485 = arith.index_cast %scan3A_414 : i32 to index
      %get3A_486 = arith.constant 96 : index
      %get3A_487 = tpu.vector_load %arg6[%get3A_485, %get3A_486] {strides = array<i32>} : memref<256x128xf32, #tpu.memory_space<vmem>>, vector<1x16xf32>,
      %get3A_488 = vector.shape_cast %get3A_487 : vector<1x16xf32> to vector<16xf32>
      %mul3A_489 = arith.constant 11.3137083 : f32
      %mul3A_490 = vector.broadcast %mul3A_489 : f32 to vector<16xf32>
      %mul3A_491 = arith.mulf %get3A_488, %mul3A_490 : vector<16xf32>
      %swap3A_492 = arith.index_cast %scan3A_414 : i32 to index
      %swap3A_493 = arith.constant 96 : index
      %swap3A_494 = tpu.vector_load %arg6[%swap3A_492, %swap3A_493] {strides = array<i32>} : memref<256x128xf32, #tpu.memory_space<vmem>>, vector<1x16xf32>,
      %swap3A_495 = vector.shape_cast %swap3A_494 : vector<1x16xf32> to vector<16xf32>
      %swap3A_496 = vector.shape_cast %mul3A_491 : vector<16xf32> to vector<1x16xf32>
      tpu.vector_store %arg6[%swap3A_492, %swap3A_493], %swap3A_496 {strides = array<i32>} : memref<256x128xf32, #tpu.memory_space<vmem>>, vector<1x16xf32>,
      %get3A_497 = arith.index_cast %scan3A_414 : i32 to index
      %get3A_498 = arith.constant 112 : index
      %get3A_499 = tpu.vector_load %arg6[%get3A_497, %get3A_498] {strides = array<i32>} : memref<256x128xf32, #tpu.memory_space<vmem>>, vector<1x16xf32>,
      %get3A_500 = vector.shape_cast %get3A_499 : vector<1x16xf32> to vector<16xf32>
      %mul3A_501 = arith.constant 11.3137083 : f32
      %mul3A_502 = vector.broadcast %mul3A_501 : f32 to vector<16xf32>
      %mul3A_503 = arith.mulf %get3A_500, %mul3A_502 : vector<16xf32>
      %swap3A_504 = arith.index_cast %scan3A_414 : i32 to index
      %swap3A_505 = arith.constant 112 : index
      %swap3A_506 = tpu.vector_load %arg6[%swap3A_504, %swap3A_505] {strides = array<i32>} : memref<256x128xf32, #tpu.memory_space<vmem>>, vector<1x16xf32>,
      %swap3A_507 = vector.shape_cast %swap3A_506 : vector<1x16xf32> to vector<16xf32>
      %swap3A_508 = vector.shape_cast %mul3A_503 : vector<16xf32> to vector<1x16xf32>
      tpu.vector_store %arg6[%swap3A_504, %swap3A_505], %swap3A_508 {strides = array<i32>} : memref<256x128xf32, #tpu.memory_space<vmem>>, vector<1x16xf32>,
      %scan3A_509 = arith.constant 1 : i32
      %scan3A_510 = arith.addi %scan3A_414, %scan3A_509 : i32
      %get3A_511 = arith.index_cast %scan3A_510 : i32 to index
      %get3A_512 = arith.constant 0 : index
      %get3A_513 = tpu.vector_load %arg6[%get3A_511, %get3A_512] {strides = array<i32>} : memref<256x128xf32, #tpu.memory_space<vmem>>, vector<1x16xf32>,
      %get3A_514 = vector.shape_cast %get3A_513 : vector<1x16xf32> to vector<16xf32>
      %mul3A_515 = arith.constant 11.3137083 : f32
      %mul3A_516 = vector.broadcast %mul3A_515 : f32 to vector<16xf32>
      %mul3A_517 = arith.mulf %get3A_514, %mul3A_516 : vector<16xf32>
      %swap3A_518 = arith.index_cast %scan3A_510 : i32 to index
      %swap3A_519 = arith.constant 0 : index
      %swap3A_520 = tpu.vector_load %arg6[%swap3A_518, %swap3A_519] {strides = array<i32>} : memref<256x128xf32, #tpu.memory_space<vmem>>, vector<1x16xf32>,
      %swap3A_521 = vector.shape_cast %swap3A_520 : vector<1x16xf32> to vector<16xf32>
      %swap3A_522 = vector.shape_cast %mul3A_517 : vector<16xf32> to vector<1x16xf32>
      tpu.vector_store %arg6[%swap3A_518, %swap3A_519], %swap3A_522 {strides = array<i32>} : memref<256x128xf32, #tpu.memory_space<vmem>>, vector<1x16xf32>,
      %get3A_523 = arith.index_cast %scan3A_510 : i32 to index
      %get3A_524 = arith.constant 16 : index
      %get3A_525 = tpu.vector_load %arg6[%get3A_523, %get3A_524] {strides = array<i32>} : memref<256x128xf32, #tpu.memory_space<vmem>>, vector<1x16xf32>,
      %get3A_526 = vector.shape_cast %get3A_525 : vector<1x16xf32> to vector<16xf32>
      %mul3A_527 = arith.constant 11.3137083 : f32
      %mul3A_528 = vector.broadcast %mul3A_527 : f32 to vector<16xf32>
      %mul3A_529 = arith.mulf %get3A_526, %mul3A_528 : vector<16xf32>
      %swap3A_530 = arith.index_cast %scan3A_510 : i32 to index
      %swap3A_531 = arith.constant 16 : index
      %swap3A_532 = tpu.vector_load %arg6[%swap3A_530, %swap3A_531] {strides = array<i32>} : memref<256x128xf32, #tpu.memory_space<vmem>>, vector<1x16xf32>,
      %swap3A_533 = vector.shape_cast %swap3A_532 : vector<1x16xf32> to vector<16xf32>
      %swap3A_534 = vector.shape_cast %mul3A_529 : vector<16xf32> to vector<1x16xf32>
      tpu.vector_store %arg6[%swap3A_530, %swap3A_531], %swap3A_534 {strides = array<i32>} : memref<256x128xf32, #tpu.memory_space<vmem>>, vector<1x16xf32>,
      %get3A_535 = arith.index_cast %scan3A_510 : i32 to index
      %get3A_536 = arith.constant 32 : index
      %get3A_537 = tpu.vector_load %arg6[%get3A_535, %get3A_536] {strides = array<i32>} : memref<256x128xf32, #tpu.memory_space<vmem>>, vector<1x16xf32>,
      %get3A_538 = vector.shape_cast %get3A_537 : vector<1x16xf32> to vector<16xf32>
      %mul3A_539 = arith.constant 11.3137083 : f32
      %mul3A_540 = vector.broadcast %mul3A_539 : f32 to vector<16xf32>
      %mul3A_541 = arith.mulf %get3A_538, %mul3A_540 : vector<16xf32>
      %swap3A_542 = arith.index_cast %scan3A_510 : i32 to index
      %swap3A_543 = arith.constant 32 : index
      %swap3A_544 = tpu.vector_load %arg6[%swap3A_542, %swap3A_543] {strides = array<i32>} : memref<256x128xf32, #tpu.memory_space<vmem>>, vector<1x16xf32>,
      %swap3A_545 = vector.shape_cast %swap3A_544 : vector<1x16xf32> to vector<16xf32>
      %swap3A_546 = vector.shape_cast %mul3A_541 : vector<16xf32> to vector<1x16xf32>
      tpu.vector_store %arg6[%swap3A_542, %swap3A_543], %swap3A_546 {strides = array<i32>} : memref<256x128xf32, #tpu.memory_space<vmem>>, vector<1x16xf32>,
      %get3A_547 = arith.index_cast %scan3A_510 : i32 to index
      %get3A_548 = arith.constant 48 : index
      %get3A_549 = tpu.vector_load %arg6[%get3A_547, %get3A_548] {strides = array<i32>} : memref<256x128xf32, #tpu.memory_space<vmem>>, vector<1x16xf32>,
      %get3A_550 = vector.shape_cast %get3A_549 : vector<1x16xf32> to vector<16xf32>
      %mul3A_551 = arith.constant 11.3137083 : f32
      %mul3A_552 = vector.broadcast %mul3A_551 : f32 to vector<16xf32>
      %mul3A_553 = arith.mulf %get3A_550, %mul3A_552 : vector<16xf32>
      %swap3A_554 = arith.index_cast %scan3A_510 : i32 to index
      %swap3A_555 = arith.constant 48 : index
      %swap3A_556 = tpu.vector_load %arg6[%swap3A_554, %swap3A_555] {strides = array<i32>} : memref<256x128xf32, #tpu.memory_space<vmem>>, vector<1x16xf32>,
      %swap3A_557 = vector.shape_cast %swap3A_556 : vector<1x16xf32> to vector<16xf32>
      %swap3A_558 = vector.shape_cast %mul3A_553 : vector<16xf32> to vector<1x16xf32>
      tpu.vector_store %arg6[%swap3A_554, %swap3A_555], %swap3A_558 {strides = array<i32>} : memref<256x128xf32, #tpu.memory_space<vmem>>, vector<1x16xf32>,
      %get3A_559 = arith.index_cast %scan3A_510 : i32 to index
      %get3A_560 = arith.constant 64 : index
      %get3A_561 = tpu.vector_load %arg6[%get3A_559, %get3A_560] {strides = array<i32>} : memref<256x128xf32, #tpu.memory_space<vmem>>, vector<1x16xf32>,
      %get3A_562 = vector.shape_cast %get3A_561 : vector<1x16xf32> to vector<16xf32>
      %mul3A_563 = arith.constant 11.3137083 : f32
      %mul3A_564 = vector.broadcast %mul3A_563 : f32 to vector<16xf32>
      %mul3A_565 = arith.mulf %get3A_562, %mul3A_564 : vector<16xf32>
      %swap3A_566 = arith.index_cast %scan3A_510 : i32 to index
      %swap3A_567 = arith.constant 64 : index
      %swap3A_568 = tpu.vector_load %arg6[%swap3A_566, %swap3A_567] {strides = array<i32>} : memref<256x128xf32, #tpu.memory_space<vmem>>, vector<1x16xf32>,
      %swap3A_569 = vector.shape_cast %swap3A_568 : vector<1x16xf32> to vector<16xf32>
      %swap3A_570 = vector.shape_cast %mul3A_565 : vector<16xf32> to vector<1x16xf32>
      tpu.vector_store %arg6[%swap3A_566, %swap3A_567], %swap3A_570 {strides = array<i32>} : memref<256x128xf32, #tpu.memory_space<vmem>>, vector<1x16xf32>,
      %get3A_571 = arith.index_cast %scan3A_510 : i32 to index
      %get3A_572 = arith.constant 80 : index
      %get3A_573 = tpu.vector_load %arg6[%get3A_571, %get3A_572] {strides = array<i32>} : memref<256x128xf32, #tpu.memory_space<vmem>>, vector<1x16xf32>,
      %get3A_574 = vector.shape_cast %get3A_573 : vector<1x16xf32> to vector<16xf32>
      %mul3A_575 = arith.constant 11.3137083 : f32
      %mul3A_576 = vector.broadcast %mul3A_575 : f32 to vector<16xf32>
      %mul3A_577 = arith.mulf %get3A_574, %mul3A_576 : vector<16xf32>
      %swap3A_578 = arith.index_cast %scan3A_510 : i32 to index
      %swap3A_579 = arith.constant 80 : index
      %swap3A_580 = tpu.vector_load %arg6[%swap3A_578, %swap3A_579] {strides = array<i32>} : memref<256x128xf32, #tpu.memory_space<vmem>>, vector<1x16xf32>,
      %swap3A_581 = vector.shape_cast %swap3A_580 : vector<1x16xf32> to vector<16xf32>
      %swap3A_582 = vector.shape_cast %mul3A_577 : vector<16xf32> to vector<1x16xf32>
      tpu.vector_store %arg6[%swap3A_578, %swap3A_579], %swap3A_582 {strides = array<i32>} : memref<256x128xf32, #tpu.memory_space<vmem>>, vector<1x16xf32>,
      %get3A_583 = arith.index_cast %scan3A_510 : i32 to index
      %get3A_584 = arith.constant 96 : index
      %get3A_585 = tpu.vector_load %arg6[%get3A_583, %get3A_584] {strides = array<i32>} : memref<256x128xf32, #tpu.memory_space<vmem>>, vector<1x16xf32>,
      %get3A_586 = vector.shape_cast %get3A_585 : vector<1x16xf32> to vector<16xf32>
      %mul3A_587 = arith.constant 11.3137083 : f32
      %mul3A_588 = vector.broadcast %mul3A_587 : f32 to vector<16xf32>
      %mul3A_589 = arith.mulf %get3A_586, %mul3A_588 : vector<16xf32>
      %swap3A_590 = arith.index_cast %scan3A_510 : i32 to index
      %swap3A_591 = arith.constant 96 : index
      %swap3A_592 = tpu.vector_load %arg6[%swap3A_590, %swap3A_591] {strides = array<i32>} : memref<256x128xf32, #tpu.memory_space<vmem>>, vector<1x16xf32>,
      %swap3A_593 = vector.shape_cast %swap3A_592 : vector<1x16xf32> to vector<16xf32>
      %swap3A_594 = vector.shape_cast %mul3A_589 : vector<16xf32> to vector<1x16xf32>
      tpu.vector_store %arg6[%swap3A_590, %swap3A_591], %swap3A_594 {strides = array<i32>} : memref<256x128xf32, #tpu.memory_space<vmem>>, vector<1x16xf32>,
      %get3A_595 = arith.index_cast %scan3A_510 : i32 to index
      %get3A_596 = arith.constant 112 : index
      %get3A_597 = tpu.vector_load %arg6[%get3A_595, %get3A_596] {strides = array<i32>} : memref<256x128xf32, #tpu.memory_space<vmem>>, vector<1x16xf32>,
      %get3A_598 = vector.shape_cast %get3A_597 : vector<1x16xf32> to vector<16xf32>
      %mul3A_599 = arith.constant 11.3137083 : f32
      %mul3A_600 = vector.broadcast %mul3A_599 : f32 to vector<16xf32>
      %mul3A_601 = arith.mulf %get3A_598, %mul3A_600 : vector<16xf32>
      %swap3A_602 = arith.index_cast %scan3A_510 : i32 to index
      %swap3A_603 = arith.constant 112 : index
      %swap3A_604 = tpu.vector_load %arg6[%swap3A_602, %swap3A_603] {strides = array<i32>} : memref<256x128xf32, #tpu.memory_space<vmem>>, vector<1x16xf32>,
      %swap3A_605 = vector.shape_cast %swap3A_604 : vector<1x16xf32> to vector<16xf32>
      %swap3A_606 = vector.shape_cast %mul3A_601 : vector<16xf32> to vector<1x16xf32>
      tpu.vector_store %arg6[%swap3A_602, %swap3A_603], %swap3A_606 {strides = array<i32>} : memref<256x128xf32, #tpu.memory_space<vmem>>, vector<1x16xf32>,
    }
    %scan3A_389 = arith.constant 256 : i32
    %add3A_390 = arith.constant 25344 : i32
    %add3A_391 = arith.addi %mul3A_2, %add3A_390 : i32
    %dma_start3A_392 = arith.constant 0 : i32
    %dma_start3A_393 = tpu.memref_slice %arg4[%add3A_391, %dma_start3A_392] : memref<819200x128xf32, #tpu.memory_space<hbm>> -> memref<256x128xf32, #tpu.memory_space<hbm>>
    %dma_start3A_394 = arith.constant 0 : i32
    %dma_start3A_395 = tpu.memref_slice %arg4[%add3A_391, %dma_start3A_394] : memref<819200x128xf32, #tpu.memory_space<hbm>> -> memref<256x128xf32, #tpu.memory_space<hbm>>
    tpu.enqueue_dma source(%arg6 : memref<256x128xf32, #tpu.memory_space<vmem>>) target(%dma_start3A_395 : memref<256x128xf32, #tpu.memory_space<hbm>>) target_semaphore(%arg12 : memref<!tpu.dma_semaphore, #tpu.memory_space<semaphore_mem>>)
    %add3A_396 = arith.constant 24832 : i32
    %add3A_397 = arith.addi %mul3A_2, %add3A_396 : i32
    %dma_wait3A_398 = arith.constant 0 : i32
    %dma_wait3A_399 = tpu.memref_slice %arg4[%add3A_397, %dma_wait3A_398] : memref<819200x128xf32, #tpu.memory_space<hbm>> -> memref<256x128xf32, #tpu.memory_space<hbm>>
    %dma_wait3A_400 = arith.constant 0 : i32
    %dma_wait3A_401 = tpu.memref_slice %arg4[%add3A_397, %dma_wait3A_400] : memref<819200x128xf32, #tpu.memory_space<hbm>> -> memref<256x128xf32, #tpu.memory_space<hbm>>
    tpu.wait_dma2 semaphore(%arg13 : memref<!tpu.dma_semaphore, #tpu.memory_space<semaphore_mem>>) src(%arg7 : memref<256x128xf32, #tpu.memory_space<vmem>>) dst(%dma_wait3A_401 : memref<256x128xf32, #tpu.memory_space<hbm>>)
    %add3A_402 = arith.constant 25088 : i32
    %add3A_403 = arith.addi %mul3A_2, %add3A_402 : i32
    %dma_wait3A_404 = arith.constant 0 : i32
    %dma_wait3A_405 = tpu.memref_slice %arg4[%add3A_403, %dma_wait3A_404] : memref<819200x128xf32, #tpu.memory_space<hbm>> -> memref<256x128xf32, #tpu.memory_space<hbm>>
    %dma_wait3A_406 = arith.constant 0 : i32
    %dma_wait3A_407 = tpu.memref_slice %arg4[%add3A_403, %dma_wait3A_406] : memref<819200x128xf32, #tpu.memory_space<hbm>> -> memref<256x128xf32, #tpu.memory_space<hbm>>
    tpu.wait_dma2 semaphore(%arg14 : memref<!tpu.dma_semaphore, #tpu.memory_space<semaphore_mem>>) src(%arg8 : memref<256x128xf32, #tpu.memory_space<vmem>>) dst(%dma_wait3A_407 : memref<256x128xf32, #tpu.memory_space<hbm>>)
    %add3A_408 = arith.constant 25344 : i32
    %add3A_409 = arith.addi %mul3A_2, %add3A_408 : i32
    %dma_wait3A_410 = arith.constant 0 : i32
    %dma_wait3A_411 = tpu.memref_slice %arg4[%add3A_409, %dma_wait3A_410] : memref<819200x128xf32, #tpu.memory_space<hbm>> -> memref<256x128xf32, #tpu.memory_space<hbm>>
    %dma_wait3A_412 = arith.constant 0 : i32
    %dma_wait3A_413 = tpu.memref_slice %arg4[%add3A_409, %dma_wait3A_412] : memref<819200x128xf32, #tpu.memory_space<hbm>> -> memref<256x128xf32, #tpu.memory_space<hbm>>
    tpu.wait_dma2 semaphore(%arg12 : memref<!tpu.dma_semaphore, #tpu.memory_space<semaphore_mem>>) src(%arg6 : memref<256x128xf32, #tpu.memory_space<vmem>>) dst(%dma_wait3A_413 : memref<256x128xf32, #tpu.memory_space<hbm>>)
    return
  }
}

</mosaic_0001>

<sc_bundles>
// kernel: kernel.3.cloned.1.call-start
scs
__scs_entry_jumppad:
0x0: {  	(pc) =	sbr.rel $0x88, $3  }
0x1: {  	(tag) =	ssettag $0x0;
	lr =	simm.s32 $0x1  }
0x2: {  	[smem:$0x3F9F] =	sst lr;
	_ =	strace $0xD0000000  }
0x3: {  	_ = 	snop  }
0x4: {  	_ = 	snop  }
0x5: {  	_ = 	snop  }
0x6: {  	_ = 	snop  }
0x7: {  	_ = 	snop  }
__scs_overlays_trampoline_lowered:
0x8: {  	[smem:$0x3FAE] =	sst s0  }
0x9: {  	[smem:$0x3FAF] =	sst s1  }
0xa: {  	[smem:$0x3FB0] =	sst s2  }
0xb: {  	[smem:$0x3FB1] =	sst s3  }
0xc: {  	[smem:$0x3FB2] =	sst s4  }
0xd: {  	[smem:$0x3FB3] =	sst s5  }
0xe: {  	[smem:$0x3FB4] =	sst s6  }
0xf: {  	[smem:$0x3FB5] =	sst s7  }
0x10: {  	[smem:$0x3FB6] =	sst s8  }
0x11: {  	[smem:$0x3FB7] =	sst s9;
	s0 =	simm.s32 @!p0 $0x0  }
0x12: {  	s1 =	sld [smem:$0x3F9D];
	s0 =	simm.s32 @p0 $0x1  }
0x13: {  	[smem:$0x3FB8] =	sst s0;
	s0 =	simm.s32 @!p1 $0x0  }
0x14: {  	s2 =	sld [smem:$0x3F9C];
	s0 =	simm.s32 @p1 $0x1  }
0x15: {  	[smem:$0x3FB9] =	sst s0;
	s0 =	simm.s32 @!p2 $0x0  }
0x16: {  	s3 =	sld [smem:$0x3FDB];
	s0 =	simm.s32 @p2 $0x1  }
0x17: {  	s4 =	simm.s32 $0x1BF5;
	[smem:$0x3FBB] =	sst s0  }
0x18: {  	s0 =	sld [smem:$0x3F9E];
	_ =	swait.ge [sflag:s4], $0x0  }
0x19: {  	s7 =	sld [smem:$0x3F9F]  }
0x1a: {  	s8 =	sadd.s32 $0xFFFFE003, lr  }
0x1b: {  	s9 =	sadd.s32 $0xFFFFFEF7, lr;
	s5 =	simm.s32 $0xFFFFFFFF;
	p2 =	slt.u32 s8, $0xFFFFF086  }
0x1c: {  	p1 =	slt.u32 s9, $0xF7A;
	s5 =	simm.s32 @!p2 $0x0  }
0x1d: {  	s5 =	simm.s32 @p1 $0x1;
	p0 =	seq.s32 s7, s2  }
0x1e: {  	s7 =	smul.u32 @!p0 $0xF7A, s2;
	p2 =	seq.s32 @!p0 s5, $0x0  }
0x1f: {  	s9 =	smul.u32 $0xF7A, s1;
	s8 =	simm.s32 @!p0 $0x1BF5;
	p2 =	por !p2, p0  }
0x20: {  	[sflag:s8] =	ssyncset.s32 @!p0 $0xFFFFF086;
	s6 =	sadd.s32 @!p0 s3, s7;
	s7 =	simm.s32 @!p0 $0x108  }
0x21: {  	s3 =	sadd.s32 s3, s9;
	s6 =	sadd.s32 @!p0 $0x88, s6;
	s7 =	simm.s32 @p2 $0x1082  }
0x22: {  	[simem:s7], [sflag:s8] =	dma.local @!p0 [hbm:s6], $0xF7A  }
0x23: {  	s9 =	sor.u32 $0xD0000000, s2;
	s6 =	simm.s32 $0x108;
	_ =	swait.ge @!p0 [sflag:s8], $0x0  }
0x24: {  	s3 =	sadd.s32 $0x88, s3;
	s6 =	simm.s32 @!p1 $0x1082;
	[sflag:s4] =	ssyncset.s32 $0xFFFFF086  }
0x25: {  	[simem:s6], [sflag:s4] =	dma.local [hbm:s3], $0xF7A  }
0x26: {  	[smem:$0x3F9F] =	sst s1;
	(tag) =	ssettag s2;
	_ =	strace s9  }
0x27: {  	s1 =	sld [smem:$0x3FAF]  }
0x28: {  	s2 =	sld [smem:$0x3FB0]  }
0x29: {  	s4 =	sld [smem:$0x3FB2]  }
0x2a: {  	p0 =	seq.s32 s5, $0x0;
	s5 =	sld [smem:$0x3FB3]  }
0x2b: {  	s6 =	sld [smem:$0x3FB4]  }
0x2c: {  	s7 =	sld [smem:$0x3FB5]  }
0x2d: {  	s3 =	simm.s32 $0x108;
	s8 =	sld [smem:$0x3FB6]  }
0x2e: {  	s3 =	simm.s32 @!p0 $0x1082;
	s9 =	sld [smem:$0x3FB7]  }
0x2f: {  	lr =	sadd.s32 s0, s3;
	s0 =	sld [smem:$0x3FAE]  }
0x30: {  	s3 =	sld [smem:$0x3FB1]  }
0x31: {  	[smem:$0x3FBA] =	sst s10  }
0x32: {  	s10 =	sld [smem:$0x3FB8];
	_ =	sdelay $0x3  }
0x33: {  	p0 =	seq.s32 s10, $0x1;
	s10 =	sld [smem:$0x3FBA];
	_ =	sdelay $0x3  }
0x34: {  	[smem:$0x3FBA] =	sst s10  }
0x35: {  	s10 =	sld [smem:$0x3FB9];
	_ =	sdelay $0x3  }
0x36: {  	p1 =	seq.s32 s10, $0x1;
	s10 =	sld [smem:$0x3FBA];
	_ =	sdelay $0x3  }
0x37: {  	[smem:$0x3FBA] =	sst s10  }
0x38: {  	s10 =	sld [smem:$0x3FBB]  }
0x39: {  	_ = 	snop;
	(pc) =	sbr.ind lr, $3  }
0x3a: {  	_ = 	snop  }
0x3b: {  	_ = 	snop  }
0x3c: {  	p2 =	seq.s32 s10, $0x1;
	s10 =	sld [smem:$0x3FBA]  }
0x3d: {  	_ =	shalt  }
0x3e: {  	_ =	shalt  }
0x3f: {  	_ =	shalt  }
0x40: {  	_ =	shalt  }
0x41: {  	_ =	shalt  }
0x42: {  	_ =	shalt  }
0x43: {  	_ =	shalt  }
0x44: {  	_ =	shalt  }
0x45: {  	_ =	shalt  }
0x46: {  	_ =	shalt  }
0x47: {  	_ =	shalt  }
0x48: {  	_ =	shalt  }
0x49: {  	_ =	shalt  }
0x4a: {  	_ =	shalt  }
0x4b: {  	_ =	shalt  }
0x4c: {  	_ =	shalt  }
0x4d: {  	_ =	shalt  }
0x4e: {  	_ =	shalt  }
0x4f: {  	_ =	shalt  }
0x50: {  	_ =	shalt  }
0x51: {  	_ =	shalt  }
0x52: {  	_ =	shalt  }
0x53: {  	_ =	shalt  }
0x54: {  	_ =	shalt  }
0x55: {  	_ =	shalt  }
0x56: {  	_ =	shalt  }
0x57: {  	_ =	shalt  }
0x58: {  	_ =	shalt  }
0x59: {  	_ =	shalt  }
0x5a: {  	_ =	shalt  }
0x5b: {  	_ =	shalt  }
0x5c: {  	_ =	shalt  }
0x5d: {  	_ =	shalt  }
0x5e: {  	_ =	shalt  }
0x5f: {  	_ =	shalt  }
0x60: {  	_ =	shalt  }
0x61: {  	_ =	shalt  }
0x62: {  	_ =	shalt  }
0x63: {  	_ =	shalt  }
0x64: {  	_ =	shalt  }
0x65: {  	_ =	shalt  }
0x66: {  	_ =	shalt  }
0x67: {  	_ =	shalt  }
0x68: {  	_ =	shalt  }
0x69: {  	_ =	shalt  }
0x6a: {  	_ =	shalt  }
0x6b: {  	_ =	shalt  }
0x6c: {  	_ =	shalt  }
0x6d: {  	_ =	shalt  }
0x6e: {  	_ =	shalt  }
0x6f: {  	_ =	shalt  }
0x70: {  	_ =	shalt  }
0x71: {  	_ =	shalt  }
0x72: {  	_ =	shalt  }
0x73: {  	_ =	shalt  }
0x74: {  	_ =	shalt  }
0x75: {  	_ =	shalt  }
0x76: {  	_ =	shalt  }
0x77: {  	_ =	shalt  }
0x78: {  	_ =	shalt  }
0x79: {  	_ =	shalt  }
0x7a: {  	_ =	shalt  }
0x7b: {  	_ =	shalt  }
0x7c: {  	_ =	shalt  }
0x7d: {  	_ =	shalt  }
0x7e: {  	_ =	shalt  }
0x7f: {  	_ =	shalt  }
0x80: {  	_ =	shalt  }
0x81: {  	_ =	shalt  }
0x82: {  	_ =	shalt  }
0x83: {  	_ =	shalt  }
0x84: {  	_ =	shalt  }
0x85: {  	_ =	shalt  }
0x86: {  	_ =	shalt  }
0x87: {  	_ =	shalt  }
.Lfunc_end0:
.L_simem_size_0:
called_computation_lowered:
.L_overlay_start_0:
0x88: {  	s2 =	sld [smem:$0x3FD9]  }
0x89: {  	s3 =	sld [smem:$0x3FFE];
	_ =	sdelay $0x1  }
0x8a: {  	s1 =	srdreg.scid  }
0x8b: {  	s0 =	sand.u32 $0x1, s1  }
0x8c: {  	s17 =	sshll.u32 s0, $0xA;
	s2 =	sadd.s32 s3, s2  }
0x8d: {  	s2 =	sadd.s32 s2, s17  }
0x8e: {  	[smem:$0x3FC6] =	sst s2  }
0x8f: {  	_ = 	snop  }
0x90: {  	s2 =	sld [smem:$0x3FC8]  }
0x91: {  	s18 =	sld [smem:$0x3FD0];
	(tm) =	ssettm $0x1  }
0x92: {  	s4 =	sld [smem:$0x3FFB];
	_ =	sdelay $0x3  }
0x93: {  	_ =	strace s4  }
0x94: {  	s4 =	sld [smem:$0x3FFC];
	_ =	sdelay $0x3  }
0x95: {  	_ =	strace s4  }
0x96: {  	s4 =	sld [smem:$0x3FFD];
	_ =	sdelay $0x3  }
0x97: {  	_ =	strace s4  }
0x98: {  	_ =	strace $0x8FFFFFFF  }
0x99: {  	s19 =	sld [smem:$0x3FDB];
	_ =	sdelay $0x1  }
0x9a: {  	s5 =	simm.s32 $_scs_section_size  }
0x9b: {  	s6 =	simm.s32 $_size__tile_overlayer_lowered;
	s7 =	simm.s32 $_tile_overlayer_lowered  }
0x9c: {  	s22 =	simm.s32 $0x1BFF;
	s21 =	sshll.u32 s7, $0x1;
	s4 =	sadd.s32 s5, s19  }
0x9d: {  	s8 =	simm.s32 $0x0;
	s20 =	sshll.u32 s6, $0x1;
	s6 =	sadd.s32 s21, s4  }
0x9e: {  	[timem:s8], [sflag:s22] =	dma.local [hbm:s6], s20  }
0x9f: {  	_ =	swait.ge [sflag:s22], s20  }
0xa0: {  	s5 =	ssub.s32 $0x0, s20;
	[sflag:s22] =	ssyncset.done $0x0  }
0xa1: {  	[sflag:s22] =	ssyncadd.s32 s5;
	_ =	sdelay $0x1  }
0xa2: {  	s23 =	simm.s32 $0x1B8B  }
0xa3: {  	_ =	swait.ge [sflag:s23], $0x1  }
0xa4: {  	[sflag:s23] =	ssyncset.done $0x0  }
0xa5: {  	s25 =	simm.s32 $0x1B8E;
	s24 =	sld [smem:$0x3FFE];
	[sflag:s23] =	ssyncadd.s32 $0xFFFFFFFF  }
0xa6: {  	s26 =	simm.s32 $execute0_lowered;
	[smem:$0x3FD2] =	sst s25  }
0xa7: {  	s6 =	sshll.u32 s26, $0x1;
	_ =	strace $0x80000046;
	[dreg:$0x1] =	wrdreg $0xFFFFFFFF  }
0xa8: {  	s28 =	simm.s32 $_size_execute0_lowered;
	s4 =	sadd.s32 s4, s6;
	[dreg:$0x0] =	wrdreg $0x0  }
0xa9: {  	s6 =	sshll.u32 s28, $0x1;
	[dreg:$0x2] =	wrdreg s4  }
0xaa: {  	[dreg:$0x3] =	wrdreg s6  }
0xab: {  	[dreg:$0x4] =	wrdreg $0xC0  }
0xac: {  	_ =	task [dreg:s8], $0x5FFFF  }
0xad: {  	[dreg:$0x1] =	wrdreg $0xFFFFFFFF  }
0xae: {  	[dreg:$0x0] =	wrdreg $0x60  }
0xaf: {  	[dreg:$0x2] =	wrdreg s24  }
0xb0: {  	[dreg:$0x3] =	wrdreg s2  }
0xb1: {  	[dreg:$0x4] =	wrdreg s18  }
0xb2: {  	[dreg:$0x5] =	wrdreg $0x9  }
0xb3: {  	_ =	task.clear_ibuf [dreg:s8], $0x6FFFF;
	_ =	strace $0x90000046  }
0xb4: {  	s29 =	simm.s32 $0x9;
	_ =	strace $0x80000048  }
0xb5: {  	_ =	swait.ge [sflag:s29], $0x1  }
0xb6: {  	[sflag:s29] =	ssyncadd.s32 $0xFFFFFFFF  }
0xb7: {  	_ =	strace $0x90000048  }
0xb8: {  	_ =	sfence  }
0xb9: {  	s30 =	sld [smem:$0x0];
	_ =	sdelay $0x2  }
0xba: {  	s31 =	sshll.u32 s1, $0xD;
	s1 =	sshrl.u32 s1, $0x2  }
0xbb: {  	s3 =	sand.u32 $0x4000, s31;
	s1 =	sadd.s32 s1, s30  }
0xbc: {  	s0 =	sor.u32 s3, s0;
	s1 =	sshll.u32 s1, $0x11  }
0xbd: {  	s0 =	sor.u32 s1, s0  }
0xbe: {  	s0 =	sadd.s32 $0x8F2B, s0  }
0xbf: {  	[sflag:s0] =	ssyncadd.remote.s32 $0x1  }
0xc0: {  	_ =	sfence.sel $0xFFFF  }
0xc1: {  	[dreg:$0x0] =	wrdreg $0xFFFFFFFF;
	(pc) =	sbr.abs _section_cstart, $3  }
0xc2: {  	[dreg:$0x1] =	wrdreg $0xFFFFFFFF  }
0xc3: {  	_ =	task.clear_ibuf [dreg:s8], $0x2FFFF;
	_ =	strace $0x9FFFFFFF  }
0xc4: {  	(tm) =	ssettm $0x7FFFFFFF  }
0xc5: {  	_ =	shalt  }
tec
execute0_lowered:
.L_overlay_start_1:
0x0: {  	(tag) =	ssettag $0x1  }
0x1: {  	s0 =	rddreg [dreg:$0x0]  }
0x2: {  	s1 =	srdreg.scid;
	s3 =	stileid.u32  }
0x3: {  	s2 =	rddreg [dreg:$0x1];
	s17 =	simm.s32 $0x7;
	s18 =	simm.s32 $0x80  }
0x4: {  	s19 =	simm.s32 $0x6400;
	s20 =	simm.s32 $0xA400;
	s28 =	simm.s32 $0x16400  }
0x5: {  	s30 =	simm.s32 $0x1A400;
	s1 =	sand.u32 $0x1, s1;
	s4 =	sshll.u32 s3, $0x1  }
0x6: {  	s31 =	simm.s32 $0x2;
	s21 =	simm.s32 $0x6;
	s6 =	sor.u32 s1, s4  }
0x7: {  	s29 =	simm.s32 $0x0;
	s3 =	rddreg [dreg:$0x2];
	s7 =	smul.u32 $0xC80, s6  }
0x8: {  	s4 =	simm.s32 $0x0;
	s1 =	ssub.s32 $0x2, s1;
	s8 =	smul.u32 $0x64000, s6  }
0x9: {  	[smem:$0x7FF] =	sst s4;
	s9 =	sshrl.u32 s1, $0x1;
	s5 =	smul.u32 $0x320000, s6  }
0xa: {  	s6 =	smul.u32 $0x6400, s6;
	_ =	strace $0x80000047;
	s0 =	sadd.s32 s7, s0  }
0xb: {  	s1 =	ssub.s32 s1, s9;
	s8 =	sadd.s32 s3, s8;
	s0 =	sadd.s32 $0x400, s0  }
0xc: {  	s22 =	sshrl.u32 s5, $0x3;
	s23 =	sadd.s32 $0x1000, s8;
	[dreg:$0x4] =	wrdreg s0  }
0xd: {  	s11 =	sor.u32 $0x100, s6;
	s24 =	sadd.s32 $0x2000, s8;
	[dreg:$0x5] =	wrdreg s23  }
0xe: {  	s16 =	smax.u32 s1, $0x1;
	s1 =	simm.s32 $0x4;
	[dreg:$0x6] =	wrdreg s24  }
0xf: {  	s0 =	sadd.s32 s3, s22;
	s22 =	simm.s32 $0xE400;
	s24 =	simm.s32 $0x12400  }
0x10: {  	s23 =	simm.s32 $0x3;
	s25 =	sadd.s32 $0x60000, s0;
	s26 =	sadd.s32 $0x61000, s0  }
0x11: {  	s14 =	sadd.s32 $0x62000, s0;
	s15 =	sadd.s32 $0x63000, s0;
	[dreg:$0x7] =	wrdreg s25  }
0x12: {  	[dreg:$0x8] =	wrdreg s26;
	s25 =	simm.s32 $0x1;
	s26 =	simm.s32 $0x5  }
.LBB2_1:
0x13: {  	s0 =	rddreg [dreg:$0x4]  }
0x14: {  	[tilespmem:s4], [sflag:$0x7] =	stream.linear.gather [hbm4b:s0+s4], $0x6400, $0x38;
	[tilespmem:$0x1E400] =	vst v63  }
0x15: {  	_ =	swait.ge [sflag:s17], $0x6400  }
0x16: {  	[sflag:s17] =	ssyncset.done $0x0  }
0x17: {  	[sflag:s17] =	ssyncadd.s32 $0xFFFF9C00  }
0x18: {  	[tilespmem:s19], [sflag:$0x1] =	stream.indirect.gather [hbm4b:s2+s18], $0x80, s4, s18, $0xb8;
	[tilespmem:$0x1E400] =	vst v63  }
0x19: {  	_ = 	snop  }
0x1a: {  	[tilespmem:s20], [sflag:$0x1] =	stream.indirect.gather [hbm4b:s2+s18], $0x80, s18, s18, $0xb8;
	[tilespmem:$0x1E400] =	vst v63  }
0x1b: {  	s12 =	simm.s32 $0x100  }
0x1c: {  	[tilespmem:s22], [sflag:$0x2] =	stream.indirect.gather [hbm4b:s2+s18], $0x80, s12, s18, $0xb8;
	[tilespmem:$0x1E400] =	vst v63  }
0x1d: {  	s13 =	simm.s32 $0x180  }
0x1e: {  	[tilespmem:s24], [sflag:$0x2] =	stream.indirect.gather [hbm4b:s2+s18], $0x80, s13, s18, $0xb8;
	[tilespmem:$0x1E400] =	vst v63  }
0x1f: {  	_ =	swait.ge [sflag:s25], $0x4000  }
0x20: {  	[sflag:s25] =	ssyncset.done $0x0  }
0x21: {  	[sflag:s25] =	ssyncadd.s32 $0xFFFFC000  }
0x22: {  	_ =	swait.ge [sflag:s25], $0x4000  }
0x23: {  	[sflag:s25] =	ssyncset.done $0x0  }
0x24: {  	s0 =	simm.s32 $0x6480;
	[sflag:s25] =	ssyncadd.s32 $0xFFFFC000  }
0x25: {  	v0 =	vld [tilespmem:s0+$0xFFFFFF80]  }
0x26: {  	v1 =	vld [tilespmem:s0+$0xFFFFFF90]  }
0x27: {  	v2 =	vld [tilespmem:s0+$0xFFFFFFA0]  }
0x28: {  	v3 =	vld [tilespmem:s0+$0xFFFFFFB0]  }
0x29: {  	v4 =	vld [tilespmem:s0+$0xFFFFFFC0]  }
0x2a: {  	v5 =	vld [tilespmem:s0+$0xFFFFFFD0];
	v0 =	vmul.f32 $1.131370830e+01, v0  }
0x2b: {  	v6 =	vld [tilespmem:s0+$0xFFFFFFE0];
	v1 =	vmul.f32 $1.131370830e+01, v1  }
0x2c: {  	[tilespmem:s0+$0xFFFFFF80] =	vst v0;
	v0 =	vmul.f32 $1.131370830e+01, v2;
	v2 =	vld [tilespmem:s0+$0x0]  }
0x2d: {  	[tilespmem:s0+$0xFFFFFF90] =	vst v1;
	v1 =	vmul.f32 $1.131370830e+01, v3;
	v3 =	vld [tilespmem:s0+$0x10]  }
0x2e: {  	[tilespmem:s0+$0xFFFFFFA0] =	vst v0;
	v0 =	vmul.f32 $1.131370830e+01, v4;
	v4 =	vld [tilespmem:s0+$0x20]  }
0x2f: {  	v7 =	vld [tilespmem:s0+$0x30];
	[tilespmem:s0+$0xFFFFFFB0] =	vst v1;
	v1 =	vmul.f32 $1.131370830e+01, v5  }
0x30: {  	v5 =	vmul.f32 $1.131370830e+01, v6;
	[tilespmem:s0+$0xFFFFFFC0] =	vst v0;
	v0 =	vld [tilespmem:s0+$0x40]  }
0x31: {  	[tilespmem:s0+$0xFFFFFFD0] =	vst v1;
	v1 =	vld [tilespmem:s0+$0x50];
	v2 =	vmul.f32 $1.131370830e+01, v2  }
0x32: {  	[tilespmem:s0+$0xFFFFFFE0] =	vst v5;
	v6 =	vmul.f32 $1.131370830e+01, v3;
	v3 =	vld [tilespmem:s0+$0x60]  }
0x33: {  	[tilespmem:s0+$0x0] =	vst v2;
	v5 =	vmul.f32 $1.131370830e+01, v4;
	v4 =	vld [tilespmem:s0+$0x70]  }
0x34: {  	s7 =	simm.s32 $0x0;
	s9 =	simm.s32 $0x6580;
	v2 =	vld [tilespmem:s0+$0xFFFFFFF0];
	[tilespmem:s0+$0x10] =	vst v6;
	v6 =	vmul.f32 $1.131370830e+01, v7  }
.LBB2_2:
0x35: {  	v7 =	vld [tilespmem:s9+$0xFFFFFF80];
	[tilespmem:s0+$0x20] =	vst v5;
	v0 =	vmul.f32 $1.131370830e+01, v0  }
0x36: {  	v5 =	vld [tilespmem:s9+$0xFFFFFF90];
	[tilespmem:s0+$0x30] =	vst v6;
	v1 =	vmul.f32 $1.131370830e+01, v1  }
0x37: {  	v6 =	vld [tilespmem:s9+$0xFFFFFFA0];
	[tilespmem:s0+$0x40] =	vst v0;
	v0 =	vmul.f32 $1.131370830e+01, v3  }
0x38: {  	v3 =	vld [tilespmem:s9+$0xFFFFFFB0];
	[tilespmem:s0+$0x50] =	vst v1;
	v1 =	vmul.f32 $1.131370830e+01, v4  }
0x39: {  	v4 =	vld [tilespmem:s9+$0xFFFFFFC0];
	v2 =	vmul.f32 $1.131370830e+01, v2;
	[tilespmem:s0+$0x60] =	vst v0  }
0x3a: {  	v0 =	vmul.f32 $1.131370830e+01, v7;
	v7 =	vld [tilespmem:s9+$0xFFFFFFD0];
	[tilespmem:s0+$0x70] =	vst v1  }
0x3b: {  	v1 =	vmul.f32 $1.131370830e+01, v5;
	v5 =	vld [tilespmem:s9+$0xFFFFFFE0];
	[tilespmem:s0+$0xFFFFFFF0] =	vst v2;
	s0 =	smov.u32 s9  }
0x3c: {  	[tilespmem:s9+$0xFFFFFF80] =	vst v0;
	v0 =	vmul.f32 $1.131370830e+01, v6;
	v2 =	vld [tilespmem:s9+$0x0]  }
0x3d: {  	[tilespmem:s9+$0xFFFFFF90] =	vst v1;
	v1 =	vmul.f32 $1.131370830e+01, v3;
	v3 =	vld [tilespmem:s9+$0x10]  }
0x3e: {  	s7 =	sadd.s32 $0x2, s7;
	[tilespmem:s9+$0xFFFFFFA0] =	vst v0;
	v0 =	vmul.f32 $1.131370830e+01, v4;
	v4 =	vld [tilespmem:s9+$0x20]  }
0x3f: {  	p0 =	slt.u32 s7, $0xFE;
	[tilespmem:s9+$0xFFFFFFB0] =	vst v1;
	v1 =	vmul.f32 $1.131370830e+01, v7;
	v6 =	vld [tilespmem:s9+$0x30]  }
.Ltmp0:
0x40: {  	[tilespmem:s9+$0xFFFFFFC0] =	vst v0;
	v5 =	vmul.f32 $1.131370830e+01, v5;
	v0 =	vld [tilespmem:s9+$0x40];
	(pc) =	sbr.rel @p0 .LBB2_2-.Ltmp0, $4  }
0x41: {  	[tilespmem:s9+$0xFFFFFFD0] =	vst v1;
	v2 =	vmul.f32 $1.131370830e+01, v2;
	v1 =	vld [tilespmem:s9+$0x50]  }
0x42: {  	[tilespmem:s9+$0xFFFFFFE0] =	vst v5;
	v7 =	vmul.f32 $1.131370830e+01, v3;
	v3 =	vld [tilespmem:s9+$0x60]  }
0x43: {  	[tilespmem:s9+$0x0] =	vst v2;
	v5 =	vmul.f32 $1.131370830e+01, v4;
	v4 =	vld [tilespmem:s9+$0x70]  }
0x44: {  	s9 =	sadd.s32 $0x100, s9;
	v2 =	vld [tilespmem:s0+$0xFFFFFFF0];
	[tilespmem:s0+$0x10] =	vst v7;
	v6 =	vmul.f32 $1.131370830e+01, v6  }
0x45: {  	[tilespmem:s0+$0x20] =	vst v5;
	v0 =	vmul.f32 $1.131370830e+01, v0  }
0x46: {  	[tilespmem:s0+$0x30] =	vst v6;
	v1 =	vmul.f32 $1.131370830e+01, v1  }
0x47: {  	[tilespmem:s0+$0x40] =	vst v0;
	v0 =	vmul.f32 $1.131370830e+01, v3  }
0x48: {  	[tilespmem:s0+$0x50] =	vst v1;
	v1 =	vmul.f32 $1.131370830e+01, v4  }
0x49: {  	v2 =	vmul.f32 $1.131370830e+01, v2;
	[tilespmem:s0+$0x60] =	vst v0  }
0x4a: {  	[tilespmem:s0+$0x70] =	vst v1  }
0x4b: {  	[tilespmem:s0+$0xFFFFFFF0] =	vst v2  }
0x4c: {  	[hbm4b:s8+s4] =	stream.linear.scatter [tilespmem:s19], [sflag:$0x4], $0x8000, $0x38;
	[tilespmem:$0x1E400] =	vst v63  }
0x4d: {  	s12 =	simm.s32 $0x200  }
0x4e: {  	[tilespmem:s28], [sflag:$0x3] =	stream.indirect.gather [hbm4b:s2+s18], $0x80, s12, s18, $0xb8;
	[tilespmem:$0x1E400] =	vst v63  }
0x4f: {  	s13 =	simm.s32 $0x280  }
0x50: {  	[tilespmem:s30], [sflag:$0x3] =	stream.indirect.gather [hbm4b:s2+s18], $0x80, s13, s18, $0xb8;
	[tilespmem:$0x1E400] =	vst v63  }
0x51: {  	_ =	swait.ge [sflag:s31], $0x4000  }
0x52: {  	[sflag:s31] =	ssyncset.done $0x0  }
0x53: {  	[sflag:s31] =	ssyncadd.s32 $0xFFFFC000  }
0x54: {  	_ =	swait.ge [sflag:s31], $0x4000  }
0x55: {  	[sflag:s31] =	ssyncset.done $0x0  }
0x56: {  	s0 =	simm.s32 $0xE480;
	[sflag:s31] =	ssyncadd.s32 $0xFFFFC000  }
0x57: {  	v0 =	vld [tilespmem:s0+$0xFFFFFF80]  }
0x58: {  	v1 =	vld [tilespmem:s0+$0xFFFFFF90]  }
0x59: {  	v2 =	vld [tilespmem:s0+$0xFFFFFFA0]  }
0x5a: {  	v3 =	vld [tilespmem:s0+$0xFFFFFFB0]  }
0x5b: {  	v4 =	vld [tilespmem:s0+$0xFFFFFFC0]  }
0x5c: {  	v5 =	vld [tilespmem:s0+$0xFFFFFFD0];
	v0 =	vmul.f32 $1.131370830e+01, v0  }
0x5d: {  	v6 =	vld [tilespmem:s0+$0xFFFFFFE0];
	v1 =	vmul.f32 $1.131370830e+01, v1  }
0x5e: {  	[tilespmem:s0+$0xFFFFFF80] =	vst v0;
	v0 =	vmul.f32 $1.131370830e+01, v2;
	v2 =	vld [tilespmem:s0+$0x0]  }
0x5f: {  	[tilespmem:s0+$0xFFFFFF90] =	vst v1;
	v1 =	vmul.f32 $1.131370830e+01, v3;
	v3 =	vld [tilespmem:s0+$0x10]  }
0x60: {  	[tilespmem:s0+$0xFFFFFFA0] =	vst v0;
	v0 =	vmul.f32 $1.131370830e+01, v4;
	v4 =	vld [tilespmem:s0+$0x20]  }
0x61: {  	v7 =	vld [tilespmem:s0+$0x30];
	[tilespmem:s0+$0xFFFFFFB0] =	vst v1;
	v1 =	vmul.f32 $1.131370830e+01, v5  }
0x62: {  	v5 =	vmul.f32 $1.131370830e+01, v6;
	[tilespmem:s0+$0xFFFFFFC0] =	vst v0;
	v0 =	vld [tilespmem:s0+$0x40]  }
0x63: {  	[tilespmem:s0+$0xFFFFFFD0] =	vst v1;
	v1 =	vld [tilespmem:s0+$0x50];
	v2 =	vmul.f32 $1.131370830e+01, v2  }
0x64: {  	[tilespmem:s0+$0xFFFFFFE0] =	vst v5;
	v6 =	vmul.f32 $1.131370830e+01, v3;
	v3 =	vld [tilespmem:s0+$0x60]  }
0x65: {  	[tilespmem:s0+$0x0] =	vst v2;
	v5 =	vmul.f32 $1.131370830e+01, v4;
	v4 =	vld [tilespmem:s0+$0x70]  }
0x66: {  	s7 =	simm.s32 $0x0;
	s9 =	simm.s32 $0xE580;
	v2 =	vld [tilespmem:s0+$0xFFFFFFF0];
	[tilespmem:s0+$0x10] =	vst v6;
	v6 =	vmul.f32 $1.131370830e+01, v7  }
.LBB2_4:
0x67: {  	v7 =	vld [tilespmem:s9+$0xFFFFFF80];
	[tilespmem:s0+$0x20] =	vst v5;
	v0 =	vmul.f32 $1.131370830e+01, v0  }
0x68: {  	v5 =	vld [tilespmem:s9+$0xFFFFFF90];
	[tilespmem:s0+$0x30] =	vst v6;
	v1 =	vmul.f32 $1.131370830e+01, v1  }
0x69: {  	v6 =	vld [tilespmem:s9+$0xFFFFFFA0];
	[tilespmem:s0+$0x40] =	vst v0;
	v0 =	vmul.f32 $1.131370830e+01, v3  }
0x6a: {  	v3 =	vld [tilespmem:s9+$0xFFFFFFB0];
	[tilespmem:s0+$0x50] =	vst v1;
	v1 =	vmul.f32 $1.131370830e+01, v4  }
0x6b: {  	v4 =	vld [tilespmem:s9+$0xFFFFFFC0];
	v2 =	vmul.f32 $1.131370830e+01, v2;
	[tilespmem:s0+$0x60] =	vst v0  }
0x6c: {  	v0 =	vmul.f32 $1.131370830e+01, v7;
	v7 =	vld [tilespmem:s9+$0xFFFFFFD0];
	[tilespmem:s0+$0x70] =	vst v1  }
0x6d: {  	v1 =	vmul.f32 $1.131370830e+01, v5;
	v5 =	vld [tilespmem:s9+$0xFFFFFFE0];
	[tilespmem:s0+$0xFFFFFFF0] =	vst v2;
	s0 =	smov.u32 s9  }
0x6e: {  	[tilespmem:s9+$0xFFFFFF80] =	vst v0;
	v0 =	vmul.f32 $1.131370830e+01, v6;
	v2 =	vld [tilespmem:s9+$0x0]  }
0x6f: {  	[tilespmem:s9+$0xFFFFFF90] =	vst v1;
	v1 =	vmul.f32 $1.131370830e+01, v3;
	v3 =	vld [tilespmem:s9+$0x10]  }
0x70: {  	s7 =	sadd.s32 $0x2, s7;
	[tilespmem:s9+$0xFFFFFFA0] =	vst v0;
	v0 =	vmul.f32 $1.131370830e+01, v4;
	v4 =	vld [tilespmem:s9+$0x20]  }
0x71: {  	p0 =	slt.u32 s7, $0xFE;
	[tilespmem:s9+$0xFFFFFFB0] =	vst v1;
	v1 =	vmul.f32 $1.131370830e+01, v7;
	v6 =	vld [tilespmem:s9+$0x30]  }
.Ltmp1:
0x72: {  	[tilespmem:s9+$0xFFFFFFC0] =	vst v0;
	v5 =	vmul.f32 $1.131370830e+01, v5;
	v0 =	vld [tilespmem:s9+$0x40];
	(pc) =	sbr.rel @p0 .LBB2_4-.Ltmp1, $4  }
0x73: {  	[tilespmem:s9+$0xFFFFFFD0] =	vst v1;
	v2 =	vmul.f32 $1.131370830e+01, v2;
	v1 =	vld [tilespmem:s9+$0x50]  }
0x74: {  	[tilespmem:s9+$0xFFFFFFE0] =	vst v5;
	v7 =	vmul.f32 $1.131370830e+01, v3;
	v3 =	vld [tilespmem:s9+$0x60]  }
0x75: {  	[tilespmem:s9+$0x0] =	vst v2;
	v5 =	vmul.f32 $1.131370830e+01, v4;
	v4 =	vld [tilespmem:s9+$0x70]  }
0x76: {  	s9 =	sadd.s32 $0x100, s9;
	v2 =	vld [tilespmem:s0+$0xFFFFFFF0];
	[tilespmem:s0+$0x10] =	vst v7;
	v6 =	vmul.f32 $1.131370830e+01, v6  }
0x77: {  	[tilespmem:s0+$0x20] =	vst v5;
	v0 =	vmul.f32 $1.131370830e+01, v0  }
0x78: {  	[tilespmem:s0+$0x30] =	vst v6;
	v1 =	vmul.f32 $1.131370830e+01, v1  }
0x79: {  	[tilespmem:s0+$0x40] =	vst v0;
	v0 =	vmul.f32 $1.131370830e+01, v3  }
0x7a: {  	[tilespmem:s0+$0x50] =	vst v1;
	v1 =	vmul.f32 $1.131370830e+01, v4  }
0x7b: {  	v2 =	vmul.f32 $1.131370830e+01, v2;
	[tilespmem:s0+$0x60] =	vst v0  }
0x7c: {  	[tilespmem:s0+$0x70] =	vst v1  }
0x7d: {  	s10 =	rddreg [dreg:$0x5];
	[tilespmem:s0+$0xFFFFFFF0] =	vst v2  }
0x7e: {  	[hbm4b:s10+s4] =	stream.linear.scatter [tilespmem:s22], [sflag:$0x5], $0x8000, $0x38;
	[tilespmem:$0x1E400] =	vst v63  }
0x7f: {  	_ =	swait.ge [sflag:s1], $0x8000  }
0x80: {  	[sflag:s1] =	ssyncset.done $0x0  }
0x81: {  	s12 =	simm.s32 $0x300;
	[sflag:s1] =	ssyncadd.s32 $0xFFFF8000  }
0x82: {  	[tilespmem:s19], [sflag:$0x1] =	stream.indirect.gather [hbm4b:s2+s18], $0x80, s12, s18, $0xb8;
	[tilespmem:$0x1E400] =	vst v63  }
0x83: {  	s13 =	simm.s32 $0x380  }
0x84: {  	[tilespmem:s20], [sflag:$0x1] =	stream.indirect.gather [hbm4b:s2+s18], $0x80, s13, s18, $0xb8;
	[tilespmem:$0x1E400] =	vst v63  }
0x85: {  	_ =	swait.ge [sflag:s23], $0x4000  }
0x86: {  	[sflag:s23] =	ssyncset.done $0x0  }
0x87: {  	[sflag:s23] =	ssyncadd.s32 $0xFFFFC000  }
0x88: {  	_ =	swait.ge [sflag:s23], $0x4000  }
0x89: {  	[sflag:s23] =	ssyncset.done $0x0  }
0x8a: {  	s0 =	simm.s32 $0x16480;
	[sflag:s23] =	ssyncadd.s32 $0xFFFFC000  }
0x8b: {  	v0 =	vld [tilespmem:s0+$0xFFFFFF80]  }
0x8c: {  	v1 =	vld [tilespmem:s0+$0xFFFFFF90]  }
0x8d: {  	v2 =	vld [tilespmem:s0+$0xFFFFFFA0]  }
0x8e: {  	v3 =	vld [tilespmem:s0+$0xFFFFFFB0]  }
0x8f: {  	v4 =	vld [tilespmem:s0+$0xFFFFFFC0]  }
0x90: {  	v5 =	vld [tilespmem:s0+$0xFFFFFFD0];
	v0 =	vmul.f32 $1.131370830e+01, v0  }
0x91: {  	v6 =	vld [tilespmem:s0+$0xFFFFFFE0];
	v1 =	vmul.f32 $1.131370830e+01, v1  }
0x92: {  	[tilespmem:s0+$0xFFFFFF80] =	vst v0;
	v0 =	vmul.f32 $1.131370830e+01, v2;
	v2 =	vld [tilespmem:s0+$0x0]  }
0x93: {  	[tilespmem:s0+$0xFFFFFF90] =	vst v1;
	v1 =	vmul.f32 $1.131370830e+01, v3;
	v3 =	vld [tilespmem:s0+$0x10]  }
0x94: {  	[tilespmem:s0+$0xFFFFFFA0] =	vst v0;
	v0 =	vmul.f32 $1.131370830e+01, v4;
	v4 =	vld [tilespmem:s0+$0x20]  }
0x95: {  	v7 =	vld [tilespmem:s0+$0x30];
	[tilespmem:s0+$0xFFFFFFB0] =	vst v1;
	v1 =	vmul.f32 $1.131370830e+01, v5  }
0x96: {  	v5 =	vmul.f32 $1.131370830e+01, v6;
	[tilespmem:s0+$0xFFFFFFC0] =	vst v0;
	v0 =	vld [tilespmem:s0+$0x40]  }
0x97: {  	[tilespmem:s0+$0xFFFFFFD0] =	vst v1;
	v1 =	vld [tilespmem:s0+$0x50];
	v2 =	vmul.f32 $1.131370830e+01, v2  }
0x98: {  	[tilespmem:s0+$0xFFFFFFE0] =	vst v5;
	v6 =	vmul.f32 $1.131370830e+01, v3;
	v3 =	vld [tilespmem:s0+$0x60]  }
0x99: {  	[tilespmem:s0+$0x0] =	vst v2;
	v5 =	vmul.f32 $1.131370830e+01, v4;
	v4 =	vld [tilespmem:s0+$0x70]  }
0x9a: {  	s7 =	simm.s32 $0x0;
	s9 =	simm.s32 $0x16580;
	v2 =	vld [tilespmem:s0+$0xFFFFFFF0];
	[tilespmem:s0+$0x10] =	vst v6;
	v6 =	vmul.f32 $1.131370830e+01, v7  }
.LBB2_6:
0x9b: {  	v7 =	vld [tilespmem:s9+$0xFFFFFF80];
	[tilespmem:s0+$0x20] =	vst v5;
	v0 =	vmul.f32 $1.131370830e+01, v0  }
0x9c: {  	v5 =	vld [tilespmem:s9+$0xFFFFFF90];
	[tilespmem:s0+$0x30] =	vst v6;
	v1 =	vmul.f32 $1.131370830e+01, v1  }
0x9d: {  	v6 =	vld [tilespmem:s9+$0xFFFFFFA0];
	[tilespmem:s0+$0x40] =	vst v0;
	v0 =	vmul.f32 $1.131370830e+01, v3  }
0x9e: {  	v3 =	vld [tilespmem:s9+$0xFFFFFFB0];
	[tilespmem:s0+$0x50] =	vst v1;
	v1 =	vmul.f32 $1.131370830e+01, v4  }
0x9f: {  	v4 =	vld [tilespmem:s9+$0xFFFFFFC0];
	v2 =	vmul.f32 $1.131370830e+01, v2;
	[tilespmem:s0+$0x60] =	vst v0  }
0xa0: {  	v0 =	vmul.f32 $1.131370830e+01, v7;
	v7 =	vld [tilespmem:s9+$0xFFFFFFD0];
	[tilespmem:s0+$0x70] =	vst v1  }
0xa1: {  	v1 =	vmul.f32 $1.131370830e+01, v5;
	v5 =	vld [tilespmem:s9+$0xFFFFFFE0];
	[tilespmem:s0+$0xFFFFFFF0] =	vst v2;
	s0 =	smov.u32 s9  }
0xa2: {  	[tilespmem:s9+$0xFFFFFF80] =	vst v0;
	v0 =	vmul.f32 $1.131370830e+01, v6;
	v2 =	vld [tilespmem:s9+$0x0]  }
0xa3: {  	[tilespmem:s9+$0xFFFFFF90] =	vst v1;
	v1 =	vmul.f32 $1.131370830e+01, v3;
	v3 =	vld [tilespmem:s9+$0x10]  }
0xa4: {  	s7 =	sadd.s32 $0x2, s7;
	[tilespmem:s9+$0xFFFFFFA0] =	vst v0;
	v0 =	vmul.f32 $1.131370830e+01, v4;
	v4 =	vld [tilespmem:s9+$0x20]  }
0xa5: {  	p0 =	slt.u32 s7, $0xFE;
	[tilespmem:s9+$0xFFFFFFB0] =	vst v1;
	v1 =	vmul.f32 $1.131370830e+01, v7;
	v6 =	vld [tilespmem:s9+$0x30]  }
.Ltmp2:
0xa6: {  	[tilespmem:s9+$0xFFFFFFC0] =	vst v0;
	v5 =	vmul.f32 $1.131370830e+01, v5;
	v0 =	vld [tilespmem:s9+$0x40];
	(pc) =	sbr.rel @p0 .LBB2_6-.Ltmp2, $4  }
0xa7: {  	[tilespmem:s9+$0xFFFFFFD0] =	vst v1;
	v2 =	vmul.f32 $1.131370830e+01, v2;
	v1 =	vld [tilespmem:s9+$0x50]  }
0xa8: {  	[tilespmem:s9+$0xFFFFFFE0] =	vst v5;
	v7 =	vmul.f32 $1.131370830e+01, v3;
	v3 =	vld [tilespmem:s9+$0x60]  }
0xa9: {  	[tilespmem:s9+$0x0] =	vst v2;
	v5 =	vmul.f32 $1.131370830e+01, v4;
	v4 =	vld [tilespmem:s9+$0x70]  }
0xaa: {  	s9 =	sadd.s32 $0x100, s9;
	v2 =	vld [tilespmem:s0+$0xFFFFFFF0];
	[tilespmem:s0+$0x10] =	vst v7;
	v6 =	vmul.f32 $1.131370830e+01, v6  }
0xab: {  	[tilespmem:s0+$0x20] =	vst v5;
	v0 =	vmul.f32 $1.131370830e+01, v0  }
0xac: {  	[tilespmem:s0+$0x30] =	vst v6;
	v1 =	vmul.f32 $1.131370830e+01, v1  }
0xad: {  	[tilespmem:s0+$0x40] =	vst v0;
	v62 =	vmul.f32 $1.131370830e+01, v3  }
0xae: {  	[tilespmem:s0+$0x50] =	vst v1;
	v63 =	vmul.f32 $1.131370830e+01, v4  }
0xaf: {  	v2 =	vmul.f32 $1.131370830e+01, v2;
	[tilespmem:s0+$0x60] =	vst v62  }
0xb0: {  	[tilespmem:s0+$0x70] =	vst v63  }
0xb1: {  	s10 =	rddreg [dreg:$0x6];
	[tilespmem:s0+$0xFFFFFFF0] =	vst v2  }
0xb2: {  	[hbm4b:s10+s4] =	stream.linear.scatter [tilespmem:s28], [sflag:$0x6], $0x8000, $0x38;
	[tilespmem:$0x1E400] =	vst v63  }
0xb3: {  	_ =	swait.ge [sflag:s26], $0x8000  }
0xb4: {  	[sflag:s26] =	ssyncset.done $0x0  }
0xb5: {  	s12 =	simm.s32 $0x400;
	[sflag:s26] =	ssyncadd.s32 $0xFFFF8000  }
0xb6: {  	[tilespmem:s22], [sflag:$0x2] =	stream.indirect.gather [hbm4b:s2+s18], $0x80, s12, s18, $0xb8;
	[tilespmem:$0x1E400] =	vst v63  }
0xb7: {  	s13 =	simm.s32 $0x480;
	s0 =	simm.s32 $0x1  }
0xb8: {  	[tilespmem:s24], [sflag:$0x2] =	stream.indirect.gather [hbm4b:s2+s18], $0x80, s13, s18, $0xb8;
	[tilespmem:$0x1E400] =	vst v63  }
.LBB2_8:
0xb9: {  	_ =	swait.ge [sflag:s25], $0x4000  }
0xba: {  	[sflag:s25] =	ssyncset.done $0x0  }
0xbb: {  	[sflag:s25] =	ssyncadd.s32 $0xFFFFC000  }
0xbc: {  	_ =	swait.ge [sflag:s25], $0x4000  }
0xbd: {  	[sflag:s25] =	ssyncset.done $0x0  }
0xbe: {  	s7 =	simm.s32 $0x6480;
	[sflag:s25] =	ssyncadd.s32 $0xFFFFC000  }
0xbf: {  	v0 =	vld [tilespmem:s7+$0xFFFFFF80]  }
0xc0: {  	v1 =	vld [tilespmem:s7+$0xFFFFFF90]  }
0xc1: {  	v2 =	vld [tilespmem:s7+$0xFFFFFFA0]  }
0xc2: {  	v3 =	vld [tilespmem:s7+$0xFFFFFFB0]  }
0xc3: {  	v4 =	vld [tilespmem:s7+$0xFFFFFFC0]  }
0xc4: {  	v5 =	vld [tilespmem:s7+$0xFFFFFFD0];
	v0 =	vmul.f32 $1.131370830e+01, v0  }
0xc5: {  	v6 =	vld [tilespmem:s7+$0xFFFFFFE0];
	v1 =	vmul.f32 $1.131370830e+01, v1  }
0xc6: {  	[tilespmem:s7+$0xFFFFFF80] =	vst v0;
	v0 =	vmul.f32 $1.131370830e+01, v2;
	v2 =	vld [tilespmem:s7+$0x0]  }
0xc7: {  	[tilespmem:s7+$0xFFFFFF90] =	vst v1;
	v1 =	vmul.f32 $1.131370830e+01, v3;
	v3 =	vld [tilespmem:s7+$0x10]  }
0xc8: {  	[tilespmem:s7+$0xFFFFFFA0] =	vst v0;
	v0 =	vmul.f32 $1.131370830e+01, v4;
	v4 =	vld [tilespmem:s7+$0x20]  }
0xc9: {  	v7 =	vld [tilespmem:s7+$0x30];
	[tilespmem:s7+$0xFFFFFFB0] =	vst v1;
	v1 =	vmul.f32 $1.131370830e+01, v5  }
0xca: {  	v5 =	vmul.f32 $1.131370830e+01, v6;
	[tilespmem:s7+$0xFFFFFFC0] =	vst v0;
	v0 =	vld [tilespmem:s7+$0x40]  }
0xcb: {  	[tilespmem:s7+$0xFFFFFFD0] =	vst v1;
	v1 =	vmul.f32 $1.131370830e+01, v2;
	v2 =	vld [tilespmem:s7+$0x50]  }
0xcc: {  	[tilespmem:s7+$0xFFFFFFE0] =	vst v5;
	v6 =	vmul.f32 $1.131370830e+01, v3;
	v3 =	vld [tilespmem:s7+$0x60]  }
0xcd: {  	[tilespmem:s7+$0x0] =	vst v1;
	v5 =	vmul.f32 $1.131370830e+01, v4;
	v4 =	vld [tilespmem:s7+$0x70]  }
0xce: {  	s9 =	simm.s32 $0x0;
	s10 =	simm.s32 $0x6580;
	v1 =	vld [tilespmem:s7+$0xFFFFFFF0];
	[tilespmem:s7+$0x10] =	vst v6;
	v6 =	vmul.f32 $1.131370830e+01, v7  }
.LBB2_9:
0xcf: {  	v7 =	vld [tilespmem:s10+$0xFFFFFF80];
	[tilespmem:s7+$0x20] =	vst v5;
	v0 =	vmul.f32 $1.131370830e+01, v0  }
0xd0: {  	v5 =	vld [tilespmem:s10+$0xFFFFFF90];
	[tilespmem:s7+$0x30] =	vst v6;
	v2 =	vmul.f32 $1.131370830e+01, v2  }
0xd1: {  	v6 =	vld [tilespmem:s10+$0xFFFFFFA0];
	[tilespmem:s7+$0x40] =	vst v0;
	v0 =	vmul.f32 $1.131370830e+01, v3  }
0xd2: {  	v3 =	vld [tilespmem:s10+$0xFFFFFFB0];
	[tilespmem:s7+$0x50] =	vst v2;
	v2 =	vmul.f32 $1.131370830e+01, v4  }
0xd3: {  	v4 =	vld [tilespmem:s10+$0xFFFFFFC0];
	v1 =	vmul.f32 $1.131370830e+01, v1;
	[tilespmem:s7+$0x60] =	vst v0  }
0xd4: {  	v0 =	vmul.f32 $1.131370830e+01, v7;
	v7 =	vld [tilespmem:s10+$0xFFFFFFD0];
	[tilespmem:s7+$0x70] =	vst v2  }
0xd5: {  	v2 =	vmul.f32 $1.131370830e+01, v5;
	v5 =	vld [tilespmem:s10+$0xFFFFFFE0];
	[tilespmem:s7+$0xFFFFFFF0] =	vst v1;
	s7 =	smov.u32 s10  }
0xd6: {  	[tilespmem:s10+$0xFFFFFF80] =	vst v0;
	v0 =	vmul.f32 $1.131370830e+01, v6;
	v1 =	vld [tilespmem:s10+$0x0]  }
0xd7: {  	[tilespmem:s10+$0xFFFFFF90] =	vst v2;
	v2 =	vmul.f32 $1.131370830e+01, v3;
	v3 =	vld [tilespmem:s10+$0x10]  }
0xd8: {  	s9 =	sadd.s32 $0x2, s9;
	[tilespmem:s10+$0xFFFFFFA0] =	vst v0;
	v0 =	vmul.f32 $1.131370830e+01, v4;
	v4 =	vld [tilespmem:s10+$0x20]  }
0xd9: {  	p0 =	slt.u32 s9, $0xFE;
	[tilespmem:s10+$0xFFFFFFB0] =	vst v2;
	v2 =	vmul.f32 $1.131370830e+01, v7;
	v6 =	vld [tilespmem:s10+$0x30]  }
.Ltmp3:
0xda: {  	[tilespmem:s10+$0xFFFFFFC0] =	vst v0;
	v5 =	vmul.f32 $1.131370830e+01, v5;
	v0 =	vld [tilespmem:s10+$0x40];
	(pc) =	sbr.rel @p0 .LBB2_9-.Ltmp3, $4  }
0xdb: {  	[tilespmem:s10+$0xFFFFFFD0] =	vst v2;
	v1 =	vmul.f32 $1.131370830e+01, v1;
	v2 =	vld [tilespmem:s10+$0x50]  }
0xdc: {  	[tilespmem:s10+$0xFFFFFFE0] =	vst v5;
	v7 =	vmul.f32 $1.131370830e+01, v3;
	v3 =	vld [tilespmem:s10+$0x60]  }
0xdd: {  	[tilespmem:s10+$0x0] =	vst v1;
	v5 =	vmul.f32 $1.131370830e+01, v4;
	v4 =	vld [tilespmem:s10+$0x70]  }
0xde: {  	s10 =	sadd.s32 $0x100, s10;
	v1 =	vld [tilespmem:s7+$0xFFFFFFF0];
	[tilespmem:s7+$0x10] =	vst v7;
	v6 =	vmul.f32 $1.131370830e+01, v6  }
0xdf: {  	[tilespmem:s7+$0x20] =	vst v5;
	v0 =	vmul.f32 $1.131370830e+01, v0  }
0xe0: {  	[tilespmem:s7+$0x30] =	vst v6;
	v2 =	vmul.f32 $1.131370830e+01, v2  }
0xe1: {  	s9 =	smul.u32 $0x300, s0;
	[tilespmem:s7+$0x40] =	vst v0;
	v0 =	vmul.f32 $1.131370830e+01, v3  }
0xe2: {  	[tilespmem:s7+$0x50] =	vst v2;
	v2 =	vmul.f32 $1.131370830e+01, v4  }
0xe3: {  	s10 =	sadd.s32 s6, s9;
	v1 =	vmul.f32 $1.131370830e+01, v1;
	[tilespmem:s7+$0x60] =	vst v0  }
0xe4: {  	s10 =	sshll.u32 s10, $0x4;
	[tilespmem:s7+$0x70] =	vst v2  }
0xe5: {  	s12 =	smul.u32 $0x3, s0;
	s10 =	sadd.s32 s3, s10;
	[tilespmem:s7+$0xFFFFFFF0] =	vst v1  }
0xe6: {  	[hbm4b:s10+s4] =	stream.linear.scatter [tilespmem:s19], [sflag:$0x4], $0x8000, $0x38;
	[tilespmem:$0x1E400] =	vst v63  }
0xe7: {  	s7 =	sadd.s32 $0x2, s12;
	_ =	swait.ge [sflag:s21], $0x8000  }
0xe8: {  	s13 =	sshll.u32 s7, $0x8;
	[sflag:s21] =	ssyncset.done $0x0  }
0xe9: {  	s10 =	sand.u32 $0x3FFFFF00, s13;
	[sflag:s21] =	ssyncadd.s32 $0xFFFF8000  }
0xea: {  	[tilespmem:s28], [sflag:$0x3] =	stream.indirect.gather [hbm4b:s2+s18], $0x80, s10, s18, $0xb8;
	[tilespmem:$0x1E400] =	vst v63  }
0xeb: {  	s10 =	sor.u32 $0x80, s10  }
0xec: {  	[tilespmem:s30], [sflag:$0x3] =	stream.indirect.gather [hbm4b:s2+s18], $0x80, s10, s18, $0xb8;
	[tilespmem:$0x1E400] =	vst v63  }
0xed: {  	_ =	swait.ge [sflag:s31], $0x4000  }
0xee: {  	[sflag:s31] =	ssyncset.done $0x0  }
0xef: {  	[sflag:s31] =	ssyncadd.s32 $0xFFFFC000  }
0xf0: {  	_ =	swait.ge [sflag:s31], $0x4000  }
0xf1: {  	[sflag:s31] =	ssyncset.done $0x0  }
0xf2: {  	s10 =	simm.s32 $0xE480;
	[sflag:s31] =	ssyncadd.s32 $0xFFFFC000  }
0xf3: {  	v0 =	vld [tilespmem:s10+$0xFFFFFF80]  }
0xf4: {  	v1 =	vld [tilespmem:s10+$0xFFFFFF90]  }
0xf5: {  	v2 =	vld [tilespmem:s10+$0xFFFFFFA0]  }
0xf6: {  	v3 =	vld [tilespmem:s10+$0xFFFFFFB0]  }
0xf7: {  	v4 =	vld [tilespmem:s10+$0xFFFFFFC0]  }
0xf8: {  	v5 =	vld [tilespmem:s10+$0xFFFFFFD0];
	v0 =	vmul.f32 $1.131370830e+01, v0  }
0xf9: {  	v6 =	vld [tilespmem:s10+$0xFFFFFFE0];
	v1 =	vmul.f32 $1.131370830e+01, v1  }
0xfa: {  	[tilespmem:s10+$0xFFFFFF80] =	vst v0;
	v0 =	vmul.f32 $1.131370830e+01, v2;
	v2 =	vld [tilespmem:s10+$0x0]  }
0xfb: {  	[tilespmem:s10+$0xFFFFFF90] =	vst v1;
	v1 =	vmul.f32 $1.131370830e+01, v3;
	v3 =	vld [tilespmem:s10+$0x10]  }
0xfc: {  	[tilespmem:s10+$0xFFFFFFA0] =	vst v0;
	v0 =	vmul.f32 $1.131370830e+01, v4;
	v4 =	vld [tilespmem:s10+$0x20]  }
0xfd: {  	v7 =	vld [tilespmem:s10+$0x30];
	[tilespmem:s10+$0xFFFFFFB0] =	vst v1;
	v1 =	vmul.f32 $1.131370830e+01, v5  }
0xfe: {  	v5 =	vmul.f32 $1.131370830e+01, v6;
	[tilespmem:s10+$0xFFFFFFC0] =	vst v0;
	v0 =	vld [tilespmem:s10+$0x40]  }
0xff: {  	[tilespmem:s10+$0xFFFFFFD0] =	vst v1;
	v1 =	vld [tilespmem:s10+$0x50];
	v2 =	vmul.f32 $1.131370830e+01, v2  }
0x100: {  	[tilespmem:s10+$0xFFFFFFE0] =	vst v5;
	v6 =	vmul.f32 $1.131370830e+01, v3;
	v3 =	vld [tilespmem:s10+$0x60]  }
0x101: {  	[tilespmem:s10+$0x0] =	vst v2;
	v5 =	vmul.f32 $1.131370830e+01, v4;
	v4 =	vld [tilespmem:s10+$0x70]  }
0x102: {  	s12 =	simm.s32 $0x0;
	s13 =	simm.s32 $0xE580;
	v2 =	vld [tilespmem:s10+$0xFFFFFFF0];
	[tilespmem:s10+$0x10] =	vst v6;
	v6 =	vmul.f32 $1.131370830e+01, v7  }
.LBB2_11:
0x103: {  	v7 =	vld [tilespmem:s13+$0xFFFFFF80];
	[tilespmem:s10+$0x20] =	vst v5;
	v0 =	vmul.f32 $1.131370830e+01, v0  }
0x104: {  	v5 =	vld [tilespmem:s13+$0xFFFFFF90];
	[tilespmem:s10+$0x30] =	vst v6;
	v1 =	vmul.f32 $1.131370830e+01, v1  }
0x105: {  	v6 =	vld [tilespmem:s13+$0xFFFFFFA0];
	[tilespmem:s10+$0x40] =	vst v0;
	v0 =	vmul.f32 $1.131370830e+01, v3  }
0x106: {  	v3 =	vld [tilespmem:s13+$0xFFFFFFB0];
	[tilespmem:s10+$0x50] =	vst v1;
	v1 =	vmul.f32 $1.131370830e+01, v4  }
0x107: {  	v4 =	vld [tilespmem:s13+$0xFFFFFFC0];
	v2 =	vmul.f32 $1.131370830e+01, v2;
	[tilespmem:s10+$0x60] =	vst v0  }
0x108: {  	v0 =	vmul.f32 $1.131370830e+01, v7;
	v7 =	vld [tilespmem:s13+$0xFFFFFFD0];
	[tilespmem:s10+$0x70] =	vst v1  }
0x109: {  	v1 =	vmul.f32 $1.131370830e+01, v5;
	v5 =	vld [tilespmem:s13+$0xFFFFFFE0];
	[tilespmem:s10+$0xFFFFFFF0] =	vst v2;
	s10 =	smov.u32 s13  }
0x10a: {  	[tilespmem:s13+$0xFFFFFF80] =	vst v0;
	v0 =	vmul.f32 $1.131370830e+01, v6;
	v2 =	vld [tilespmem:s13+$0x0]  }
0x10b: {  	[tilespmem:s13+$0xFFFFFF90] =	vst v1;
	v1 =	vmul.f32 $1.131370830e+01, v3;
	v3 =	vld [tilespmem:s13+$0x10]  }
0x10c: {  	s12 =	sadd.s32 $0x2, s12;
	[tilespmem:s13+$0xFFFFFFA0] =	vst v0;
	v0 =	vmul.f32 $1.131370830e+01, v4;
	v4 =	vld [tilespmem:s13+$0x20]  }
0x10d: {  	p0 =	slt.u32 s12, $0xFE;
	[tilespmem:s13+$0xFFFFFFB0] =	vst v1;
	v1 =	vmul.f32 $1.131370830e+01, v7;
	v6 =	vld [tilespmem:s13+$0x30]  }
.Ltmp4:
0x10e: {  	[tilespmem:s13+$0xFFFFFFC0] =	vst v0;
	v5 =	vmul.f32 $1.131370830e+01, v5;
	v0 =	vld [tilespmem:s13+$0x40];
	(pc) =	sbr.rel @p0 .LBB2_11-.Ltmp4, $4  }
0x10f: {  	[tilespmem:s13+$0xFFFFFFD0] =	vst v1;
	v2 =	vmul.f32 $1.131370830e+01, v2;
	v1 =	vld [tilespmem:s13+$0x50]  }
0x110: {  	[tilespmem:s13+$0xFFFFFFE0] =	vst v5;
	v7 =	vmul.f32 $1.131370830e+01, v3;
	v3 =	vld [tilespmem:s13+$0x60]  }
0x111: {  	[tilespmem:s13+$0x0] =	vst v2;
	v5 =	vmul.f32 $1.131370830e+01, v4;
	v4 =	vld [tilespmem:s13+$0x70]  }
0x112: {  	s13 =	sadd.s32 $0x100, s13;
	v2 =	vld [tilespmem:s10+$0xFFFFFFF0];
	[tilespmem:s10+$0x10] =	vst v7;
	v6 =	vmul.f32 $1.131370830e+01, v6  }
0x113: {  	[tilespmem:s10+$0x20] =	vst v5;
	v0 =	vmul.f32 $1.131370830e+01, v0  }
0x114: {  	[tilespmem:s10+$0x30] =	vst v6;
	v1 =	vmul.f32 $1.131370830e+01, v1  }
0x115: {  	[tilespmem:s10+$0x40] =	vst v0;
	v0 =	vmul.f32 $1.131370830e+01, v3  }
0x116: {  	[tilespmem:s10+$0x50] =	vst v1;
	v1 =	vmul.f32 $1.131370830e+01, v4  }
0x117: {  	s9 =	sadd.s32 s9, s11;
	v2 =	vmul.f32 $1.131370830e+01, v2;
	[tilespmem:s10+$0x60] =	vst v0  }
0x118: {  	s9 =	sshll.u32 s9, $0x4;
	[tilespmem:s10+$0x70] =	vst v1  }
0x119: {  	s9 =	sadd.s32 s3, s9;
	[tilespmem:s10+$0xFFFFFFF0] =	vst v2;
	s10 =	smul.u32 $0xC00, s0  }
0x11a: {  	[hbm4b:s9+s4] =	stream.linear.scatter [tilespmem:s22], [sflag:$0x5], $0x8000, $0x38;
	[tilespmem:$0x1E400] =	vst v63  }
0x11b: {  	_ =	swait.ge [sflag:s1], $0x8000  }
0x11c: {  	s9 =	sshra.s32 s10, $0x2;
	[sflag:s1] =	ssyncset.done $0x0  }
0x11d: {  	s12 =	sadd.s32 $0x300, s9;
	[sflag:s1] =	ssyncadd.s32 $0xFFFF8000  }
0x11e: {  	[tilespmem:s19], [sflag:$0x1] =	stream.indirect.gather [hbm4b:s2+s18], $0x80, s12, s18, $0xb8;
	[tilespmem:$0x1E400] =	vst v63  }
0x11f: {  	s13 =	sadd.s32 $0x380, s9  }
0x120: {  	[tilespmem:s20], [sflag:$0x1] =	stream.indirect.gather [hbm4b:s2+s18], $0x80, s13, s18, $0xb8;
	[tilespmem:$0x1E400] =	vst v63  }
0x121: {  	_ =	swait.ge [sflag:s23], $0x4000  }
0x122: {  	[sflag:s23] =	ssyncset.done $0x0  }
0x123: {  	[sflag:s23] =	ssyncadd.s32 $0xFFFFC000  }
0x124: {  	_ =	swait.ge [sflag:s23], $0x4000  }
0x125: {  	[sflag:s23] =	ssyncset.done $0x0  }
0x126: {  	s10 =	simm.s32 $0x16480;
	[sflag:s23] =	ssyncadd.s32 $0xFFFFC000  }
0x127: {  	v0 =	vld [tilespmem:s10+$0xFFFFFF80]  }
0x128: {  	v1 =	vld [tilespmem:s10+$0xFFFFFF90]  }
0x129: {  	v2 =	vld [tilespmem:s10+$0xFFFFFFA0]  }
0x12a: {  	v3 =	vld [tilespmem:s10+$0xFFFFFFB0]  }
0x12b: {  	v4 =	vld [tilespmem:s10+$0xFFFFFFC0]  }
0x12c: {  	v5 =	vld [tilespmem:s10+$0xFFFFFFD0];
	v0 =	vmul.f32 $1.131370830e+01, v0  }
0x12d: {  	v6 =	vld [tilespmem:s10+$0xFFFFFFE0];
	v1 =	vmul.f32 $1.131370830e+01, v1  }
0x12e: {  	[tilespmem:s10+$0xFFFFFF80] =	vst v0;
	v0 =	vmul.f32 $1.131370830e+01, v2;
	v2 =	vld [tilespmem:s10+$0x0]  }
0x12f: {  	[tilespmem:s10+$0xFFFFFF90] =	vst v1;
	v1 =	vmul.f32 $1.131370830e+01, v3;
	v3 =	vld [tilespmem:s10+$0x10]  }
0x130: {  	[tilespmem:s10+$0xFFFFFFA0] =	vst v0;
	v0 =	vmul.f32 $1.131370830e+01, v4;
	v4 =	vld [tilespmem:s10+$0x20]  }
0x131: {  	v7 =	vld [tilespmem:s10+$0x30];
	[tilespmem:s10+$0xFFFFFFB0] =	vst v1;
	v1 =	vmul.f32 $1.131370830e+01, v5  }
0x132: {  	v5 =	vmul.f32 $1.131370830e+01, v6;
	[tilespmem:s10+$0xFFFFFFC0] =	vst v0;
	v0 =	vld [tilespmem:s10+$0x40]  }
0x133: {  	[tilespmem:s10+$0xFFFFFFD0] =	vst v1;
	v1 =	vmul.f32 $1.131370830e+01, v2;
	v2 =	vld [tilespmem:s10+$0x50]  }
0x134: {  	[tilespmem:s10+$0xFFFFFFE0] =	vst v5;
	v6 =	vmul.f32 $1.131370830e+01, v3;
	v3 =	vld [tilespmem:s10+$0x60]  }
0x135: {  	[tilespmem:s10+$0x0] =	vst v1;
	v5 =	vmul.f32 $1.131370830e+01, v4;
	v4 =	vld [tilespmem:s10+$0x70]  }
0x136: {  	s12 =	simm.s32 $0x0;
	s13 =	simm.s32 $0x16580;
	v1 =	vld [tilespmem:s10+$0xFFFFFFF0];
	[tilespmem:s10+$0x10] =	vst v6;
	v6 =	vmul.f32 $1.131370830e+01, v7  }
.LBB2_13:
0x137: {  	v7 =	vld [tilespmem:s13+$0xFFFFFF80];
	[tilespmem:s10+$0x20] =	vst v5;
	v0 =	vmul.f32 $1.131370830e+01, v0  }
0x138: {  	v5 =	vld [tilespmem:s13+$0xFFFFFF90];
	[tilespmem:s10+$0x30] =	vst v6;
	v2 =	vmul.f32 $1.131370830e+01, v2  }
0x139: {  	v6 =	vld [tilespmem:s13+$0xFFFFFFA0];
	[tilespmem:s10+$0x40] =	vst v0;
	v0 =	vmul.f32 $1.131370830e+01, v3  }
0x13a: {  	v3 =	vld [tilespmem:s13+$0xFFFFFFB0];
	[tilespmem:s10+$0x50] =	vst v2;
	v2 =	vmul.f32 $1.131370830e+01, v4  }
0x13b: {  	v4 =	vld [tilespmem:s13+$0xFFFFFFC0];
	v1 =	vmul.f32 $1.131370830e+01, v1;
	[tilespmem:s10+$0x60] =	vst v0  }
0x13c: {  	v0 =	vmul.f32 $1.131370830e+01, v7;
	v7 =	vld [tilespmem:s13+$0xFFFFFFD0];
	[tilespmem:s10+$0x70] =	vst v2  }
0x13d: {  	v2 =	vmul.f32 $1.131370830e+01, v5;
	v5 =	vld [tilespmem:s13+$0xFFFFFFE0];
	[tilespmem:s10+$0xFFFFFFF0] =	vst v1;
	s10 =	smov.u32 s13  }
0x13e: {  	[tilespmem:s13+$0xFFFFFF80] =	vst v0;
	v0 =	vmul.f32 $1.131370830e+01, v6;
	v1 =	vld [tilespmem:s13+$0x0]  }
0x13f: {  	[tilespmem:s13+$0xFFFFFF90] =	vst v2;
	v2 =	vmul.f32 $1.131370830e+01, v3;
	v3 =	vld [tilespmem:s13+$0x10]  }
0x140: {  	s12 =	sadd.s32 $0x2, s12;
	[tilespmem:s13+$0xFFFFFFA0] =	vst v0;
	v0 =	vmul.f32 $1.131370830e+01, v4;
	v4 =	vld [tilespmem:s13+$0x20]  }
0x141: {  	p0 =	slt.u32 s12, $0xFE;
	[tilespmem:s13+$0xFFFFFFB0] =	vst v2;
	v2 =	vmul.f32 $1.131370830e+01, v7;
	v6 =	vld [tilespmem:s13+$0x30]  }
.Ltmp5:
0x142: {  	[tilespmem:s13+$0xFFFFFFC0] =	vst v0;
	v5 =	vmul.f32 $1.131370830e+01, v5;
	v0 =	vld [tilespmem:s13+$0x40];
	(pc) =	sbr.rel @p0 .LBB2_13-.Ltmp5, $4  }
0x143: {  	[tilespmem:s13+$0xFFFFFFD0] =	vst v2;
	v1 =	vmul.f32 $1.131370830e+01, v1;
	v2 =	vld [tilespmem:s13+$0x50]  }
0x144: {  	[tilespmem:s13+$0xFFFFFFE0] =	vst v5;
	v7 =	vmul.f32 $1.131370830e+01, v3;
	v3 =	vld [tilespmem:s13+$0x60]  }
0x145: {  	[tilespmem:s13+$0x0] =	vst v1;
	v5 =	vmul.f32 $1.131370830e+01, v4;
	v4 =	vld [tilespmem:s13+$0x70]  }
0x146: {  	s13 =	sadd.s32 $0x100, s13;
	v1 =	vld [tilespmem:s10+$0xFFFFFFF0];
	[tilespmem:s10+$0x10] =	vst v7;
	v6 =	vmul.f32 $1.131370830e+01, v6  }
0x147: {  	[tilespmem:s10+$0x20] =	vst v5;
	v0 =	vmul.f32 $1.131370830e+01, v0  }
0x148: {  	[tilespmem:s10+$0x30] =	vst v6;
	v2 =	vmul.f32 $1.131370830e+01, v2  }
0x149: {  	[tilespmem:s10+$0x40] =	vst v0;
	v62 =	vmul.f32 $1.131370830e+01, v3  }
0x14a: {  	s7 =	sshll.u32 s7, $0xF;
	[tilespmem:s10+$0x50] =	vst v2;
	v63 =	vmul.f32 $1.131370830e+01, v4  }
0x14b: {  	s7 =	sadd.s32 s5, s7;
	v1 =	vmul.f32 $1.131370830e+01, v1;
	[tilespmem:s10+$0x60] =	vst v62  }
0x14c: {  	s7 =	sshrl.u32 s7, $0x3;
	[tilespmem:s10+$0x70] =	vst v63  }
0x14d: {  	s0 =	sadd.s32 $0x1, s0;
	s7 =	sadd.s32 s3, s7;
	[tilespmem:s10+$0xFFFFFFF0] =	vst v1  }
0x14e: {  	[hbm4b:s7+s4] =	stream.linear.scatter [tilespmem:s28], [sflag:$0x6], $0x8000, $0x38;
	[tilespmem:$0x1E400] =	vst v63  }
0x14f: {  	p0 =	sne.s32 s0, $0x20;
	_ =	swait.ge [sflag:s26], $0x8000  }
.Ltmp6:
0x150: {  	[sflag:s26] =	ssyncset.done $0x0;
	(pc) =	sbr.rel @p0 .LBB2_8-.Ltmp6, $4  }
0x151: {  	s12 =	sadd.s32 $0x400, s9;
	[sflag:s26] =	ssyncadd.s32 $0xFFFF8000  }
0x152: {  	[tilespmem:s22], [sflag:$0x2] =	stream.indirect.gather [hbm4b:s2+s18], $0x80, s12, s18, $0xb8;
	[tilespmem:$0x1E400] =	vst v63  }
0x153: {  	s13 =	sadd.s32 $0x480, s9  }
0x154: {  	[tilespmem:s24], [sflag:$0x2] =	stream.indirect.gather [hbm4b:s2+s18], $0x80, s13, s18, $0xb8;
	[tilespmem:$0x1E400] =	vst v63  }
0x155: {  	_ =	swait.ge [sflag:s25], $0x4000  }
0x156: {  	[sflag:s25] =	ssyncset.done $0x0  }
0x157: {  	[sflag:s25] =	ssyncadd.s32 $0xFFFFC000  }
0x158: {  	_ =	swait.ge [sflag:s25], $0x4000  }
0x159: {  	[sflag:s25] =	ssyncset.done $0x0  }
0x15a: {  	s0 =	simm.s32 $0x6480;
	[sflag:s25] =	ssyncadd.s32 $0xFFFFC000  }
0x15b: {  	v0 =	vld [tilespmem:s0+$0xFFFFFF80]  }
0x15c: {  	v1 =	vld [tilespmem:s0+$0xFFFFFF90]  }
0x15d: {  	v2 =	vld [tilespmem:s0+$0xFFFFFFA0]  }
0x15e: {  	v3 =	vld [tilespmem:s0+$0xFFFFFFB0]  }
0x15f: {  	v4 =	vld [tilespmem:s0+$0xFFFFFFC0]  }
0x160: {  	v5 =	vld [tilespmem:s0+$0xFFFFFFD0];
	v0 =	vmul.f32 $1.131370830e+01, v0  }
0x161: {  	v6 =	vld [tilespmem:s0+$0xFFFFFFE0];
	v1 =	vmul.f32 $1.131370830e+01, v1  }
0x162: {  	[tilespmem:s0+$0xFFFFFF80] =	vst v0;
	v0 =	vmul.f32 $1.131370830e+01, v2;
	v2 =	vld [tilespmem:s0+$0x0]  }
0x163: {  	[tilespmem:s0+$0xFFFFFF90] =	vst v1;
	v1 =	vmul.f32 $1.131370830e+01, v3;
	v3 =	vld [tilespmem:s0+$0x10]  }
0x164: {  	[tilespmem:s0+$0xFFFFFFA0] =	vst v0;
	v0 =	vmul.f32 $1.131370830e+01, v4;
	v4 =	vld [tilespmem:s0+$0x20]  }
0x165: {  	v7 =	vld [tilespmem:s0+$0x30];
	[tilespmem:s0+$0xFFFFFFB0] =	vst v1;
	v1 =	vmul.f32 $1.131370830e+01, v5  }
0x166: {  	v5 =	vmul.f32 $1.131370830e+01, v6;
	[tilespmem:s0+$0xFFFFFFC0] =	vst v0;
	v0 =	vld [tilespmem:s0+$0x40]  }
0x167: {  	[tilespmem:s0+$0xFFFFFFD0] =	vst v1;
	v1 =	vld [tilespmem:s0+$0x50];
	v2 =	vmul.f32 $1.131370830e+01, v2  }
0x168: {  	[tilespmem:s0+$0xFFFFFFE0] =	vst v5;
	v6 =	vmul.f32 $1.131370830e+01, v3;
	v3 =	vld [tilespmem:s0+$0x60]  }
0x169: {  	[tilespmem:s0+$0x0] =	vst v2;
	v5 =	vmul.f32 $1.131370830e+01, v4;
	v4 =	vld [tilespmem:s0+$0x70]  }
0x16a: {  	s7 =	simm.s32 $0x0;
	s9 =	simm.s32 $0x6580;
	v2 =	vld [tilespmem:s0+$0xFFFFFFF0];
	[tilespmem:s0+$0x10] =	vst v6;
	v6 =	vmul.f32 $1.131370830e+01, v7  }
.LBB2_16:
0x16b: {  	v7 =	vld [tilespmem:s9+$0xFFFFFF80];
	[tilespmem:s0+$0x20] =	vst v5;
	v0 =	vmul.f32 $1.131370830e+01, v0  }
0x16c: {  	v5 =	vld [tilespmem:s9+$0xFFFFFF90];
	[tilespmem:s0+$0x30] =	vst v6;
	v1 =	vmul.f32 $1.131370830e+01, v1  }
0x16d: {  	v6 =	vld [tilespmem:s9+$0xFFFFFFA0];
	[tilespmem:s0+$0x40] =	vst v0;
	v0 =	vmul.f32 $1.131370830e+01, v3  }
0x16e: {  	v3 =	vld [tilespmem:s9+$0xFFFFFFB0];
	[tilespmem:s0+$0x50] =	vst v1;
	v1 =	vmul.f32 $1.131370830e+01, v4  }
0x16f: {  	v4 =	vld [tilespmem:s9+$0xFFFFFFC0];
	v2 =	vmul.f32 $1.131370830e+01, v2;
	[tilespmem:s0+$0x60] =	vst v0  }
0x170: {  	v0 =	vmul.f32 $1.131370830e+01, v7;
	v7 =	vld [tilespmem:s9+$0xFFFFFFD0];
	[tilespmem:s0+$0x70] =	vst v1  }
0x171: {  	v1 =	vmul.f32 $1.131370830e+01, v5;
	v5 =	vld [tilespmem:s9+$0xFFFFFFE0];
	[tilespmem:s0+$0xFFFFFFF0] =	vst v2;
	s0 =	smov.u32 s9  }
0x172: {  	[tilespmem:s9+$0xFFFFFF80] =	vst v0;
	v0 =	vmul.f32 $1.131370830e+01, v6;
	v2 =	vld [tilespmem:s9+$0x0]  }
0x173: {  	[tilespmem:s9+$0xFFFFFF90] =	vst v1;
	v1 =	vmul.f32 $1.131370830e+01, v3;
	v3 =	vld [tilespmem:s9+$0x10]  }
0x174: {  	s7 =	sadd.s32 $0x2, s7;
	[tilespmem:s9+$0xFFFFFFA0] =	vst v0;
	v0 =	vmul.f32 $1.131370830e+01, v4;
	v4 =	vld [tilespmem:s9+$0x20]  }
0x175: {  	p0 =	slt.u32 s7, $0xFE;
	[tilespmem:s9+$0xFFFFFFB0] =	vst v1;
	v1 =	vmul.f32 $1.131370830e+01, v7;
	v6 =	vld [tilespmem:s9+$0x30]  }
.Ltmp7:
0x176: {  	[tilespmem:s9+$0xFFFFFFC0] =	vst v0;
	v5 =	vmul.f32 $1.131370830e+01, v5;
	v0 =	vld [tilespmem:s9+$0x40];
	(pc) =	sbr.rel @p0 .LBB2_16-.Ltmp7, $4  }
0x177: {  	[tilespmem:s9+$0xFFFFFFD0] =	vst v1;
	v2 =	vmul.f32 $1.131370830e+01, v2;
	v1 =	vld [tilespmem:s9+$0x50]  }
0x178: {  	[tilespmem:s9+$0xFFFFFFE0] =	vst v5;
	v7 =	vmul.f32 $1.131370830e+01, v3;
	v3 =	vld [tilespmem:s9+$0x60]  }
0x179: {  	[tilespmem:s9+$0x0] =	vst v2;
	v5 =	vmul.f32 $1.131370830e+01, v4;
	v4 =	vld [tilespmem:s9+$0x70]  }
0x17a: {  	s9 =	sadd.s32 $0x100, s9;
	v2 =	vld [tilespmem:s0+$0xFFFFFFF0];
	[tilespmem:s0+$0x10] =	vst v7;
	v6 =	vmul.f32 $1.131370830e+01, v6  }
0x17b: {  	[tilespmem:s0+$0x20] =	vst v5;
	v0 =	vmul.f32 $1.131370830e+01, v0  }
0x17c: {  	[tilespmem:s0+$0x30] =	vst v6;
	v1 =	vmul.f32 $1.131370830e+01, v1  }
0x17d: {  	[tilespmem:s0+$0x40] =	vst v0;
	v0 =	vmul.f32 $1.131370830e+01, v3  }
0x17e: {  	[tilespmem:s0+$0x50] =	vst v1;
	v1 =	vmul.f32 $1.131370830e+01, v4  }
0x17f: {  	v2 =	vmul.f32 $1.131370830e+01, v2;
	[tilespmem:s0+$0x60] =	vst v0  }
0x180: {  	[tilespmem:s0+$0x70] =	vst v1  }
0x181: {  	s10 =	rddreg [dreg:$0x7];
	[tilespmem:s0+$0xFFFFFFF0] =	vst v2  }
0x182: {  	[hbm4b:s10+s4] =	stream.linear.scatter [tilespmem:s19], [sflag:$0x4], $0x8000, $0x38;
	[tilespmem:$0x1E400] =	vst v63  }
0x183: {  	_ =	swait.ge [sflag:s21], $0x8000  }
0x184: {  	[sflag:s21] =	ssyncset.done $0x0  }
0x185: {  	s12 =	simm.s32 $0x6200;
	[sflag:s21] =	ssyncadd.s32 $0xFFFF8000  }
0x186: {  	[tilespmem:s28], [sflag:$0x3] =	stream.indirect.gather [hbm4b:s2+s18], $0x80, s12, s18, $0xb8;
	[tilespmem:$0x1E400] =	vst v63  }
0x187: {  	s13 =	simm.s32 $0x6280  }
0x188: {  	[tilespmem:s30], [sflag:$0x3] =	stream.indirect.gather [hbm4b:s2+s18], $0x80, s13, s18, $0xb8;
	[tilespmem:$0x1E400] =	vst v63  }
0x189: {  	_ =	swait.ge [sflag:s31], $0x4000  }
0x18a: {  	[sflag:s31] =	ssyncset.done $0x0  }
0x18b: {  	[sflag:s31] =	ssyncadd.s32 $0xFFFFC000  }
0x18c: {  	_ =	swait.ge [sflag:s31], $0x4000  }
0x18d: {  	[sflag:s31] =	ssyncset.done $0x0  }
0x18e: {  	s0 =	simm.s32 $0xE480;
	[sflag:s31] =	ssyncadd.s32 $0xFFFFC000  }
0x18f: {  	v0 =	vld [tilespmem:s0+$0xFFFFFF80]  }
0x190: {  	v1 =	vld [tilespmem:s0+$0xFFFFFF90]  }
0x191: {  	v2 =	vld [tilespmem:s0+$0xFFFFFFA0]  }
0x192: {  	v3 =	vld [tilespmem:s0+$0xFFFFFFB0]  }
0x193: {  	v4 =	vld [tilespmem:s0+$0xFFFFFFC0]  }
0x194: {  	v5 =	vld [tilespmem:s0+$0xFFFFFFD0];
	v0 =	vmul.f32 $1.131370830e+01, v0  }
0x195: {  	v6 =	vld [tilespmem:s0+$0xFFFFFFE0];
	v1 =	vmul.f32 $1.131370830e+01, v1  }
0x196: {  	[tilespmem:s0+$0xFFFFFF80] =	vst v0;
	v0 =	vmul.f32 $1.131370830e+01, v2;
	v2 =	vld [tilespmem:s0+$0x0]  }
0x197: {  	[tilespmem:s0+$0xFFFFFF90] =	vst v1;
	v1 =	vmul.f32 $1.131370830e+01, v3;
	v3 =	vld [tilespmem:s0+$0x10]  }
0x198: {  	[tilespmem:s0+$0xFFFFFFA0] =	vst v0;
	v0 =	vmul.f32 $1.131370830e+01, v4;
	v4 =	vld [tilespmem:s0+$0x20]  }
0x199: {  	v7 =	vld [tilespmem:s0+$0x30];
	[tilespmem:s0+$0xFFFFFFB0] =	vst v1;
	v1 =	vmul.f32 $1.131370830e+01, v5  }
0x19a: {  	v5 =	vmul.f32 $1.131370830e+01, v6;
	[tilespmem:s0+$0xFFFFFFC0] =	vst v0;
	v0 =	vld [tilespmem:s0+$0x40]  }
0x19b: {  	[tilespmem:s0+$0xFFFFFFD0] =	vst v1;
	v1 =	vld [tilespmem:s0+$0x50];
	v2 =	vmul.f32 $1.131370830e+01, v2  }
0x19c: {  	[tilespmem:s0+$0xFFFFFFE0] =	vst v5;
	v6 =	vmul.f32 $1.131370830e+01, v3;
	v3 =	vld [tilespmem:s0+$0x60]  }
0x19d: {  	[tilespmem:s0+$0x0] =	vst v2;
	v5 =	vmul.f32 $1.131370830e+01, v4;
	v4 =	vld [tilespmem:s0+$0x70]  }
0x19e: {  	s7 =	simm.s32 $0x0;
	s9 =	simm.s32 $0xE580;
	v2 =	vld [tilespmem:s0+$0xFFFFFFF0];
	[tilespmem:s0+$0x10] =	vst v6;
	v6 =	vmul.f32 $1.131370830e+01, v7  }
.LBB2_18:
0x19f: {  	v7 =	vld [tilespmem:s9+$0xFFFFFF80];
	[tilespmem:s0+$0x20] =	vst v5;
	v0 =	vmul.f32 $1.131370830e+01, v0  }
0x1a0: {  	v5 =	vld [tilespmem:s9+$0xFFFFFF90];
	[tilespmem:s0+$0x30] =	vst v6;
	v1 =	vmul.f32 $1.131370830e+01, v1  }
0x1a1: {  	v6 =	vld [tilespmem:s9+$0xFFFFFFA0];
	[tilespmem:s0+$0x40] =	vst v0;
	v0 =	vmul.f32 $1.131370830e+01, v3  }
0x1a2: {  	v3 =	vld [tilespmem:s9+$0xFFFFFFB0];
	[tilespmem:s0+$0x50] =	vst v1;
	v1 =	vmul.f32 $1.131370830e+01, v4  }
0x1a3: {  	v4 =	vld [tilespmem:s9+$0xFFFFFFC0];
	v2 =	vmul.f32 $1.131370830e+01, v2;
	[tilespmem:s0+$0x60] =	vst v0  }
0x1a4: {  	v0 =	vmul.f32 $1.131370830e+01, v7;
	v7 =	vld [tilespmem:s9+$0xFFFFFFD0];
	[tilespmem:s0+$0x70] =	vst v1  }
0x1a5: {  	v1 =	vmul.f32 $1.131370830e+01, v5;
	v5 =	vld [tilespmem:s9+$0xFFFFFFE0];
	[tilespmem:s0+$0xFFFFFFF0] =	vst v2;
	s0 =	smov.u32 s9  }
0x1a6: {  	[tilespmem:s9+$0xFFFFFF80] =	vst v0;
	v0 =	vmul.f32 $1.131370830e+01, v6;
	v2 =	vld [tilespmem:s9+$0x0]  }
0x1a7: {  	[tilespmem:s9+$0xFFFFFF90] =	vst v1;
	v1 =	vmul.f32 $1.131370830e+01, v3;
	v3 =	vld [tilespmem:s9+$0x10]  }
0x1a8: {  	s7 =	sadd.s32 $0x2, s7;
	[tilespmem:s9+$0xFFFFFFA0] =	vst v0;
	v0 =	vmul.f32 $1.131370830e+01, v4;
	v4 =	vld [tilespmem:s9+$0x20]  }
0x1a9: {  	p0 =	slt.u32 s7, $0xFE;
	[tilespmem:s9+$0xFFFFFFB0] =	vst v1;
	v1 =	vmul.f32 $1.131370830e+01, v7;
	v6 =	vld [tilespmem:s9+$0x30]  }
.Ltmp8:
0x1aa: {  	[tilespmem:s9+$0xFFFFFFC0] =	vst v0;
	v5 =	vmul.f32 $1.131370830e+01, v5;
	v0 =	vld [tilespmem:s9+$0x40];
	(pc) =	sbr.rel @p0 .LBB2_18-.Ltmp8, $4  }
0x1ab: {  	[tilespmem:s9+$0xFFFFFFD0] =	vst v1;
	v2 =	vmul.f32 $1.131370830e+01, v2;
	v1 =	vld [tilespmem:s9+$0x50]  }
0x1ac: {  	[tilespmem:s9+$0xFFFFFFE0] =	vst v5;
	v7 =	vmul.f32 $1.131370830e+01, v3;
	v3 =	vld [tilespmem:s9+$0x60]  }
0x1ad: {  	[tilespmem:s9+$0x0] =	vst v2;
	v5 =	vmul.f32 $1.131370830e+01, v4;
	v4 =	vld [tilespmem:s9+$0x70]  }
0x1ae: {  	s9 =	sadd.s32 $0x100, s9;
	v2 =	vld [tilespmem:s0+$0xFFFFFFF0];
	[tilespmem:s0+$0x10] =	vst v7;
	v6 =	vmul.f32 $1.131370830e+01, v6  }
0x1af: {  	[tilespmem:s0+$0x20] =	vst v5;
	v0 =	vmul.f32 $1.131370830e+01, v0  }
0x1b0: {  	[tilespmem:s0+$0x30] =	vst v6;
	v1 =	vmul.f32 $1.131370830e+01, v1  }
0x1b1: {  	[tilespmem:s0+$0x40] =	vst v0;
	v0 =	vmul.f32 $1.131370830e+01, v3  }
0x1b2: {  	[tilespmem:s0+$0x50] =	vst v1;
	v1 =	vmul.f32 $1.131370830e+01, v4  }
0x1b3: {  	v2 =	vmul.f32 $1.131370830e+01, v2;
	[tilespmem:s0+$0x60] =	vst v0  }
0x1b4: {  	[tilespmem:s0+$0x70] =	vst v1  }
0x1b5: {  	s10 =	rddreg [dreg:$0x8];
	[tilespmem:s0+$0xFFFFFFF0] =	vst v2  }
0x1b6: {  	[hbm4b:s10+s4] =	stream.linear.scatter [tilespmem:s22], [sflag:$0x5], $0x8000, $0x38;
	[tilespmem:$0x1E400] =	vst v63  }
0x1b7: {  	_ =	swait.ge [sflag:s1], $0x8000  }
0x1b8: {  	[sflag:s1] =	ssyncset.done $0x0  }
0x1b9: {  	s12 =	simm.s32 $0x6300;
	[sflag:s1] =	ssyncadd.s32 $0xFFFF8000  }
0x1ba: {  	[tilespmem:s19], [sflag:$0x1] =	stream.indirect.gather [hbm4b:s2+s18], $0x80, s12, s18, $0xb8;
	[tilespmem:$0x1E400] =	vst v63  }
0x1bb: {  	s13 =	simm.s32 $0x6380  }
0x1bc: {  	[tilespmem:s20], [sflag:$0x1] =	stream.indirect.gather [hbm4b:s2+s18], $0x80, s13, s18, $0xb8;
	[tilespmem:$0x1E400] =	vst v63  }
0x1bd: {  	_ =	swait.ge [sflag:s23], $0x4000  }
0x1be: {  	[sflag:s23] =	ssyncset.done $0x0  }
0x1bf: {  	[sflag:s23] =	ssyncadd.s32 $0xFFFFC000  }
0x1c0: {  	_ =	swait.ge [sflag:s23], $0x4000  }
0x1c1: {  	[sflag:s23] =	ssyncset.done $0x0  }
0x1c2: {  	s0 =	simm.s32 $0x16480;
	[sflag:s23] =	ssyncadd.s32 $0xFFFFC000  }
0x1c3: {  	v0 =	vld [tilespmem:s0+$0xFFFFFF80]  }
0x1c4: {  	v1 =	vld [tilespmem:s0+$0xFFFFFF90]  }
0x1c5: {  	v2 =	vld [tilespmem:s0+$0xFFFFFFA0]  }
0x1c6: {  	v3 =	vld [tilespmem:s0+$0xFFFFFFB0]  }
0x1c7: {  	v4 =	vld [tilespmem:s0+$0xFFFFFFC0]  }
0x1c8: {  	v5 =	vld [tilespmem:s0+$0xFFFFFFD0];
	v0 =	vmul.f32 $1.131370830e+01, v0  }
0x1c9: {  	v6 =	vld [tilespmem:s0+$0xFFFFFFE0];
	v1 =	vmul.f32 $1.131370830e+01, v1  }
0x1ca: {  	[tilespmem:s0+$0xFFFFFF80] =	vst v0;
	v0 =	vmul.f32 $1.131370830e+01, v2;
	v2 =	vld [tilespmem:s0+$0x0]  }
0x1cb: {  	[tilespmem:s0+$0xFFFFFF90] =	vst v1;
	v1 =	vmul.f32 $1.131370830e+01, v3;
	v3 =	vld [tilespmem:s0+$0x10]  }
0x1cc: {  	[tilespmem:s0+$0xFFFFFFA0] =	vst v0;
	v0 =	vmul.f32 $1.131370830e+01, v4;
	v4 =	vld [tilespmem:s0+$0x20]  }
0x1cd: {  	v7 =	vld [tilespmem:s0+$0x30];
	[tilespmem:s0+$0xFFFFFFB0] =	vst v1;
	v1 =	vmul.f32 $1.131370830e+01, v5  }
0x1ce: {  	v5 =	vmul.f32 $1.131370830e+01, v6;
	[tilespmem:s0+$0xFFFFFFC0] =	vst v0;
	v0 =	vld [tilespmem:s0+$0x40]  }
0x1cf: {  	[tilespmem:s0+$0xFFFFFFD0] =	vst v1;
	v1 =	vld [tilespmem:s0+$0x50];
	v2 =	vmul.f32 $1.131370830e+01, v2  }
0x1d0: {  	[tilespmem:s0+$0xFFFFFFE0] =	vst v5;
	v6 =	vmul.f32 $1.131370830e+01, v3;
	v3 =	vld [tilespmem:s0+$0x60]  }
0x1d1: {  	[tilespmem:s0+$0x0] =	vst v2;
	v5 =	vmul.f32 $1.131370830e+01, v4;
	v4 =	vld [tilespmem:s0+$0x70]  }
0x1d2: {  	s7 =	simm.s32 $0x0;
	s9 =	simm.s32 $0x16580;
	v2 =	vld [tilespmem:s0+$0xFFFFFFF0];
	[tilespmem:s0+$0x10] =	vst v6;
	v6 =	vmul.f32 $1.131370830e+01, v7  }
.LBB2_20:
0x1d3: {  	v7 =	vld [tilespmem:s9+$0xFFFFFF80];
	[tilespmem:s0+$0x20] =	vst v5;
	v0 =	vmul.f32 $1.131370830e+01, v0  }
0x1d4: {  	v5 =	vld [tilespmem:s9+$0xFFFFFF90];
	[tilespmem:s0+$0x30] =	vst v6;
	v1 =	vmul.f32 $1.131370830e+01, v1  }
0x1d5: {  	v6 =	vld [tilespmem:s9+$0xFFFFFFA0];
	[tilespmem:s0+$0x40] =	vst v0;
	v0 =	vmul.f32 $1.131370830e+01, v3  }
0x1d6: {  	v3 =	vld [tilespmem:s9+$0xFFFFFFB0];
	[tilespmem:s0+$0x50] =	vst v1;
	v1 =	vmul.f32 $1.131370830e+01, v4  }
0x1d7: {  	v4 =	vld [tilespmem:s9+$0xFFFFFFC0];
	v2 =	vmul.f32 $1.131370830e+01, v2;
	[tilespmem:s0+$0x60] =	vst v0  }
0x1d8: {  	v0 =	vmul.f32 $1.131370830e+01, v7;
	v7 =	vld [tilespmem:s9+$0xFFFFFFD0];
	[tilespmem:s0+$0x70] =	vst v1  }
0x1d9: {  	v1 =	vmul.f32 $1.131370830e+01, v5;
	v5 =	vld [tilespmem:s9+$0xFFFFFFE0];
	[tilespmem:s0+$0xFFFFFFF0] =	vst v2;
	s0 =	smov.u32 s9  }
0x1da: {  	[tilespmem:s9+$0xFFFFFF80] =	vst v0;
	v0 =	vmul.f32 $1.131370830e+01, v6;
	v2 =	vld [tilespmem:s9+$0x0]  }
0x1db: {  	[tilespmem:s9+$0xFFFFFF90] =	vst v1;
	v1 =	vmul.f32 $1.131370830e+01, v3;
	v3 =	vld [tilespmem:s9+$0x10]  }
0x1dc: {  	s7 =	sadd.s32 $0x2, s7;
	[tilespmem:s9+$0xFFFFFFA0] =	vst v0;
	v0 =	vmul.f32 $1.131370830e+01, v4;
	v4 =	vld [tilespmem:s9+$0x20]  }
0x1dd: {  	p0 =	slt.u32 s7, $0xFE;
	[tilespmem:s9+$0xFFFFFFB0] =	vst v1;
	v1 =	vmul.f32 $1.131370830e+01, v7;
	v6 =	vld [tilespmem:s9+$0x30]  }
.Ltmp9:
0x1de: {  	[tilespmem:s9+$0xFFFFFFC0] =	vst v0;
	v5 =	vmul.f32 $1.131370830e+01, v5;
	v0 =	vld [tilespmem:s9+$0x40];
	(pc) =	sbr.rel @p0 .LBB2_20-.Ltmp9, $4  }
0x1df: {  	[tilespmem:s9+$0xFFFFFFD0] =	vst v1;
	v2 =	vmul.f32 $1.131370830e+01, v2;
	v1 =	vld [tilespmem:s9+$0x50]  }
0x1e0: {  	[tilespmem:s9+$0xFFFFFFE0] =	vst v5;
	v7 =	vmul.f32 $1.131370830e+01, v3;
	v3 =	vld [tilespmem:s9+$0x60]  }
0x1e1: {  	[tilespmem:s9+$0x0] =	vst v2;
	v5 =	vmul.f32 $1.131370830e+01, v4;
	v4 =	vld [tilespmem:s9+$0x70]  }
0x1e2: {  	s9 =	sadd.s32 $0x100, s9;
	v2 =	vld [tilespmem:s0+$0xFFFFFFF0];
	[tilespmem:s0+$0x10] =	vst v7;
	v6 =	vmul.f32 $1.131370830e+01, v6  }
0x1e3: {  	[tilespmem:s0+$0x20] =	vst v5;
	v0 =	vmul.f32 $1.131370830e+01, v0  }
0x1e4: {  	[tilespmem:s0+$0x30] =	vst v6;
	v1 =	vmul.f32 $1.131370830e+01, v1  }
0x1e5: {  	[tilespmem:s0+$0x40] =	vst v0;
	v0 =	vmul.f32 $1.131370830e+01, v3  }
0x1e6: {  	[tilespmem:s0+$0x50] =	vst v1;
	v1 =	vmul.f32 $1.131370830e+01, v4  }
0x1e7: {  	v2 =	vmul.f32 $1.131370830e+01, v2;
	[tilespmem:s0+$0x60] =	vst v0  }
0x1e8: {  	[tilespmem:s0+$0x70] =	vst v1  }
0x1e9: {  	[tilespmem:s0+$0xFFFFFFF0] =	vst v2  }
0x1ea: {  	[hbm4b:s14+s4] =	stream.linear.scatter [tilespmem:s28], [sflag:$0x6], $0x8000, $0x38;
	[tilespmem:$0x1E400] =	vst v63  }
0x1eb: {  	_ =	swait.ge [sflag:s25], $0x4000  }
0x1ec: {  	[sflag:s25] =	ssyncset.done $0x0  }
0x1ed: {  	[sflag:s25] =	ssyncadd.s32 $0xFFFFC000  }
0x1ee: {  	_ =	swait.ge [sflag:s25], $0x4000  }
0x1ef: {  	[sflag:s25] =	ssyncset.done $0x0  }
0x1f0: {  	s0 =	simm.s32 $0x6480;
	[sflag:s25] =	ssyncadd.s32 $0xFFFFC000  }
0x1f1: {  	v0 =	vld [tilespmem:s0+$0xFFFFFF80]  }
0x1f2: {  	v1 =	vld [tilespmem:s0+$0xFFFFFF90]  }
0x1f3: {  	v2 =	vld [tilespmem:s0+$0xFFFFFFA0]  }
0x1f4: {  	v3 =	vld [tilespmem:s0+$0xFFFFFFB0]  }
0x1f5: {  	v4 =	vld [tilespmem:s0+$0xFFFFFFC0]  }
0x1f6: {  	v5 =	vld [tilespmem:s0+$0xFFFFFFD0];
	v0 =	vmul.f32 $1.131370830e+01, v0  }
0x1f7: {  	v6 =	vld [tilespmem:s0+$0xFFFFFFE0];
	v1 =	vmul.f32 $1.131370830e+01, v1  }
0x1f8: {  	[tilespmem:s0+$0xFFFFFF80] =	vst v0;
	v0 =	vmul.f32 $1.131370830e+01, v2;
	v2 =	vld [tilespmem:s0+$0x0]  }
0x1f9: {  	[tilespmem:s0+$0xFFFFFF90] =	vst v1;
	v1 =	vmul.f32 $1.131370830e+01, v3;
	v3 =	vld [tilespmem:s0+$0x10]  }
0x1fa: {  	[tilespmem:s0+$0xFFFFFFA0] =	vst v0;
	v0 =	vmul.f32 $1.131370830e+01, v4;
	v4 =	vld [tilespmem:s0+$0x20]  }
0x1fb: {  	v7 =	vld [tilespmem:s0+$0x30];
	[tilespmem:s0+$0xFFFFFFB0] =	vst v1;
	v1 =	vmul.f32 $1.131370830e+01, v5  }
0x1fc: {  	v5 =	vmul.f32 $1.131370830e+01, v6;
	[tilespmem:s0+$0xFFFFFFC0] =	vst v0;
	v0 =	vld [tilespmem:s0+$0x40]  }
0x1fd: {  	[tilespmem:s0+$0xFFFFFFD0] =	vst v1;
	v1 =	vld [tilespmem:s0+$0x50];
	v2 =	vmul.f32 $1.131370830e+01, v2  }
0x1fe: {  	[tilespmem:s0+$0xFFFFFFE0] =	vst v5;
	v6 =	vmul.f32 $1.131370830e+01, v3;
	v3 =	vld [tilespmem:s0+$0x60]  }
0x1ff: {  	[tilespmem:s0+$0x0] =	vst v2;
	v5 =	vmul.f32 $1.131370830e+01, v4;
	v4 =	vld [tilespmem:s0+$0x70]  }
0x200: {  	s7 =	simm.s32 $0x0;
	s9 =	simm.s32 $0x6580;
	v2 =	vld [tilespmem:s0+$0xFFFFFFF0];
	[tilespmem:s0+$0x10] =	vst v6;
	v6 =	vmul.f32 $1.131370830e+01, v7  }
.LBB2_22:
0x201: {  	v7 =	vld [tilespmem:s9+$0xFFFFFF80];
	[tilespmem:s0+$0x20] =	vst v5;
	v0 =	vmul.f32 $1.131370830e+01, v0  }
0x202: {  	v5 =	vld [tilespmem:s9+$0xFFFFFF90];
	[tilespmem:s0+$0x30] =	vst v6;
	v1 =	vmul.f32 $1.131370830e+01, v1  }
0x203: {  	v6 =	vld [tilespmem:s9+$0xFFFFFFA0];
	[tilespmem:s0+$0x40] =	vst v0;
	v0 =	vmul.f32 $1.131370830e+01, v3  }
0x204: {  	v3 =	vld [tilespmem:s9+$0xFFFFFFB0];
	[tilespmem:s0+$0x50] =	vst v1;
	v1 =	vmul.f32 $1.131370830e+01, v4  }
0x205: {  	v4 =	vld [tilespmem:s9+$0xFFFFFFC0];
	v2 =	vmul.f32 $1.131370830e+01, v2;
	[tilespmem:s0+$0x60] =	vst v0  }
0x206: {  	v0 =	vmul.f32 $1.131370830e+01, v7;
	v7 =	vld [tilespmem:s9+$0xFFFFFFD0];
	[tilespmem:s0+$0x70] =	vst v1  }
0x207: {  	v1 =	vmul.f32 $1.131370830e+01, v5;
	v5 =	vld [tilespmem:s9+$0xFFFFFFE0];
	[tilespmem:s0+$0xFFFFFFF0] =	vst v2;
	s0 =	smov.u32 s9  }
0x208: {  	[tilespmem:s9+$0xFFFFFF80] =	vst v0;
	v0 =	vmul.f32 $1.131370830e+01, v6;
	v2 =	vld [tilespmem:s9+$0x0]  }
0x209: {  	[tilespmem:s9+$0xFFFFFF90] =	vst v1;
	v1 =	vmul.f32 $1.131370830e+01, v3;
	v3 =	vld [tilespmem:s9+$0x10]  }
0x20a: {  	s7 =	sadd.s32 $0x2, s7;
	[tilespmem:s9+$0xFFFFFFA0] =	vst v0;
	v0 =	vmul.f32 $1.131370830e+01, v4;
	v4 =	vld [tilespmem:s9+$0x20]  }
0x20b: {  	p0 =	slt.u32 s7, $0xFE;
	[tilespmem:s9+$0xFFFFFFB0] =	vst v1;
	v1 =	vmul.f32 $1.131370830e+01, v7;
	v6 =	vld [tilespmem:s9+$0x30]  }
.Ltmp10:
0x20c: {  	[tilespmem:s9+$0xFFFFFFC0] =	vst v0;
	v5 =	vmul.f32 $1.131370830e+01, v5;
	v0 =	vld [tilespmem:s9+$0x40];
	(pc) =	sbr.rel @p0 .LBB2_22-.Ltmp10, $4  }
0x20d: {  	[tilespmem:s9+$0xFFFFFFD0] =	vst v1;
	v2 =	vmul.f32 $1.131370830e+01, v2;
	v1 =	vld [tilespmem:s9+$0x50]  }
0x20e: {  	[tilespmem:s9+$0xFFFFFFE0] =	vst v5;
	v7 =	vmul.f32 $1.131370830e+01, v3;
	v3 =	vld [tilespmem:s9+$0x60]  }
0x20f: {  	[tilespmem:s9+$0x0] =	vst v2;
	v5 =	vmul.f32 $1.131370830e+01, v4;
	v4 =	vld [tilespmem:s9+$0x70]  }
0x210: {  	s9 =	sadd.s32 $0x100, s9;
	v2 =	vld [tilespmem:s0+$0xFFFFFFF0];
	[tilespmem:s0+$0x10] =	vst v7;
	v6 =	vmul.f32 $1.131370830e+01, v6  }
0x211: {  	[tilespmem:s0+$0x20] =	vst v5;
	v0 =	vmul.f32 $1.131370830e+01, v0  }
0x212: {  	[tilespmem:s0+$0x30] =	vst v6;
	v1 =	vmul.f32 $1.131370830e+01, v1  }
0x213: {  	[tilespmem:s0+$0x40] =	vst v0;
	v62 =	vmul.f32 $1.131370830e+01, v3  }
0x214: {  	[tilespmem:s0+$0x50] =	vst v1;
	v63 =	vmul.f32 $1.131370830e+01, v4  }
0x215: {  	v2 =	vmul.f32 $1.131370830e+01, v2;
	[tilespmem:s0+$0x60] =	vst v62  }
0x216: {  	[tilespmem:s0+$0x70] =	vst v63  }
0x217: {  	[tilespmem:s0+$0xFFFFFFF0] =	vst v2  }
0x218: {  	[hbm4b:s15+s4] =	stream.linear.scatter [tilespmem:s19], [sflag:$0x4], $0x8000, $0x38;
	[tilespmem:$0x1E400] =	vst v63  }
0x219: {  	_ =	swait.ge [sflag:s26], $0x8000  }
0x21a: {  	[sflag:s26] =	ssyncset.done $0x0  }
0x21b: {  	s29 =	sadd.s32 $0x1, s29;
	[sflag:s26] =	ssyncadd.s32 $0xFFFF8000  }
0x21c: {  	p0 =	sne.s32 s29, s16;
	_ =	swait.ge [sflag:s21], $0x8000  }
.Ltmp11:
0x21d: {  	[sflag:s21] =	ssyncset.done $0x0;
	(pc) =	sbr.rel @p0 .LBB2_1-.Ltmp11, $4  }
0x21e: {  	[sflag:s21] =	ssyncadd.s32 $0xFFFF8000  }
0x21f: {  	_ =	swait.ge [sflag:s1], $0x8000  }
0x220: {  	[sflag:s1] =	ssyncset.done $0x0  }
0x221: {  	[sflag:s1] =	ssyncadd.s32 $0xFFFF8000  }
0x222: {  	_ =	sfence.sel $0x180000  }
0x223: {  	[bflag:$0x0] =	sbarrier.arrive $0xFFFF  }
0x224: {  	_ =	strace $0x90000047  }
0x225: {  	s0 =	stileid.u32;
	[bflag:$0x2] =	sbarrier.arrive $0xFFFF  }
0x226: {  	p0 =	sne.s32 s0, $0x0;
	s0 =	rddreg [dreg:$0x3]  }
0x227: {  	s0 =	sadd.s32 @!p0 $0x100000, s0  }
0x228: {  	[sflag:s0] =	ssyncadd.tile.s32 @!p0 $0x1;
	_ =	shalt  }
.Lfunc_end2:
_tile_overlayer_lowered:
.L_overlay_start_2:
0x229: {  	(tag) =	ssettag $0x2  }
0x22a: {  	s0 =	rddreg [dreg:$0x0];
	s2 =	stileid.u32  }
0x22b: {  	s1 =	rddreg [dreg:$0x1];
	p0 =	sne.s32 s2, $0x0  }
0x22c: {  	s3 =	rddreg [dreg:$0x2];
	[bflag:$0x3] =	sbarrier.arrive $0xFFFF;
	s2 =	simm.s32 @!p0 $0x1C07  }
0x22d: {  	[timem:s3], [sflag:s2] =	dma.local @!p0 [hbm:s0], s1  }
0x22e: {  	s0 =	simm.s32 @!p0 $0x7  }
0x22f: {  	_ =	swait.ge @!p0 [sflag:s0], s1  }
0x230: {  	s1 =	ssub.s32 @!p0 $0x0, s1;
	[sflag:s0] =	ssyncset.done @!p0 $0x0  }
0x231: {  	[sflag:s0] =	ssyncadd.s32 @!p0 s1  }
0x232: {  	[bflag:$0x3] =	sbarrier.arrive $0xFFFF  }
0x233: {  	_ =	shalt  }

</sc_bundles>
